<compile_context>
chip_gen: v7x
topology: tpu7x:2x2x1
jax: 0.10.2.dev20260603
libtpu: 0.0.44.dev20260713+nightly
codegen_flags: <defaults>
</compile_context>

<pallas_src>
import functools

import jax
import jax.numpy as jnp
from jax import lax
from jax.experimental import pallas as pl
from jax.experimental.pallas import tpu as pltpu
from jax.experimental.pallas import tpu_sc as plsc

VOCAB = 100000
MAX_LEN = 200
EMBED_DIM = 64
BATCH = 1024
SEQ = 200

NUM_CORES = 2
NUM_SUBCORES = 16
NUM_WORKERS = NUM_CORES * NUM_SUBCORES
BTILES = 8
BBLK = BATCH // BTILES
SRANGES = NUM_WORKERS // BTILES
SBLK = SEQ // SRANGES
LANES = 16
DGROUPS = EMBED_DIM // LANES
NBUF = 4
LOOKAHEAD = 2


def _sc_kernel_body(xt_hbm, tok_hbm, pos_hbm, out_hbm,
                    xidx_v, pos_v, bufs, pbuf, obufs, gsems, ssems):
    wid = lax.axis_index("s") * NUM_CORES + lax.axis_index("c")
    bt = lax.rem(wid, BTILES)
    sr = wid // BTILES
    b0 = bt * BBLK
    s0 = sr * SBLK

    pltpu.sync_copy(xt_hbm.at[pl.ds(s0, SBLK), pl.ds(b0, BBLK)], xidx_v)
    pltpu.sync_copy(pos_hbm.at[pl.ds(s0, SBLK)], pos_v)

    def start_gather(ss, slot):
        pltpu.async_copy(tok_hbm.at[xidx_v.at[ss]], bufs[slot], gsems[slot])

    def wait_gather(slot):
        pltpu.make_async_copy(tok_hbm.at[xidx_v.at[0]],
                              bufs[slot], gsems[slot]).wait()

    def start_store(ss, slot):
        pltpu.async_copy(obufs[slot],
                         out_hbm.at[s0 + ss, slice(None), bt],
                         ssems[slot])

    def wait_store(slot):
        pltpu.make_async_copy(obufs[slot],
                              out_hbm.at[s0, slice(None), bt],
                              ssems[slot]).wait()

    rowvec = [jax.lax.iota(jnp.int32, LANES) + bg * LANES
              for bg in range(BBLK // LANES)]

    def compute(ss, slot):
        buf = bufs[slot]
        obuf = obufs[slot]
        prow = [pos_v[ss, pl.ds(dg * LANES, LANES)] for dg in range(DGROUPS)]

        @plsc.parallel_loop(0, BBLK, unroll=8)
        def _add_pos(b):
            for dg in range(DGROUPS):
                sl = pl.ds(dg * LANES, LANES)
                pbuf[b, sl] = buf[b, sl] + prow[dg]

        @plsc.parallel_loop(0, EMBED_DIM, unroll=8)
        def _transpose_rows(d):
            col = jnp.full((LANES,), d, jnp.int32)
            for bg in range(BBLK // LANES):
                v = plsc.load_gather(pbuf, [rowvec[bg], col])
                obuf[d // 8, lax.rem(d, 8), pl.ds(bg * LANES, LANES)] = v

    for ss in range(LOOKAHEAD):
        start_gather(ss, ss)

    def step(g, carry):
        for b in range(NBUF):
            ss = g * NBUF + b
            slot = b
            slot_ahead = (b + LOOKAHEAD) % NBUF

            @pl.when(ss + LOOKAHEAD < SBLK)
            def _issue_ahead():
                @pl.when(ss >= NBUF - LOOKAHEAD)
                def _drain_old_store():
                    wait_store(slot_ahead)

                start_gather(ss + LOOKAHEAD, slot_ahead)

            wait_gather(slot)
            compute(ss, slot)
            start_store(ss, slot)
        return carry

    lax.fori_loop(0, SBLK // NBUF, step, 0)

    for r in range(SBLK % NBUF):
        ss = SBLK - (SBLK % NBUF) + r
        slot = ss % NBUF
        wait_gather(slot)
        compute(ss, slot)
        start_store(ss, slot)

    for b in range(NBUF):
        wait_store(b)


@jax.jit
def kernel(x, token_table, pos_table):
    xt = jnp.transpose(x.astype(jnp.int32))

    mesh = plsc.VectorSubcoreMesh(core_axis_name="c", subcore_axis_name="s")
    run = functools.partial(
        pl.kernel,
        mesh=mesh,
        compiler_params=pltpu.CompilerParams(use_tc_tiling_on_sc=False,
                                             needs_layout_passes=False,
                                             disable_bounds_checks=True),
        out_type=jax.ShapeDtypeStruct(
            (SEQ, EMBED_DIM // 8, BTILES, 8, BBLK), jnp.float32),
        scratch_types=[
            pltpu.VMEM((SBLK, BBLK), jnp.int32),
            pltpu.VMEM((SBLK, EMBED_DIM), jnp.float32),
            tuple(pltpu.VMEM((BBLK, EMBED_DIM), jnp.float32)
                  for _ in range(NBUF)),
            pltpu.VMEM((BBLK, EMBED_DIM + 1), jnp.float32),
            tuple(pltpu.VMEM((EMBED_DIM // 8, 8, BBLK), jnp.float32)
                  for _ in range(NBUF)),
            tuple(pltpu.SemaphoreType.DMA for _ in range(NBUF)),
            tuple(pltpu.SemaphoreType.DMA for _ in range(NBUF)),
        ],
    )(_sc_kernel_body)
    out5 = run(xt, token_table, pos_table)
    out = jnp.transpose(out5, (2, 4, 0, 1, 3))
    return out.reshape(BATCH, SEQ, EMBED_DIM)

# --- scband reference (transcript-rebuilt; emitter-appended) ---
"""Pipeline reference for scband-positional-embedding-22419729285583 (READ-ONLY COPY).

The authoritative reference and input builder live on the scoring server;
editing this copy changes nothing except your own understanding.
"""

import jax, jax.numpy as jnp
import numpy as np

VOCAB = 100000
MAX_LEN = 200
EMBED_DIM = 64
BATCH = 1024
SEQ = 200

def setup_inputs(seed: int = 0) -> dict:
    key = jax.random.key(seed)
    k_x, k_tok, k_pos = jax.random.split(key, 3)
    x = jax.random.randint(k_x, (BATCH, SEQ), 0, VOCAB, dtype=jnp.int64 if jax.config.jax_enable_x64 else jnp.int32)
    token_table = jax.random.normal(k_tok, (VOCAB, EMBED_DIM), dtype=jnp.float32) * 0.05
    pos_table = jax.random.normal(k_pos, (MAX_LEN, EMBED_DIM), dtype=jnp.float32) * 0.05
    return {"x": x, "token_table": token_table, "pos_table": pos_table}

def reference(x, token_table, pos_table):
    # positions = range(0, seq_len)
    seq_len = x.shape[1]
    positions = jnp.arange(seq_len)
    pos_e = jnp.take(pos_table, positions, axis=0)           # [S, D]
    tok_e = jnp.take(token_table, x, axis=0)                 # [B, S, D]
    return tok_e + pos_e[None, :, :]

if __name__ == "__main__":
    import jax
    _d = setup_inputs()
    print(jax.jit(kernel)(*tuple(_d.values())))

</pallas_src>

<mosaic_0001>
#map = affine_map<(d0, d1) -> (0, 0)>
#map1 = affine_map<(d0, d1) -> (0, 0, 0, 0, 0)>
module attributes {stable_mosaic.version = 14 : i64} {
  func.func @_sc_kernel_body(%arg0: i32, %arg1: i32, %arg2: memref<200x1024xi32, #tpu.memory_space<hbm>>, %arg3: memref<100000x64xf32, #tpu.memory_space<hbm>>, %arg4: memref<200x64xf32, #tpu.memory_space<hbm>>, %arg5: memref<200x8x8x8x128xf32, #tpu.memory_space<hbm>>, %arg6: memref<50x128xi32, #tpu.memory_space<vmem>>, %arg7: memref<50x64xf32, #tpu.memory_space<vmem>>, %arg8: memref<128x64xf32, #tpu.memory_space<vmem>>, %arg9: memref<128x64xf32, #tpu.memory_space<vmem>>, %arg10: memref<128x64xf32, #tpu.memory_space<vmem>>, %arg11: memref<128x64xf32, #tpu.memory_space<vmem>>, %arg12: memref<128x65xf32, #tpu.memory_space<vmem>>, %arg13: memref<8x8x128xf32, #tpu.memory_space<vmem>>, %arg14: memref<8x8x128xf32, #tpu.memory_space<vmem>>, %arg15: memref<8x8x128xf32, #tpu.memory_space<vmem>>, %arg16: memref<8x8x128xf32, #tpu.memory_space<vmem>>, %arg17: memref<!tpu.dma_semaphore, #tpu.memory_space<semaphore_mem>>, %arg18: memref<!tpu.dma_semaphore, #tpu.memory_space<semaphore_mem>>, %arg19: memref<!tpu.dma_semaphore, #tpu.memory_space<semaphore_mem>>, %arg20: memref<!tpu.dma_semaphore, #tpu.memory_space<semaphore_mem>>, %arg21: memref<!tpu.dma_semaphore, #tpu.memory_space<semaphore_mem>>, %arg22: memref<!tpu.dma_semaphore, #tpu.memory_space<semaphore_mem>>, %arg23: memref<!tpu.dma_semaphore, #tpu.memory_space<semaphore_mem>>, %arg24: memref<!tpu.dma_semaphore, #tpu.memory_space<semaphore_mem>>) attributes {dimension_semantics = [#tpu.dimension_semantics<core_parallel>, #tpu.dimension_semantics<subcore_parallel>], iteration_bounds = array<i64: 2, 16>, scalar_prefetch = 0 : i64, scratch_operands = 19 : i64, tpu.core_type = #tpu.core_type<sc_vector_subcore>, window_params = [{transform_indices = #map}, {transform_indices = #map}, {transform_indices = #map}, {transform_indices = #map1}]} {
    %mul3A = arith.constant 2 : i32
    %mul3A_0 = arith.muli %arg1, %mul3A : i32
    %add3A = arith.addi %mul3A_0, %arg0 : i32
    %rem3A = arith.constant 8 : i32
    %rem3A_1 = arith.remsi %add3A, %rem3A : i32
    %jit3A = arith.constant 8 : i32
    %div3A = arith.divsi %add3A, %jit3A : i32
    %sign3A = arith.constant 0 : i32
    %sign3A_2 = arith.cmpi sgt, %add3A, %sign3A : i32
    %sign3A_3 = arith.extui %sign3A_2 : i1 to i32
    %sign3A_4 = arith.constant 0 : i32
    %sign3A_5 = arith.cmpi slt, %add3A, %sign3A_4 : i32
    %sign3A_6 = arith.extui %sign3A_5 : i1 to i32
    %sign3A_7 = arith.subi %sign3A_3, %sign3A_6 : i32
    %sign3A_8 = arith.constant 0 : i32
    %sign3A_9 = arith.cmpi sgt, %jit3A, %sign3A_8 : i32
    %sign3A_10 = arith.extui %sign3A_9 : i1 to i32
    %sign3A_11 = arith.constant 0 : i32
    %sign3A_12 = arith.cmpi slt, %jit3A, %sign3A_11 : i32
    %sign3A_13 = arith.extui %sign3A_12 : i1 to i32
    %sign3A_14 = arith.subi %sign3A_10, %sign3A_13 : i32
    %ne3A = arith.cmpi ne, %sign3A_7, %sign3A_14 : i32
    %rem3A_15 = arith.remsi %add3A, %jit3A : i32
    %ne3A_16 = arith.constant 0 : i32
    %ne3A_17 = arith.cmpi ne, %rem3A_15, %ne3A_16 : i32
    %and3A = arith.andi %ne3A, %ne3A_17 : i1
    %sub3A = arith.constant 1 : i32
    %sub3A_18 = arith.subi %div3A, %sub3A : i32
    %select_n3A = arith.select %and3A, %sub3A_18, %div3A : i32
    %mul3A_19 = arith.constant 128 : i32
    %mul3A_20 = arith.muli %rem3A_1, %mul3A_19 : i32
    %mul3A_21 = arith.constant 50 : i32
    %mul3A_22 = arith.muli %select_n3A, %mul3A_21 : i32
    "tpu.region"() ({
      %run_scoped3A = tpu.sem_alloc : memref<!tpu.dma_semaphore, #tpu.memory_space<semaphore_mem>>
      %dma_start3A_191 = tpu.memref_slice %arg2[%mul3A_22, %mul3A_20] : memref<200x1024xi32, #tpu.memory_space<hbm>> -> memref<50x128xi32, #tpu.memory_space<hbm>>
      %dma_start3A_192 = tpu.memref_slice %arg2[%mul3A_22, %mul3A_20] : memref<200x1024xi32, #tpu.memory_space<hbm>> -> memref<50x128xi32, #tpu.memory_space<hbm>>
      tpu.enqueue_dma source(%dma_start3A_192 : memref<50x128xi32, #tpu.memory_space<hbm>>) target(%arg6 : memref<50x128xi32, #tpu.memory_space<vmem>>) target_semaphore(%run_scoped3A : memref<!tpu.dma_semaphore, #tpu.memory_space<semaphore_mem>>)
      %dma_wait3A_193 = tpu.memref_slice %arg2[%mul3A_22, %mul3A_20] : memref<200x1024xi32, #tpu.memory_space<hbm>> -> memref<50x128xi32, #tpu.memory_space<hbm>>
      %dma_wait3A_194 = tpu.memref_slice %arg2[%mul3A_22, %mul3A_20] : memref<200x1024xi32, #tpu.memory_space<hbm>> -> memref<50x128xi32, #tpu.memory_space<hbm>>
      tpu.wait_dma2 semaphore(%run_scoped3A : memref<!tpu.dma_semaphore, #tpu.memory_space<semaphore_mem>>) src(%dma_wait3A_194 : memref<50x128xi32, #tpu.memory_space<hbm>>) dst(%arg6 : memref<50x128xi32, #tpu.memory_space<vmem>>)
      tpu.yield
    }) : () -> ()
    "tpu.region"() ({
      %run_scoped3A = tpu.sem_alloc : memref<!tpu.dma_semaphore, #tpu.memory_space<semaphore_mem>>
      %dma_start3A_191 = arith.constant 0 : i32
      %dma_start3A_192 = tpu.memref_slice %arg4[%mul3A_22, %dma_start3A_191] : memref<200x64xf32, #tpu.memory_space<hbm>> -> memref<50x64xf32, #tpu.memory_space<hbm>>
      %dma_start3A_193 = arith.constant 0 : i32
      %dma_start3A_194 = tpu.memref_slice %arg4[%mul3A_22, %dma_start3A_193] : memref<200x64xf32, #tpu.memory_space<hbm>> -> memref<50x64xf32, #tpu.memory_space<hbm>>
      tpu.enqueue_dma source(%dma_start3A_194 : memref<50x64xf32, #tpu.memory_space<hbm>>) target(%arg7 : memref<50x64xf32, #tpu.memory_space<vmem>>) target_semaphore(%run_scoped3A : memref<!tpu.dma_semaphore, #tpu.memory_space<semaphore_mem>>)
      %dma_wait3A_195 = arith.constant 0 : i32
      %dma_wait3A_196 = tpu.memref_slice %arg4[%mul3A_22, %dma_wait3A_195] : memref<200x64xf32, #tpu.memory_space<hbm>> -> memref<50x64xf32, #tpu.memory_space<hbm>>
      %dma_wait3A_197 = arith.constant 0 : i32
      %dma_wait3A_198 = tpu.memref_slice %arg4[%mul3A_22, %dma_wait3A_197] : memref<200x64xf32, #tpu.memory_space<hbm>> -> memref<50x64xf32, #tpu.memory_space<hbm>>
      tpu.wait_dma2 semaphore(%run_scoped3A : memref<!tpu.dma_semaphore, #tpu.memory_space<semaphore_mem>>) src(%dma_wait3A_198 : memref<50x64xf32, #tpu.memory_space<hbm>>) dst(%arg7 : memref<50x64xf32, #tpu.memory_space<vmem>>)
      tpu.yield
    }) : () -> ()
    %iota3A = tpu.iota {dimensions = array<i32: 0>} : vector<16xi32>
    %add3A_23 = arith.constant 0 : i32
    %add3A_24 = vector.broadcast %add3A_23 : i32 to vector<16xi32>
    %add3A_25 = arith.addi %iota3A, %add3A_24 : vector<16xi32>
    %iota3A_26 = tpu.iota {dimensions = array<i32: 0>} : vector<16xi32>
    %add3A_27 = arith.constant 16 : i32
    %add3A_28 = vector.broadcast %add3A_27 : i32 to vector<16xi32>
    %add3A_29 = arith.addi %iota3A_26, %add3A_28 : vector<16xi32>
    %iota3A_30 = tpu.iota {dimensions = array<i32: 0>} : vector<16xi32>
    %add3A_31 = arith.constant 32 : i32
    %add3A_32 = vector.broadcast %add3A_31 : i32 to vector<16xi32>
    %add3A_33 = arith.addi %iota3A_30, %add3A_32 : vector<16xi32>
    %iota3A_34 = tpu.iota {dimensions = array<i32: 0>} : vector<16xi32>
    %add3A_35 = arith.constant 48 : i32
    %add3A_36 = vector.broadcast %add3A_35 : i32 to vector<16xi32>
    %add3A_37 = arith.addi %iota3A_34, %add3A_36 : vector<16xi32>
    %iota3A_38 = tpu.iota {dimensions = array<i32: 0>} : vector<16xi32>
    %add3A_39 = arith.constant 64 : i32
    %add3A_40 = vector.broadcast %add3A_39 : i32 to vector<16xi32>
    %add3A_41 = arith.addi %iota3A_38, %add3A_40 : vector<16xi32>
    %iota3A_42 = tpu.iota {dimensions = array<i32: 0>} : vector<16xi32>
    %add3A_43 = arith.constant 80 : i32
    %add3A_44 = vector.broadcast %add3A_43 : i32 to vector<16xi32>
    %add3A_45 = arith.addi %iota3A_42, %add3A_44 : vector<16xi32>
    %iota3A_46 = tpu.iota {dimensions = array<i32: 0>} : vector<16xi32>
    %add3A_47 = arith.constant 96 : i32
    %add3A_48 = vector.broadcast %add3A_47 : i32 to vector<16xi32>
    %add3A_49 = arith.addi %iota3A_46, %add3A_48 : vector<16xi32>
    %iota3A_50 = tpu.iota {dimensions = array<i32: 0>} : vector<16xi32>
    %add3A_51 = arith.constant 112 : i32
    %add3A_52 = vector.broadcast %add3A_51 : i32 to vector<16xi32>
    %add3A_53 = arith.addi %iota3A_50, %add3A_52 : vector<16xi32>
    %dma_start3A = arith.constant 0 : i32
    %dma_start3A_54 = arith.constant 0 : i32
    %dma_start3A_55 = tpu.memref_slice %arg6[%dma_start3A, %dma_start3A_54] : memref<50x128xi32, #tpu.memory_space<vmem>> -> memref<1x128xi32, #tpu.memory_space<vmem>>
    %dma_start3A_56 = tpu.memref_squeeze %dma_start3A_55 : memref<1x128xi32, #tpu.memory_space<vmem>> -> memref<128xi32, #tpu.memory_space<vmem>>
    %dma_start3A_57 = arith.constant 0 : i32
    %dma_start3A_58 = arith.constant 0 : i32
    %dma_start3A_59 = tpu.memref_slice %arg3[%dma_start3A_57, %dma_start3A_58] : memref<100000x64xf32, #tpu.memory_space<hbm>> -> memref<100000x64xf32, #tpu.memory_space<hbm>>
    tpu.enqueue_indirect_dma source(%dma_start3A_59 : memref<100000x64xf32, #tpu.memory_space<hbm>>) target(%arg8 : memref<128x64xf32, #tpu.memory_space<vmem>>) offsets(%dma_start3A_56 : memref<128xi32, #tpu.memory_space<vmem>>) semaphore(%arg17 : memref<!tpu.dma_semaphore, #tpu.memory_space<semaphore_mem>>)
    %dma_start3A_60 = arith.constant 1 : i32
    %dma_start3A_61 = arith.constant 0 : i32
    %dma_start3A_62 = tpu.memref_slice %arg6[%dma_start3A_60, %dma_start3A_61] : memref<50x128xi32, #tpu.memory_space<vmem>> -> memref<1x128xi32, #tpu.memory_space<vmem>>
    %dma_start3A_63 = tpu.memref_squeeze %dma_start3A_62 : memref<1x128xi32, #tpu.memory_space<vmem>> -> memref<128xi32, #tpu.memory_space<vmem>>
    %dma_start3A_64 = arith.constant 0 : i32
    %dma_start3A_65 = arith.constant 0 : i32
    %dma_start3A_66 = tpu.memref_slice %arg3[%dma_start3A_64, %dma_start3A_65] : memref<100000x64xf32, #tpu.memory_space<hbm>> -> memref<100000x64xf32, #tpu.memory_space<hbm>>
    tpu.enqueue_indirect_dma source(%dma_start3A_66 : memref<100000x64xf32, #tpu.memory_space<hbm>>) target(%arg9 : memref<128x64xf32, #tpu.memory_space<vmem>>) offsets(%dma_start3A_63 : memref<128xi32, #tpu.memory_space<vmem>>) semaphore(%arg18 : memref<!tpu.dma_semaphore, #tpu.memory_space<semaphore_mem>>)
    %scan3A = arith.constant 0 : i32
    %scan3A_67 = arith.constant 0 : i32
    %scan3A_68 = arith.constant 12 : i32
    %scan3A_69 = arith.addi %scan3A_67, %scan3A_68 : i32
    %scan3A_70 = arith.constant 1 : i32
    scf.for %scan3A_191 = %scan3A_67 to %scan3A_69 step %scan3A_70  : i32 {
      %mul3A_192 = arith.constant 4 : i32
      %mul3A_193 = arith.muli %scan3A_191, %mul3A_192 : i32
      %add3A_194 = arith.constant 0 : i32
      %add3A_195 = arith.addi %mul3A_193, %add3A_194 : i32
      %add3A_196 = arith.constant 2 : i32
      %add3A_197 = arith.addi %add3A_195, %add3A_196 : i32
      %lt3A = arith.constant 50 : i32
      %lt3A_198 = arith.cmpi slt, %add3A_197, %lt3A : i32
      %convert_element_type3A = arith.extui %lt3A_198 : i1 to i32
      %cond3A = arith.constant 0 : i32
      %cond3A_199 = arith.cmpi ne, %convert_element_type3A, %cond3A : i32
      scf.if %cond3A_199 {
        %ge3A = arith.constant 2 : i32
        %ge3A_377 = arith.cmpi sge, %add3A_195, %ge3A : i32
        %convert_element_type3A_378 = arith.extui %ge3A_377 : i1 to i32
        %cond3A_379 = arith.constant 0 : i32
        %cond3A_380 = arith.cmpi ne, %convert_element_type3A_378, %cond3A_379 : i32
        scf.if %cond3A_380 {
          %dma_wait3A_389 = arith.constant 0 : i32
          %dma_wait3A_390 = arith.constant 0 : i32
          %dma_wait3A_391 = arith.constant 0 : i32
          %dma_wait3A_392 = tpu.memref_slice %arg5[%mul3A_22, %dma_wait3A_389, %rem3A_1, %dma_wait3A_390, %dma_wait3A_391] : memref<200x8x8x8x128xf32, #tpu.memory_space<hbm>> -> memref<1x8x1x8x128xf32, #tpu.memory_space<hbm>>
          %dma_wait3A_393 = tpu.memref_squeeze %dma_wait3A_392 : memref<1x8x1x8x128xf32, #tpu.memory_space<hbm>> -> memref<8x8x128xf32, #tpu.memory_space<hbm>>
          %dma_wait3A_394 = arith.constant 0 : i32
          %dma_wait3A_395 = arith.constant 0 : i32
          %dma_wait3A_396 = arith.constant 0 : i32
          %dma_wait3A_397 = tpu.memref_slice %arg5[%mul3A_22, %dma_wait3A_394, %rem3A_1, %dma_wait3A_395, %dma_wait3A_396] : memref<200x8x8x8x128xf32, #tpu.memory_space<hbm>> -> memref<1x8x1x8x128xf32, #tpu.memory_space<hbm>>
          %dma_wait3A_398 = tpu.memref_squeeze %dma_wait3A_397 : memref<1x8x1x8x128xf32, #tpu.memory_space<hbm>> -> memref<8x8x128xf32, #tpu.memory_space<hbm>>
          tpu.wait_dma2 semaphore(%arg23 : memref<!tpu.dma_semaphore, #tpu.memory_space<semaphore_mem>>) src(%arg15 : memref<8x8x128xf32, #tpu.memory_space<vmem>>) dst(%dma_wait3A_398 : memref<8x8x128xf32, #tpu.memory_space<hbm>>)
        } else {
        }
        %add3A_381 = arith.constant 2 : i32
        %add3A_382 = arith.addi %add3A_195, %add3A_381 : i32
        %dma_start3A_383 = arith.constant 0 : i32
        %dma_start3A_384 = tpu.memref_slice %arg6[%add3A_382, %dma_start3A_383] : memref<50x128xi32, #tpu.memory_space<vmem>> -> memref<1x128xi32, #tpu.memory_space<vmem>>
        %dma_start3A_385 = tpu.memref_squeeze %dma_start3A_384 : memref<1x128xi32, #tpu.memory_space<vmem>> -> memref<128xi32, #tpu.memory_space<vmem>>
        %dma_start3A_386 = arith.constant 0 : i32
        %dma_start3A_387 = arith.constant 0 : i32
        %dma_start3A_388 = tpu.memref_slice %arg3[%dma_start3A_386, %dma_start3A_387] : memref<100000x64xf32, #tpu.memory_space<hbm>> -> memref<100000x64xf32, #tpu.memory_space<hbm>>
        tpu.enqueue_indirect_dma source(%dma_start3A_388 : memref<100000x64xf32, #tpu.memory_space<hbm>>) target(%arg10 : memref<128x64xf32, #tpu.memory_space<vmem>>) offsets(%dma_start3A_385 : memref<128xi32, #tpu.memory_space<vmem>>) semaphore(%arg19 : memref<!tpu.dma_semaphore, #tpu.memory_space<semaphore_mem>>)
      } else {
      }
      %dma_wait3A_200 = arith.constant 0 : i32
      %dma_wait3A_201 = arith.constant 0 : i32
      %dma_wait3A_202 = tpu.memref_slice %arg6[%dma_wait3A_200, %dma_wait3A_201] : memref<50x128xi32, #tpu.memory_space<vmem>> -> memref<1x128xi32, #tpu.memory_space<vmem>>
      %dma_wait3A_203 = tpu.memref_squeeze %dma_wait3A_202 : memref<1x128xi32, #tpu.memory_space<vmem>> -> memref<128xi32, #tpu.memory_space<vmem>>
      %dma_wait3A_204 = arith.constant 0 : i32
      %dma_wait3A_205 = arith.constant 0 : i32
      %dma_wait3A_206 = tpu.memref_slice %arg3[%dma_wait3A_204, %dma_wait3A_205] : memref<100000x64xf32, #tpu.memory_space<hbm>> -> memref<100000x64xf32, #tpu.memory_space<hbm>>
      tpu.wait_indirect_dma semaphore(%arg17 : memref<!tpu.dma_semaphore, #tpu.memory_space<semaphore_mem>>) src(%dma_wait3A_206 : memref<100000x64xf32, #tpu.memory_space<hbm>>) dst(%arg8 : memref<128x64xf32, #tpu.memory_space<vmem>>)
      %get3A_207 = arith.index_cast %add3A_195 : i32 to index
      %get3A_208 = arith.constant 0 : index
      %get3A_209 = tpu.vector_load %arg7[%get3A_207, %get3A_208] {strides = array<i32>} : memref<50x64xf32, #tpu.memory_space<vmem>>, vector<16xf32>,
      %get3A_210 = arith.index_cast %add3A_195 : i32 to index
      %get3A_211 = arith.constant 16 : index
      %get3A_212 = tpu.vector_load %arg7[%get3A_210, %get3A_211] {strides = array<i32>} : memref<50x64xf32, #tpu.memory_space<vmem>>, vector<16xf32>,
      %get3A_213 = arith.index_cast %add3A_195 : i32 to index
      %get3A_214 = arith.constant 32 : index
      %get3A_215 = tpu.vector_load %arg7[%get3A_213, %get3A_214] {strides = array<i32>} : memref<50x64xf32, #tpu.memory_space<vmem>>, vector<16xf32>,
      %get3A_216 = arith.index_cast %add3A_195 : i32 to index
      %get3A_217 = arith.constant 48 : index
      %get3A_218 = tpu.vector_load %arg7[%get3A_216, %get3A_217] {strides = array<i32>} : memref<50x64xf32, #tpu.memory_space<vmem>>, vector<16xf32>,
      %parallel_loop3A_219 = arith.constant 0 : i32
      %parallel_loop3A_220 = arith.constant 128 : i32
      %parallel_loop3A_221 = arith.constant 1 : i32
      scf.for %parallel_loop3A_377 = %parallel_loop3A_219 to %parallel_loop3A_220 step %parallel_loop3A_221  : i32 {
        %parallel_loop3A_378 = arith.index_cast %parallel_loop3A_377 : i32 to index
        %parallel_loop3A_379 = arith.constant 0 : index
        %parallel_loop3A_380 = tpu.vector_load %arg8[%parallel_loop3A_378, %parallel_loop3A_379] {strides = array<i32>} : memref<128x64xf32, #tpu.memory_space<vmem>>, vector<16xf32>,
        %parallel_loop3A_381 = arith.addf %parallel_loop3A_380, %get3A_209 : vector<16xf32>
        %parallel_loop3A_382 = arith.index_cast %parallel_loop3A_377 : i32 to index
        %parallel_loop3A_383 = arith.constant 0 : index
        %parallel_loop3A_384 = tpu.vector_load %arg12[%parallel_loop3A_382, %parallel_loop3A_383] {strides = array<i32>} : memref<128x65xf32, #tpu.memory_space<vmem>>, vector<16xf32>,
        tpu.vector_store %arg12[%parallel_loop3A_382, %parallel_loop3A_383], %parallel_loop3A_381 {strides = array<i32>} : memref<128x65xf32, #tpu.memory_space<vmem>>, vector<16xf32>,
        %parallel_loop3A_385 = arith.index_cast %parallel_loop3A_377 : i32 to index
        %parallel_loop3A_386 = arith.constant 16 : index
        %parallel_loop3A_387 = tpu.vector_load %arg8[%parallel_loop3A_385, %parallel_loop3A_386] {strides = array<i32>} : memref<128x64xf32, #tpu.memory_space<vmem>>, vector<16xf32>,
        %parallel_loop3A_388 = arith.addf %parallel_loop3A_387, %get3A_212 : vector<16xf32>
        %parallel_loop3A_389 = arith.index_cast %parallel_loop3A_377 : i32 to index
        %parallel_loop3A_390 = arith.constant 16 : index
        %parallel_loop3A_391 = tpu.vector_load %arg12[%parallel_loop3A_389, %parallel_loop3A_390] {strides = array<i32>} : memref<128x65xf32, #tpu.memory_space<vmem>>, vector<16xf32>,
        tpu.vector_store %arg12[%parallel_loop3A_389, %parallel_loop3A_390], %parallel_loop3A_388 {strides = array<i32>} : memref<128x65xf32, #tpu.memory_space<vmem>>, vector<16xf32>,
        %parallel_loop3A_392 = arith.index_cast %parallel_loop3A_377 : i32 to index
        %parallel_loop3A_393 = arith.constant 32 : index
        %parallel_loop3A_394 = tpu.vector_load %arg8[%parallel_loop3A_392, %parallel_loop3A_393] {strides = array<i32>} : memref<128x64xf32, #tpu.memory_space<vmem>>, vector<16xf32>,
        %parallel_loop3A_395 = arith.addf %parallel_loop3A_394, %get3A_215 : vector<16xf32>
        %parallel_loop3A_396 = arith.index_cast %parallel_loop3A_377 : i32 to index
        %parallel_loop3A_397 = arith.constant 32 : index
        %parallel_loop3A_398 = tpu.vector_load %arg12[%parallel_loop3A_396, %parallel_loop3A_397] {strides = array<i32>} : memref<128x65xf32, #tpu.memory_space<vmem>>, vector<16xf32>,
        tpu.vector_store %arg12[%parallel_loop3A_396, %parallel_loop3A_397], %parallel_loop3A_395 {strides = array<i32>} : memref<128x65xf32, #tpu.memory_space<vmem>>, vector<16xf32>,
        %parallel_loop3A_399 = arith.index_cast %parallel_loop3A_377 : i32 to index
        %parallel_loop3A_400 = arith.constant 48 : index
        %parallel_loop3A_401 = tpu.vector_load %arg8[%parallel_loop3A_399, %parallel_loop3A_400] {strides = array<i32>} : memref<128x64xf32, #tpu.memory_space<vmem>>, vector<16xf32>,
        %parallel_loop3A_402 = arith.addf %parallel_loop3A_401, %get3A_218 : vector<16xf32>
        %parallel_loop3A_403 = arith.index_cast %parallel_loop3A_377 : i32 to index
        %parallel_loop3A_404 = arith.constant 48 : index
        %parallel_loop3A_405 = tpu.vector_load %arg12[%parallel_loop3A_403, %parallel_loop3A_404] {strides = array<i32>} : memref<128x65xf32, #tpu.memory_space<vmem>>, vector<16xf32>,
        tpu.vector_store %arg12[%parallel_loop3A_403, %parallel_loop3A_404], %parallel_loop3A_402 {strides = array<i32>} : memref<128x65xf32, #tpu.memory_space<vmem>>, vector<16xf32>,
      } {sc.loop_unroll_factor = 8 : i64, sc.parallel_access}
      %parallel_loop3A_222 = arith.constant 0 : i32
      %parallel_loop3A_223 = arith.constant 64 : i32
      %parallel_loop3A_224 = arith.constant 1 : i32
      scf.for %parallel_loop3A_377 = %parallel_loop3A_222 to %parallel_loop3A_223 step %parallel_loop3A_224  : i32 {
        %parallel_loop3A_378 = vector.broadcast %parallel_loop3A_377 : i32 to vector<16xi32>
        %parallel_loop3A_379 = tpu.vector_load_idx %arg12[%add3A_25, %parallel_loop3A_378] : memref<128x65xf32, #tpu.memory_space<vmem>>[vector<16xi32>, vector<16xi32>], vector<16xf32>,
        %parallel_loop3A_380 = arith.constant 8 : i32
        %parallel_loop3A_381 = arith.divsi %parallel_loop3A_377, %parallel_loop3A_380 : i32
        %parallel_loop3A_382 = arith.constant 0 : i32
        %parallel_loop3A_383 = arith.cmpi sgt, %parallel_loop3A_377, %parallel_loop3A_382 : i32
        %parallel_loop3A_384 = arith.extui %parallel_loop3A_383 : i1 to i32
        %parallel_loop3A_385 = arith.constant 0 : i32
        %parallel_loop3A_386 = arith.cmpi slt, %parallel_loop3A_377, %parallel_loop3A_385 : i32
        %parallel_loop3A_387 = arith.extui %parallel_loop3A_386 : i1 to i32
        %parallel_loop3A_388 = arith.subi %parallel_loop3A_384, %parallel_loop3A_387 : i32
        %parallel_loop3A_389 = arith.constant 0 : i32
        %parallel_loop3A_390 = arith.cmpi sgt, %parallel_loop3A_380, %parallel_loop3A_389 : i32
        %parallel_loop3A_391 = arith.extui %parallel_loop3A_390 : i1 to i32
        %parallel_loop3A_392 = arith.constant 0 : i32
        %parallel_loop3A_393 = arith.cmpi slt, %parallel_loop3A_380, %parallel_loop3A_392 : i32
        %parallel_loop3A_394 = arith.extui %parallel_loop3A_393 : i1 to i32
        %parallel_loop3A_395 = arith.subi %parallel_loop3A_391, %parallel_loop3A_394 : i32
        %parallel_loop3A_396 = arith.cmpi ne, %parallel_loop3A_388, %parallel_loop3A_395 : i32
        %parallel_loop3A_397 = arith.remsi %parallel_loop3A_377, %parallel_loop3A_380 : i32
        %parallel_loop3A_398 = arith.constant 0 : i32
        %parallel_loop3A_399 = arith.cmpi ne, %parallel_loop3A_397, %parallel_loop3A_398 : i32
        %parallel_loop3A_400 = arith.andi %parallel_loop3A_396, %parallel_loop3A_399 : i1
        %parallel_loop3A_401 = arith.constant 1 : i32
        %parallel_loop3A_402 = arith.subi %parallel_loop3A_381, %parallel_loop3A_401 : i32
        %parallel_loop3A_403 = arith.select %parallel_loop3A_400, %parallel_loop3A_402, %parallel_loop3A_381 : i32
        %parallel_loop3A_404 = arith.constant 8 : i32
        %parallel_loop3A_405 = arith.remsi %parallel_loop3A_377, %parallel_loop3A_404 : i32
        %parallel_loop3A_406 = arith.index_cast %parallel_loop3A_403 : i32 to index
        %parallel_loop3A_407 = arith.index_cast %parallel_loop3A_405 : i32 to index
        %parallel_loop3A_408 = arith.constant 0 : index
        %parallel_loop3A_409 = tpu.vector_load %arg13[%parallel_loop3A_406, %parallel_loop3A_407, %parallel_loop3A_408] {strides = array<i32>} : memref<8x8x128xf32, #tpu.memory_space<vmem>>, vector<16xf32>,
        tpu.vector_store %arg13[%parallel_loop3A_406, %parallel_loop3A_407, %parallel_loop3A_408], %parallel_loop3A_379 {strides = array<i32>} : memref<8x8x128xf32, #tpu.memory_space<vmem>>, vector<16xf32>,
        %parallel_loop3A_410 = tpu.vector_load_idx %arg12[%add3A_29, %parallel_loop3A_378] : memref<128x65xf32, #tpu.memory_space<vmem>>[vector<16xi32>, vector<16xi32>], vector<16xf32>,
        %parallel_loop3A_411 = arith.constant 8 : i32
        %parallel_loop3A_412 = arith.divsi %parallel_loop3A_377, %parallel_loop3A_411 : i32
        %parallel_loop3A_413 = arith.constant 0 : i32
        %parallel_loop3A_414 = arith.cmpi sgt, %parallel_loop3A_377, %parallel_loop3A_413 : i32
        %parallel_loop3A_415 = arith.extui %parallel_loop3A_414 : i1 to i32
        %parallel_loop3A_416 = arith.constant 0 : i32
        %parallel_loop3A_417 = arith.cmpi slt, %parallel_loop3A_377, %parallel_loop3A_416 : i32
        %parallel_loop3A_418 = arith.extui %parallel_loop3A_417 : i1 to i32
        %parallel_loop3A_419 = arith.subi %parallel_loop3A_415, %parallel_loop3A_418 : i32
        %parallel_loop3A_420 = arith.constant 0 : i32
        %parallel_loop3A_421 = arith.cmpi sgt, %parallel_loop3A_411, %parallel_loop3A_420 : i32
        %parallel_loop3A_422 = arith.extui %parallel_loop3A_421 : i1 to i32
        %parallel_loop3A_423 = arith.constant 0 : i32
        %parallel_loop3A_424 = arith.cmpi slt, %parallel_loop3A_411, %parallel_loop3A_423 : i32
        %parallel_loop3A_425 = arith.extui %parallel_loop3A_424 : i1 to i32
        %parallel_loop3A_426 = arith.subi %parallel_loop3A_422, %parallel_loop3A_425 : i32
        %parallel_loop3A_427 = arith.cmpi ne, %parallel_loop3A_419, %parallel_loop3A_426 : i32
        %parallel_loop3A_428 = arith.remsi %parallel_loop3A_377, %parallel_loop3A_411 : i32
        %parallel_loop3A_429 = arith.constant 0 : i32
        %parallel_loop3A_430 = arith.cmpi ne, %parallel_loop3A_428, %parallel_loop3A_429 : i32
        %parallel_loop3A_431 = arith.andi %parallel_loop3A_427, %parallel_loop3A_430 : i1
        %parallel_loop3A_432 = arith.constant 1 : i32
        %parallel_loop3A_433 = arith.subi %parallel_loop3A_412, %parallel_loop3A_432 : i32
        %parallel_loop3A_434 = arith.select %parallel_loop3A_431, %parallel_loop3A_433, %parallel_loop3A_412 : i32
        %parallel_loop3A_435 = arith.constant 8 : i32
        %parallel_loop3A_436 = arith.remsi %parallel_loop3A_377, %parallel_loop3A_435 : i32
        %parallel_loop3A_437 = arith.index_cast %parallel_loop3A_434 : i32 to index
        %parallel_loop3A_438 = arith.index_cast %parallel_loop3A_436 : i32 to index
        %parallel_loop3A_439 = arith.constant 16 : index
        %parallel_loop3A_440 = tpu.vector_load %arg13[%parallel_loop3A_437, %parallel_loop3A_438, %parallel_loop3A_439] {strides = array<i32>} : memref<8x8x128xf32, #tpu.memory_space<vmem>>, vector<16xf32>,
        tpu.vector_store %arg13[%parallel_loop3A_437, %parallel_loop3A_438, %parallel_loop3A_439], %parallel_loop3A_410 {strides = array<i32>} : memref<8x8x128xf32, #tpu.memory_space<vmem>>, vector<16xf32>,
        %parallel_loop3A_441 = tpu.vector_load_idx %arg12[%add3A_33, %parallel_loop3A_378] : memref<128x65xf32, #tpu.memory_space<vmem>>[vector<16xi32>, vector<16xi32>], vector<16xf32>,
        %parallel_loop3A_442 = arith.constant 8 : i32
        %parallel_loop3A_443 = arith.divsi %parallel_loop3A_377, %parallel_loop3A_442 : i32
        %parallel_loop3A_444 = arith.constant 0 : i32
        %parallel_loop3A_445 = arith.cmpi sgt, %parallel_loop3A_377, %parallel_loop3A_444 : i32
        %parallel_loop3A_446 = arith.extui %parallel_loop3A_445 : i1 to i32
        %parallel_loop3A_447 = arith.constant 0 : i32
        %parallel_loop3A_448 = arith.cmpi slt, %parallel_loop3A_377, %parallel_loop3A_447 : i32
        %parallel_loop3A_449 = arith.extui %parallel_loop3A_448 : i1 to i32
        %parallel_loop3A_450 = arith.subi %parallel_loop3A_446, %parallel_loop3A_449 : i32
        %parallel_loop3A_451 = arith.constant 0 : i32
        %parallel_loop3A_452 = arith.cmpi sgt, %parallel_loop3A_442, %parallel_loop3A_451 : i32
        %parallel_loop3A_453 = arith.extui %parallel_loop3A_452 : i1 to i32
        %parallel_loop3A_454 = arith.constant 0 : i32
        %parallel_loop3A_455 = arith.cmpi slt, %parallel_loop3A_442, %parallel_loop3A_454 : i32
        %parallel_loop3A_456 = arith.extui %parallel_loop3A_455 : i1 to i32
        %parallel_loop3A_457 = arith.subi %parallel_loop3A_453, %parallel_loop3A_456 : i32
        %parallel_loop3A_458 = arith.cmpi ne, %parallel_loop3A_450, %parallel_loop3A_457 : i32
        %parallel_loop3A_459 = arith.remsi %parallel_loop3A_377, %parallel_loop3A_442 : i32
        %parallel_loop3A_460 = arith.constant 0 : i32
        %parallel_loop3A_461 = arith.cmpi ne, %parallel_loop3A_459, %parallel_loop3A_460 : i32
        %parallel_loop3A_462 = arith.andi %parallel_loop3A_458, %parallel_loop3A_461 : i1
        %parallel_loop3A_463 = arith.constant 1 : i32
        %parallel_loop3A_464 = arith.subi %parallel_loop3A_443, %parallel_loop3A_463 : i32
        %parallel_loop3A_465 = arith.select %parallel_loop3A_462, %parallel_loop3A_464, %parallel_loop3A_443 : i32
        %parallel_loop3A_466 = arith.constant 8 : i32
        %parallel_loop3A_467 = arith.remsi %parallel_loop3A_377, %parallel_loop3A_466 : i32
        %parallel_loop3A_468 = arith.index_cast %parallel_loop3A_465 : i32 to index
        %parallel_loop3A_469 = arith.index_cast %parallel_loop3A_467 : i32 to index
        %parallel_loop3A_470 = arith.constant 32 : index
        %parallel_loop3A_471 = tpu.vector_load %arg13[%parallel_loop3A_468, %parallel_loop3A_469, %parallel_loop3A_470] {strides = array<i32>} : memref<8x8x128xf32, #tpu.memory_space<vmem>>, vector<16xf32>,
        tpu.vector_store %arg13[%parallel_loop3A_468, %parallel_loop3A_469, %parallel_loop3A_470], %parallel_loop3A_441 {strides = array<i32>} : memref<8x8x128xf32, #tpu.memory_space<vmem>>, vector<16xf32>,
        %parallel_loop3A_472 = tpu.vector_load_idx %arg12[%add3A_37, %parallel_loop3A_378] : memref<128x65xf32, #tpu.memory_space<vmem>>[vector<16xi32>, vector<16xi32>], vector<16xf32>,
        %parallel_loop3A_473 = arith.constant 8 : i32
        %parallel_loop3A_474 = arith.divsi %parallel_loop3A_377, %parallel_loop3A_473 : i32
        %parallel_loop3A_475 = arith.constant 0 : i32
        %parallel_loop3A_476 = arith.cmpi sgt, %parallel_loop3A_377, %parallel_loop3A_475 : i32
        %parallel_loop3A_477 = arith.extui %parallel_loop3A_476 : i1 to i32
        %parallel_loop3A_478 = arith.constant 0 : i32
        %parallel_loop3A_479 = arith.cmpi slt, %parallel_loop3A_377, %parallel_loop3A_478 : i32
        %parallel_loop3A_480 = arith.extui %parallel_loop3A_479 : i1 to i32
        %parallel_loop3A_481 = arith.subi %parallel_loop3A_477, %parallel_loop3A_480 : i32
        %parallel_loop3A_482 = arith.constant 0 : i32
        %parallel_loop3A_483 = arith.cmpi sgt, %parallel_loop3A_473, %parallel_loop3A_482 : i32
        %parallel_loop3A_484 = arith.extui %parallel_loop3A_483 : i1 to i32
        %parallel_loop3A_485 = arith.constant 0 : i32
        %parallel_loop3A_486 = arith.cmpi slt, %parallel_loop3A_473, %parallel_loop3A_485 : i32
        %parallel_loop3A_487 = arith.extui %parallel_loop3A_486 : i1 to i32
        %parallel_loop3A_488 = arith.subi %parallel_loop3A_484, %parallel_loop3A_487 : i32
        %parallel_loop3A_489 = arith.cmpi ne, %parallel_loop3A_481, %parallel_loop3A_488 : i32
        %parallel_loop3A_490 = arith.remsi %parallel_loop3A_377, %parallel_loop3A_473 : i32
        %parallel_loop3A_491 = arith.constant 0 : i32
        %parallel_loop3A_492 = arith.cmpi ne, %parallel_loop3A_490, %parallel_loop3A_491 : i32
        %parallel_loop3A_493 = arith.andi %parallel_loop3A_489, %parallel_loop3A_492 : i1
        %parallel_loop3A_494 = arith.constant 1 : i32
        %parallel_loop3A_495 = arith.subi %parallel_loop3A_474, %parallel_loop3A_494 : i32
        %parallel_loop3A_496 = arith.select %parallel_loop3A_493, %parallel_loop3A_495, %parallel_loop3A_474 : i32
        %parallel_loop3A_497 = arith.constant 8 : i32
        %parallel_loop3A_498 = arith.remsi %parallel_loop3A_377, %parallel_loop3A_497 : i32
        %parallel_loop3A_499 = arith.index_cast %parallel_loop3A_496 : i32 to index
        %parallel_loop3A_500 = arith.index_cast %parallel_loop3A_498 : i32 to index
        %parallel_loop3A_501 = arith.constant 48 : index
        %parallel_loop3A_502 = tpu.vector_load %arg13[%parallel_loop3A_499, %parallel_loop3A_500, %parallel_loop3A_501] {strides = array<i32>} : memref<8x8x128xf32, #tpu.memory_space<vmem>>, vector<16xf32>,
        tpu.vector_store %arg13[%parallel_loop3A_499, %parallel_loop3A_500, %parallel_loop3A_501], %parallel_loop3A_472 {strides = array<i32>} : memref<8x8x128xf32, #tpu.memory_space<vmem>>, vector<16xf32>,
        %parallel_loop3A_503 = tpu.vector_load_idx %arg12[%add3A_41, %parallel_loop3A_378] : memref<128x65xf32, #tpu.memory_space<vmem>>[vector<16xi32>, vector<16xi32>], vector<16xf32>,
        %parallel_loop3A_504 = arith.constant 8 : i32
        %parallel_loop3A_505 = arith.divsi %parallel_loop3A_377, %parallel_loop3A_504 : i32
        %parallel_loop3A_506 = arith.constant 0 : i32
        %parallel_loop3A_507 = arith.cmpi sgt, %parallel_loop3A_377, %parallel_loop3A_506 : i32
        %parallel_loop3A_508 = arith.extui %parallel_loop3A_507 : i1 to i32
        %parallel_loop3A_509 = arith.constant 0 : i32
        %parallel_loop3A_510 = arith.cmpi slt, %parallel_loop3A_377, %parallel_loop3A_509 : i32
        %parallel_loop3A_511 = arith.extui %parallel_loop3A_510 : i1 to i32
        %parallel_loop3A_512 = arith.subi %parallel_loop3A_508, %parallel_loop3A_511 : i32
        %parallel_loop3A_513 = arith.constant 0 : i32
        %parallel_loop3A_514 = arith.cmpi sgt, %parallel_loop3A_504, %parallel_loop3A_513 : i32
        %parallel_loop3A_515 = arith.extui %parallel_loop3A_514 : i1 to i32
        %parallel_loop3A_516 = arith.constant 0 : i32
        %parallel_loop3A_517 = arith.cmpi slt, %parallel_loop3A_504, %parallel_loop3A_516 : i32
        %parallel_loop3A_518 = arith.extui %parallel_loop3A_517 : i1 to i32
        %parallel_loop3A_519 = arith.subi %parallel_loop3A_515, %parallel_loop3A_518 : i32
        %parallel_loop3A_520 = arith.cmpi ne, %parallel_loop3A_512, %parallel_loop3A_519 : i32
        %parallel_loop3A_521 = arith.remsi %parallel_loop3A_377, %parallel_loop3A_504 : i32
        %parallel_loop3A_522 = arith.constant 0 : i32
        %parallel_loop3A_523 = arith.cmpi ne, %parallel_loop3A_521, %parallel_loop3A_522 : i32
        %parallel_loop3A_524 = arith.andi %parallel_loop3A_520, %parallel_loop3A_523 : i1
        %parallel_loop3A_525 = arith.constant 1 : i32
        %parallel_loop3A_526 = arith.subi %parallel_loop3A_505, %parallel_loop3A_525 : i32
        %parallel_loop3A_527 = arith.select %parallel_loop3A_524, %parallel_loop3A_526, %parallel_loop3A_505 : i32
        %parallel_loop3A_528 = arith.constant 8 : i32
        %parallel_loop3A_529 = arith.remsi %parallel_loop3A_377, %parallel_loop3A_528 : i32
        %parallel_loop3A_530 = arith.index_cast %parallel_loop3A_527 : i32 to index
        %parallel_loop3A_531 = arith.index_cast %parallel_loop3A_529 : i32 to index
        %parallel_loop3A_532 = arith.constant 64 : index
        %parallel_loop3A_533 = tpu.vector_load %arg13[%parallel_loop3A_530, %parallel_loop3A_531, %parallel_loop3A_532] {strides = array<i32>} : memref<8x8x128xf32, #tpu.memory_space<vmem>>, vector<16xf32>,
        tpu.vector_store %arg13[%parallel_loop3A_530, %parallel_loop3A_531, %parallel_loop3A_532], %parallel_loop3A_503 {strides = array<i32>} : memref<8x8x128xf32, #tpu.memory_space<vmem>>, vector<16xf32>,
        %parallel_loop3A_534 = tpu.vector_load_idx %arg12[%add3A_45, %parallel_loop3A_378] : memref<128x65xf32, #tpu.memory_space<vmem>>[vector<16xi32>, vector<16xi32>], vector<16xf32>,
        %parallel_loop3A_535 = arith.constant 8 : i32
        %parallel_loop3A_536 = arith.divsi %parallel_loop3A_377, %parallel_loop3A_535 : i32
        %parallel_loop3A_537 = arith.constant 0 : i32
        %parallel_loop3A_538 = arith.cmpi sgt, %parallel_loop3A_377, %parallel_loop3A_537 : i32
        %parallel_loop3A_539 = arith.extui %parallel_loop3A_538 : i1 to i32
        %parallel_loop3A_540 = arith.constant 0 : i32
        %parallel_loop3A_541 = arith.cmpi slt, %parallel_loop3A_377, %parallel_loop3A_540 : i32
        %parallel_loop3A_542 = arith.extui %parallel_loop3A_541 : i1 to i32
        %parallel_loop3A_543 = arith.subi %parallel_loop3A_539, %parallel_loop3A_542 : i32
        %parallel_loop3A_544 = arith.constant 0 : i32
        %parallel_loop3A_545 = arith.cmpi sgt, %parallel_loop3A_535, %parallel_loop3A_544 : i32
        %parallel_loop3A_546 = arith.extui %parallel_loop3A_545 : i1 to i32
        %parallel_loop3A_547 = arith.constant 0 : i32
        %parallel_loop3A_548 = arith.cmpi slt, %parallel_loop3A_535, %parallel_loop3A_547 : i32
        %parallel_loop3A_549 = arith.extui %parallel_loop3A_548 : i1 to i32
        %parallel_loop3A_550 = arith.subi %parallel_loop3A_546, %parallel_loop3A_549 : i32
        %parallel_loop3A_551 = arith.cmpi ne, %parallel_loop3A_543, %parallel_loop3A_550 : i32
        %parallel_loop3A_552 = arith.remsi %parallel_loop3A_377, %parallel_loop3A_535 : i32
        %parallel_loop3A_553 = arith.constant 0 : i32
        %parallel_loop3A_554 = arith.cmpi ne, %parallel_loop3A_552, %parallel_loop3A_553 : i32
        %parallel_loop3A_555 = arith.andi %parallel_loop3A_551, %parallel_loop3A_554 : i1
        %parallel_loop3A_556 = arith.constant 1 : i32
        %parallel_loop3A_557 = arith.subi %parallel_loop3A_536, %parallel_loop3A_556 : i32
        %parallel_loop3A_558 = arith.select %parallel_loop3A_555, %parallel_loop3A_557, %parallel_loop3A_536 : i32
        %parallel_loop3A_559 = arith.constant 8 : i32
        %parallel_loop3A_560 = arith.remsi %parallel_loop3A_377, %parallel_loop3A_559 : i32
        %parallel_loop3A_561 = arith.index_cast %parallel_loop3A_558 : i32 to index
        %parallel_loop3A_562 = arith.index_cast %parallel_loop3A_560 : i32 to index
        %parallel_loop3A_563 = arith.constant 80 : index
        %parallel_loop3A_564 = tpu.vector_load %arg13[%parallel_loop3A_561, %parallel_loop3A_562, %parallel_loop3A_563] {strides = array<i32>} : memref<8x8x128xf32, #tpu.memory_space<vmem>>, vector<16xf32>,
        tpu.vector_store %arg13[%parallel_loop3A_561, %parallel_loop3A_562, %parallel_loop3A_563], %parallel_loop3A_534 {strides = array<i32>} : memref<8x8x128xf32, #tpu.memory_space<vmem>>, vector<16xf32>,
        %parallel_loop3A_565 = tpu.vector_load_idx %arg12[%add3A_49, %parallel_loop3A_378] : memref<128x65xf32, #tpu.memory_space<vmem>>[vector<16xi32>, vector<16xi32>], vector<16xf32>,
        %parallel_loop3A_566 = arith.constant 8 : i32
        %parallel_loop3A_567 = arith.divsi %parallel_loop3A_377, %parallel_loop3A_566 : i32
        %parallel_loop3A_568 = arith.constant 0 : i32
        %parallel_loop3A_569 = arith.cmpi sgt, %parallel_loop3A_377, %parallel_loop3A_568 : i32
        %parallel_loop3A_570 = arith.extui %parallel_loop3A_569 : i1 to i32
        %parallel_loop3A_571 = arith.constant 0 : i32
        %parallel_loop3A_572 = arith.cmpi slt, %parallel_loop3A_377, %parallel_loop3A_571 : i32
        %parallel_loop3A_573 = arith.extui %parallel_loop3A_572 : i1 to i32
        %parallel_loop3A_574 = arith.subi %parallel_loop3A_570, %parallel_loop3A_573 : i32
        %parallel_loop3A_575 = arith.constant 0 : i32
        %parallel_loop3A_576 = arith.cmpi sgt, %parallel_loop3A_566, %parallel_loop3A_575 : i32
        %parallel_loop3A_577 = arith.extui %parallel_loop3A_576 : i1 to i32
        %parallel_loop3A_578 = arith.constant 0 : i32
        %parallel_loop3A_579 = arith.cmpi slt, %parallel_loop3A_566, %parallel_loop3A_578 : i32
        %parallel_loop3A_580 = arith.extui %parallel_loop3A_579 : i1 to i32
        %parallel_loop3A_581 = arith.subi %parallel_loop3A_577, %parallel_loop3A_580 : i32
        %parallel_loop3A_582 = arith.cmpi ne, %parallel_loop3A_574, %parallel_loop3A_581 : i32
        %parallel_loop3A_583 = arith.remsi %parallel_loop3A_377, %parallel_loop3A_566 : i32
        %parallel_loop3A_584 = arith.constant 0 : i32
        %parallel_loop3A_585 = arith.cmpi ne, %parallel_loop3A_583, %parallel_loop3A_584 : i32
        %parallel_loop3A_586 = arith.andi %parallel_loop3A_582, %parallel_loop3A_585 : i1
        %parallel_loop3A_587 = arith.constant 1 : i32
        %parallel_loop3A_588 = arith.subi %parallel_loop3A_567, %parallel_loop3A_587 : i32
        %parallel_loop3A_589 = arith.select %parallel_loop3A_586, %parallel_loop3A_588, %parallel_loop3A_567 : i32
        %parallel_loop3A_590 = arith.constant 8 : i32
        %parallel_loop3A_591 = arith.remsi %parallel_loop3A_377, %parallel_loop3A_590 : i32
        %parallel_loop3A_592 = arith.index_cast %parallel_loop3A_589 : i32 to index
        %parallel_loop3A_593 = arith.index_cast %parallel_loop3A_591 : i32 to index
        %parallel_loop3A_594 = arith.constant 96 : index
        %parallel_loop3A_595 = tpu.vector_load %arg13[%parallel_loop3A_592, %parallel_loop3A_593, %parallel_loop3A_594] {strides = array<i32>} : memref<8x8x128xf32, #tpu.memory_space<vmem>>, vector<16xf32>,
        tpu.vector_store %arg13[%parallel_loop3A_592, %parallel_loop3A_593, %parallel_loop3A_594], %parallel_loop3A_565 {strides = array<i32>} : memref<8x8x128xf32, #tpu.memory_space<vmem>>, vector<16xf32>,
        %parallel_loop3A_596 = tpu.vector_load_idx %arg12[%add3A_53, %parallel_loop3A_378] : memref<128x65xf32, #tpu.memory_space<vmem>>[vector<16xi32>, vector<16xi32>], vector<16xf32>,
        %parallel_loop3A_597 = arith.constant 8 : i32
        %parallel_loop3A_598 = arith.divsi %parallel_loop3A_377, %parallel_loop3A_597 : i32
        %parallel_loop3A_599 = arith.constant 0 : i32
        %parallel_loop3A_600 = arith.cmpi sgt, %parallel_loop3A_377, %parallel_loop3A_599 : i32
        %parallel_loop3A_601 = arith.extui %parallel_loop3A_600 : i1 to i32
        %parallel_loop3A_602 = arith.constant 0 : i32
        %parallel_loop3A_603 = arith.cmpi slt, %parallel_loop3A_377, %parallel_loop3A_602 : i32
        %parallel_loop3A_604 = arith.extui %parallel_loop3A_603 : i1 to i32
        %parallel_loop3A_605 = arith.subi %parallel_loop3A_601, %parallel_loop3A_604 : i32
        %parallel_loop3A_606 = arith.constant 0 : i32
        %parallel_loop3A_607 = arith.cmpi sgt, %parallel_loop3A_597, %parallel_loop3A_606 : i32
        %parallel_loop3A_608 = arith.extui %parallel_loop3A_607 : i1 to i32
        %parallel_loop3A_609 = arith.constant 0 : i32
        %parallel_loop3A_610 = arith.cmpi slt, %parallel_loop3A_597, %parallel_loop3A_609 : i32
        %parallel_loop3A_611 = arith.extui %parallel_loop3A_610 : i1 to i32
        %parallel_loop3A_612 = arith.subi %parallel_loop3A_608, %parallel_loop3A_611 : i32
        %parallel_loop3A_613 = arith.cmpi ne, %parallel_loop3A_605, %parallel_loop3A_612 : i32
        %parallel_loop3A_614 = arith.remsi %parallel_loop3A_377, %parallel_loop3A_597 : i32
        %parallel_loop3A_615 = arith.constant 0 : i32
        %parallel_loop3A_616 = arith.cmpi ne, %parallel_loop3A_614, %parallel_loop3A_615 : i32
        %parallel_loop3A_617 = arith.andi %parallel_loop3A_613, %parallel_loop3A_616 : i1
        %parallel_loop3A_618 = arith.constant 1 : i32
        %parallel_loop3A_619 = arith.subi %parallel_loop3A_598, %parallel_loop3A_618 : i32
        %parallel_loop3A_620 = arith.select %parallel_loop3A_617, %parallel_loop3A_619, %parallel_loop3A_598 : i32
        %parallel_loop3A_621 = arith.constant 8 : i32
        %parallel_loop3A_622 = arith.remsi %parallel_loop3A_377, %parallel_loop3A_621 : i32
        %parallel_loop3A_623 = arith.index_cast %parallel_loop3A_620 : i32 to index
        %parallel_loop3A_624 = arith.index_cast %parallel_loop3A_622 : i32 to index
        %parallel_loop3A_625 = arith.constant 112 : index
        %parallel_loop3A_626 = tpu.vector_load %arg13[%parallel_loop3A_623, %parallel_loop3A_624, %parallel_loop3A_625] {strides = array<i32>} : memref<8x8x128xf32, #tpu.memory_space<vmem>>, vector<16xf32>,
        tpu.vector_store %arg13[%parallel_loop3A_623, %parallel_loop3A_624, %parallel_loop3A_625], %parallel_loop3A_596 {strides = array<i32>} : memref<8x8x128xf32, #tpu.memory_space<vmem>>, vector<16xf32>,
      } {sc.loop_unroll_factor = 8 : i64, sc.parallel_access}
      %add3A_225 = arith.addi %mul3A_22, %add3A_195 : i32
      %dma_start3A_226 = arith.constant 0 : i32
      %dma_start3A_227 = arith.constant 0 : i32
      %dma_start3A_228 = arith.constant 0 : i32
      %dma_start3A_229 = tpu.memref_slice %arg5[%add3A_225, %dma_start3A_226, %rem3A_1, %dma_start3A_227, %dma_start3A_228] : memref<200x8x8x8x128xf32, #tpu.memory_space<hbm>> -> memref<1x8x1x8x128xf32, #tpu.memory_space<hbm>>
      %dma_start3A_230 = tpu.memref_squeeze %dma_start3A_229 : memref<1x8x1x8x128xf32, #tpu.memory_space<hbm>> -> memref<8x8x128xf32, #tpu.memory_space<hbm>>
      %dma_start3A_231 = arith.constant 0 : i32
      %dma_start3A_232 = arith.constant 0 : i32
      %dma_start3A_233 = arith.constant 0 : i32
      %dma_start3A_234 = tpu.memref_slice %arg5[%add3A_225, %dma_start3A_231, %rem3A_1, %dma_start3A_232, %dma_start3A_233] : memref<200x8x8x8x128xf32, #tpu.memory_space<hbm>> -> memref<1x8x1x8x128xf32, #tpu.memory_space<hbm>>
      %dma_start3A_235 = tpu.memref_squeeze %dma_start3A_234 : memref<1x8x1x8x128xf32, #tpu.memory_space<hbm>> -> memref<8x8x128xf32, #tpu.memory_space<hbm>>
      tpu.enqueue_dma source(%arg13 : memref<8x8x128xf32, #tpu.memory_space<vmem>>) target(%dma_start3A_235 : memref<8x8x128xf32, #tpu.memory_space<hbm>>) target_semaphore(%arg21 : memref<!tpu.dma_semaphore, #tpu.memory_space<semaphore_mem>>)
      %mul3A_236 = arith.constant 4 : i32
      %mul3A_237 = arith.muli %scan3A_191, %mul3A_236 : i32
      %add3A_238 = arith.constant 1 : i32
      %add3A_239 = arith.addi %mul3A_237, %add3A_238 : i32
      %add3A_240 = arith.constant 2 : i32
      %add3A_241 = arith.addi %add3A_239, %add3A_240 : i32
      %lt3A_242 = arith.constant 50 : i32
      %lt3A_243 = arith.cmpi slt, %add3A_241, %lt3A_242 : i32
      %convert_element_type3A_244 = arith.extui %lt3A_243 : i1 to i32
      %cond3A_245 = arith.constant 0 : i32
      %cond3A_246 = arith.cmpi ne, %convert_element_type3A_244, %cond3A_245 : i32
      scf.if %cond3A_246 {
        %ge3A = arith.constant 2 : i32
        %ge3A_377 = arith.cmpi sge, %add3A_239, %ge3A : i32
        %convert_element_type3A_378 = arith.extui %ge3A_377 : i1 to i32
        %cond3A_379 = arith.constant 0 : i32
        %cond3A_380 = arith.cmpi ne, %convert_element_type3A_378, %cond3A_379 : i32
        scf.if %cond3A_380 {
          %dma_wait3A_389 = arith.constant 0 : i32
          %dma_wait3A_390 = arith.constant 0 : i32
          %dma_wait3A_391 = arith.constant 0 : i32
          %dma_wait3A_392 = tpu.memref_slice %arg5[%mul3A_22, %dma_wait3A_389, %rem3A_1, %dma_wait3A_390, %dma_wait3A_391] : memref<200x8x8x8x128xf32, #tpu.memory_space<hbm>> -> memref<1x8x1x8x128xf32, #tpu.memory_space<hbm>>
          %dma_wait3A_393 = tpu.memref_squeeze %dma_wait3A_392 : memref<1x8x1x8x128xf32, #tpu.memory_space<hbm>> -> memref<8x8x128xf32, #tpu.memory_space<hbm>>
          %dma_wait3A_394 = arith.constant 0 : i32
          %dma_wait3A_395 = arith.constant 0 : i32
          %dma_wait3A_396 = arith.constant 0 : i32
          %dma_wait3A_397 = tpu.memref_slice %arg5[%mul3A_22, %dma_wait3A_394, %rem3A_1, %dma_wait3A_395, %dma_wait3A_396] : memref<200x8x8x8x128xf32, #tpu.memory_space<hbm>> -> memref<1x8x1x8x128xf32, #tpu.memory_space<hbm>>
          %dma_wait3A_398 = tpu.memref_squeeze %dma_wait3A_397 : memref<1x8x1x8x128xf32, #tpu.memory_space<hbm>> -> memref<8x8x128xf32, #tpu.memory_space<hbm>>
          tpu.wait_dma2 semaphore(%arg24 : memref<!tpu.dma_semaphore, #tpu.memory_space<semaphore_mem>>) src(%arg16 : memref<8x8x128xf32, #tpu.memory_space<vmem>>) dst(%dma_wait3A_398 : memref<8x8x128xf32, #tpu.memory_space<hbm>>)
        } else {
        }
        %add3A_381 = arith.constant 2 : i32
        %add3A_382 = arith.addi %add3A_239, %add3A_381 : i32
        %dma_start3A_383 = arith.constant 0 : i32
        %dma_start3A_384 = tpu.memref_slice %arg6[%add3A_382, %dma_start3A_383] : memref<50x128xi32, #tpu.memory_space<vmem>> -> memref<1x128xi32, #tpu.memory_space<vmem>>
        %dma_start3A_385 = tpu.memref_squeeze %dma_start3A_384 : memref<1x128xi32, #tpu.memory_space<vmem>> -> memref<128xi32, #tpu.memory_space<vmem>>
        %dma_start3A_386 = arith.constant 0 : i32
        %dma_start3A_387 = arith.constant 0 : i32
        %dma_start3A_388 = tpu.memref_slice %arg3[%dma_start3A_386, %dma_start3A_387] : memref<100000x64xf32, #tpu.memory_space<hbm>> -> memref<100000x64xf32, #tpu.memory_space<hbm>>
        tpu.enqueue_indirect_dma source(%dma_start3A_388 : memref<100000x64xf32, #tpu.memory_space<hbm>>) target(%arg11 : memref<128x64xf32, #tpu.memory_space<vmem>>) offsets(%dma_start3A_385 : memref<128xi32, #tpu.memory_space<vmem>>) semaphore(%arg20 : memref<!tpu.dma_semaphore, #tpu.memory_space<semaphore_mem>>)
      } else {
      }
      %dma_wait3A_247 = arith.constant 0 : i32
      %dma_wait3A_248 = arith.constant 0 : i32
      %dma_wait3A_249 = tpu.memref_slice %arg6[%dma_wait3A_247, %dma_wait3A_248] : memref<50x128xi32, #tpu.memory_space<vmem>> -> memref<1x128xi32, #tpu.memory_space<vmem>>
      %dma_wait3A_250 = tpu.memref_squeeze %dma_wait3A_249 : memref<1x128xi32, #tpu.memory_space<vmem>> -> memref<128xi32, #tpu.memory_space<vmem>>
      %dma_wait3A_251 = arith.constant 0 : i32
      %dma_wait3A_252 = arith.constant 0 : i32
      %dma_wait3A_253 = tpu.memref_slice %arg3[%dma_wait3A_251, %dma_wait3A_252] : memref<100000x64xf32, #tpu.memory_space<hbm>> -> memref<100000x64xf32, #tpu.memory_space<hbm>>
      tpu.wait_indirect_dma semaphore(%arg18 : memref<!tpu.dma_semaphore, #tpu.memory_space<semaphore_mem>>) src(%dma_wait3A_253 : memref<100000x64xf32, #tpu.memory_space<hbm>>) dst(%arg9 : memref<128x64xf32, #tpu.memory_space<vmem>>)
      %get3A_254 = arith.index_cast %add3A_239 : i32 to index
      %get3A_255 = arith.constant 0 : index
      %get3A_256 = tpu.vector_load %arg7[%get3A_254, %get3A_255] {strides = array<i32>} : memref<50x64xf32, #tpu.memory_space<vmem>>, vector<16xf32>,
      %get3A_257 = arith.index_cast %add3A_239 : i32 to index
      %get3A_258 = arith.constant 16 : index
      %get3A_259 = tpu.vector_load %arg7[%get3A_257, %get3A_258] {strides = array<i32>} : memref<50x64xf32, #tpu.memory_space<vmem>>, vector<16xf32>,
      %get3A_260 = arith.index_cast %add3A_239 : i32 to index
      %get3A_261 = arith.constant 32 : index
      %get3A_262 = tpu.vector_load %arg7[%get3A_260, %get3A_261] {strides = array<i32>} : memref<50x64xf32, #tpu.memory_space<vmem>>, vector<16xf32>,
      %get3A_263 = arith.index_cast %add3A_239 : i32 to index
      %get3A_264 = arith.constant 48 : index
      %get3A_265 = tpu.vector_load %arg7[%get3A_263, %get3A_264] {strides = array<i32>} : memref<50x64xf32, #tpu.memory_space<vmem>>, vector<16xf32>,
      %parallel_loop3A_266 = arith.constant 0 : i32
      %parallel_loop3A_267 = arith.constant 128 : i32
      %parallel_loop3A_268 = arith.constant 1 : i32
      scf.for %parallel_loop3A_377 = %parallel_loop3A_266 to %parallel_loop3A_267 step %parallel_loop3A_268  : i32 {
        %parallel_loop3A_378 = arith.index_cast %parallel_loop3A_377 : i32 to index
        %parallel_loop3A_379 = arith.constant 0 : index
        %parallel_loop3A_380 = tpu.vector_load %arg9[%parallel_loop3A_378, %parallel_loop3A_379] {strides = array<i32>} : memref<128x64xf32, #tpu.memory_space<vmem>>, vector<16xf32>,
        %parallel_loop3A_381 = arith.addf %parallel_loop3A_380, %get3A_256 : vector<16xf32>
        %parallel_loop3A_382 = arith.index_cast %parallel_loop3A_377 : i32 to index
        %parallel_loop3A_383 = arith.constant 0 : index
        %parallel_loop3A_384 = tpu.vector_load %arg12[%parallel_loop3A_382, %parallel_loop3A_383] {strides = array<i32>} : memref<128x65xf32, #tpu.memory_space<vmem>>, vector<16xf32>,
        tpu.vector_store %arg12[%parallel_loop3A_382, %parallel_loop3A_383], %parallel_loop3A_381 {strides = array<i32>} : memref<128x65xf32, #tpu.memory_space<vmem>>, vector<16xf32>,
        %parallel_loop3A_385 = arith.index_cast %parallel_loop3A_377 : i32 to index
        %parallel_loop3A_386 = arith.constant 16 : index
        %parallel_loop3A_387 = tpu.vector_load %arg9[%parallel_loop3A_385, %parallel_loop3A_386] {strides = array<i32>} : memref<128x64xf32, #tpu.memory_space<vmem>>, vector<16xf32>,
        %parallel_loop3A_388 = arith.addf %parallel_loop3A_387, %get3A_259 : vector<16xf32>
        %parallel_loop3A_389 = arith.index_cast %parallel_loop3A_377 : i32 to index
        %parallel_loop3A_390 = arith.constant 16 : index
        %parallel_loop3A_391 = tpu.vector_load %arg12[%parallel_loop3A_389, %parallel_loop3A_390] {strides = array<i32>} : memref<128x65xf32, #tpu.memory_space<vmem>>, vector<16xf32>,
        tpu.vector_store %arg12[%parallel_loop3A_389, %parallel_loop3A_390], %parallel_loop3A_388 {strides = array<i32>} : memref<128x65xf32, #tpu.memory_space<vmem>>, vector<16xf32>,
        %parallel_loop3A_392 = arith.index_cast %parallel_loop3A_377 : i32 to index
        %parallel_loop3A_393 = arith.constant 32 : index
        %parallel_loop3A_394 = tpu.vector_load %arg9[%parallel_loop3A_392, %parallel_loop3A_393] {strides = array<i32>} : memref<128x64xf32, #tpu.memory_space<vmem>>, vector<16xf32>,
        %parallel_loop3A_395 = arith.addf %parallel_loop3A_394, %get3A_262 : vector<16xf32>
        %parallel_loop3A_396 = arith.index_cast %parallel_loop3A_377 : i32 to index
        %parallel_loop3A_397 = arith.constant 32 : index
        %parallel_loop3A_398 = tpu.vector_load %arg12[%parallel_loop3A_396, %parallel_loop3A_397] {strides = array<i32>} : memref<128x65xf32, #tpu.memory_space<vmem>>, vector<16xf32>,
        tpu.vector_store %arg12[%parallel_loop3A_396, %parallel_loop3A_397], %parallel_loop3A_395 {strides = array<i32>} : memref<128x65xf32, #tpu.memory_space<vmem>>, vector<16xf32>,
        %parallel_loop3A_399 = arith.index_cast %parallel_loop3A_377 : i32 to index
        %parallel_loop3A_400 = arith.constant 48 : index
        %parallel_loop3A_401 = tpu.vector_load %arg9[%parallel_loop3A_399, %parallel_loop3A_400] {strides = array<i32>} : memref<128x64xf32, #tpu.memory_space<vmem>>, vector<16xf32>,
        %parallel_loop3A_402 = arith.addf %parallel_loop3A_401, %get3A_265 : vector<16xf32>
        %parallel_loop3A_403 = arith.index_cast %parallel_loop3A_377 : i32 to index
        %parallel_loop3A_404 = arith.constant 48 : index
        %parallel_loop3A_405 = tpu.vector_load %arg12[%parallel_loop3A_403, %parallel_loop3A_404] {strides = array<i32>} : memref<128x65xf32, #tpu.memory_space<vmem>>, vector<16xf32>,
        tpu.vector_store %arg12[%parallel_loop3A_403, %parallel_loop3A_404], %parallel_loop3A_402 {strides = array<i32>} : memref<128x65xf32, #tpu.memory_space<vmem>>, vector<16xf32>,
      } {sc.loop_unroll_factor = 8 : i64, sc.parallel_access}
      %parallel_loop3A_269 = arith.constant 0 : i32
      %parallel_loop3A_270 = arith.constant 64 : i32
      %parallel_loop3A_271 = arith.constant 1 : i32
      scf.for %parallel_loop3A_377 = %parallel_loop3A_269 to %parallel_loop3A_270 step %parallel_loop3A_271  : i32 {
        %parallel_loop3A_378 = vector.broadcast %parallel_loop3A_377 : i32 to vector<16xi32>
        %parallel_loop3A_379 = tpu.vector_load_idx %arg12[%add3A_25, %parallel_loop3A_378] : memref<128x65xf32, #tpu.memory_space<vmem>>[vector<16xi32>, vector<16xi32>], vector<16xf32>,
        %parallel_loop3A_380 = arith.constant 8 : i32
        %parallel_loop3A_381 = arith.divsi %parallel_loop3A_377, %parallel_loop3A_380 : i32
        %parallel_loop3A_382 = arith.constant 0 : i32
        %parallel_loop3A_383 = arith.cmpi sgt, %parallel_loop3A_377, %parallel_loop3A_382 : i32
        %parallel_loop3A_384 = arith.extui %parallel_loop3A_383 : i1 to i32
        %parallel_loop3A_385 = arith.constant 0 : i32
        %parallel_loop3A_386 = arith.cmpi slt, %parallel_loop3A_377, %parallel_loop3A_385 : i32
        %parallel_loop3A_387 = arith.extui %parallel_loop3A_386 : i1 to i32
        %parallel_loop3A_388 = arith.subi %parallel_loop3A_384, %parallel_loop3A_387 : i32
        %parallel_loop3A_389 = arith.constant 0 : i32
        %parallel_loop3A_390 = arith.cmpi sgt, %parallel_loop3A_380, %parallel_loop3A_389 : i32
        %parallel_loop3A_391 = arith.extui %parallel_loop3A_390 : i1 to i32
        %parallel_loop3A_392 = arith.constant 0 : i32
        %parallel_loop3A_393 = arith.cmpi slt, %parallel_loop3A_380, %parallel_loop3A_392 : i32
        %parallel_loop3A_394 = arith.extui %parallel_loop3A_393 : i1 to i32
        %parallel_loop3A_395 = arith.subi %parallel_loop3A_391, %parallel_loop3A_394 : i32
        %parallel_loop3A_396 = arith.cmpi ne, %parallel_loop3A_388, %parallel_loop3A_395 : i32
        %parallel_loop3A_397 = arith.remsi %parallel_loop3A_377, %parallel_loop3A_380 : i32
        %parallel_loop3A_398 = arith.constant 0 : i32
        %parallel_loop3A_399 = arith.cmpi ne, %parallel_loop3A_397, %parallel_loop3A_398 : i32
        %parallel_loop3A_400 = arith.andi %parallel_loop3A_396, %parallel_loop3A_399 : i1
        %parallel_loop3A_401 = arith.constant 1 : i32
        %parallel_loop3A_402 = arith.subi %parallel_loop3A_381, %parallel_loop3A_401 : i32
        %parallel_loop3A_403 = arith.select %parallel_loop3A_400, %parallel_loop3A_402, %parallel_loop3A_381 : i32
        %parallel_loop3A_404 = arith.constant 8 : i32
        %parallel_loop3A_405 = arith.remsi %parallel_loop3A_377, %parallel_loop3A_404 : i32
        %parallel_loop3A_406 = arith.index_cast %parallel_loop3A_403 : i32 to index
        %parallel_loop3A_407 = arith.index_cast %parallel_loop3A_405 : i32 to index
        %parallel_loop3A_408 = arith.constant 0 : index
        %parallel_loop3A_409 = tpu.vector_load %arg14[%parallel_loop3A_406, %parallel_loop3A_407, %parallel_loop3A_408] {strides = array<i32>} : memref<8x8x128xf32, #tpu.memory_space<vmem>>, vector<16xf32>,
        tpu.vector_store %arg14[%parallel_loop3A_406, %parallel_loop3A_407, %parallel_loop3A_408], %parallel_loop3A_379 {strides = array<i32>} : memref<8x8x128xf32, #tpu.memory_space<vmem>>, vector<16xf32>,
        %parallel_loop3A_410 = tpu.vector_load_idx %arg12[%add3A_29, %parallel_loop3A_378] : memref<128x65xf32, #tpu.memory_space<vmem>>[vector<16xi32>, vector<16xi32>], vector<16xf32>,
        %parallel_loop3A_411 = arith.constant 8 : i32
        %parallel_loop3A_412 = arith.divsi %parallel_loop3A_377, %parallel_loop3A_411 : i32
        %parallel_loop3A_413 = arith.constant 0 : i32
        %parallel_loop3A_414 = arith.cmpi sgt, %parallel_loop3A_377, %parallel_loop3A_413 : i32
        %parallel_loop3A_415 = arith.extui %parallel_loop3A_414 : i1 to i32
        %parallel_loop3A_416 = arith.constant 0 : i32
        %parallel_loop3A_417 = arith.cmpi slt, %parallel_loop3A_377, %parallel_loop3A_416 : i32
        %parallel_loop3A_418 = arith.extui %parallel_loop3A_417 : i1 to i32
        %parallel_loop3A_419 = arith.subi %parallel_loop3A_415, %parallel_loop3A_418 : i32
        %parallel_loop3A_420 = arith.constant 0 : i32
        %parallel_loop3A_421 = arith.cmpi sgt, %parallel_loop3A_411, %parallel_loop3A_420 : i32
        %parallel_loop3A_422 = arith.extui %parallel_loop3A_421 : i1 to i32
        %parallel_loop3A_423 = arith.constant 0 : i32
        %parallel_loop3A_424 = arith.cmpi slt, %parallel_loop3A_411, %parallel_loop3A_423 : i32
        %parallel_loop3A_425 = arith.extui %parallel_loop3A_424 : i1 to i32
        %parallel_loop3A_426 = arith.subi %parallel_loop3A_422, %parallel_loop3A_425 : i32
        %parallel_loop3A_427 = arith.cmpi ne, %parallel_loop3A_419, %parallel_loop3A_426 : i32
        %parallel_loop3A_428 = arith.remsi %parallel_loop3A_377, %parallel_loop3A_411 : i32
        %parallel_loop3A_429 = arith.constant 0 : i32
        %parallel_loop3A_430 = arith.cmpi ne, %parallel_loop3A_428, %parallel_loop3A_429 : i32
        %parallel_loop3A_431 = arith.andi %parallel_loop3A_427, %parallel_loop3A_430 : i1
        %parallel_loop3A_432 = arith.constant 1 : i32
        %parallel_loop3A_433 = arith.subi %parallel_loop3A_412, %parallel_loop3A_432 : i32
        %parallel_loop3A_434 = arith.select %parallel_loop3A_431, %parallel_loop3A_433, %parallel_loop3A_412 : i32
        %parallel_loop3A_435 = arith.constant 8 : i32
        %parallel_loop3A_436 = arith.remsi %parallel_loop3A_377, %parallel_loop3A_435 : i32
        %parallel_loop3A_437 = arith.index_cast %parallel_loop3A_434 : i32 to index
        %parallel_loop3A_438 = arith.index_cast %parallel_loop3A_436 : i32 to index
        %parallel_loop3A_439 = arith.constant 16 : index
        %parallel_loop3A_440 = tpu.vector_load %arg14[%parallel_loop3A_437, %parallel_loop3A_438, %parallel_loop3A_439] {strides = array<i32>} : memref<8x8x128xf32, #tpu.memory_space<vmem>>, vector<16xf32>,
        tpu.vector_store %arg14[%parallel_loop3A_437, %parallel_loop3A_438, %parallel_loop3A_439], %parallel_loop3A_410 {strides = array<i32>} : memref<8x8x128xf32, #tpu.memory_space<vmem>>, vector<16xf32>,
        %parallel_loop3A_441 = tpu.vector_load_idx %arg12[%add3A_33, %parallel_loop3A_378] : memref<128x65xf32, #tpu.memory_space<vmem>>[vector<16xi32>, vector<16xi32>], vector<16xf32>,
        %parallel_loop3A_442 = arith.constant 8 : i32
        %parallel_loop3A_443 = arith.divsi %parallel_loop3A_377, %parallel_loop3A_442 : i32
        %parallel_loop3A_444 = arith.constant 0 : i32
        %parallel_loop3A_445 = arith.cmpi sgt, %parallel_loop3A_377, %parallel_loop3A_444 : i32
        %parallel_loop3A_446 = arith.extui %parallel_loop3A_445 : i1 to i32
        %parallel_loop3A_447 = arith.constant 0 : i32
        %parallel_loop3A_448 = arith.cmpi slt, %parallel_loop3A_377, %parallel_loop3A_447 : i32
        %parallel_loop3A_449 = arith.extui %parallel_loop3A_448 : i1 to i32
        %parallel_loop3A_450 = arith.subi %parallel_loop3A_446, %parallel_loop3A_449 : i32
        %parallel_loop3A_451 = arith.constant 0 : i32
        %parallel_loop3A_452 = arith.cmpi sgt, %parallel_loop3A_442, %parallel_loop3A_451 : i32
        %parallel_loop3A_453 = arith.extui %parallel_loop3A_452 : i1 to i32
        %parallel_loop3A_454 = arith.constant 0 : i32
        %parallel_loop3A_455 = arith.cmpi slt, %parallel_loop3A_442, %parallel_loop3A_454 : i32
        %parallel_loop3A_456 = arith.extui %parallel_loop3A_455 : i1 to i32
        %parallel_loop3A_457 = arith.subi %parallel_loop3A_453, %parallel_loop3A_456 : i32
        %parallel_loop3A_458 = arith.cmpi ne, %parallel_loop3A_450, %parallel_loop3A_457 : i32
        %parallel_loop3A_459 = arith.remsi %parallel_loop3A_377, %parallel_loop3A_442 : i32
        %parallel_loop3A_460 = arith.constant 0 : i32
        %parallel_loop3A_461 = arith.cmpi ne, %parallel_loop3A_459, %parallel_loop3A_460 : i32
        %parallel_loop3A_462 = arith.andi %parallel_loop3A_458, %parallel_loop3A_461 : i1
        %parallel_loop3A_463 = arith.constant 1 : i32
        %parallel_loop3A_464 = arith.subi %parallel_loop3A_443, %parallel_loop3A_463 : i32
        %parallel_loop3A_465 = arith.select %parallel_loop3A_462, %parallel_loop3A_464, %parallel_loop3A_443 : i32
        %parallel_loop3A_466 = arith.constant 8 : i32
        %parallel_loop3A_467 = arith.remsi %parallel_loop3A_377, %parallel_loop3A_466 : i32
        %parallel_loop3A_468 = arith.index_cast %parallel_loop3A_465 : i32 to index
        %parallel_loop3A_469 = arith.index_cast %parallel_loop3A_467 : i32 to index
        %parallel_loop3A_470 = arith.constant 32 : index
        %parallel_loop3A_471 = tpu.vector_load %arg14[%parallel_loop3A_468, %parallel_loop3A_469, %parallel_loop3A_470] {strides = array<i32>} : memref<8x8x128xf32, #tpu.memory_space<vmem>>, vector<16xf32>,
        tpu.vector_store %arg14[%parallel_loop3A_468, %parallel_loop3A_469, %parallel_loop3A_470], %parallel_loop3A_441 {strides = array<i32>} : memref<8x8x128xf32, #tpu.memory_space<vmem>>, vector<16xf32>,
        %parallel_loop3A_472 = tpu.vector_load_idx %arg12[%add3A_37, %parallel_loop3A_378] : memref<128x65xf32, #tpu.memory_space<vmem>>[vector<16xi32>, vector<16xi32>], vector<16xf32>,
        %parallel_loop3A_473 = arith.constant 8 : i32
        %parallel_loop3A_474 = arith.divsi %parallel_loop3A_377, %parallel_loop3A_473 : i32
        %parallel_loop3A_475 = arith.constant 0 : i32
        %parallel_loop3A_476 = arith.cmpi sgt, %parallel_loop3A_377, %parallel_loop3A_475 : i32
        %parallel_loop3A_477 = arith.extui %parallel_loop3A_476 : i1 to i32
        %parallel_loop3A_478 = arith.constant 0 : i32
        %parallel_loop3A_479 = arith.cmpi slt, %parallel_loop3A_377, %parallel_loop3A_478 : i32
        %parallel_loop3A_480 = arith.extui %parallel_loop3A_479 : i1 to i32
        %parallel_loop3A_481 = arith.subi %parallel_loop3A_477, %parallel_loop3A_480 : i32
        %parallel_loop3A_482 = arith.constant 0 : i32
        %parallel_loop3A_483 = arith.cmpi sgt, %parallel_loop3A_473, %parallel_loop3A_482 : i32
        %parallel_loop3A_484 = arith.extui %parallel_loop3A_483 : i1 to i32
        %parallel_loop3A_485 = arith.constant 0 : i32
        %parallel_loop3A_486 = arith.cmpi slt, %parallel_loop3A_473, %parallel_loop3A_485 : i32
        %parallel_loop3A_487 = arith.extui %parallel_loop3A_486 : i1 to i32
        %parallel_loop3A_488 = arith.subi %parallel_loop3A_484, %parallel_loop3A_487 : i32
        %parallel_loop3A_489 = arith.cmpi ne, %parallel_loop3A_481, %parallel_loop3A_488 : i32
        %parallel_loop3A_490 = arith.remsi %parallel_loop3A_377, %parallel_loop3A_473 : i32
        %parallel_loop3A_491 = arith.constant 0 : i32
        %parallel_loop3A_492 = arith.cmpi ne, %parallel_loop3A_490, %parallel_loop3A_491 : i32
        %parallel_loop3A_493 = arith.andi %parallel_loop3A_489, %parallel_loop3A_492 : i1
        %parallel_loop3A_494 = arith.constant 1 : i32
        %parallel_loop3A_495 = arith.subi %parallel_loop3A_474, %parallel_loop3A_494 : i32
        %parallel_loop3A_496 = arith.select %parallel_loop3A_493, %parallel_loop3A_495, %parallel_loop3A_474 : i32
        %parallel_loop3A_497 = arith.constant 8 : i32
        %parallel_loop3A_498 = arith.remsi %parallel_loop3A_377, %parallel_loop3A_497 : i32
        %parallel_loop3A_499 = arith.index_cast %parallel_loop3A_496 : i32 to index
        %parallel_loop3A_500 = arith.index_cast %parallel_loop3A_498 : i32 to index
        %parallel_loop3A_501 = arith.constant 48 : index
        %parallel_loop3A_502 = tpu.vector_load %arg14[%parallel_loop3A_499, %parallel_loop3A_500, %parallel_loop3A_501] {strides = array<i32>} : memref<8x8x128xf32, #tpu.memory_space<vmem>>, vector<16xf32>,
        tpu.vector_store %arg14[%parallel_loop3A_499, %parallel_loop3A_500, %parallel_loop3A_501], %parallel_loop3A_472 {strides = array<i32>} : memref<8x8x128xf32, #tpu.memory_space<vmem>>, vector<16xf32>,
        %parallel_loop3A_503 = tpu.vector_load_idx %arg12[%add3A_41, %parallel_loop3A_378] : memref<128x65xf32, #tpu.memory_space<vmem>>[vector<16xi32>, vector<16xi32>], vector<16xf32>,
        %parallel_loop3A_504 = arith.constant 8 : i32
        %parallel_loop3A_505 = arith.divsi %parallel_loop3A_377, %parallel_loop3A_504 : i32
        %parallel_loop3A_506 = arith.constant 0 : i32
        %parallel_loop3A_507 = arith.cmpi sgt, %parallel_loop3A_377, %parallel_loop3A_506 : i32
        %parallel_loop3A_508 = arith.extui %parallel_loop3A_507 : i1 to i32
        %parallel_loop3A_509 = arith.constant 0 : i32
        %parallel_loop3A_510 = arith.cmpi slt, %parallel_loop3A_377, %parallel_loop3A_509 : i32
        %parallel_loop3A_511 = arith.extui %parallel_loop3A_510 : i1 to i32
        %parallel_loop3A_512 = arith.subi %parallel_loop3A_508, %parallel_loop3A_511 : i32
        %parallel_loop3A_513 = arith.constant 0 : i32
        %parallel_loop3A_514 = arith.cmpi sgt, %parallel_loop3A_504, %parallel_loop3A_513 : i32
        %parallel_loop3A_515 = arith.extui %parallel_loop3A_514 : i1 to i32
        %parallel_loop3A_516 = arith.constant 0 : i32
        %parallel_loop3A_517 = arith.cmpi slt, %parallel_loop3A_504, %parallel_loop3A_516 : i32
        %parallel_loop3A_518 = arith.extui %parallel_loop3A_517 : i1 to i32
        %parallel_loop3A_519 = arith.subi %parallel_loop3A_515, %parallel_loop3A_518 : i32
        %parallel_loop3A_520 = arith.cmpi ne, %parallel_loop3A_512, %parallel_loop3A_519 : i32
        %parallel_loop3A_521 = arith.remsi %parallel_loop3A_377, %parallel_loop3A_504 : i32
        %parallel_loop3A_522 = arith.constant 0 : i32
        %parallel_loop3A_523 = arith.cmpi ne, %parallel_loop3A_521, %parallel_loop3A_522 : i32
        %parallel_loop3A_524 = arith.andi %parallel_loop3A_520, %parallel_loop3A_523 : i1
        %parallel_loop3A_525 = arith.constant 1 : i32
        %parallel_loop3A_526 = arith.subi %parallel_loop3A_505, %parallel_loop3A_525 : i32
        %parallel_loop3A_527 = arith.select %parallel_loop3A_524, %parallel_loop3A_526, %parallel_loop3A_505 : i32
        %parallel_loop3A_528 = arith.constant 8 : i32
        %parallel_loop3A_529 = arith.remsi %parallel_loop3A_377, %parallel_loop3A_528 : i32
        %parallel_loop3A_530 = arith.index_cast %parallel_loop3A_527 : i32 to index
        %parallel_loop3A_531 = arith.index_cast %parallel_loop3A_529 : i32 to index
        %parallel_loop3A_532 = arith.constant 64 : index
        %parallel_loop3A_533 = tpu.vector_load %arg14[%parallel_loop3A_530, %parallel_loop3A_531, %parallel_loop3A_532] {strides = array<i32>} : memref<8x8x128xf32, #tpu.memory_space<vmem>>, vector<16xf32>,
        tpu.vector_store %arg14[%parallel_loop3A_530, %parallel_loop3A_531, %parallel_loop3A_532], %parallel_loop3A_503 {strides = array<i32>} : memref<8x8x128xf32, #tpu.memory_space<vmem>>, vector<16xf32>,
        %parallel_loop3A_534 = tpu.vector_load_idx %arg12[%add3A_45, %parallel_loop3A_378] : memref<128x65xf32, #tpu.memory_space<vmem>>[vector<16xi32>, vector<16xi32>], vector<16xf32>,
        %parallel_loop3A_535 = arith.constant 8 : i32
        %parallel_loop3A_536 = arith.divsi %parallel_loop3A_377, %parallel_loop3A_535 : i32
        %parallel_loop3A_537 = arith.constant 0 : i32
        %parallel_loop3A_538 = arith.cmpi sgt, %parallel_loop3A_377, %parallel_loop3A_537 : i32
        %parallel_loop3A_539 = arith.extui %parallel_loop3A_538 : i1 to i32
        %parallel_loop3A_540 = arith.constant 0 : i32
        %parallel_loop3A_541 = arith.cmpi slt, %parallel_loop3A_377, %parallel_loop3A_540 : i32
        %parallel_loop3A_542 = arith.extui %parallel_loop3A_541 : i1 to i32
        %parallel_loop3A_543 = arith.subi %parallel_loop3A_539, %parallel_loop3A_542 : i32
        %parallel_loop3A_544 = arith.constant 0 : i32
        %parallel_loop3A_545 = arith.cmpi sgt, %parallel_loop3A_535, %parallel_loop3A_544 : i32
        %parallel_loop3A_546 = arith.extui %parallel_loop3A_545 : i1 to i32
        %parallel_loop3A_547 = arith.constant 0 : i32
        %parallel_loop3A_548 = arith.cmpi slt, %parallel_loop3A_535, %parallel_loop3A_547 : i32
        %parallel_loop3A_549 = arith.extui %parallel_loop3A_548 : i1 to i32
        %parallel_loop3A_550 = arith.subi %parallel_loop3A_546, %parallel_loop3A_549 : i32
        %parallel_loop3A_551 = arith.cmpi ne, %parallel_loop3A_543, %parallel_loop3A_550 : i32
        %parallel_loop3A_552 = arith.remsi %parallel_loop3A_377, %parallel_loop3A_535 : i32
        %parallel_loop3A_553 = arith.constant 0 : i32
        %parallel_loop3A_554 = arith.cmpi ne, %parallel_loop3A_552, %parallel_loop3A_553 : i32
        %parallel_loop3A_555 = arith.andi %parallel_loop3A_551, %parallel_loop3A_554 : i1
        %parallel_loop3A_556 = arith.constant 1 : i32
        %parallel_loop3A_557 = arith.subi %parallel_loop3A_536, %parallel_loop3A_556 : i32
        %parallel_loop3A_558 = arith.select %parallel_loop3A_555, %parallel_loop3A_557, %parallel_loop3A_536 : i32
        %parallel_loop3A_559 = arith.constant 8 : i32
        %parallel_loop3A_560 = arith.remsi %parallel_loop3A_377, %parallel_loop3A_559 : i32
        %parallel_loop3A_561 = arith.index_cast %parallel_loop3A_558 : i32 to index
        %parallel_loop3A_562 = arith.index_cast %parallel_loop3A_560 : i32 to index
        %parallel_loop3A_563 = arith.constant 80 : index
        %parallel_loop3A_564 = tpu.vector_load %arg14[%parallel_loop3A_561, %parallel_loop3A_562, %parallel_loop3A_563] {strides = array<i32>} : memref<8x8x128xf32, #tpu.memory_space<vmem>>, vector<16xf32>,
        tpu.vector_store %arg14[%parallel_loop3A_561, %parallel_loop3A_562, %parallel_loop3A_563], %parallel_loop3A_534 {strides = array<i32>} : memref<8x8x128xf32, #tpu.memory_space<vmem>>, vector<16xf32>,
        %parallel_loop3A_565 = tpu.vector_load_idx %arg12[%add3A_49, %parallel_loop3A_378] : memref<128x65xf32, #tpu.memory_space<vmem>>[vector<16xi32>, vector<16xi32>], vector<16xf32>,
        %parallel_loop3A_566 = arith.constant 8 : i32
        %parallel_loop3A_567 = arith.divsi %parallel_loop3A_377, %parallel_loop3A_566 : i32
        %parallel_loop3A_568 = arith.constant 0 : i32
        %parallel_loop3A_569 = arith.cmpi sgt, %parallel_loop3A_377, %parallel_loop3A_568 : i32
        %parallel_loop3A_570 = arith.extui %parallel_loop3A_569 : i1 to i32
        %parallel_loop3A_571 = arith.constant 0 : i32
        %parallel_loop3A_572 = arith.cmpi slt, %parallel_loop3A_377, %parallel_loop3A_571 : i32
        %parallel_loop3A_573 = arith.extui %parallel_loop3A_572 : i1 to i32
        %parallel_loop3A_574 = arith.subi %parallel_loop3A_570, %parallel_loop3A_573 : i32
        %parallel_loop3A_575 = arith.constant 0 : i32
        %parallel_loop3A_576 = arith.cmpi sgt, %parallel_loop3A_566, %parallel_loop3A_575 : i32
        %parallel_loop3A_577 = arith.extui %parallel_loop3A_576 : i1 to i32
        %parallel_loop3A_578 = arith.constant 0 : i32
        %parallel_loop3A_579 = arith.cmpi slt, %parallel_loop3A_566, %parallel_loop3A_578 : i32
        %parallel_loop3A_580 = arith.extui %parallel_loop3A_579 : i1 to i32
        %parallel_loop3A_581 = arith.subi %parallel_loop3A_577, %parallel_loop3A_580 : i32
        %parallel_loop3A_582 = arith.cmpi ne, %parallel_loop3A_574, %parallel_loop3A_581 : i32
        %parallel_loop3A_583 = arith.remsi %parallel_loop3A_377, %parallel_loop3A_566 : i32
        %parallel_loop3A_584 = arith.constant 0 : i32
        %parallel_loop3A_585 = arith.cmpi ne, %parallel_loop3A_583, %parallel_loop3A_584 : i32
        %parallel_loop3A_586 = arith.andi %parallel_loop3A_582, %parallel_loop3A_585 : i1
        %parallel_loop3A_587 = arith.constant 1 : i32
        %parallel_loop3A_588 = arith.subi %parallel_loop3A_567, %parallel_loop3A_587 : i32
        %parallel_loop3A_589 = arith.select %parallel_loop3A_586, %parallel_loop3A_588, %parallel_loop3A_567 : i32
        %parallel_loop3A_590 = arith.constant 8 : i32
        %parallel_loop3A_591 = arith.remsi %parallel_loop3A_377, %parallel_loop3A_590 : i32
        %parallel_loop3A_592 = arith.index_cast %parallel_loop3A_589 : i32 to index
        %parallel_loop3A_593 = arith.index_cast %parallel_loop3A_591 : i32 to index
        %parallel_loop3A_594 = arith.constant 96 : index
        %parallel_loop3A_595 = tpu.vector_load %arg14[%parallel_loop3A_592, %parallel_loop3A_593, %parallel_loop3A_594] {strides = array<i32>} : memref<8x8x128xf32, #tpu.memory_space<vmem>>, vector<16xf32>,
        tpu.vector_store %arg14[%parallel_loop3A_592, %parallel_loop3A_593, %parallel_loop3A_594], %parallel_loop3A_565 {strides = array<i32>} : memref<8x8x128xf32, #tpu.memory_space<vmem>>, vector<16xf32>,
        %parallel_loop3A_596 = tpu.vector_load_idx %arg12[%add3A_53, %parallel_loop3A_378] : memref<128x65xf32, #tpu.memory_space<vmem>>[vector<16xi32>, vector<16xi32>], vector<16xf32>,
        %parallel_loop3A_597 = arith.constant 8 : i32
        %parallel_loop3A_598 = arith.divsi %parallel_loop3A_377, %parallel_loop3A_597 : i32
        %parallel_loop3A_599 = arith.constant 0 : i32
        %parallel_loop3A_600 = arith.cmpi sgt, %parallel_loop3A_377, %parallel_loop3A_599 : i32
        %parallel_loop3A_601 = arith.extui %parallel_loop3A_600 : i1 to i32
        %parallel_loop3A_602 = arith.constant 0 : i32
        %parallel_loop3A_603 = arith.cmpi slt, %parallel_loop3A_377, %parallel_loop3A_602 : i32
        %parallel_loop3A_604 = arith.extui %parallel_loop3A_603 : i1 to i32
        %parallel_loop3A_605 = arith.subi %parallel_loop3A_601, %parallel_loop3A_604 : i32
        %parallel_loop3A_606 = arith.constant 0 : i32
        %parallel_loop3A_607 = arith.cmpi sgt, %parallel_loop3A_597, %parallel_loop3A_606 : i32
        %parallel_loop3A_608 = arith.extui %parallel_loop3A_607 : i1 to i32
        %parallel_loop3A_609 = arith.constant 0 : i32
        %parallel_loop3A_610 = arith.cmpi slt, %parallel_loop3A_597, %parallel_loop3A_609 : i32
        %parallel_loop3A_611 = arith.extui %parallel_loop3A_610 : i1 to i32
        %parallel_loop3A_612 = arith.subi %parallel_loop3A_608, %parallel_loop3A_611 : i32
        %parallel_loop3A_613 = arith.cmpi ne, %parallel_loop3A_605, %parallel_loop3A_612 : i32
        %parallel_loop3A_614 = arith.remsi %parallel_loop3A_377, %parallel_loop3A_597 : i32
        %parallel_loop3A_615 = arith.constant 0 : i32
        %parallel_loop3A_616 = arith.cmpi ne, %parallel_loop3A_614, %parallel_loop3A_615 : i32
        %parallel_loop3A_617 = arith.andi %parallel_loop3A_613, %parallel_loop3A_616 : i1
        %parallel_loop3A_618 = arith.constant 1 : i32
        %parallel_loop3A_619 = arith.subi %parallel_loop3A_598, %parallel_loop3A_618 : i32
        %parallel_loop3A_620 = arith.select %parallel_loop3A_617, %parallel_loop3A_619, %parallel_loop3A_598 : i32
        %parallel_loop3A_621 = arith.constant 8 : i32
        %parallel_loop3A_622 = arith.remsi %parallel_loop3A_377, %parallel_loop3A_621 : i32
        %parallel_loop3A_623 = arith.index_cast %parallel_loop3A_620 : i32 to index
        %parallel_loop3A_624 = arith.index_cast %parallel_loop3A_622 : i32 to index
        %parallel_loop3A_625 = arith.constant 112 : index
        %parallel_loop3A_626 = tpu.vector_load %arg14[%parallel_loop3A_623, %parallel_loop3A_624, %parallel_loop3A_625] {strides = array<i32>} : memref<8x8x128xf32, #tpu.memory_space<vmem>>, vector<16xf32>,
        tpu.vector_store %arg14[%parallel_loop3A_623, %parallel_loop3A_624, %parallel_loop3A_625], %parallel_loop3A_596 {strides = array<i32>} : memref<8x8x128xf32, #tpu.memory_space<vmem>>, vector<16xf32>,
      } {sc.loop_unroll_factor = 8 : i64, sc.parallel_access}
      %add3A_272 = arith.addi %mul3A_22, %add3A_239 : i32
      %dma_start3A_273 = arith.constant 0 : i32
      %dma_start3A_274 = arith.constant 0 : i32
      %dma_start3A_275 = arith.constant 0 : i32
      %dma_start3A_276 = tpu.memref_slice %arg5[%add3A_272, %dma_start3A_273, %rem3A_1, %dma_start3A_274, %dma_start3A_275] : memref<200x8x8x8x128xf32, #tpu.memory_space<hbm>> -> memref<1x8x1x8x128xf32, #tpu.memory_space<hbm>>
      %dma_start3A_277 = tpu.memref_squeeze %dma_start3A_276 : memref<1x8x1x8x128xf32, #tpu.memory_space<hbm>> -> memref<8x8x128xf32, #tpu.memory_space<hbm>>
      %dma_start3A_278 = arith.constant 0 : i32
      %dma_start3A_279 = arith.constant 0 : i32
      %dma_start3A_280 = arith.constant 0 : i32
      %dma_start3A_281 = tpu.memref_slice %arg5[%add3A_272, %dma_start3A_278, %rem3A_1, %dma_start3A_279, %dma_start3A_280] : memref<200x8x8x8x128xf32, #tpu.memory_space<hbm>> -> memref<1x8x1x8x128xf32, #tpu.memory_space<hbm>>
      %dma_start3A_282 = tpu.memref_squeeze %dma_start3A_281 : memref<1x8x1x8x128xf32, #tpu.memory_space<hbm>> -> memref<8x8x128xf32, #tpu.memory_space<hbm>>
      tpu.enqueue_dma source(%arg14 : memref<8x8x128xf32, #tpu.memory_space<vmem>>) target(%dma_start3A_282 : memref<8x8x128xf32, #tpu.memory_space<hbm>>) target_semaphore(%arg22 : memref<!tpu.dma_semaphore, #tpu.memory_space<semaphore_mem>>)
      %mul3A_283 = arith.constant 4 : i32
      %mul3A_284 = arith.muli %scan3A_191, %mul3A_283 : i32
      %add3A_285 = arith.constant 2 : i32
      %add3A_286 = arith.addi %mul3A_284, %add3A_285 : i32
      %add3A_287 = arith.constant 2 : i32
      %add3A_288 = arith.addi %add3A_286, %add3A_287 : i32
      %lt3A_289 = arith.constant 50 : i32
      %lt3A_290 = arith.cmpi slt, %add3A_288, %lt3A_289 : i32
      %convert_element_type3A_291 = arith.extui %lt3A_290 : i1 to i32
      %cond3A_292 = arith.constant 0 : i32
      %cond3A_293 = arith.cmpi ne, %convert_element_type3A_291, %cond3A_292 : i32
      scf.if %cond3A_293 {
        %ge3A = arith.constant 2 : i32
        %ge3A_377 = arith.cmpi sge, %add3A_286, %ge3A : i32
        %convert_element_type3A_378 = arith.extui %ge3A_377 : i1 to i32
        %cond3A_379 = arith.constant 0 : i32
        %cond3A_380 = arith.cmpi ne, %convert_element_type3A_378, %cond3A_379 : i32
        scf.if %cond3A_380 {
          %dma_wait3A_389 = arith.constant 0 : i32
          %dma_wait3A_390 = arith.constant 0 : i32
          %dma_wait3A_391 = arith.constant 0 : i32
          %dma_wait3A_392 = tpu.memref_slice %arg5[%mul3A_22, %dma_wait3A_389, %rem3A_1, %dma_wait3A_390, %dma_wait3A_391] : memref<200x8x8x8x128xf32, #tpu.memory_space<hbm>> -> memref<1x8x1x8x128xf32, #tpu.memory_space<hbm>>
          %dma_wait3A_393 = tpu.memref_squeeze %dma_wait3A_392 : memref<1x8x1x8x128xf32, #tpu.memory_space<hbm>> -> memref<8x8x128xf32, #tpu.memory_space<hbm>>
          %dma_wait3A_394 = arith.constant 0 : i32
          %dma_wait3A_395 = arith.constant 0 : i32
          %dma_wait3A_396 = arith.constant 0 : i32
          %dma_wait3A_397 = tpu.memref_slice %arg5[%mul3A_22, %dma_wait3A_394, %rem3A_1, %dma_wait3A_395, %dma_wait3A_396] : memref<200x8x8x8x128xf32, #tpu.memory_space<hbm>> -> memref<1x8x1x8x128xf32, #tpu.memory_space<hbm>>
          %dma_wait3A_398 = tpu.memref_squeeze %dma_wait3A_397 : memref<1x8x1x8x128xf32, #tpu.memory_space<hbm>> -> memref<8x8x128xf32, #tpu.memory_space<hbm>>
          tpu.wait_dma2 semaphore(%arg21 : memref<!tpu.dma_semaphore, #tpu.memory_space<semaphore_mem>>) src(%arg13 : memref<8x8x128xf32, #tpu.memory_space<vmem>>) dst(%dma_wait3A_398 : memref<8x8x128xf32, #tpu.memory_space<hbm>>)
        } else {
        }
        %add3A_381 = arith.constant 2 : i32
        %add3A_382 = arith.addi %add3A_286, %add3A_381 : i32
        %dma_start3A_383 = arith.constant 0 : i32
        %dma_start3A_384 = tpu.memref_slice %arg6[%add3A_382, %dma_start3A_383] : memref<50x128xi32, #tpu.memory_space<vmem>> -> memref<1x128xi32, #tpu.memory_space<vmem>>
        %dma_start3A_385 = tpu.memref_squeeze %dma_start3A_384 : memref<1x128xi32, #tpu.memory_space<vmem>> -> memref<128xi32, #tpu.memory_space<vmem>>
        %dma_start3A_386 = arith.constant 0 : i32
        %dma_start3A_387 = arith.constant 0 : i32
        %dma_start3A_388 = tpu.memref_slice %arg3[%dma_start3A_386, %dma_start3A_387] : memref<100000x64xf32, #tpu.memory_space<hbm>> -> memref<100000x64xf32, #tpu.memory_space<hbm>>
        tpu.enqueue_indirect_dma source(%dma_start3A_388 : memref<100000x64xf32, #tpu.memory_space<hbm>>) target(%arg8 : memref<128x64xf32, #tpu.memory_space<vmem>>) offsets(%dma_start3A_385 : memref<128xi32, #tpu.memory_space<vmem>>) semaphore(%arg17 : memref<!tpu.dma_semaphore, #tpu.memory_space<semaphore_mem>>)
      } else {
      }
      %dma_wait3A_294 = arith.constant 0 : i32
      %dma_wait3A_295 = arith.constant 0 : i32
      %dma_wait3A_296 = tpu.memref_slice %arg6[%dma_wait3A_294, %dma_wait3A_295] : memref<50x128xi32, #tpu.memory_space<vmem>> -> memref<1x128xi32, #tpu.memory_space<vmem>>
      %dma_wait3A_297 = tpu.memref_squeeze %dma_wait3A_296 : memref<1x128xi32, #tpu.memory_space<vmem>> -> memref<128xi32, #tpu.memory_space<vmem>>
      %dma_wait3A_298 = arith.constant 0 : i32
      %dma_wait3A_299 = arith.constant 0 : i32
      %dma_wait3A_300 = tpu.memref_slice %arg3[%dma_wait3A_298, %dma_wait3A_299] : memref<100000x64xf32, #tpu.memory_space<hbm>> -> memref<100000x64xf32, #tpu.memory_space<hbm>>
      tpu.wait_indirect_dma semaphore(%arg19 : memref<!tpu.dma_semaphore, #tpu.memory_space<semaphore_mem>>) src(%dma_wait3A_300 : memref<100000x64xf32, #tpu.memory_space<hbm>>) dst(%arg10 : memref<128x64xf32, #tpu.memory_space<vmem>>)
      %get3A_301 = arith.index_cast %add3A_286 : i32 to index
      %get3A_302 = arith.constant 0 : index
      %get3A_303 = tpu.vector_load %arg7[%get3A_301, %get3A_302] {strides = array<i32>} : memref<50x64xf32, #tpu.memory_space<vmem>>, vector<16xf32>,
      %get3A_304 = arith.index_cast %add3A_286 : i32 to index
      %get3A_305 = arith.constant 16 : index
      %get3A_306 = tpu.vector_load %arg7[%get3A_304, %get3A_305] {strides = array<i32>} : memref<50x64xf32, #tpu.memory_space<vmem>>, vector<16xf32>,
      %get3A_307 = arith.index_cast %add3A_286 : i32 to index
      %get3A_308 = arith.constant 32 : index
      %get3A_309 = tpu.vector_load %arg7[%get3A_307, %get3A_308] {strides = array<i32>} : memref<50x64xf32, #tpu.memory_space<vmem>>, vector<16xf32>,
      %get3A_310 = arith.index_cast %add3A_286 : i32 to index
      %get3A_311 = arith.constant 48 : index
      %get3A_312 = tpu.vector_load %arg7[%get3A_310, %get3A_311] {strides = array<i32>} : memref<50x64xf32, #tpu.memory_space<vmem>>, vector<16xf32>,
      %parallel_loop3A_313 = arith.constant 0 : i32
      %parallel_loop3A_314 = arith.constant 128 : i32
      %parallel_loop3A_315 = arith.constant 1 : i32
      scf.for %parallel_loop3A_377 = %parallel_loop3A_313 to %parallel_loop3A_314 step %parallel_loop3A_315  : i32 {
        %parallel_loop3A_378 = arith.index_cast %parallel_loop3A_377 : i32 to index
        %parallel_loop3A_379 = arith.constant 0 : index
        %parallel_loop3A_380 = tpu.vector_load %arg10[%parallel_loop3A_378, %parallel_loop3A_379] {strides = array<i32>} : memref<128x64xf32, #tpu.memory_space<vmem>>, vector<16xf32>,
        %parallel_loop3A_381 = arith.addf %parallel_loop3A_380, %get3A_303 : vector<16xf32>
        %parallel_loop3A_382 = arith.index_cast %parallel_loop3A_377 : i32 to index
        %parallel_loop3A_383 = arith.constant 0 : index
        %parallel_loop3A_384 = tpu.vector_load %arg12[%parallel_loop3A_382, %parallel_loop3A_383] {strides = array<i32>} : memref<128x65xf32, #tpu.memory_space<vmem>>, vector<16xf32>,
        tpu.vector_store %arg12[%parallel_loop3A_382, %parallel_loop3A_383], %parallel_loop3A_381 {strides = array<i32>} : memref<128x65xf32, #tpu.memory_space<vmem>>, vector<16xf32>,
        %parallel_loop3A_385 = arith.index_cast %parallel_loop3A_377 : i32 to index
        %parallel_loop3A_386 = arith.constant 16 : index
        %parallel_loop3A_387 = tpu.vector_load %arg10[%parallel_loop3A_385, %parallel_loop3A_386] {strides = array<i32>} : memref<128x64xf32, #tpu.memory_space<vmem>>, vector<16xf32>,
        %parallel_loop3A_388 = arith.addf %parallel_loop3A_387, %get3A_306 : vector<16xf32>
        %parallel_loop3A_389 = arith.index_cast %parallel_loop3A_377 : i32 to index
        %parallel_loop3A_390 = arith.constant 16 : index
        %parallel_loop3A_391 = tpu.vector_load %arg12[%parallel_loop3A_389, %parallel_loop3A_390] {strides = array<i32>} : memref<128x65xf32, #tpu.memory_space<vmem>>, vector<16xf32>,
        tpu.vector_store %arg12[%parallel_loop3A_389, %parallel_loop3A_390], %parallel_loop3A_388 {strides = array<i32>} : memref<128x65xf32, #tpu.memory_space<vmem>>, vector<16xf32>,
        %parallel_loop3A_392 = arith.index_cast %parallel_loop3A_377 : i32 to index
        %parallel_loop3A_393 = arith.constant 32 : index
        %parallel_loop3A_394 = tpu.vector_load %arg10[%parallel_loop3A_392, %parallel_loop3A_393] {strides = array<i32>} : memref<128x64xf32, #tpu.memory_space<vmem>>, vector<16xf32>,
        %parallel_loop3A_395 = arith.addf %parallel_loop3A_394, %get3A_309 : vector<16xf32>
        %parallel_loop3A_396 = arith.index_cast %parallel_loop3A_377 : i32 to index
        %parallel_loop3A_397 = arith.constant 32 : index
        %parallel_loop3A_398 = tpu.vector_load %arg12[%parallel_loop3A_396, %parallel_loop3A_397] {strides = array<i32>} : memref<128x65xf32, #tpu.memory_space<vmem>>, vector<16xf32>,
        tpu.vector_store %arg12[%parallel_loop3A_396, %parallel_loop3A_397], %parallel_loop3A_395 {strides = array<i32>} : memref<128x65xf32, #tpu.memory_space<vmem>>, vector<16xf32>,
        %parallel_loop3A_399 = arith.index_cast %parallel_loop3A_377 : i32 to index
        %parallel_loop3A_400 = arith.constant 48 : index
        %parallel_loop3A_401 = tpu.vector_load %arg10[%parallel_loop3A_399, %parallel_loop3A_400] {strides = array<i32>} : memref<128x64xf32, #tpu.memory_space<vmem>>, vector<16xf32>,
        %parallel_loop3A_402 = arith.addf %parallel_loop3A_401, %get3A_312 : vector<16xf32>
        %parallel_loop3A_403 = arith.index_cast %parallel_loop3A_377 : i32 to index
        %parallel_loop3A_404 = arith.constant 48 : index
        %parallel_loop3A_405 = tpu.vector_load %arg12[%parallel_loop3A_403, %parallel_loop3A_404] {strides = array<i32>} : memref<128x65xf32, #tpu.memory_space<vmem>>, vector<16xf32>,
        tpu.vector_store %arg12[%parallel_loop3A_403, %parallel_loop3A_404], %parallel_loop3A_402 {strides = array<i32>} : memref<128x65xf32, #tpu.memory_space<vmem>>, vector<16xf32>,
      } {sc.loop_unroll_factor = 8 : i64, sc.parallel_access}
      %parallel_loop3A_316 = arith.constant 0 : i32
      %parallel_loop3A_317 = arith.constant 64 : i32
      %parallel_loop3A_318 = arith.constant 1 : i32
      scf.for %parallel_loop3A_377 = %parallel_loop3A_316 to %parallel_loop3A_317 step %parallel_loop3A_318  : i32 {
        %parallel_loop3A_378 = vector.broadcast %parallel_loop3A_377 : i32 to vector<16xi32>
        %parallel_loop3A_379 = tpu.vector_load_idx %arg12[%add3A_25, %parallel_loop3A_378] : memref<128x65xf32, #tpu.memory_space<vmem>>[vector<16xi32>, vector<16xi32>], vector<16xf32>,
        %parallel_loop3A_380 = arith.constant 8 : i32
        %parallel_loop3A_381 = arith.divsi %parallel_loop3A_377, %parallel_loop3A_380 : i32
        %parallel_loop3A_382 = arith.constant 0 : i32
        %parallel_loop3A_383 = arith.cmpi sgt, %parallel_loop3A_377, %parallel_loop3A_382 : i32
        %parallel_loop3A_384 = arith.extui %parallel_loop3A_383 : i1 to i32
        %parallel_loop3A_385 = arith.constant 0 : i32
        %parallel_loop3A_386 = arith.cmpi slt, %parallel_loop3A_377, %parallel_loop3A_385 : i32
        %parallel_loop3A_387 = arith.extui %parallel_loop3A_386 : i1 to i32
        %parallel_loop3A_388 = arith.subi %parallel_loop3A_384, %parallel_loop3A_387 : i32
        %parallel_loop3A_389 = arith.constant 0 : i32
        %parallel_loop3A_390 = arith.cmpi sgt, %parallel_loop3A_380, %parallel_loop3A_389 : i32
        %parallel_loop3A_391 = arith.extui %parallel_loop3A_390 : i1 to i32
        %parallel_loop3A_392 = arith.constant 0 : i32
        %parallel_loop3A_393 = arith.cmpi slt, %parallel_loop3A_380, %parallel_loop3A_392 : i32
        %parallel_loop3A_394 = arith.extui %parallel_loop3A_393 : i1 to i32
        %parallel_loop3A_395 = arith.subi %parallel_loop3A_391, %parallel_loop3A_394 : i32
        %parallel_loop3A_396 = arith.cmpi ne, %parallel_loop3A_388, %parallel_loop3A_395 : i32
        %parallel_loop3A_397 = arith.remsi %parallel_loop3A_377, %parallel_loop3A_380 : i32
        %parallel_loop3A_398 = arith.constant 0 : i32
        %parallel_loop3A_399 = arith.cmpi ne, %parallel_loop3A_397, %parallel_loop3A_398 : i32
        %parallel_loop3A_400 = arith.andi %parallel_loop3A_396, %parallel_loop3A_399 : i1
        %parallel_loop3A_401 = arith.constant 1 : i32
        %parallel_loop3A_402 = arith.subi %parallel_loop3A_381, %parallel_loop3A_401 : i32
        %parallel_loop3A_403 = arith.select %parallel_loop3A_400, %parallel_loop3A_402, %parallel_loop3A_381 : i32
        %parallel_loop3A_404 = arith.constant 8 : i32
        %parallel_loop3A_405 = arith.remsi %parallel_loop3A_377, %parallel_loop3A_404 : i32
        %parallel_loop3A_406 = arith.index_cast %parallel_loop3A_403 : i32 to index
        %parallel_loop3A_407 = arith.index_cast %parallel_loop3A_405 : i32 to index
        %parallel_loop3A_408 = arith.constant 0 : index
        %parallel_loop3A_409 = tpu.vector_load %arg15[%parallel_loop3A_406, %parallel_loop3A_407, %parallel_loop3A_408] {strides = array<i32>} : memref<8x8x128xf32, #tpu.memory_space<vmem>>, vector<16xf32>,
        tpu.vector_store %arg15[%parallel_loop3A_406, %parallel_loop3A_407, %parallel_loop3A_408], %parallel_loop3A_379 {strides = array<i32>} : memref<8x8x128xf32, #tpu.memory_space<vmem>>, vector<16xf32>,
        %parallel_loop3A_410 = tpu.vector_load_idx %arg12[%add3A_29, %parallel_loop3A_378] : memref<128x65xf32, #tpu.memory_space<vmem>>[vector<16xi32>, vector<16xi32>], vector<16xf32>,
        %parallel_loop3A_411 = arith.constant 8 : i32
        %parallel_loop3A_412 = arith.divsi %parallel_loop3A_377, %parallel_loop3A_411 : i32
        %parallel_loop3A_413 = arith.constant 0 : i32
        %parallel_loop3A_414 = arith.cmpi sgt, %parallel_loop3A_377, %parallel_loop3A_413 : i32
        %parallel_loop3A_415 = arith.extui %parallel_loop3A_414 : i1 to i32
        %parallel_loop3A_416 = arith.constant 0 : i32
        %parallel_loop3A_417 = arith.cmpi slt, %parallel_loop3A_377, %parallel_loop3A_416 : i32
        %parallel_loop3A_418 = arith.extui %parallel_loop3A_417 : i1 to i32
        %parallel_loop3A_419 = arith.subi %parallel_loop3A_415, %parallel_loop3A_418 : i32
        %parallel_loop3A_420 = arith.constant 0 : i32
        %parallel_loop3A_421 = arith.cmpi sgt, %parallel_loop3A_411, %parallel_loop3A_420 : i32
        %parallel_loop3A_422 = arith.extui %parallel_loop3A_421 : i1 to i32
        %parallel_loop3A_423 = arith.constant 0 : i32
        %parallel_loop3A_424 = arith.cmpi slt, %parallel_loop3A_411, %parallel_loop3A_423 : i32
        %parallel_loop3A_425 = arith.extui %parallel_loop3A_424 : i1 to i32
        %parallel_loop3A_426 = arith.subi %parallel_loop3A_422, %parallel_loop3A_425 : i32
        %parallel_loop3A_427 = arith.cmpi ne, %parallel_loop3A_419, %parallel_loop3A_426 : i32
        %parallel_loop3A_428 = arith.remsi %parallel_loop3A_377, %parallel_loop3A_411 : i32
        %parallel_loop3A_429 = arith.constant 0 : i32
        %parallel_loop3A_430 = arith.cmpi ne, %parallel_loop3A_428, %parallel_loop3A_429 : i32
        %parallel_loop3A_431 = arith.andi %parallel_loop3A_427, %parallel_loop3A_430 : i1
        %parallel_loop3A_432 = arith.constant 1 : i32
        %parallel_loop3A_433 = arith.subi %parallel_loop3A_412, %parallel_loop3A_432 : i32
        %parallel_loop3A_434 = arith.select %parallel_loop3A_431, %parallel_loop3A_433, %parallel_loop3A_412 : i32
        %parallel_loop3A_435 = arith.constant 8 : i32
        %parallel_loop3A_436 = arith.remsi %parallel_loop3A_377, %parallel_loop3A_435 : i32
        %parallel_loop3A_437 = arith.index_cast %parallel_loop3A_434 : i32 to index
        %parallel_loop3A_438 = arith.index_cast %parallel_loop3A_436 : i32 to index
        %parallel_loop3A_439 = arith.constant 16 : index
        %parallel_loop3A_440 = tpu.vector_load %arg15[%parallel_loop3A_437, %parallel_loop3A_438, %parallel_loop3A_439] {strides = array<i32>} : memref<8x8x128xf32, #tpu.memory_space<vmem>>, vector<16xf32>,
        tpu.vector_store %arg15[%parallel_loop3A_437, %parallel_loop3A_438, %parallel_loop3A_439], %parallel_loop3A_410 {strides = array<i32>} : memref<8x8x128xf32, #tpu.memory_space<vmem>>, vector<16xf32>,
        %parallel_loop3A_441 = tpu.vector_load_idx %arg12[%add3A_33, %parallel_loop3A_378] : memref<128x65xf32, #tpu.memory_space<vmem>>[vector<16xi32>, vector<16xi32>], vector<16xf32>,
        %parallel_loop3A_442 = arith.constant 8 : i32
        %parallel_loop3A_443 = arith.divsi %parallel_loop3A_377, %parallel_loop3A_442 : i32
        %parallel_loop3A_444 = arith.constant 0 : i32
        %parallel_loop3A_445 = arith.cmpi sgt, %parallel_loop3A_377, %parallel_loop3A_444 : i32
        %parallel_loop3A_446 = arith.extui %parallel_loop3A_445 : i1 to i32
        %parallel_loop3A_447 = arith.constant 0 : i32
        %parallel_loop3A_448 = arith.cmpi slt, %parallel_loop3A_377, %parallel_loop3A_447 : i32
        %parallel_loop3A_449 = arith.extui %parallel_loop3A_448 : i1 to i32
        %parallel_loop3A_450 = arith.subi %parallel_loop3A_446, %parallel_loop3A_449 : i32
        %parallel_loop3A_451 = arith.constant 0 : i32
        %parallel_loop3A_452 = arith.cmpi sgt, %parallel_loop3A_442, %parallel_loop3A_451 : i32
        %parallel_loop3A_453 = arith.extui %parallel_loop3A_452 : i1 to i32
        %parallel_loop3A_454 = arith.constant 0 : i32
        %parallel_loop3A_455 = arith.cmpi slt, %parallel_loop3A_442, %parallel_loop3A_454 : i32
        %parallel_loop3A_456 = arith.extui %parallel_loop3A_455 : i1 to i32
        %parallel_loop3A_457 = arith.subi %parallel_loop3A_453, %parallel_loop3A_456 : i32
        %parallel_loop3A_458 = arith.cmpi ne, %parallel_loop3A_450, %parallel_loop3A_457 : i32
        %parallel_loop3A_459 = arith.remsi %parallel_loop3A_377, %parallel_loop3A_442 : i32
        %parallel_loop3A_460 = arith.constant 0 : i32
        %parallel_loop3A_461 = arith.cmpi ne, %parallel_loop3A_459, %parallel_loop3A_460 : i32
        %parallel_loop3A_462 = arith.andi %parallel_loop3A_458, %parallel_loop3A_461 : i1
        %parallel_loop3A_463 = arith.constant 1 : i32
        %parallel_loop3A_464 = arith.subi %parallel_loop3A_443, %parallel_loop3A_463 : i32
        %parallel_loop3A_465 = arith.select %parallel_loop3A_462, %parallel_loop3A_464, %parallel_loop3A_443 : i32
        %parallel_loop3A_466 = arith.constant 8 : i32
        %parallel_loop3A_467 = arith.remsi %parallel_loop3A_377, %parallel_loop3A_466 : i32
        %parallel_loop3A_468 = arith.index_cast %parallel_loop3A_465 : i32 to index
        %parallel_loop3A_469 = arith.index_cast %parallel_loop3A_467 : i32 to index
        %parallel_loop3A_470 = arith.constant 32 : index
        %parallel_loop3A_471 = tpu.vector_load %arg15[%parallel_loop3A_468, %parallel_loop3A_469, %parallel_loop3A_470] {strides = array<i32>} : memref<8x8x128xf32, #tpu.memory_space<vmem>>, vector<16xf32>,
        tpu.vector_store %arg15[%parallel_loop3A_468, %parallel_loop3A_469, %parallel_loop3A_470], %parallel_loop3A_441 {strides = array<i32>} : memref<8x8x128xf32, #tpu.memory_space<vmem>>, vector<16xf32>,
        %parallel_loop3A_472 = tpu.vector_load_idx %arg12[%add3A_37, %parallel_loop3A_378] : memref<128x65xf32, #tpu.memory_space<vmem>>[vector<16xi32>, vector<16xi32>], vector<16xf32>,
        %parallel_loop3A_473 = arith.constant 8 : i32
        %parallel_loop3A_474 = arith.divsi %parallel_loop3A_377, %parallel_loop3A_473 : i32
        %parallel_loop3A_475 = arith.constant 0 : i32
        %parallel_loop3A_476 = arith.cmpi sgt, %parallel_loop3A_377, %parallel_loop3A_475 : i32
        %parallel_loop3A_477 = arith.extui %parallel_loop3A_476 : i1 to i32
        %parallel_loop3A_478 = arith.constant 0 : i32
        %parallel_loop3A_479 = arith.cmpi slt, %parallel_loop3A_377, %parallel_loop3A_478 : i32
        %parallel_loop3A_480 = arith.extui %parallel_loop3A_479 : i1 to i32
        %parallel_loop3A_481 = arith.subi %parallel_loop3A_477, %parallel_loop3A_480 : i32
        %parallel_loop3A_482 = arith.constant 0 : i32
        %parallel_loop3A_483 = arith.cmpi sgt, %parallel_loop3A_473, %parallel_loop3A_482 : i32
        %parallel_loop3A_484 = arith.extui %parallel_loop3A_483 : i1 to i32
        %parallel_loop3A_485 = arith.constant 0 : i32
        %parallel_loop3A_486 = arith.cmpi slt, %parallel_loop3A_473, %parallel_loop3A_485 : i32
        %parallel_loop3A_487 = arith.extui %parallel_loop3A_486 : i1 to i32
        %parallel_loop3A_488 = arith.subi %parallel_loop3A_484, %parallel_loop3A_487 : i32
        %parallel_loop3A_489 = arith.cmpi ne, %parallel_loop3A_481, %parallel_loop3A_488 : i32
        %parallel_loop3A_490 = arith.remsi %parallel_loop3A_377, %parallel_loop3A_473 : i32
        %parallel_loop3A_491 = arith.constant 0 : i32
        %parallel_loop3A_492 = arith.cmpi ne, %parallel_loop3A_490, %parallel_loop3A_491 : i32
        %parallel_loop3A_493 = arith.andi %parallel_loop3A_489, %parallel_loop3A_492 : i1
        %parallel_loop3A_494 = arith.constant 1 : i32
        %parallel_loop3A_495 = arith.subi %parallel_loop3A_474, %parallel_loop3A_494 : i32
        %parallel_loop3A_496 = arith.select %parallel_loop3A_493, %parallel_loop3A_495, %parallel_loop3A_474 : i32
        %parallel_loop3A_497 = arith.constant 8 : i32
        %parallel_loop3A_498 = arith.remsi %parallel_loop3A_377, %parallel_loop3A_497 : i32
        %parallel_loop3A_499 = arith.index_cast %parallel_loop3A_496 : i32 to index
        %parallel_loop3A_500 = arith.index_cast %parallel_loop3A_498 : i32 to index
        %parallel_loop3A_501 = arith.constant 48 : index
        %parallel_loop3A_502 = tpu.vector_load %arg15[%parallel_loop3A_499, %parallel_loop3A_500, %parallel_loop3A_501] {strides = array<i32>} : memref<8x8x128xf32, #tpu.memory_space<vmem>>, vector<16xf32>,
        tpu.vector_store %arg15[%parallel_loop3A_499, %parallel_loop3A_500, %parallel_loop3A_501], %parallel_loop3A_472 {strides = array<i32>} : memref<8x8x128xf32, #tpu.memory_space<vmem>>, vector<16xf32>,
        %parallel_loop3A_503 = tpu.vector_load_idx %arg12[%add3A_41, %parallel_loop3A_378] : memref<128x65xf32, #tpu.memory_space<vmem>>[vector<16xi32>, vector<16xi32>], vector<16xf32>,
        %parallel_loop3A_504 = arith.constant 8 : i32
        %parallel_loop3A_505 = arith.divsi %parallel_loop3A_377, %parallel_loop3A_504 : i32
        %parallel_loop3A_506 = arith.constant 0 : i32
        %parallel_loop3A_507 = arith.cmpi sgt, %parallel_loop3A_377, %parallel_loop3A_506 : i32
        %parallel_loop3A_508 = arith.extui %parallel_loop3A_507 : i1 to i32
        %parallel_loop3A_509 = arith.constant 0 : i32
        %parallel_loop3A_510 = arith.cmpi slt, %parallel_loop3A_377, %parallel_loop3A_509 : i32
        %parallel_loop3A_511 = arith.extui %parallel_loop3A_510 : i1 to i32
        %parallel_loop3A_512 = arith.subi %parallel_loop3A_508, %parallel_loop3A_511 : i32
        %parallel_loop3A_513 = arith.constant 0 : i32
        %parallel_loop3A_514 = arith.cmpi sgt, %parallel_loop3A_504, %parallel_loop3A_513 : i32
        %parallel_loop3A_515 = arith.extui %parallel_loop3A_514 : i1 to i32
        %parallel_loop3A_516 = arith.constant 0 : i32
        %parallel_loop3A_517 = arith.cmpi slt, %parallel_loop3A_504, %parallel_loop3A_516 : i32
        %parallel_loop3A_518 = arith.extui %parallel_loop3A_517 : i1 to i32
        %parallel_loop3A_519 = arith.subi %parallel_loop3A_515, %parallel_loop3A_518 : i32
        %parallel_loop3A_520 = arith.cmpi ne, %parallel_loop3A_512, %parallel_loop3A_519 : i32
        %parallel_loop3A_521 = arith.remsi %parallel_loop3A_377, %parallel_loop3A_504 : i32
        %parallel_loop3A_522 = arith.constant 0 : i32
        %parallel_loop3A_523 = arith.cmpi ne, %parallel_loop3A_521, %parallel_loop3A_522 : i32
        %parallel_loop3A_524 = arith.andi %parallel_loop3A_520, %parallel_loop3A_523 : i1
        %parallel_loop3A_525 = arith.constant 1 : i32
        %parallel_loop3A_526 = arith.subi %parallel_loop3A_505, %parallel_loop3A_525 : i32
        %parallel_loop3A_527 = arith.select %parallel_loop3A_524, %parallel_loop3A_526, %parallel_loop3A_505 : i32
        %parallel_loop3A_528 = arith.constant 8 : i32
        %parallel_loop3A_529 = arith.remsi %parallel_loop3A_377, %parallel_loop3A_528 : i32
        %parallel_loop3A_530 = arith.index_cast %parallel_loop3A_527 : i32 to index
        %parallel_loop3A_531 = arith.index_cast %parallel_loop3A_529 : i32 to index
        %parallel_loop3A_532 = arith.constant 64 : index
        %parallel_loop3A_533 = tpu.vector_load %arg15[%parallel_loop3A_530, %parallel_loop3A_531, %parallel_loop3A_532] {strides = array<i32>} : memref<8x8x128xf32, #tpu.memory_space<vmem>>, vector<16xf32>,
        tpu.vector_store %arg15[%parallel_loop3A_530, %parallel_loop3A_531, %parallel_loop3A_532], %parallel_loop3A_503 {strides = array<i32>} : memref<8x8x128xf32, #tpu.memory_space<vmem>>, vector<16xf32>,
        %parallel_loop3A_534 = tpu.vector_load_idx %arg12[%add3A_45, %parallel_loop3A_378] : memref<128x65xf32, #tpu.memory_space<vmem>>[vector<16xi32>, vector<16xi32>], vector<16xf32>,
        %parallel_loop3A_535 = arith.constant 8 : i32
        %parallel_loop3A_536 = arith.divsi %parallel_loop3A_377, %parallel_loop3A_535 : i32
        %parallel_loop3A_537 = arith.constant 0 : i32
        %parallel_loop3A_538 = arith.cmpi sgt, %parallel_loop3A_377, %parallel_loop3A_537 : i32
        %parallel_loop3A_539 = arith.extui %parallel_loop3A_538 : i1 to i32
        %parallel_loop3A_540 = arith.constant 0 : i32
        %parallel_loop3A_541 = arith.cmpi slt, %parallel_loop3A_377, %parallel_loop3A_540 : i32
        %parallel_loop3A_542 = arith.extui %parallel_loop3A_541 : i1 to i32
        %parallel_loop3A_543 = arith.subi %parallel_loop3A_539, %parallel_loop3A_542 : i32
        %parallel_loop3A_544 = arith.constant 0 : i32
        %parallel_loop3A_545 = arith.cmpi sgt, %parallel_loop3A_535, %parallel_loop3A_544 : i32
        %parallel_loop3A_546 = arith.extui %parallel_loop3A_545 : i1 to i32
        %parallel_loop3A_547 = arith.constant 0 : i32
        %parallel_loop3A_548 = arith.cmpi slt, %parallel_loop3A_535, %parallel_loop3A_547 : i32
        %parallel_loop3A_549 = arith.extui %parallel_loop3A_548 : i1 to i32
        %parallel_loop3A_550 = arith.subi %parallel_loop3A_546, %parallel_loop3A_549 : i32
        %parallel_loop3A_551 = arith.cmpi ne, %parallel_loop3A_543, %parallel_loop3A_550 : i32
        %parallel_loop3A_552 = arith.remsi %parallel_loop3A_377, %parallel_loop3A_535 : i32
        %parallel_loop3A_553 = arith.constant 0 : i32
        %parallel_loop3A_554 = arith.cmpi ne, %parallel_loop3A_552, %parallel_loop3A_553 : i32
        %parallel_loop3A_555 = arith.andi %parallel_loop3A_551, %parallel_loop3A_554 : i1
        %parallel_loop3A_556 = arith.constant 1 : i32
        %parallel_loop3A_557 = arith.subi %parallel_loop3A_536, %parallel_loop3A_556 : i32
        %parallel_loop3A_558 = arith.select %parallel_loop3A_555, %parallel_loop3A_557, %parallel_loop3A_536 : i32
        %parallel_loop3A_559 = arith.constant 8 : i32
        %parallel_loop3A_560 = arith.remsi %parallel_loop3A_377, %parallel_loop3A_559 : i32
        %parallel_loop3A_561 = arith.index_cast %parallel_loop3A_558 : i32 to index
        %parallel_loop3A_562 = arith.index_cast %parallel_loop3A_560 : i32 to index
        %parallel_loop3A_563 = arith.constant 80 : index
        %parallel_loop3A_564 = tpu.vector_load %arg15[%parallel_loop3A_561, %parallel_loop3A_562, %parallel_loop3A_563] {strides = array<i32>} : memref<8x8x128xf32, #tpu.memory_space<vmem>>, vector<16xf32>,
        tpu.vector_store %arg15[%parallel_loop3A_561, %parallel_loop3A_562, %parallel_loop3A_563], %parallel_loop3A_534 {strides = array<i32>} : memref<8x8x128xf32, #tpu.memory_space<vmem>>, vector<16xf32>,
        %parallel_loop3A_565 = tpu.vector_load_idx %arg12[%add3A_49, %parallel_loop3A_378] : memref<128x65xf32, #tpu.memory_space<vmem>>[vector<16xi32>, vector<16xi32>], vector<16xf32>,
        %parallel_loop3A_566 = arith.constant 8 : i32
        %parallel_loop3A_567 = arith.divsi %parallel_loop3A_377, %parallel_loop3A_566 : i32
        %parallel_loop3A_568 = arith.constant 0 : i32
        %parallel_loop3A_569 = arith.cmpi sgt, %parallel_loop3A_377, %parallel_loop3A_568 : i32
        %parallel_loop3A_570 = arith.extui %parallel_loop3A_569 : i1 to i32
        %parallel_loop3A_571 = arith.constant 0 : i32
        %parallel_loop3A_572 = arith.cmpi slt, %parallel_loop3A_377, %parallel_loop3A_571 : i32
        %parallel_loop3A_573 = arith.extui %parallel_loop3A_572 : i1 to i32
        %parallel_loop3A_574 = arith.subi %parallel_loop3A_570, %parallel_loop3A_573 : i32
        %parallel_loop3A_575 = arith.constant 0 : i32
        %parallel_loop3A_576 = arith.cmpi sgt, %parallel_loop3A_566, %parallel_loop3A_575 : i32
        %parallel_loop3A_577 = arith.extui %parallel_loop3A_576 : i1 to i32
        %parallel_loop3A_578 = arith.constant 0 : i32
        %parallel_loop3A_579 = arith.cmpi slt, %parallel_loop3A_566, %parallel_loop3A_578 : i32
        %parallel_loop3A_580 = arith.extui %parallel_loop3A_579 : i1 to i32
        %parallel_loop3A_581 = arith.subi %parallel_loop3A_577, %parallel_loop3A_580 : i32
        %parallel_loop3A_582 = arith.cmpi ne, %parallel_loop3A_574, %parallel_loop3A_581 : i32
        %parallel_loop3A_583 = arith.remsi %parallel_loop3A_377, %parallel_loop3A_566 : i32
        %parallel_loop3A_584 = arith.constant 0 : i32
        %parallel_loop3A_585 = arith.cmpi ne, %parallel_loop3A_583, %parallel_loop3A_584 : i32
        %parallel_loop3A_586 = arith.andi %parallel_loop3A_582, %parallel_loop3A_585 : i1
        %parallel_loop3A_587 = arith.constant 1 : i32
        %parallel_loop3A_588 = arith.subi %parallel_loop3A_567, %parallel_loop3A_587 : i32
        %parallel_loop3A_589 = arith.select %parallel_loop3A_586, %parallel_loop3A_588, %parallel_loop3A_567 : i32
        %parallel_loop3A_590 = arith.constant 8 : i32
        %parallel_loop3A_591 = arith.remsi %parallel_loop3A_377, %parallel_loop3A_590 : i32
        %parallel_loop3A_592 = arith.index_cast %parallel_loop3A_589 : i32 to index
        %parallel_loop3A_593 = arith.index_cast %parallel_loop3A_591 : i32 to index
        %parallel_loop3A_594 = arith.constant 96 : index
        %parallel_loop3A_595 = tpu.vector_load %arg15[%parallel_loop3A_592, %parallel_loop3A_593, %parallel_loop3A_594] {strides = array<i32>} : memref<8x8x128xf32, #tpu.memory_space<vmem>>, vector<16xf32>,
        tpu.vector_store %arg15[%parallel_loop3A_592, %parallel_loop3A_593, %parallel_loop3A_594], %parallel_loop3A_565 {strides = array<i32>} : memref<8x8x128xf32, #tpu.memory_space<vmem>>, vector<16xf32>,
        %parallel_loop3A_596 = tpu.vector_load_idx %arg12[%add3A_53, %parallel_loop3A_378] : memref<128x65xf32, #tpu.memory_space<vmem>>[vector<16xi32>, vector<16xi32>], vector<16xf32>,
        %parallel_loop3A_597 = arith.constant 8 : i32
        %parallel_loop3A_598 = arith.divsi %parallel_loop3A_377, %parallel_loop3A_597 : i32
        %parallel_loop3A_599 = arith.constant 0 : i32
        %parallel_loop3A_600 = arith.cmpi sgt, %parallel_loop3A_377, %parallel_loop3A_599 : i32
        %parallel_loop3A_601 = arith.extui %parallel_loop3A_600 : i1 to i32
        %parallel_loop3A_602 = arith.constant 0 : i32
        %parallel_loop3A_603 = arith.cmpi slt, %parallel_loop3A_377, %parallel_loop3A_602 : i32
        %parallel_loop3A_604 = arith.extui %parallel_loop3A_603 : i1 to i32
        %parallel_loop3A_605 = arith.subi %parallel_loop3A_601, %parallel_loop3A_604 : i32
        %parallel_loop3A_606 = arith.constant 0 : i32
        %parallel_loop3A_607 = arith.cmpi sgt, %parallel_loop3A_597, %parallel_loop3A_606 : i32
        %parallel_loop3A_608 = arith.extui %parallel_loop3A_607 : i1 to i32
        %parallel_loop3A_609 = arith.constant 0 : i32
        %parallel_loop3A_610 = arith.cmpi slt, %parallel_loop3A_597, %parallel_loop3A_609 : i32
        %parallel_loop3A_611 = arith.extui %parallel_loop3A_610 : i1 to i32
        %parallel_loop3A_612 = arith.subi %parallel_loop3A_608, %parallel_loop3A_611 : i32
        %parallel_loop3A_613 = arith.cmpi ne, %parallel_loop3A_605, %parallel_loop3A_612 : i32
        %parallel_loop3A_614 = arith.remsi %parallel_loop3A_377, %parallel_loop3A_597 : i32
        %parallel_loop3A_615 = arith.constant 0 : i32
        %parallel_loop3A_616 = arith.cmpi ne, %parallel_loop3A_614, %parallel_loop3A_615 : i32
        %parallel_loop3A_617 = arith.andi %parallel_loop3A_613, %parallel_loop3A_616 : i1
        %parallel_loop3A_618 = arith.constant 1 : i32
        %parallel_loop3A_619 = arith.subi %parallel_loop3A_598, %parallel_loop3A_618 : i32
        %parallel_loop3A_620 = arith.select %parallel_loop3A_617, %parallel_loop3A_619, %parallel_loop3A_598 : i32
        %parallel_loop3A_621 = arith.constant 8 : i32
        %parallel_loop3A_622 = arith.remsi %parallel_loop3A_377, %parallel_loop3A_621 : i32
        %parallel_loop3A_623 = arith.index_cast %parallel_loop3A_620 : i32 to index
        %parallel_loop3A_624 = arith.index_cast %parallel_loop3A_622 : i32 to index
        %parallel_loop3A_625 = arith.constant 112 : index
        %parallel_loop3A_626 = tpu.vector_load %arg15[%parallel_loop3A_623, %parallel_loop3A_624, %parallel_loop3A_625] {strides = array<i32>} : memref<8x8x128xf32, #tpu.memory_space<vmem>>, vector<16xf32>,
        tpu.vector_store %arg15[%parallel_loop3A_623, %parallel_loop3A_624, %parallel_loop3A_625], %parallel_loop3A_596 {strides = array<i32>} : memref<8x8x128xf32, #tpu.memory_space<vmem>>, vector<16xf32>,
      } {sc.loop_unroll_factor = 8 : i64, sc.parallel_access}
      %add3A_319 = arith.addi %mul3A_22, %add3A_286 : i32
      %dma_start3A_320 = arith.constant 0 : i32
      %dma_start3A_321 = arith.constant 0 : i32
      %dma_start3A_322 = arith.constant 0 : i32
      %dma_start3A_323 = tpu.memref_slice %arg5[%add3A_319, %dma_start3A_320, %rem3A_1, %dma_start3A_321, %dma_start3A_322] : memref<200x8x8x8x128xf32, #tpu.memory_space<hbm>> -> memref<1x8x1x8x128xf32, #tpu.memory_space<hbm>>
      %dma_start3A_324 = tpu.memref_squeeze %dma_start3A_323 : memref<1x8x1x8x128xf32, #tpu.memory_space<hbm>> -> memref<8x8x128xf32, #tpu.memory_space<hbm>>
      %dma_start3A_325 = arith.constant 0 : i32
      %dma_start3A_326 = arith.constant 0 : i32
      %dma_start3A_327 = arith.constant 0 : i32
      %dma_start3A_328 = tpu.memref_slice %arg5[%add3A_319, %dma_start3A_325, %rem3A_1, %dma_start3A_326, %dma_start3A_327] : memref<200x8x8x8x128xf32, #tpu.memory_space<hbm>> -> memref<1x8x1x8x128xf32, #tpu.memory_space<hbm>>
      %dma_start3A_329 = tpu.memref_squeeze %dma_start3A_328 : memref<1x8x1x8x128xf32, #tpu.memory_space<hbm>> -> memref<8x8x128xf32, #tpu.memory_space<hbm>>
      tpu.enqueue_dma source(%arg15 : memref<8x8x128xf32, #tpu.memory_space<vmem>>) target(%dma_start3A_329 : memref<8x8x128xf32, #tpu.memory_space<hbm>>) target_semaphore(%arg23 : memref<!tpu.dma_semaphore, #tpu.memory_space<semaphore_mem>>)
      %mul3A_330 = arith.constant 4 : i32
      %mul3A_331 = arith.muli %scan3A_191, %mul3A_330 : i32
      %add3A_332 = arith.constant 3 : i32
      %add3A_333 = arith.addi %mul3A_331, %add3A_332 : i32
      %add3A_334 = arith.constant 2 : i32
      %add3A_335 = arith.addi %add3A_333, %add3A_334 : i32
      %lt3A_336 = arith.constant 50 : i32
      %lt3A_337 = arith.cmpi slt, %add3A_335, %lt3A_336 : i32
      %convert_element_type3A_338 = arith.extui %lt3A_337 : i1 to i32
      %cond3A_339 = arith.constant 0 : i32
      %cond3A_340 = arith.cmpi ne, %convert_element_type3A_338, %cond3A_339 : i32
      scf.if %cond3A_340 {
        %ge3A = arith.constant 2 : i32
        %ge3A_377 = arith.cmpi sge, %add3A_333, %ge3A : i32
        %convert_element_type3A_378 = arith.extui %ge3A_377 : i1 to i32
        %cond3A_379 = arith.constant 0 : i32
        %cond3A_380 = arith.cmpi ne, %convert_element_type3A_378, %cond3A_379 : i32
        scf.if %cond3A_380 {
          %dma_wait3A_389 = arith.constant 0 : i32
          %dma_wait3A_390 = arith.constant 0 : i32
          %dma_wait3A_391 = arith.constant 0 : i32
          %dma_wait3A_392 = tpu.memref_slice %arg5[%mul3A_22, %dma_wait3A_389, %rem3A_1, %dma_wait3A_390, %dma_wait3A_391] : memref<200x8x8x8x128xf32, #tpu.memory_space<hbm>> -> memref<1x8x1x8x128xf32, #tpu.memory_space<hbm>>
          %dma_wait3A_393 = tpu.memref_squeeze %dma_wait3A_392 : memref<1x8x1x8x128xf32, #tpu.memory_space<hbm>> -> memref<8x8x128xf32, #tpu.memory_space<hbm>>
          %dma_wait3A_394 = arith.constant 0 : i32
          %dma_wait3A_395 = arith.constant 0 : i32
          %dma_wait3A_396 = arith.constant 0 : i32
          %dma_wait3A_397 = tpu.memref_slice %arg5[%mul3A_22, %dma_wait3A_394, %rem3A_1, %dma_wait3A_395, %dma_wait3A_396] : memref<200x8x8x8x128xf32, #tpu.memory_space<hbm>> -> memref<1x8x1x8x128xf32, #tpu.memory_space<hbm>>
          %dma_wait3A_398 = tpu.memref_squeeze %dma_wait3A_397 : memref<1x8x1x8x128xf32, #tpu.memory_space<hbm>> -> memref<8x8x128xf32, #tpu.memory_space<hbm>>
          tpu.wait_dma2 semaphore(%arg22 : memref<!tpu.dma_semaphore, #tpu.memory_space<semaphore_mem>>) src(%arg14 : memref<8x8x128xf32, #tpu.memory_space<vmem>>) dst(%dma_wait3A_398 : memref<8x8x128xf32, #tpu.memory_space<hbm>>)
        } else {
        }
        %add3A_381 = arith.constant 2 : i32
        %add3A_382 = arith.addi %add3A_333, %add3A_381 : i32
        %dma_start3A_383 = arith.constant 0 : i32
        %dma_start3A_384 = tpu.memref_slice %arg6[%add3A_382, %dma_start3A_383] : memref<50x128xi32, #tpu.memory_space<vmem>> -> memref<1x128xi32, #tpu.memory_space<vmem>>
        %dma_start3A_385 = tpu.memref_squeeze %dma_start3A_384 : memref<1x128xi32, #tpu.memory_space<vmem>> -> memref<128xi32, #tpu.memory_space<vmem>>
        %dma_start3A_386 = arith.constant 0 : i32
        %dma_start3A_387 = arith.constant 0 : i32
        %dma_start3A_388 = tpu.memref_slice %arg3[%dma_start3A_386, %dma_start3A_387] : memref<100000x64xf32, #tpu.memory_space<hbm>> -> memref<100000x64xf32, #tpu.memory_space<hbm>>
        tpu.enqueue_indirect_dma source(%dma_start3A_388 : memref<100000x64xf32, #tpu.memory_space<hbm>>) target(%arg9 : memref<128x64xf32, #tpu.memory_space<vmem>>) offsets(%dma_start3A_385 : memref<128xi32, #tpu.memory_space<vmem>>) semaphore(%arg18 : memref<!tpu.dma_semaphore, #tpu.memory_space<semaphore_mem>>)
      } else {
      }
      %dma_wait3A_341 = arith.constant 0 : i32
      %dma_wait3A_342 = arith.constant 0 : i32
      %dma_wait3A_343 = tpu.memref_slice %arg6[%dma_wait3A_341, %dma_wait3A_342] : memref<50x128xi32, #tpu.memory_space<vmem>> -> memref<1x128xi32, #tpu.memory_space<vmem>>
      %dma_wait3A_344 = tpu.memref_squeeze %dma_wait3A_343 : memref<1x128xi32, #tpu.memory_space<vmem>> -> memref<128xi32, #tpu.memory_space<vmem>>
      %dma_wait3A_345 = arith.constant 0 : i32
      %dma_wait3A_346 = arith.constant 0 : i32
      %dma_wait3A_347 = tpu.memref_slice %arg3[%dma_wait3A_345, %dma_wait3A_346] : memref<100000x64xf32, #tpu.memory_space<hbm>> -> memref<100000x64xf32, #tpu.memory_space<hbm>>
      tpu.wait_indirect_dma semaphore(%arg20 : memref<!tpu.dma_semaphore, #tpu.memory_space<semaphore_mem>>) src(%dma_wait3A_347 : memref<100000x64xf32, #tpu.memory_space<hbm>>) dst(%arg11 : memref<128x64xf32, #tpu.memory_space<vmem>>)
      %get3A_348 = arith.index_cast %add3A_333 : i32 to index
      %get3A_349 = arith.constant 0 : index
      %get3A_350 = tpu.vector_load %arg7[%get3A_348, %get3A_349] {strides = array<i32>} : memref<50x64xf32, #tpu.memory_space<vmem>>, vector<16xf32>,
      %get3A_351 = arith.index_cast %add3A_333 : i32 to index
      %get3A_352 = arith.constant 16 : index
      %get3A_353 = tpu.vector_load %arg7[%get3A_351, %get3A_352] {strides = array<i32>} : memref<50x64xf32, #tpu.memory_space<vmem>>, vector<16xf32>,
      %get3A_354 = arith.index_cast %add3A_333 : i32 to index
      %get3A_355 = arith.constant 32 : index
      %get3A_356 = tpu.vector_load %arg7[%get3A_354, %get3A_355] {strides = array<i32>} : memref<50x64xf32, #tpu.memory_space<vmem>>, vector<16xf32>,
      %get3A_357 = arith.index_cast %add3A_333 : i32 to index
      %get3A_358 = arith.constant 48 : index
      %get3A_359 = tpu.vector_load %arg7[%get3A_357, %get3A_358] {strides = array<i32>} : memref<50x64xf32, #tpu.memory_space<vmem>>, vector<16xf32>,
      %parallel_loop3A_360 = arith.constant 0 : i32
      %parallel_loop3A_361 = arith.constant 128 : i32
      %parallel_loop3A_362 = arith.constant 1 : i32
      scf.for %parallel_loop3A_377 = %parallel_loop3A_360 to %parallel_loop3A_361 step %parallel_loop3A_362  : i32 {
        %parallel_loop3A_378 = arith.index_cast %parallel_loop3A_377 : i32 to index
        %parallel_loop3A_379 = arith.constant 0 : index
        %parallel_loop3A_380 = tpu.vector_load %arg11[%parallel_loop3A_378, %parallel_loop3A_379] {strides = array<i32>} : memref<128x64xf32, #tpu.memory_space<vmem>>, vector<16xf32>,
        %parallel_loop3A_381 = arith.addf %parallel_loop3A_380, %get3A_350 : vector<16xf32>
        %parallel_loop3A_382 = arith.index_cast %parallel_loop3A_377 : i32 to index
        %parallel_loop3A_383 = arith.constant 0 : index
        %parallel_loop3A_384 = tpu.vector_load %arg12[%parallel_loop3A_382, %parallel_loop3A_383] {strides = array<i32>} : memref<128x65xf32, #tpu.memory_space<vmem>>, vector<16xf32>,
        tpu.vector_store %arg12[%parallel_loop3A_382, %parallel_loop3A_383], %parallel_loop3A_381 {strides = array<i32>} : memref<128x65xf32, #tpu.memory_space<vmem>>, vector<16xf32>,
        %parallel_loop3A_385 = arith.index_cast %parallel_loop3A_377 : i32 to index
        %parallel_loop3A_386 = arith.constant 16 : index
        %parallel_loop3A_387 = tpu.vector_load %arg11[%parallel_loop3A_385, %parallel_loop3A_386] {strides = array<i32>} : memref<128x64xf32, #tpu.memory_space<vmem>>, vector<16xf32>,
        %parallel_loop3A_388 = arith.addf %parallel_loop3A_387, %get3A_353 : vector<16xf32>
        %parallel_loop3A_389 = arith.index_cast %parallel_loop3A_377 : i32 to index
        %parallel_loop3A_390 = arith.constant 16 : index
        %parallel_loop3A_391 = tpu.vector_load %arg12[%parallel_loop3A_389, %parallel_loop3A_390] {strides = array<i32>} : memref<128x65xf32, #tpu.memory_space<vmem>>, vector<16xf32>,
        tpu.vector_store %arg12[%parallel_loop3A_389, %parallel_loop3A_390], %parallel_loop3A_388 {strides = array<i32>} : memref<128x65xf32, #tpu.memory_space<vmem>>, vector<16xf32>,
        %parallel_loop3A_392 = arith.index_cast %parallel_loop3A_377 : i32 to index
        %parallel_loop3A_393 = arith.constant 32 : index
        %parallel_loop3A_394 = tpu.vector_load %arg11[%parallel_loop3A_392, %parallel_loop3A_393] {strides = array<i32>} : memref<128x64xf32, #tpu.memory_space<vmem>>, vector<16xf32>,
        %parallel_loop3A_395 = arith.addf %parallel_loop3A_394, %get3A_356 : vector<16xf32>
        %parallel_loop3A_396 = arith.index_cast %parallel_loop3A_377 : i32 to index
        %parallel_loop3A_397 = arith.constant 32 : index
        %parallel_loop3A_398 = tpu.vector_load %arg12[%parallel_loop3A_396, %parallel_loop3A_397] {strides = array<i32>} : memref<128x65xf32, #tpu.memory_space<vmem>>, vector<16xf32>,
        tpu.vector_store %arg12[%parallel_loop3A_396, %parallel_loop3A_397], %parallel_loop3A_395 {strides = array<i32>} : memref<128x65xf32, #tpu.memory_space<vmem>>, vector<16xf32>,
        %parallel_loop3A_399 = arith.index_cast %parallel_loop3A_377 : i32 to index
        %parallel_loop3A_400 = arith.constant 48 : index
        %parallel_loop3A_401 = tpu.vector_load %arg11[%parallel_loop3A_399, %parallel_loop3A_400] {strides = array<i32>} : memref<128x64xf32, #tpu.memory_space<vmem>>, vector<16xf32>,
        %parallel_loop3A_402 = arith.addf %parallel_loop3A_401, %get3A_359 : vector<16xf32>
        %parallel_loop3A_403 = arith.index_cast %parallel_loop3A_377 : i32 to index
        %parallel_loop3A_404 = arith.constant 48 : index
        %parallel_loop3A_405 = tpu.vector_load %arg12[%parallel_loop3A_403, %parallel_loop3A_404] {strides = array<i32>} : memref<128x65xf32, #tpu.memory_space<vmem>>, vector<16xf32>,
        tpu.vector_store %arg12[%parallel_loop3A_403, %parallel_loop3A_404], %parallel_loop3A_402 {strides = array<i32>} : memref<128x65xf32, #tpu.memory_space<vmem>>, vector<16xf32>,
      } {sc.loop_unroll_factor = 8 : i64, sc.parallel_access}
      %parallel_loop3A_363 = arith.constant 0 : i32
      %parallel_loop3A_364 = arith.constant 64 : i32
      %parallel_loop3A_365 = arith.constant 1 : i32
      scf.for %parallel_loop3A_377 = %parallel_loop3A_363 to %parallel_loop3A_364 step %parallel_loop3A_365  : i32 {
        %parallel_loop3A_378 = vector.broadcast %parallel_loop3A_377 : i32 to vector<16xi32>
        %parallel_loop3A_379 = tpu.vector_load_idx %arg12[%add3A_25, %parallel_loop3A_378] : memref<128x65xf32, #tpu.memory_space<vmem>>[vector<16xi32>, vector<16xi32>], vector<16xf32>,
        %parallel_loop3A_380 = arith.constant 8 : i32
        %parallel_loop3A_381 = arith.divsi %parallel_loop3A_377, %parallel_loop3A_380 : i32
        %parallel_loop3A_382 = arith.constant 0 : i32
        %parallel_loop3A_383 = arith.cmpi sgt, %parallel_loop3A_377, %parallel_loop3A_382 : i32
        %parallel_loop3A_384 = arith.extui %parallel_loop3A_383 : i1 to i32
        %parallel_loop3A_385 = arith.constant 0 : i32
        %parallel_loop3A_386 = arith.cmpi slt, %parallel_loop3A_377, %parallel_loop3A_385 : i32
        %parallel_loop3A_387 = arith.extui %parallel_loop3A_386 : i1 to i32
        %parallel_loop3A_388 = arith.subi %parallel_loop3A_384, %parallel_loop3A_387 : i32
        %parallel_loop3A_389 = arith.constant 0 : i32
        %parallel_loop3A_390 = arith.cmpi sgt, %parallel_loop3A_380, %parallel_loop3A_389 : i32
        %parallel_loop3A_391 = arith.extui %parallel_loop3A_390 : i1 to i32
        %parallel_loop3A_392 = arith.constant 0 : i32
        %parallel_loop3A_393 = arith.cmpi slt, %parallel_loop3A_380, %parallel_loop3A_392 : i32
        %parallel_loop3A_394 = arith.extui %parallel_loop3A_393 : i1 to i32
        %parallel_loop3A_395 = arith.subi %parallel_loop3A_391, %parallel_loop3A_394 : i32
        %parallel_loop3A_396 = arith.cmpi ne, %parallel_loop3A_388, %parallel_loop3A_395 : i32
        %parallel_loop3A_397 = arith.remsi %parallel_loop3A_377, %parallel_loop3A_380 : i32
        %parallel_loop3A_398 = arith.constant 0 : i32
        %parallel_loop3A_399 = arith.cmpi ne, %parallel_loop3A_397, %parallel_loop3A_398 : i32
        %parallel_loop3A_400 = arith.andi %parallel_loop3A_396, %parallel_loop3A_399 : i1
        %parallel_loop3A_401 = arith.constant 1 : i32
        %parallel_loop3A_402 = arith.subi %parallel_loop3A_381, %parallel_loop3A_401 : i32
        %parallel_loop3A_403 = arith.select %parallel_loop3A_400, %parallel_loop3A_402, %parallel_loop3A_381 : i32
        %parallel_loop3A_404 = arith.constant 8 : i32
        %parallel_loop3A_405 = arith.remsi %parallel_loop3A_377, %parallel_loop3A_404 : i32
        %parallel_loop3A_406 = arith.index_cast %parallel_loop3A_403 : i32 to index
        %parallel_loop3A_407 = arith.index_cast %parallel_loop3A_405 : i32 to index
        %parallel_loop3A_408 = arith.constant 0 : index
        %parallel_loop3A_409 = tpu.vector_load %arg16[%parallel_loop3A_406, %parallel_loop3A_407, %parallel_loop3A_408] {strides = array<i32>} : memref<8x8x128xf32, #tpu.memory_space<vmem>>, vector<16xf32>,
        tpu.vector_store %arg16[%parallel_loop3A_406, %parallel_loop3A_407, %parallel_loop3A_408], %parallel_loop3A_379 {strides = array<i32>} : memref<8x8x128xf32, #tpu.memory_space<vmem>>, vector<16xf32>,
        %parallel_loop3A_410 = tpu.vector_load_idx %arg12[%add3A_29, %parallel_loop3A_378] : memref<128x65xf32, #tpu.memory_space<vmem>>[vector<16xi32>, vector<16xi32>], vector<16xf32>,
        %parallel_loop3A_411 = arith.constant 8 : i32
        %parallel_loop3A_412 = arith.divsi %parallel_loop3A_377, %parallel_loop3A_411 : i32
        %parallel_loop3A_413 = arith.constant 0 : i32
        %parallel_loop3A_414 = arith.cmpi sgt, %parallel_loop3A_377, %parallel_loop3A_413 : i32
        %parallel_loop3A_415 = arith.extui %parallel_loop3A_414 : i1 to i32
        %parallel_loop3A_416 = arith.constant 0 : i32
        %parallel_loop3A_417 = arith.cmpi slt, %parallel_loop3A_377, %parallel_loop3A_416 : i32
        %parallel_loop3A_418 = arith.extui %parallel_loop3A_417 : i1 to i32
        %parallel_loop3A_419 = arith.subi %parallel_loop3A_415, %parallel_loop3A_418 : i32
        %parallel_loop3A_420 = arith.constant 0 : i32
        %parallel_loop3A_421 = arith.cmpi sgt, %parallel_loop3A_411, %parallel_loop3A_420 : i32
        %parallel_loop3A_422 = arith.extui %parallel_loop3A_421 : i1 to i32
        %parallel_loop3A_423 = arith.constant 0 : i32
        %parallel_loop3A_424 = arith.cmpi slt, %parallel_loop3A_411, %parallel_loop3A_423 : i32
        %parallel_loop3A_425 = arith.extui %parallel_loop3A_424 : i1 to i32
        %parallel_loop3A_426 = arith.subi %parallel_loop3A_422, %parallel_loop3A_425 : i32
        %parallel_loop3A_427 = arith.cmpi ne, %parallel_loop3A_419, %parallel_loop3A_426 : i32
        %parallel_loop3A_428 = arith.remsi %parallel_loop3A_377, %parallel_loop3A_411 : i32
        %parallel_loop3A_429 = arith.constant 0 : i32
        %parallel_loop3A_430 = arith.cmpi ne, %parallel_loop3A_428, %parallel_loop3A_429 : i32
        %parallel_loop3A_431 = arith.andi %parallel_loop3A_427, %parallel_loop3A_430 : i1
        %parallel_loop3A_432 = arith.constant 1 : i32
        %parallel_loop3A_433 = arith.subi %parallel_loop3A_412, %parallel_loop3A_432 : i32
        %parallel_loop3A_434 = arith.select %parallel_loop3A_431, %parallel_loop3A_433, %parallel_loop3A_412 : i32
        %parallel_loop3A_435 = arith.constant 8 : i32
        %parallel_loop3A_436 = arith.remsi %parallel_loop3A_377, %parallel_loop3A_435 : i32
        %parallel_loop3A_437 = arith.index_cast %parallel_loop3A_434 : i32 to index
        %parallel_loop3A_438 = arith.index_cast %parallel_loop3A_436 : i32 to index
        %parallel_loop3A_439 = arith.constant 16 : index
        %parallel_loop3A_440 = tpu.vector_load %arg16[%parallel_loop3A_437, %parallel_loop3A_438, %parallel_loop3A_439] {strides = array<i32>} : memref<8x8x128xf32, #tpu.memory_space<vmem>>, vector<16xf32>,
        tpu.vector_store %arg16[%parallel_loop3A_437, %parallel_loop3A_438, %parallel_loop3A_439], %parallel_loop3A_410 {strides = array<i32>} : memref<8x8x128xf32, #tpu.memory_space<vmem>>, vector<16xf32>,
        %parallel_loop3A_441 = tpu.vector_load_idx %arg12[%add3A_33, %parallel_loop3A_378] : memref<128x65xf32, #tpu.memory_space<vmem>>[vector<16xi32>, vector<16xi32>], vector<16xf32>,
        %parallel_loop3A_442 = arith.constant 8 : i32
        %parallel_loop3A_443 = arith.divsi %parallel_loop3A_377, %parallel_loop3A_442 : i32
        %parallel_loop3A_444 = arith.constant 0 : i32
        %parallel_loop3A_445 = arith.cmpi sgt, %parallel_loop3A_377, %parallel_loop3A_444 : i32
        %parallel_loop3A_446 = arith.extui %parallel_loop3A_445 : i1 to i32
        %parallel_loop3A_447 = arith.constant 0 : i32
        %parallel_loop3A_448 = arith.cmpi slt, %parallel_loop3A_377, %parallel_loop3A_447 : i32
        %parallel_loop3A_449 = arith.extui %parallel_loop3A_448 : i1 to i32
        %parallel_loop3A_450 = arith.subi %parallel_loop3A_446, %parallel_loop3A_449 : i32
        %parallel_loop3A_451 = arith.constant 0 : i32
        %parallel_loop3A_452 = arith.cmpi sgt, %parallel_loop3A_442, %parallel_loop3A_451 : i32
        %parallel_loop3A_453 = arith.extui %parallel_loop3A_452 : i1 to i32
        %parallel_loop3A_454 = arith.constant 0 : i32
        %parallel_loop3A_455 = arith.cmpi slt, %parallel_loop3A_442, %parallel_loop3A_454 : i32
        %parallel_loop3A_456 = arith.extui %parallel_loop3A_455 : i1 to i32
        %parallel_loop3A_457 = arith.subi %parallel_loop3A_453, %parallel_loop3A_456 : i32
        %parallel_loop3A_458 = arith.cmpi ne, %parallel_loop3A_450, %parallel_loop3A_457 : i32
        %parallel_loop3A_459 = arith.remsi %parallel_loop3A_377, %parallel_loop3A_442 : i32
        %parallel_loop3A_460 = arith.constant 0 : i32
        %parallel_loop3A_461 = arith.cmpi ne, %parallel_loop3A_459, %parallel_loop3A_460 : i32
        %parallel_loop3A_462 = arith.andi %parallel_loop3A_458, %parallel_loop3A_461 : i1
        %parallel_loop3A_463 = arith.constant 1 : i32
        %parallel_loop3A_464 = arith.subi %parallel_loop3A_443, %parallel_loop3A_463 : i32
        %parallel_loop3A_465 = arith.select %parallel_loop3A_462, %parallel_loop3A_464, %parallel_loop3A_443 : i32
        %parallel_loop3A_466 = arith.constant 8 : i32
        %parallel_loop3A_467 = arith.remsi %parallel_loop3A_377, %parallel_loop3A_466 : i32
        %parallel_loop3A_468 = arith.index_cast %parallel_loop3A_465 : i32 to index
        %parallel_loop3A_469 = arith.index_cast %parallel_loop3A_467 : i32 to index
        %parallel_loop3A_470 = arith.constant 32 : index
        %parallel_loop3A_471 = tpu.vector_load %arg16[%parallel_loop3A_468, %parallel_loop3A_469, %parallel_loop3A_470] {strides = array<i32>} : memref<8x8x128xf32, #tpu.memory_space<vmem>>, vector<16xf32>,
        tpu.vector_store %arg16[%parallel_loop3A_468, %parallel_loop3A_469, %parallel_loop3A_470], %parallel_loop3A_441 {strides = array<i32>} : memref<8x8x128xf32, #tpu.memory_space<vmem>>, vector<16xf32>,
        %parallel_loop3A_472 = tpu.vector_load_idx %arg12[%add3A_37, %parallel_loop3A_378] : memref<128x65xf32, #tpu.memory_space<vmem>>[vector<16xi32>, vector<16xi32>], vector<16xf32>,
        %parallel_loop3A_473 = arith.constant 8 : i32
        %parallel_loop3A_474 = arith.divsi %parallel_loop3A_377, %parallel_loop3A_473 : i32
        %parallel_loop3A_475 = arith.constant 0 : i32
        %parallel_loop3A_476 = arith.cmpi sgt, %parallel_loop3A_377, %parallel_loop3A_475 : i32
        %parallel_loop3A_477 = arith.extui %parallel_loop3A_476 : i1 to i32
        %parallel_loop3A_478 = arith.constant 0 : i32
        %parallel_loop3A_479 = arith.cmpi slt, %parallel_loop3A_377, %parallel_loop3A_478 : i32
        %parallel_loop3A_480 = arith.extui %parallel_loop3A_479 : i1 to i32
        %parallel_loop3A_481 = arith.subi %parallel_loop3A_477, %parallel_loop3A_480 : i32
        %parallel_loop3A_482 = arith.constant 0 : i32
        %parallel_loop3A_483 = arith.cmpi sgt, %parallel_loop3A_473, %parallel_loop3A_482 : i32
        %parallel_loop3A_484 = arith.extui %parallel_loop3A_483 : i1 to i32
        %parallel_loop3A_485 = arith.constant 0 : i32
        %parallel_loop3A_486 = arith.cmpi slt, %parallel_loop3A_473, %parallel_loop3A_485 : i32
        %parallel_loop3A_487 = arith.extui %parallel_loop3A_486 : i1 to i32
        %parallel_loop3A_488 = arith.subi %parallel_loop3A_484, %parallel_loop3A_487 : i32
        %parallel_loop3A_489 = arith.cmpi ne, %parallel_loop3A_481, %parallel_loop3A_488 : i32
        %parallel_loop3A_490 = arith.remsi %parallel_loop3A_377, %parallel_loop3A_473 : i32
        %parallel_loop3A_491 = arith.constant 0 : i32
        %parallel_loop3A_492 = arith.cmpi ne, %parallel_loop3A_490, %parallel_loop3A_491 : i32
        %parallel_loop3A_493 = arith.andi %parallel_loop3A_489, %parallel_loop3A_492 : i1
        %parallel_loop3A_494 = arith.constant 1 : i32
        %parallel_loop3A_495 = arith.subi %parallel_loop3A_474, %parallel_loop3A_494 : i32
        %parallel_loop3A_496 = arith.select %parallel_loop3A_493, %parallel_loop3A_495, %parallel_loop3A_474 : i32
        %parallel_loop3A_497 = arith.constant 8 : i32
        %parallel_loop3A_498 = arith.remsi %parallel_loop3A_377, %parallel_loop3A_497 : i32
        %parallel_loop3A_499 = arith.index_cast %parallel_loop3A_496 : i32 to index
        %parallel_loop3A_500 = arith.index_cast %parallel_loop3A_498 : i32 to index
        %parallel_loop3A_501 = arith.constant 48 : index
        %parallel_loop3A_502 = tpu.vector_load %arg16[%parallel_loop3A_499, %parallel_loop3A_500, %parallel_loop3A_501] {strides = array<i32>} : memref<8x8x128xf32, #tpu.memory_space<vmem>>, vector<16xf32>,
        tpu.vector_store %arg16[%parallel_loop3A_499, %parallel_loop3A_500, %parallel_loop3A_501], %parallel_loop3A_472 {strides = array<i32>} : memref<8x8x128xf32, #tpu.memory_space<vmem>>, vector<16xf32>,
        %parallel_loop3A_503 = tpu.vector_load_idx %arg12[%add3A_41, %parallel_loop3A_378] : memref<128x65xf32, #tpu.memory_space<vmem>>[vector<16xi32>, vector<16xi32>], vector<16xf32>,
        %parallel_loop3A_504 = arith.constant 8 : i32
        %parallel_loop3A_505 = arith.divsi %parallel_loop3A_377, %parallel_loop3A_504 : i32
        %parallel_loop3A_506 = arith.constant 0 : i32
        %parallel_loop3A_507 = arith.cmpi sgt, %parallel_loop3A_377, %parallel_loop3A_506 : i32
        %parallel_loop3A_508 = arith.extui %parallel_loop3A_507 : i1 to i32
        %parallel_loop3A_509 = arith.constant 0 : i32
        %parallel_loop3A_510 = arith.cmpi slt, %parallel_loop3A_377, %parallel_loop3A_509 : i32
        %parallel_loop3A_511 = arith.extui %parallel_loop3A_510 : i1 to i32
        %parallel_loop3A_512 = arith.subi %parallel_loop3A_508, %parallel_loop3A_511 : i32
        %parallel_loop3A_513 = arith.constant 0 : i32
        %parallel_loop3A_514 = arith.cmpi sgt, %parallel_loop3A_504, %parallel_loop3A_513 : i32
        %parallel_loop3A_515 = arith.extui %parallel_loop3A_514 : i1 to i32
        %parallel_loop3A_516 = arith.constant 0 : i32
        %parallel_loop3A_517 = arith.cmpi slt, %parallel_loop3A_504, %parallel_loop3A_516 : i32
        %parallel_loop3A_518 = arith.extui %parallel_loop3A_517 : i1 to i32
        %parallel_loop3A_519 = arith.subi %parallel_loop3A_515, %parallel_loop3A_518 : i32
        %parallel_loop3A_520 = arith.cmpi ne, %parallel_loop3A_512, %parallel_loop3A_519 : i32
        %parallel_loop3A_521 = arith.remsi %parallel_loop3A_377, %parallel_loop3A_504 : i32
        %parallel_loop3A_522 = arith.constant 0 : i32
        %parallel_loop3A_523 = arith.cmpi ne, %parallel_loop3A_521, %parallel_loop3A_522 : i32
        %parallel_loop3A_524 = arith.andi %parallel_loop3A_520, %parallel_loop3A_523 : i1
        %parallel_loop3A_525 = arith.constant 1 : i32
        %parallel_loop3A_526 = arith.subi %parallel_loop3A_505, %parallel_loop3A_525 : i32
        %parallel_loop3A_527 = arith.select %parallel_loop3A_524, %parallel_loop3A_526, %parallel_loop3A_505 : i32
        %parallel_loop3A_528 = arith.constant 8 : i32
        %parallel_loop3A_529 = arith.remsi %parallel_loop3A_377, %parallel_loop3A_528 : i32
        %parallel_loop3A_530 = arith.index_cast %parallel_loop3A_527 : i32 to index
        %parallel_loop3A_531 = arith.index_cast %parallel_loop3A_529 : i32 to index
        %parallel_loop3A_532 = arith.constant 64 : index
        %parallel_loop3A_533 = tpu.vector_load %arg16[%parallel_loop3A_530, %parallel_loop3A_531, %parallel_loop3A_532] {strides = array<i32>} : memref<8x8x128xf32, #tpu.memory_space<vmem>>, vector<16xf32>,
        tpu.vector_store %arg16[%parallel_loop3A_530, %parallel_loop3A_531, %parallel_loop3A_532], %parallel_loop3A_503 {strides = array<i32>} : memref<8x8x128xf32, #tpu.memory_space<vmem>>, vector<16xf32>,
        %parallel_loop3A_534 = tpu.vector_load_idx %arg12[%add3A_45, %parallel_loop3A_378] : memref<128x65xf32, #tpu.memory_space<vmem>>[vector<16xi32>, vector<16xi32>], vector<16xf32>,
        %parallel_loop3A_535 = arith.constant 8 : i32
        %parallel_loop3A_536 = arith.divsi %parallel_loop3A_377, %parallel_loop3A_535 : i32
        %parallel_loop3A_537 = arith.constant 0 : i32
        %parallel_loop3A_538 = arith.cmpi sgt, %parallel_loop3A_377, %parallel_loop3A_537 : i32
        %parallel_loop3A_539 = arith.extui %parallel_loop3A_538 : i1 to i32
        %parallel_loop3A_540 = arith.constant 0 : i32
        %parallel_loop3A_541 = arith.cmpi slt, %parallel_loop3A_377, %parallel_loop3A_540 : i32
        %parallel_loop3A_542 = arith.extui %parallel_loop3A_541 : i1 to i32
        %parallel_loop3A_543 = arith.subi %parallel_loop3A_539, %parallel_loop3A_542 : i32
        %parallel_loop3A_544 = arith.constant 0 : i32
        %parallel_loop3A_545 = arith.cmpi sgt, %parallel_loop3A_535, %parallel_loop3A_544 : i32
        %parallel_loop3A_546 = arith.extui %parallel_loop3A_545 : i1 to i32
        %parallel_loop3A_547 = arith.constant 0 : i32
        %parallel_loop3A_548 = arith.cmpi slt, %parallel_loop3A_535, %parallel_loop3A_547 : i32
        %parallel_loop3A_549 = arith.extui %parallel_loop3A_548 : i1 to i32
        %parallel_loop3A_550 = arith.subi %parallel_loop3A_546, %parallel_loop3A_549 : i32
        %parallel_loop3A_551 = arith.cmpi ne, %parallel_loop3A_543, %parallel_loop3A_550 : i32
        %parallel_loop3A_552 = arith.remsi %parallel_loop3A_377, %parallel_loop3A_535 : i32
        %parallel_loop3A_553 = arith.constant 0 : i32
        %parallel_loop3A_554 = arith.cmpi ne, %parallel_loop3A_552, %parallel_loop3A_553 : i32
        %parallel_loop3A_555 = arith.andi %parallel_loop3A_551, %parallel_loop3A_554 : i1
        %parallel_loop3A_556 = arith.constant 1 : i32
        %parallel_loop3A_557 = arith.subi %parallel_loop3A_536, %parallel_loop3A_556 : i32
        %parallel_loop3A_558 = arith.select %parallel_loop3A_555, %parallel_loop3A_557, %parallel_loop3A_536 : i32
        %parallel_loop3A_559 = arith.constant 8 : i32
        %parallel_loop3A_560 = arith.remsi %parallel_loop3A_377, %parallel_loop3A_559 : i32
        %parallel_loop3A_561 = arith.index_cast %parallel_loop3A_558 : i32 to index
        %parallel_loop3A_562 = arith.index_cast %parallel_loop3A_560 : i32 to index
        %parallel_loop3A_563 = arith.constant 80 : index
        %parallel_loop3A_564 = tpu.vector_load %arg16[%parallel_loop3A_561, %parallel_loop3A_562, %parallel_loop3A_563] {strides = array<i32>} : memref<8x8x128xf32, #tpu.memory_space<vmem>>, vector<16xf32>,
        tpu.vector_store %arg16[%parallel_loop3A_561, %parallel_loop3A_562, %parallel_loop3A_563], %parallel_loop3A_534 {strides = array<i32>} : memref<8x8x128xf32, #tpu.memory_space<vmem>>, vector<16xf32>,
        %parallel_loop3A_565 = tpu.vector_load_idx %arg12[%add3A_49, %parallel_loop3A_378] : memref<128x65xf32, #tpu.memory_space<vmem>>[vector<16xi32>, vector<16xi32>], vector<16xf32>,
        %parallel_loop3A_566 = arith.constant 8 : i32
        %parallel_loop3A_567 = arith.divsi %parallel_loop3A_377, %parallel_loop3A_566 : i32
        %parallel_loop3A_568 = arith.constant 0 : i32
        %parallel_loop3A_569 = arith.cmpi sgt, %parallel_loop3A_377, %parallel_loop3A_568 : i32
        %parallel_loop3A_570 = arith.extui %parallel_loop3A_569 : i1 to i32
        %parallel_loop3A_571 = arith.constant 0 : i32
        %parallel_loop3A_572 = arith.cmpi slt, %parallel_loop3A_377, %parallel_loop3A_571 : i32
        %parallel_loop3A_573 = arith.extui %parallel_loop3A_572 : i1 to i32
        %parallel_loop3A_574 = arith.subi %parallel_loop3A_570, %parallel_loop3A_573 : i32
        %parallel_loop3A_575 = arith.constant 0 : i32
        %parallel_loop3A_576 = arith.cmpi sgt, %parallel_loop3A_566, %parallel_loop3A_575 : i32
        %parallel_loop3A_577 = arith.extui %parallel_loop3A_576 : i1 to i32
        %parallel_loop3A_578 = arith.constant 0 : i32
        %parallel_loop3A_579 = arith.cmpi slt, %parallel_loop3A_566, %parallel_loop3A_578 : i32
        %parallel_loop3A_580 = arith.extui %parallel_loop3A_579 : i1 to i32
        %parallel_loop3A_581 = arith.subi %parallel_loop3A_577, %parallel_loop3A_580 : i32
        %parallel_loop3A_582 = arith.cmpi ne, %parallel_loop3A_574, %parallel_loop3A_581 : i32
        %parallel_loop3A_583 = arith.remsi %parallel_loop3A_377, %parallel_loop3A_566 : i32
        %parallel_loop3A_584 = arith.constant 0 : i32
        %parallel_loop3A_585 = arith.cmpi ne, %parallel_loop3A_583, %parallel_loop3A_584 : i32
        %parallel_loop3A_586 = arith.andi %parallel_loop3A_582, %parallel_loop3A_585 : i1
        %parallel_loop3A_587 = arith.constant 1 : i32
        %parallel_loop3A_588 = arith.subi %parallel_loop3A_567, %parallel_loop3A_587 : i32
        %parallel_loop3A_589 = arith.select %parallel_loop3A_586, %parallel_loop3A_588, %parallel_loop3A_567 : i32
        %parallel_loop3A_590 = arith.constant 8 : i32
        %parallel_loop3A_591 = arith.remsi %parallel_loop3A_377, %parallel_loop3A_590 : i32
        %parallel_loop3A_592 = arith.index_cast %parallel_loop3A_589 : i32 to index
        %parallel_loop3A_593 = arith.index_cast %parallel_loop3A_591 : i32 to index
        %parallel_loop3A_594 = arith.constant 96 : index
        %parallel_loop3A_595 = tpu.vector_load %arg16[%parallel_loop3A_592, %parallel_loop3A_593, %parallel_loop3A_594] {strides = array<i32>} : memref<8x8x128xf32, #tpu.memory_space<vmem>>, vector<16xf32>,
        tpu.vector_store %arg16[%parallel_loop3A_592, %parallel_loop3A_593, %parallel_loop3A_594], %parallel_loop3A_565 {strides = array<i32>} : memref<8x8x128xf32, #tpu.memory_space<vmem>>, vector<16xf32>,
        %parallel_loop3A_596 = tpu.vector_load_idx %arg12[%add3A_53, %parallel_loop3A_378] : memref<128x65xf32, #tpu.memory_space<vmem>>[vector<16xi32>, vector<16xi32>], vector<16xf32>,
        %parallel_loop3A_597 = arith.constant 8 : i32
        %parallel_loop3A_598 = arith.divsi %parallel_loop3A_377, %parallel_loop3A_597 : i32
        %parallel_loop3A_599 = arith.constant 0 : i32
        %parallel_loop3A_600 = arith.cmpi sgt, %parallel_loop3A_377, %parallel_loop3A_599 : i32
        %parallel_loop3A_601 = arith.extui %parallel_loop3A_600 : i1 to i32
        %parallel_loop3A_602 = arith.constant 0 : i32
        %parallel_loop3A_603 = arith.cmpi slt, %parallel_loop3A_377, %parallel_loop3A_602 : i32
        %parallel_loop3A_604 = arith.extui %parallel_loop3A_603 : i1 to i32
        %parallel_loop3A_605 = arith.subi %parallel_loop3A_601, %parallel_loop3A_604 : i32
        %parallel_loop3A_606 = arith.constant 0 : i32
        %parallel_loop3A_607 = arith.cmpi sgt, %parallel_loop3A_597, %parallel_loop3A_606 : i32
        %parallel_loop3A_608 = arith.extui %parallel_loop3A_607 : i1 to i32
        %parallel_loop3A_609 = arith.constant 0 : i32
        %parallel_loop3A_610 = arith.cmpi slt, %parallel_loop3A_597, %parallel_loop3A_609 : i32
        %parallel_loop3A_611 = arith.extui %parallel_loop3A_610 : i1 to i32
        %parallel_loop3A_612 = arith.subi %parallel_loop3A_608, %parallel_loop3A_611 : i32
        %parallel_loop3A_613 = arith.cmpi ne, %parallel_loop3A_605, %parallel_loop3A_612 : i32
        %parallel_loop3A_614 = arith.remsi %parallel_loop3A_377, %parallel_loop3A_597 : i32
        %parallel_loop3A_615 = arith.constant 0 : i32
        %parallel_loop3A_616 = arith.cmpi ne, %parallel_loop3A_614, %parallel_loop3A_615 : i32
        %parallel_loop3A_617 = arith.andi %parallel_loop3A_613, %parallel_loop3A_616 : i1
        %parallel_loop3A_618 = arith.constant 1 : i32
        %parallel_loop3A_619 = arith.subi %parallel_loop3A_598, %parallel_loop3A_618 : i32
        %parallel_loop3A_620 = arith.select %parallel_loop3A_617, %parallel_loop3A_619, %parallel_loop3A_598 : i32
        %parallel_loop3A_621 = arith.constant 8 : i32
        %parallel_loop3A_622 = arith.remsi %parallel_loop3A_377, %parallel_loop3A_621 : i32
        %parallel_loop3A_623 = arith.index_cast %parallel_loop3A_620 : i32 to index
        %parallel_loop3A_624 = arith.index_cast %parallel_loop3A_622 : i32 to index
        %parallel_loop3A_625 = arith.constant 112 : index
        %parallel_loop3A_626 = tpu.vector_load %arg16[%parallel_loop3A_623, %parallel_loop3A_624, %parallel_loop3A_625] {strides = array<i32>} : memref<8x8x128xf32, #tpu.memory_space<vmem>>, vector<16xf32>,
        tpu.vector_store %arg16[%parallel_loop3A_623, %parallel_loop3A_624, %parallel_loop3A_625], %parallel_loop3A_596 {strides = array<i32>} : memref<8x8x128xf32, #tpu.memory_space<vmem>>, vector<16xf32>,
      } {sc.loop_unroll_factor = 8 : i64, sc.parallel_access}
      %add3A_366 = arith.addi %mul3A_22, %add3A_333 : i32
      %dma_start3A_367 = arith.constant 0 : i32
      %dma_start3A_368 = arith.constant 0 : i32
      %dma_start3A_369 = arith.constant 0 : i32
      %dma_start3A_370 = tpu.memref_slice %arg5[%add3A_366, %dma_start3A_367, %rem3A_1, %dma_start3A_368, %dma_start3A_369] : memref<200x8x8x8x128xf32, #tpu.memory_space<hbm>> -> memref<1x8x1x8x128xf32, #tpu.memory_space<hbm>>
      %dma_start3A_371 = tpu.memref_squeeze %dma_start3A_370 : memref<1x8x1x8x128xf32, #tpu.memory_space<hbm>> -> memref<8x8x128xf32, #tpu.memory_space<hbm>>
      %dma_start3A_372 = arith.constant 0 : i32
      %dma_start3A_373 = arith.constant 0 : i32
      %dma_start3A_374 = arith.constant 0 : i32
      %dma_start3A_375 = tpu.memref_slice %arg5[%add3A_366, %dma_start3A_372, %rem3A_1, %dma_start3A_373, %dma_start3A_374] : memref<200x8x8x8x128xf32, #tpu.memory_space<hbm>> -> memref<1x8x1x8x128xf32, #tpu.memory_space<hbm>>
      %dma_start3A_376 = tpu.memref_squeeze %dma_start3A_375 : memref<1x8x1x8x128xf32, #tpu.memory_space<hbm>> -> memref<8x8x128xf32, #tpu.memory_space<hbm>>
      tpu.enqueue_dma source(%arg16 : memref<8x8x128xf32, #tpu.memory_space<vmem>>) target(%dma_start3A_376 : memref<8x8x128xf32, #tpu.memory_space<hbm>>) target_semaphore(%arg24 : memref<!tpu.dma_semaphore, #tpu.memory_space<semaphore_mem>>)
    }
    %scan3A_71 = arith.constant 12 : i32
    %dma_wait3A = arith.constant 0 : i32
    %dma_wait3A_72 = arith.constant 0 : i32
    %dma_wait3A_73 = tpu.memref_slice %arg6[%dma_wait3A, %dma_wait3A_72] : memref<50x128xi32, #tpu.memory_space<vmem>> -> memref<1x128xi32, #tpu.memory_space<vmem>>
    %dma_wait3A_74 = tpu.memref_squeeze %dma_wait3A_73 : memref<1x128xi32, #tpu.memory_space<vmem>> -> memref<128xi32, #tpu.memory_space<vmem>>
    %dma_wait3A_75 = arith.constant 0 : i32
    %dma_wait3A_76 = arith.constant 0 : i32
    %dma_wait3A_77 = tpu.memref_slice %arg3[%dma_wait3A_75, %dma_wait3A_76] : memref<100000x64xf32, #tpu.memory_space<hbm>> -> memref<100000x64xf32, #tpu.memory_space<hbm>>
    tpu.wait_indirect_dma semaphore(%arg17 : memref<!tpu.dma_semaphore, #tpu.memory_space<semaphore_mem>>) src(%dma_wait3A_77 : memref<100000x64xf32, #tpu.memory_space<hbm>>) dst(%arg8 : memref<128x64xf32, #tpu.memory_space<vmem>>)
    %get3A = arith.constant 48 : i32
    %get3A_78 = arith.index_cast %get3A : i32 to index
    %get3A_79 = arith.constant 0 : index
    %get3A_80 = tpu.vector_load %arg7[%get3A_78, %get3A_79] {strides = array<i32>} : memref<50x64xf32, #tpu.memory_space<vmem>>, vector<16xf32>,
    %get3A_81 = arith.constant 48 : i32
    %get3A_82 = arith.index_cast %get3A_81 : i32 to index
    %get3A_83 = arith.constant 16 : index
    %get3A_84 = tpu.vector_load %arg7[%get3A_82, %get3A_83] {strides = array<i32>} : memref<50x64xf32, #tpu.memory_space<vmem>>, vector<16xf32>,
    %get3A_85 = arith.constant 48 : i32
    %get3A_86 = arith.index_cast %get3A_85 : i32 to index
    %get3A_87 = arith.constant 32 : index
    %get3A_88 = tpu.vector_load %arg7[%get3A_86, %get3A_87] {strides = array<i32>} : memref<50x64xf32, #tpu.memory_space<vmem>>, vector<16xf32>,
    %get3A_89 = arith.constant 48 : i32
    %get3A_90 = arith.index_cast %get3A_89 : i32 to index
    %get3A_91 = arith.constant 48 : index
    %get3A_92 = tpu.vector_load %arg7[%get3A_90, %get3A_91] {strides = array<i32>} : memref<50x64xf32, #tpu.memory_space<vmem>>, vector<16xf32>,
    %parallel_loop3A = arith.constant 0 : i32
    %parallel_loop3A_93 = arith.constant 128 : i32
    %parallel_loop3A_94 = arith.constant 1 : i32
    scf.for %parallel_loop3A_191 = %parallel_loop3A to %parallel_loop3A_93 step %parallel_loop3A_94  : i32 {
      %parallel_loop3A_192 = arith.index_cast %parallel_loop3A_191 : i32 to index
      %parallel_loop3A_193 = arith.constant 0 : index
      %parallel_loop3A_194 = tpu.vector_load %arg8[%parallel_loop3A_192, %parallel_loop3A_193] {strides = array<i32>} : memref<128x64xf32, #tpu.memory_space<vmem>>, vector<16xf32>,
      %parallel_loop3A_195 = arith.addf %parallel_loop3A_194, %get3A_80 : vector<16xf32>
      %parallel_loop3A_196 = arith.index_cast %parallel_loop3A_191 : i32 to index
      %parallel_loop3A_197 = arith.constant 0 : index
      %parallel_loop3A_198 = tpu.vector_load %arg12[%parallel_loop3A_196, %parallel_loop3A_197] {strides = array<i32>} : memref<128x65xf32, #tpu.memory_space<vmem>>, vector<16xf32>,
      tpu.vector_store %arg12[%parallel_loop3A_196, %parallel_loop3A_197], %parallel_loop3A_195 {strides = array<i32>} : memref<128x65xf32, #tpu.memory_space<vmem>>, vector<16xf32>,
      %parallel_loop3A_199 = arith.index_cast %parallel_loop3A_191 : i32 to index
      %parallel_loop3A_200 = arith.constant 16 : index
      %parallel_loop3A_201 = tpu.vector_load %arg8[%parallel_loop3A_199, %parallel_loop3A_200] {strides = array<i32>} : memref<128x64xf32, #tpu.memory_space<vmem>>, vector<16xf32>,
      %parallel_loop3A_202 = arith.addf %parallel_loop3A_201, %get3A_84 : vector<16xf32>
      %parallel_loop3A_203 = arith.index_cast %parallel_loop3A_191 : i32 to index
      %parallel_loop3A_204 = arith.constant 16 : index
      %parallel_loop3A_205 = tpu.vector_load %arg12[%parallel_loop3A_203, %parallel_loop3A_204] {strides = array<i32>} : memref<128x65xf32, #tpu.memory_space<vmem>>, vector<16xf32>,
      tpu.vector_store %arg12[%parallel_loop3A_203, %parallel_loop3A_204], %parallel_loop3A_202 {strides = array<i32>} : memref<128x65xf32, #tpu.memory_space<vmem>>, vector<16xf32>,
      %parallel_loop3A_206 = arith.index_cast %parallel_loop3A_191 : i32 to index
      %parallel_loop3A_207 = arith.constant 32 : index
      %parallel_loop3A_208 = tpu.vector_load %arg8[%parallel_loop3A_206, %parallel_loop3A_207] {strides = array<i32>} : memref<128x64xf32, #tpu.memory_space<vmem>>, vector<16xf32>,
      %parallel_loop3A_209 = arith.addf %parallel_loop3A_208, %get3A_88 : vector<16xf32>
      %parallel_loop3A_210 = arith.index_cast %parallel_loop3A_191 : i32 to index
      %parallel_loop3A_211 = arith.constant 32 : index
      %parallel_loop3A_212 = tpu.vector_load %arg12[%parallel_loop3A_210, %parallel_loop3A_211] {strides = array<i32>} : memref<128x65xf32, #tpu.memory_space<vmem>>, vector<16xf32>,
      tpu.vector_store %arg12[%parallel_loop3A_210, %parallel_loop3A_211], %parallel_loop3A_209 {strides = array<i32>} : memref<128x65xf32, #tpu.memory_space<vmem>>, vector<16xf32>,
      %parallel_loop3A_213 = arith.index_cast %parallel_loop3A_191 : i32 to index
      %parallel_loop3A_214 = arith.constant 48 : index
      %parallel_loop3A_215 = tpu.vector_load %arg8[%parallel_loop3A_213, %parallel_loop3A_214] {strides = array<i32>} : memref<128x64xf32, #tpu.memory_space<vmem>>, vector<16xf32>,
      %parallel_loop3A_216 = arith.addf %parallel_loop3A_215, %get3A_92 : vector<16xf32>
      %parallel_loop3A_217 = arith.index_cast %parallel_loop3A_191 : i32 to index
      %parallel_loop3A_218 = arith.constant 48 : index
      %parallel_loop3A_219 = tpu.vector_load %arg12[%parallel_loop3A_217, %parallel_loop3A_218] {strides = array<i32>} : memref<128x65xf32, #tpu.memory_space<vmem>>, vector<16xf32>,
      tpu.vector_store %arg12[%parallel_loop3A_217, %parallel_loop3A_218], %parallel_loop3A_216 {strides = array<i32>} : memref<128x65xf32, #tpu.memory_space<vmem>>, vector<16xf32>,
    } {sc.loop_unroll_factor = 8 : i64, sc.parallel_access}
    %parallel_loop3A_95 = arith.constant 0 : i32
    %parallel_loop3A_96 = arith.constant 64 : i32
    %parallel_loop3A_97 = arith.constant 1 : i32
    scf.for %parallel_loop3A_191 = %parallel_loop3A_95 to %parallel_loop3A_96 step %parallel_loop3A_97  : i32 {
      %parallel_loop3A_192 = vector.broadcast %parallel_loop3A_191 : i32 to vector<16xi32>
      %parallel_loop3A_193 = tpu.vector_load_idx %arg12[%add3A_25, %parallel_loop3A_192] : memref<128x65xf32, #tpu.memory_space<vmem>>[vector<16xi32>, vector<16xi32>], vector<16xf32>,
      %parallel_loop3A_194 = arith.constant 8 : i32
      %parallel_loop3A_195 = arith.divsi %parallel_loop3A_191, %parallel_loop3A_194 : i32
      %parallel_loop3A_196 = arith.constant 0 : i32
      %parallel_loop3A_197 = arith.cmpi sgt, %parallel_loop3A_191, %parallel_loop3A_196 : i32
      %parallel_loop3A_198 = arith.extui %parallel_loop3A_197 : i1 to i32
      %parallel_loop3A_199 = arith.constant 0 : i32
      %parallel_loop3A_200 = arith.cmpi slt, %parallel_loop3A_191, %parallel_loop3A_199 : i32
      %parallel_loop3A_201 = arith.extui %parallel_loop3A_200 : i1 to i32
      %parallel_loop3A_202 = arith.subi %parallel_loop3A_198, %parallel_loop3A_201 : i32
      %parallel_loop3A_203 = arith.constant 0 : i32
      %parallel_loop3A_204 = arith.cmpi sgt, %parallel_loop3A_194, %parallel_loop3A_203 : i32
      %parallel_loop3A_205 = arith.extui %parallel_loop3A_204 : i1 to i32
      %parallel_loop3A_206 = arith.constant 0 : i32
      %parallel_loop3A_207 = arith.cmpi slt, %parallel_loop3A_194, %parallel_loop3A_206 : i32
      %parallel_loop3A_208 = arith.extui %parallel_loop3A_207 : i1 to i32
      %parallel_loop3A_209 = arith.subi %parallel_loop3A_205, %parallel_loop3A_208 : i32
      %parallel_loop3A_210 = arith.cmpi ne, %parallel_loop3A_202, %parallel_loop3A_209 : i32
      %parallel_loop3A_211 = arith.remsi %parallel_loop3A_191, %parallel_loop3A_194 : i32
      %parallel_loop3A_212 = arith.constant 0 : i32
      %parallel_loop3A_213 = arith.cmpi ne, %parallel_loop3A_211, %parallel_loop3A_212 : i32
      %parallel_loop3A_214 = arith.andi %parallel_loop3A_210, %parallel_loop3A_213 : i1
      %parallel_loop3A_215 = arith.constant 1 : i32
      %parallel_loop3A_216 = arith.subi %parallel_loop3A_195, %parallel_loop3A_215 : i32
      %parallel_loop3A_217 = arith.select %parallel_loop3A_214, %parallel_loop3A_216, %parallel_loop3A_195 : i32
      %parallel_loop3A_218 = arith.constant 8 : i32
      %parallel_loop3A_219 = arith.remsi %parallel_loop3A_191, %parallel_loop3A_218 : i32
      %parallel_loop3A_220 = arith.index_cast %parallel_loop3A_217 : i32 to index
      %parallel_loop3A_221 = arith.index_cast %parallel_loop3A_219 : i32 to index
      %parallel_loop3A_222 = arith.constant 0 : index
      %parallel_loop3A_223 = tpu.vector_load %arg13[%parallel_loop3A_220, %parallel_loop3A_221, %parallel_loop3A_222] {strides = array<i32>} : memref<8x8x128xf32, #tpu.memory_space<vmem>>, vector<16xf32>,
      tpu.vector_store %arg13[%parallel_loop3A_220, %parallel_loop3A_221, %parallel_loop3A_222], %parallel_loop3A_193 {strides = array<i32>} : memref<8x8x128xf32, #tpu.memory_space<vmem>>, vector<16xf32>,
      %parallel_loop3A_224 = tpu.vector_load_idx %arg12[%add3A_29, %parallel_loop3A_192] : memref<128x65xf32, #tpu.memory_space<vmem>>[vector<16xi32>, vector<16xi32>], vector<16xf32>,
      %parallel_loop3A_225 = arith.constant 8 : i32
      %parallel_loop3A_226 = arith.divsi %parallel_loop3A_191, %parallel_loop3A_225 : i32
      %parallel_loop3A_227 = arith.constant 0 : i32
      %parallel_loop3A_228 = arith.cmpi sgt, %parallel_loop3A_191, %parallel_loop3A_227 : i32
      %parallel_loop3A_229 = arith.extui %parallel_loop3A_228 : i1 to i32
      %parallel_loop3A_230 = arith.constant 0 : i32
      %parallel_loop3A_231 = arith.cmpi slt, %parallel_loop3A_191, %parallel_loop3A_230 : i32
      %parallel_loop3A_232 = arith.extui %parallel_loop3A_231 : i1 to i32
      %parallel_loop3A_233 = arith.subi %parallel_loop3A_229, %parallel_loop3A_232 : i32
      %parallel_loop3A_234 = arith.constant 0 : i32
      %parallel_loop3A_235 = arith.cmpi sgt, %parallel_loop3A_225, %parallel_loop3A_234 : i32
      %parallel_loop3A_236 = arith.extui %parallel_loop3A_235 : i1 to i32
      %parallel_loop3A_237 = arith.constant 0 : i32
      %parallel_loop3A_238 = arith.cmpi slt, %parallel_loop3A_225, %parallel_loop3A_237 : i32
      %parallel_loop3A_239 = arith.extui %parallel_loop3A_238 : i1 to i32
      %parallel_loop3A_240 = arith.subi %parallel_loop3A_236, %parallel_loop3A_239 : i32
      %parallel_loop3A_241 = arith.cmpi ne, %parallel_loop3A_233, %parallel_loop3A_240 : i32
      %parallel_loop3A_242 = arith.remsi %parallel_loop3A_191, %parallel_loop3A_225 : i32
      %parallel_loop3A_243 = arith.constant 0 : i32
      %parallel_loop3A_244 = arith.cmpi ne, %parallel_loop3A_242, %parallel_loop3A_243 : i32
      %parallel_loop3A_245 = arith.andi %parallel_loop3A_241, %parallel_loop3A_244 : i1
      %parallel_loop3A_246 = arith.constant 1 : i32
      %parallel_loop3A_247 = arith.subi %parallel_loop3A_226, %parallel_loop3A_246 : i32
      %parallel_loop3A_248 = arith.select %parallel_loop3A_245, %parallel_loop3A_247, %parallel_loop3A_226 : i32
      %parallel_loop3A_249 = arith.constant 8 : i32
      %parallel_loop3A_250 = arith.remsi %parallel_loop3A_191, %parallel_loop3A_249 : i32
      %parallel_loop3A_251 = arith.index_cast %parallel_loop3A_248 : i32 to index
      %parallel_loop3A_252 = arith.index_cast %parallel_loop3A_250 : i32 to index
      %parallel_loop3A_253 = arith.constant 16 : index
      %parallel_loop3A_254 = tpu.vector_load %arg13[%parallel_loop3A_251, %parallel_loop3A_252, %parallel_loop3A_253] {strides = array<i32>} : memref<8x8x128xf32, #tpu.memory_space<vmem>>, vector<16xf32>,
      tpu.vector_store %arg13[%parallel_loop3A_251, %parallel_loop3A_252, %parallel_loop3A_253], %parallel_loop3A_224 {strides = array<i32>} : memref<8x8x128xf32, #tpu.memory_space<vmem>>, vector<16xf32>,
      %parallel_loop3A_255 = tpu.vector_load_idx %arg12[%add3A_33, %parallel_loop3A_192] : memref<128x65xf32, #tpu.memory_space<vmem>>[vector<16xi32>, vector<16xi32>], vector<16xf32>,
      %parallel_loop3A_256 = arith.constant 8 : i32
      %parallel_loop3A_257 = arith.divsi %parallel_loop3A_191, %parallel_loop3A_256 : i32
      %parallel_loop3A_258 = arith.constant 0 : i32
      %parallel_loop3A_259 = arith.cmpi sgt, %parallel_loop3A_191, %parallel_loop3A_258 : i32
      %parallel_loop3A_260 = arith.extui %parallel_loop3A_259 : i1 to i32
      %parallel_loop3A_261 = arith.constant 0 : i32
      %parallel_loop3A_262 = arith.cmpi slt, %parallel_loop3A_191, %parallel_loop3A_261 : i32
      %parallel_loop3A_263 = arith.extui %parallel_loop3A_262 : i1 to i32
      %parallel_loop3A_264 = arith.subi %parallel_loop3A_260, %parallel_loop3A_263 : i32
      %parallel_loop3A_265 = arith.constant 0 : i32
      %parallel_loop3A_266 = arith.cmpi sgt, %parallel_loop3A_256, %parallel_loop3A_265 : i32
      %parallel_loop3A_267 = arith.extui %parallel_loop3A_266 : i1 to i32
      %parallel_loop3A_268 = arith.constant 0 : i32
      %parallel_loop3A_269 = arith.cmpi slt, %parallel_loop3A_256, %parallel_loop3A_268 : i32
      %parallel_loop3A_270 = arith.extui %parallel_loop3A_269 : i1 to i32
      %parallel_loop3A_271 = arith.subi %parallel_loop3A_267, %parallel_loop3A_270 : i32
      %parallel_loop3A_272 = arith.cmpi ne, %parallel_loop3A_264, %parallel_loop3A_271 : i32
      %parallel_loop3A_273 = arith.remsi %parallel_loop3A_191, %parallel_loop3A_256 : i32
      %parallel_loop3A_274 = arith.constant 0 : i32
      %parallel_loop3A_275 = arith.cmpi ne, %parallel_loop3A_273, %parallel_loop3A_274 : i32
      %parallel_loop3A_276 = arith.andi %parallel_loop3A_272, %parallel_loop3A_275 : i1
      %parallel_loop3A_277 = arith.constant 1 : i32
      %parallel_loop3A_278 = arith.subi %parallel_loop3A_257, %parallel_loop3A_277 : i32
      %parallel_loop3A_279 = arith.select %parallel_loop3A_276, %parallel_loop3A_278, %parallel_loop3A_257 : i32
      %parallel_loop3A_280 = arith.constant 8 : i32
      %parallel_loop3A_281 = arith.remsi %parallel_loop3A_191, %parallel_loop3A_280 : i32
      %parallel_loop3A_282 = arith.index_cast %parallel_loop3A_279 : i32 to index
      %parallel_loop3A_283 = arith.index_cast %parallel_loop3A_281 : i32 to index
      %parallel_loop3A_284 = arith.constant 32 : index
      %parallel_loop3A_285 = tpu.vector_load %arg13[%parallel_loop3A_282, %parallel_loop3A_283, %parallel_loop3A_284] {strides = array<i32>} : memref<8x8x128xf32, #tpu.memory_space<vmem>>, vector<16xf32>,
      tpu.vector_store %arg13[%parallel_loop3A_282, %parallel_loop3A_283, %parallel_loop3A_284], %parallel_loop3A_255 {strides = array<i32>} : memref<8x8x128xf32, #tpu.memory_space<vmem>>, vector<16xf32>,
      %parallel_loop3A_286 = tpu.vector_load_idx %arg12[%add3A_37, %parallel_loop3A_192] : memref<128x65xf32, #tpu.memory_space<vmem>>[vector<16xi32>, vector<16xi32>], vector<16xf32>,
      %parallel_loop3A_287 = arith.constant 8 : i32
      %parallel_loop3A_288 = arith.divsi %parallel_loop3A_191, %parallel_loop3A_287 : i32
      %parallel_loop3A_289 = arith.constant 0 : i32
      %parallel_loop3A_290 = arith.cmpi sgt, %parallel_loop3A_191, %parallel_loop3A_289 : i32
      %parallel_loop3A_291 = arith.extui %parallel_loop3A_290 : i1 to i32
      %parallel_loop3A_292 = arith.constant 0 : i32
      %parallel_loop3A_293 = arith.cmpi slt, %parallel_loop3A_191, %parallel_loop3A_292 : i32
      %parallel_loop3A_294 = arith.extui %parallel_loop3A_293 : i1 to i32
      %parallel_loop3A_295 = arith.subi %parallel_loop3A_291, %parallel_loop3A_294 : i32
      %parallel_loop3A_296 = arith.constant 0 : i32
      %parallel_loop3A_297 = arith.cmpi sgt, %parallel_loop3A_287, %parallel_loop3A_296 : i32
      %parallel_loop3A_298 = arith.extui %parallel_loop3A_297 : i1 to i32
      %parallel_loop3A_299 = arith.constant 0 : i32
      %parallel_loop3A_300 = arith.cmpi slt, %parallel_loop3A_287, %parallel_loop3A_299 : i32
      %parallel_loop3A_301 = arith.extui %parallel_loop3A_300 : i1 to i32
      %parallel_loop3A_302 = arith.subi %parallel_loop3A_298, %parallel_loop3A_301 : i32
      %parallel_loop3A_303 = arith.cmpi ne, %parallel_loop3A_295, %parallel_loop3A_302 : i32
      %parallel_loop3A_304 = arith.remsi %parallel_loop3A_191, %parallel_loop3A_287 : i32
      %parallel_loop3A_305 = arith.constant 0 : i32
      %parallel_loop3A_306 = arith.cmpi ne, %parallel_loop3A_304, %parallel_loop3A_305 : i32
      %parallel_loop3A_307 = arith.andi %parallel_loop3A_303, %parallel_loop3A_306 : i1
      %parallel_loop3A_308 = arith.constant 1 : i32
      %parallel_loop3A_309 = arith.subi %parallel_loop3A_288, %parallel_loop3A_308 : i32
      %parallel_loop3A_310 = arith.select %parallel_loop3A_307, %parallel_loop3A_309, %parallel_loop3A_288 : i32
      %parallel_loop3A_311 = arith.constant 8 : i32
      %parallel_loop3A_312 = arith.remsi %parallel_loop3A_191, %parallel_loop3A_311 : i32
      %parallel_loop3A_313 = arith.index_cast %parallel_loop3A_310 : i32 to index
      %parallel_loop3A_314 = arith.index_cast %parallel_loop3A_312 : i32 to index
      %parallel_loop3A_315 = arith.constant 48 : index
      %parallel_loop3A_316 = tpu.vector_load %arg13[%parallel_loop3A_313, %parallel_loop3A_314, %parallel_loop3A_315] {strides = array<i32>} : memref<8x8x128xf32, #tpu.memory_space<vmem>>, vector<16xf32>,
      tpu.vector_store %arg13[%parallel_loop3A_313, %parallel_loop3A_314, %parallel_loop3A_315], %parallel_loop3A_286 {strides = array<i32>} : memref<8x8x128xf32, #tpu.memory_space<vmem>>, vector<16xf32>,
      %parallel_loop3A_317 = tpu.vector_load_idx %arg12[%add3A_41, %parallel_loop3A_192] : memref<128x65xf32, #tpu.memory_space<vmem>>[vector<16xi32>, vector<16xi32>], vector<16xf32>,
      %parallel_loop3A_318 = arith.constant 8 : i32
      %parallel_loop3A_319 = arith.divsi %parallel_loop3A_191, %parallel_loop3A_318 : i32
      %parallel_loop3A_320 = arith.constant 0 : i32
      %parallel_loop3A_321 = arith.cmpi sgt, %parallel_loop3A_191, %parallel_loop3A_320 : i32
      %parallel_loop3A_322 = arith.extui %parallel_loop3A_321 : i1 to i32
      %parallel_loop3A_323 = arith.constant 0 : i32
      %parallel_loop3A_324 = arith.cmpi slt, %parallel_loop3A_191, %parallel_loop3A_323 : i32
      %parallel_loop3A_325 = arith.extui %parallel_loop3A_324 : i1 to i32
      %parallel_loop3A_326 = arith.subi %parallel_loop3A_322, %parallel_loop3A_325 : i32
      %parallel_loop3A_327 = arith.constant 0 : i32
      %parallel_loop3A_328 = arith.cmpi sgt, %parallel_loop3A_318, %parallel_loop3A_327 : i32
      %parallel_loop3A_329 = arith.extui %parallel_loop3A_328 : i1 to i32
      %parallel_loop3A_330 = arith.constant 0 : i32
      %parallel_loop3A_331 = arith.cmpi slt, %parallel_loop3A_318, %parallel_loop3A_330 : i32
      %parallel_loop3A_332 = arith.extui %parallel_loop3A_331 : i1 to i32
      %parallel_loop3A_333 = arith.subi %parallel_loop3A_329, %parallel_loop3A_332 : i32
      %parallel_loop3A_334 = arith.cmpi ne, %parallel_loop3A_326, %parallel_loop3A_333 : i32
      %parallel_loop3A_335 = arith.remsi %parallel_loop3A_191, %parallel_loop3A_318 : i32
      %parallel_loop3A_336 = arith.constant 0 : i32
      %parallel_loop3A_337 = arith.cmpi ne, %parallel_loop3A_335, %parallel_loop3A_336 : i32
      %parallel_loop3A_338 = arith.andi %parallel_loop3A_334, %parallel_loop3A_337 : i1
      %parallel_loop3A_339 = arith.constant 1 : i32
      %parallel_loop3A_340 = arith.subi %parallel_loop3A_319, %parallel_loop3A_339 : i32
      %parallel_loop3A_341 = arith.select %parallel_loop3A_338, %parallel_loop3A_340, %parallel_loop3A_319 : i32
      %parallel_loop3A_342 = arith.constant 8 : i32
      %parallel_loop3A_343 = arith.remsi %parallel_loop3A_191, %parallel_loop3A_342 : i32
      %parallel_loop3A_344 = arith.index_cast %parallel_loop3A_341 : i32 to index
      %parallel_loop3A_345 = arith.index_cast %parallel_loop3A_343 : i32 to index
      %parallel_loop3A_346 = arith.constant 64 : index
      %parallel_loop3A_347 = tpu.vector_load %arg13[%parallel_loop3A_344, %parallel_loop3A_345, %parallel_loop3A_346] {strides = array<i32>} : memref<8x8x128xf32, #tpu.memory_space<vmem>>, vector<16xf32>,
      tpu.vector_store %arg13[%parallel_loop3A_344, %parallel_loop3A_345, %parallel_loop3A_346], %parallel_loop3A_317 {strides = array<i32>} : memref<8x8x128xf32, #tpu.memory_space<vmem>>, vector<16xf32>,
      %parallel_loop3A_348 = tpu.vector_load_idx %arg12[%add3A_45, %parallel_loop3A_192] : memref<128x65xf32, #tpu.memory_space<vmem>>[vector<16xi32>, vector<16xi32>], vector<16xf32>,
      %parallel_loop3A_349 = arith.constant 8 : i32
      %parallel_loop3A_350 = arith.divsi %parallel_loop3A_191, %parallel_loop3A_349 : i32
      %parallel_loop3A_351 = arith.constant 0 : i32
      %parallel_loop3A_352 = arith.cmpi sgt, %parallel_loop3A_191, %parallel_loop3A_351 : i32
      %parallel_loop3A_353 = arith.extui %parallel_loop3A_352 : i1 to i32
      %parallel_loop3A_354 = arith.constant 0 : i32
      %parallel_loop3A_355 = arith.cmpi slt, %parallel_loop3A_191, %parallel_loop3A_354 : i32
      %parallel_loop3A_356 = arith.extui %parallel_loop3A_355 : i1 to i32
      %parallel_loop3A_357 = arith.subi %parallel_loop3A_353, %parallel_loop3A_356 : i32
      %parallel_loop3A_358 = arith.constant 0 : i32
      %parallel_loop3A_359 = arith.cmpi sgt, %parallel_loop3A_349, %parallel_loop3A_358 : i32
      %parallel_loop3A_360 = arith.extui %parallel_loop3A_359 : i1 to i32
      %parallel_loop3A_361 = arith.constant 0 : i32
      %parallel_loop3A_362 = arith.cmpi slt, %parallel_loop3A_349, %parallel_loop3A_361 : i32
      %parallel_loop3A_363 = arith.extui %parallel_loop3A_362 : i1 to i32
      %parallel_loop3A_364 = arith.subi %parallel_loop3A_360, %parallel_loop3A_363 : i32
      %parallel_loop3A_365 = arith.cmpi ne, %parallel_loop3A_357, %parallel_loop3A_364 : i32
      %parallel_loop3A_366 = arith.remsi %parallel_loop3A_191, %parallel_loop3A_349 : i32
      %parallel_loop3A_367 = arith.constant 0 : i32
      %parallel_loop3A_368 = arith.cmpi ne, %parallel_loop3A_366, %parallel_loop3A_367 : i32
      %parallel_loop3A_369 = arith.andi %parallel_loop3A_365, %parallel_loop3A_368 : i1
      %parallel_loop3A_370 = arith.constant 1 : i32
      %parallel_loop3A_371 = arith.subi %parallel_loop3A_350, %parallel_loop3A_370 : i32
      %parallel_loop3A_372 = arith.select %parallel_loop3A_369, %parallel_loop3A_371, %parallel_loop3A_350 : i32
      %parallel_loop3A_373 = arith.constant 8 : i32
      %parallel_loop3A_374 = arith.remsi %parallel_loop3A_191, %parallel_loop3A_373 : i32
      %parallel_loop3A_375 = arith.index_cast %parallel_loop3A_372 : i32 to index
      %parallel_loop3A_376 = arith.index_cast %parallel_loop3A_374 : i32 to index
      %parallel_loop3A_377 = arith.constant 80 : index
      %parallel_loop3A_378 = tpu.vector_load %arg13[%parallel_loop3A_375, %parallel_loop3A_376, %parallel_loop3A_377] {strides = array<i32>} : memref<8x8x128xf32, #tpu.memory_space<vmem>>, vector<16xf32>,
      tpu.vector_store %arg13[%parallel_loop3A_375, %parallel_loop3A_376, %parallel_loop3A_377], %parallel_loop3A_348 {strides = array<i32>} : memref<8x8x128xf32, #tpu.memory_space<vmem>>, vector<16xf32>,
      %parallel_loop3A_379 = tpu.vector_load_idx %arg12[%add3A_49, %parallel_loop3A_192] : memref<128x65xf32, #tpu.memory_space<vmem>>[vector<16xi32>, vector<16xi32>], vector<16xf32>,
      %parallel_loop3A_380 = arith.constant 8 : i32
      %parallel_loop3A_381 = arith.divsi %parallel_loop3A_191, %parallel_loop3A_380 : i32
      %parallel_loop3A_382 = arith.constant 0 : i32
      %parallel_loop3A_383 = arith.cmpi sgt, %parallel_loop3A_191, %parallel_loop3A_382 : i32
      %parallel_loop3A_384 = arith.extui %parallel_loop3A_383 : i1 to i32
      %parallel_loop3A_385 = arith.constant 0 : i32
      %parallel_loop3A_386 = arith.cmpi slt, %parallel_loop3A_191, %parallel_loop3A_385 : i32
      %parallel_loop3A_387 = arith.extui %parallel_loop3A_386 : i1 to i32
      %parallel_loop3A_388 = arith.subi %parallel_loop3A_384, %parallel_loop3A_387 : i32
      %parallel_loop3A_389 = arith.constant 0 : i32
      %parallel_loop3A_390 = arith.cmpi sgt, %parallel_loop3A_380, %parallel_loop3A_389 : i32
      %parallel_loop3A_391 = arith.extui %parallel_loop3A_390 : i1 to i32
      %parallel_loop3A_392 = arith.constant 0 : i32
      %parallel_loop3A_393 = arith.cmpi slt, %parallel_loop3A_380, %parallel_loop3A_392 : i32
      %parallel_loop3A_394 = arith.extui %parallel_loop3A_393 : i1 to i32
      %parallel_loop3A_395 = arith.subi %parallel_loop3A_391, %parallel_loop3A_394 : i32
      %parallel_loop3A_396 = arith.cmpi ne, %parallel_loop3A_388, %parallel_loop3A_395 : i32
      %parallel_loop3A_397 = arith.remsi %parallel_loop3A_191, %parallel_loop3A_380 : i32
      %parallel_loop3A_398 = arith.constant 0 : i32
      %parallel_loop3A_399 = arith.cmpi ne, %parallel_loop3A_397, %parallel_loop3A_398 : i32
      %parallel_loop3A_400 = arith.andi %parallel_loop3A_396, %parallel_loop3A_399 : i1
      %parallel_loop3A_401 = arith.constant 1 : i32
      %parallel_loop3A_402 = arith.subi %parallel_loop3A_381, %parallel_loop3A_401 : i32
      %parallel_loop3A_403 = arith.select %parallel_loop3A_400, %parallel_loop3A_402, %parallel_loop3A_381 : i32
      %parallel_loop3A_404 = arith.constant 8 : i32
      %parallel_loop3A_405 = arith.remsi %parallel_loop3A_191, %parallel_loop3A_404 : i32
      %parallel_loop3A_406 = arith.index_cast %parallel_loop3A_403 : i32 to index
      %parallel_loop3A_407 = arith.index_cast %parallel_loop3A_405 : i32 to index
      %parallel_loop3A_408 = arith.constant 96 : index
      %parallel_loop3A_409 = tpu.vector_load %arg13[%parallel_loop3A_406, %parallel_loop3A_407, %parallel_loop3A_408] {strides = array<i32>} : memref<8x8x128xf32, #tpu.memory_space<vmem>>, vector<16xf32>,
      tpu.vector_store %arg13[%parallel_loop3A_406, %parallel_loop3A_407, %parallel_loop3A_408], %parallel_loop3A_379 {strides = array<i32>} : memref<8x8x128xf32, #tpu.memory_space<vmem>>, vector<16xf32>,
      %parallel_loop3A_410 = tpu.vector_load_idx %arg12[%add3A_53, %parallel_loop3A_192] : memref<128x65xf32, #tpu.memory_space<vmem>>[vector<16xi32>, vector<16xi32>], vector<16xf32>,
      %parallel_loop3A_411 = arith.constant 8 : i32
      %parallel_loop3A_412 = arith.divsi %parallel_loop3A_191, %parallel_loop3A_411 : i32
      %parallel_loop3A_413 = arith.constant 0 : i32
      %parallel_loop3A_414 = arith.cmpi sgt, %parallel_loop3A_191, %parallel_loop3A_413 : i32
      %parallel_loop3A_415 = arith.extui %parallel_loop3A_414 : i1 to i32
      %parallel_loop3A_416 = arith.constant 0 : i32
      %parallel_loop3A_417 = arith.cmpi slt, %parallel_loop3A_191, %parallel_loop3A_416 : i32
      %parallel_loop3A_418 = arith.extui %parallel_loop3A_417 : i1 to i32
      %parallel_loop3A_419 = arith.subi %parallel_loop3A_415, %parallel_loop3A_418 : i32
      %parallel_loop3A_420 = arith.constant 0 : i32
      %parallel_loop3A_421 = arith.cmpi sgt, %parallel_loop3A_411, %parallel_loop3A_420 : i32
      %parallel_loop3A_422 = arith.extui %parallel_loop3A_421 : i1 to i32
      %parallel_loop3A_423 = arith.constant 0 : i32
      %parallel_loop3A_424 = arith.cmpi slt, %parallel_loop3A_411, %parallel_loop3A_423 : i32
      %parallel_loop3A_425 = arith.extui %parallel_loop3A_424 : i1 to i32
      %parallel_loop3A_426 = arith.subi %parallel_loop3A_422, %parallel_loop3A_425 : i32
      %parallel_loop3A_427 = arith.cmpi ne, %parallel_loop3A_419, %parallel_loop3A_426 : i32
      %parallel_loop3A_428 = arith.remsi %parallel_loop3A_191, %parallel_loop3A_411 : i32
      %parallel_loop3A_429 = arith.constant 0 : i32
      %parallel_loop3A_430 = arith.cmpi ne, %parallel_loop3A_428, %parallel_loop3A_429 : i32
      %parallel_loop3A_431 = arith.andi %parallel_loop3A_427, %parallel_loop3A_430 : i1
      %parallel_loop3A_432 = arith.constant 1 : i32
      %parallel_loop3A_433 = arith.subi %parallel_loop3A_412, %parallel_loop3A_432 : i32
      %parallel_loop3A_434 = arith.select %parallel_loop3A_431, %parallel_loop3A_433, %parallel_loop3A_412 : i32
      %parallel_loop3A_435 = arith.constant 8 : i32
      %parallel_loop3A_436 = arith.remsi %parallel_loop3A_191, %parallel_loop3A_435 : i32
      %parallel_loop3A_437 = arith.index_cast %parallel_loop3A_434 : i32 to index
      %parallel_loop3A_438 = arith.index_cast %parallel_loop3A_436 : i32 to index
      %parallel_loop3A_439 = arith.constant 112 : index
      %parallel_loop3A_440 = tpu.vector_load %arg13[%parallel_loop3A_437, %parallel_loop3A_438, %parallel_loop3A_439] {strides = array<i32>} : memref<8x8x128xf32, #tpu.memory_space<vmem>>, vector<16xf32>,
      tpu.vector_store %arg13[%parallel_loop3A_437, %parallel_loop3A_438, %parallel_loop3A_439], %parallel_loop3A_410 {strides = array<i32>} : memref<8x8x128xf32, #tpu.memory_space<vmem>>, vector<16xf32>,
    } {sc.loop_unroll_factor = 8 : i64, sc.parallel_access}
    %add3A_98 = arith.constant 48 : i32
    %add3A_99 = arith.addi %mul3A_22, %add3A_98 : i32
    %dma_start3A_100 = arith.constant 0 : i32
    %dma_start3A_101 = arith.constant 0 : i32
    %dma_start3A_102 = arith.constant 0 : i32
    %dma_start3A_103 = tpu.memref_slice %arg5[%add3A_99, %dma_start3A_100, %rem3A_1, %dma_start3A_101, %dma_start3A_102] : memref<200x8x8x8x128xf32, #tpu.memory_space<hbm>> -> memref<1x8x1x8x128xf32, #tpu.memory_space<hbm>>
    %dma_start3A_104 = tpu.memref_squeeze %dma_start3A_103 : memref<1x8x1x8x128xf32, #tpu.memory_space<hbm>> -> memref<8x8x128xf32, #tpu.memory_space<hbm>>
    %dma_start3A_105 = arith.constant 0 : i32
    %dma_start3A_106 = arith.constant 0 : i32
    %dma_start3A_107 = arith.constant 0 : i32
    %dma_start3A_108 = tpu.memref_slice %arg5[%add3A_99, %dma_start3A_105, %rem3A_1, %dma_start3A_106, %dma_start3A_107] : memref<200x8x8x8x128xf32, #tpu.memory_space<hbm>> -> memref<1x8x1x8x128xf32, #tpu.memory_space<hbm>>
    %dma_start3A_109 = tpu.memref_squeeze %dma_start3A_108 : memref<1x8x1x8x128xf32, #tpu.memory_space<hbm>> -> memref<8x8x128xf32, #tpu.memory_space<hbm>>
    tpu.enqueue_dma source(%arg13 : memref<8x8x128xf32, #tpu.memory_space<vmem>>) target(%dma_start3A_109 : memref<8x8x128xf32, #tpu.memory_space<hbm>>) target_semaphore(%arg21 : memref<!tpu.dma_semaphore, #tpu.memory_space<semaphore_mem>>)
    %dma_wait3A_110 = arith.constant 0 : i32
    %dma_wait3A_111 = arith.constant 0 : i32
    %dma_wait3A_112 = tpu.memref_slice %arg6[%dma_wait3A_110, %dma_wait3A_111] : memref<50x128xi32, #tpu.memory_space<vmem>> -> memref<1x128xi32, #tpu.memory_space<vmem>>
    %dma_wait3A_113 = tpu.memref_squeeze %dma_wait3A_112 : memref<1x128xi32, #tpu.memory_space<vmem>> -> memref<128xi32, #tpu.memory_space<vmem>>
    %dma_wait3A_114 = arith.constant 0 : i32
    %dma_wait3A_115 = arith.constant 0 : i32
    %dma_wait3A_116 = tpu.memref_slice %arg3[%dma_wait3A_114, %dma_wait3A_115] : memref<100000x64xf32, #tpu.memory_space<hbm>> -> memref<100000x64xf32, #tpu.memory_space<hbm>>
    tpu.wait_indirect_dma semaphore(%arg18 : memref<!tpu.dma_semaphore, #tpu.memory_space<semaphore_mem>>) src(%dma_wait3A_116 : memref<100000x64xf32, #tpu.memory_space<hbm>>) dst(%arg9 : memref<128x64xf32, #tpu.memory_space<vmem>>)
    %get3A_117 = arith.constant 49 : i32
    %get3A_118 = arith.index_cast %get3A_117 : i32 to index
    %get3A_119 = arith.constant 0 : index
    %get3A_120 = tpu.vector_load %arg7[%get3A_118, %get3A_119] {strides = array<i32>} : memref<50x64xf32, #tpu.memory_space<vmem>>, vector<16xf32>,
    %get3A_121 = arith.constant 49 : i32
    %get3A_122 = arith.index_cast %get3A_121 : i32 to index
    %get3A_123 = arith.constant 16 : index
    %get3A_124 = tpu.vector_load %arg7[%get3A_122, %get3A_123] {strides = array<i32>} : memref<50x64xf32, #tpu.memory_space<vmem>>, vector<16xf32>,
    %get3A_125 = arith.constant 49 : i32
    %get3A_126 = arith.index_cast %get3A_125 : i32 to index
    %get3A_127 = arith.constant 32 : index
    %get3A_128 = tpu.vector_load %arg7[%get3A_126, %get3A_127] {strides = array<i32>} : memref<50x64xf32, #tpu.memory_space<vmem>>, vector<16xf32>,
    %get3A_129 = arith.constant 49 : i32
    %get3A_130 = arith.index_cast %get3A_129 : i32 to index
    %get3A_131 = arith.constant 48 : index
    %get3A_132 = tpu.vector_load %arg7[%get3A_130, %get3A_131] {strides = array<i32>} : memref<50x64xf32, #tpu.memory_space<vmem>>, vector<16xf32>,
    %parallel_loop3A_133 = arith.constant 0 : i32
    %parallel_loop3A_134 = arith.constant 128 : i32
    %parallel_loop3A_135 = arith.constant 1 : i32
    scf.for %parallel_loop3A_191 = %parallel_loop3A_133 to %parallel_loop3A_134 step %parallel_loop3A_135  : i32 {
      %parallel_loop3A_192 = arith.index_cast %parallel_loop3A_191 : i32 to index
      %parallel_loop3A_193 = arith.constant 0 : index
      %parallel_loop3A_194 = tpu.vector_load %arg9[%parallel_loop3A_192, %parallel_loop3A_193] {strides = array<i32>} : memref<128x64xf32, #tpu.memory_space<vmem>>, vector<16xf32>,
      %parallel_loop3A_195 = arith.addf %parallel_loop3A_194, %get3A_120 : vector<16xf32>
      %parallel_loop3A_196 = arith.index_cast %parallel_loop3A_191 : i32 to index
      %parallel_loop3A_197 = arith.constant 0 : index
      %parallel_loop3A_198 = tpu.vector_load %arg12[%parallel_loop3A_196, %parallel_loop3A_197] {strides = array<i32>} : memref<128x65xf32, #tpu.memory_space<vmem>>, vector<16xf32>,
      tpu.vector_store %arg12[%parallel_loop3A_196, %parallel_loop3A_197], %parallel_loop3A_195 {strides = array<i32>} : memref<128x65xf32, #tpu.memory_space<vmem>>, vector<16xf32>,
      %parallel_loop3A_199 = arith.index_cast %parallel_loop3A_191 : i32 to index
      %parallel_loop3A_200 = arith.constant 16 : index
      %parallel_loop3A_201 = tpu.vector_load %arg9[%parallel_loop3A_199, %parallel_loop3A_200] {strides = array<i32>} : memref<128x64xf32, #tpu.memory_space<vmem>>, vector<16xf32>,
      %parallel_loop3A_202 = arith.addf %parallel_loop3A_201, %get3A_124 : vector<16xf32>
      %parallel_loop3A_203 = arith.index_cast %parallel_loop3A_191 : i32 to index
      %parallel_loop3A_204 = arith.constant 16 : index
      %parallel_loop3A_205 = tpu.vector_load %arg12[%parallel_loop3A_203, %parallel_loop3A_204] {strides = array<i32>} : memref<128x65xf32, #tpu.memory_space<vmem>>, vector<16xf32>,
      tpu.vector_store %arg12[%parallel_loop3A_203, %parallel_loop3A_204], %parallel_loop3A_202 {strides = array<i32>} : memref<128x65xf32, #tpu.memory_space<vmem>>, vector<16xf32>,
      %parallel_loop3A_206 = arith.index_cast %parallel_loop3A_191 : i32 to index
      %parallel_loop3A_207 = arith.constant 32 : index
      %parallel_loop3A_208 = tpu.vector_load %arg9[%parallel_loop3A_206, %parallel_loop3A_207] {strides = array<i32>} : memref<128x64xf32, #tpu.memory_space<vmem>>, vector<16xf32>,
      %parallel_loop3A_209 = arith.addf %parallel_loop3A_208, %get3A_128 : vector<16xf32>
      %parallel_loop3A_210 = arith.index_cast %parallel_loop3A_191 : i32 to index
      %parallel_loop3A_211 = arith.constant 32 : index
      %parallel_loop3A_212 = tpu.vector_load %arg12[%parallel_loop3A_210, %parallel_loop3A_211] {strides = array<i32>} : memref<128x65xf32, #tpu.memory_space<vmem>>, vector<16xf32>,
      tpu.vector_store %arg12[%parallel_loop3A_210, %parallel_loop3A_211], %parallel_loop3A_209 {strides = array<i32>} : memref<128x65xf32, #tpu.memory_space<vmem>>, vector<16xf32>,
      %parallel_loop3A_213 = arith.index_cast %parallel_loop3A_191 : i32 to index
      %parallel_loop3A_214 = arith.constant 48 : index
      %parallel_loop3A_215 = tpu.vector_load %arg9[%parallel_loop3A_213, %parallel_loop3A_214] {strides = array<i32>} : memref<128x64xf32, #tpu.memory_space<vmem>>, vector<16xf32>,
      %parallel_loop3A_216 = arith.addf %parallel_loop3A_215, %get3A_132 : vector<16xf32>
      %parallel_loop3A_217 = arith.index_cast %parallel_loop3A_191 : i32 to index
      %parallel_loop3A_218 = arith.constant 48 : index
      %parallel_loop3A_219 = tpu.vector_load %arg12[%parallel_loop3A_217, %parallel_loop3A_218] {strides = array<i32>} : memref<128x65xf32, #tpu.memory_space<vmem>>, vector<16xf32>,
      tpu.vector_store %arg12[%parallel_loop3A_217, %parallel_loop3A_218], %parallel_loop3A_216 {strides = array<i32>} : memref<128x65xf32, #tpu.memory_space<vmem>>, vector<16xf32>,
    } {sc.loop_unroll_factor = 8 : i64, sc.parallel_access}
    %parallel_loop3A_136 = arith.constant 0 : i32
    %parallel_loop3A_137 = arith.constant 64 : i32
    %parallel_loop3A_138 = arith.constant 1 : i32
    scf.for %parallel_loop3A_191 = %parallel_loop3A_136 to %parallel_loop3A_137 step %parallel_loop3A_138  : i32 {
      %parallel_loop3A_192 = vector.broadcast %parallel_loop3A_191 : i32 to vector<16xi32>
      %parallel_loop3A_193 = tpu.vector_load_idx %arg12[%add3A_25, %parallel_loop3A_192] : memref<128x65xf32, #tpu.memory_space<vmem>>[vector<16xi32>, vector<16xi32>], vector<16xf32>,
      %parallel_loop3A_194 = arith.constant 8 : i32
      %parallel_loop3A_195 = arith.divsi %parallel_loop3A_191, %parallel_loop3A_194 : i32
      %parallel_loop3A_196 = arith.constant 0 : i32
      %parallel_loop3A_197 = arith.cmpi sgt, %parallel_loop3A_191, %parallel_loop3A_196 : i32
      %parallel_loop3A_198 = arith.extui %parallel_loop3A_197 : i1 to i32
      %parallel_loop3A_199 = arith.constant 0 : i32
      %parallel_loop3A_200 = arith.cmpi slt, %parallel_loop3A_191, %parallel_loop3A_199 : i32
      %parallel_loop3A_201 = arith.extui %parallel_loop3A_200 : i1 to i32
      %parallel_loop3A_202 = arith.subi %parallel_loop3A_198, %parallel_loop3A_201 : i32
      %parallel_loop3A_203 = arith.constant 0 : i32
      %parallel_loop3A_204 = arith.cmpi sgt, %parallel_loop3A_194, %parallel_loop3A_203 : i32
      %parallel_loop3A_205 = arith.extui %parallel_loop3A_204 : i1 to i32
      %parallel_loop3A_206 = arith.constant 0 : i32
      %parallel_loop3A_207 = arith.cmpi slt, %parallel_loop3A_194, %parallel_loop3A_206 : i32
      %parallel_loop3A_208 = arith.extui %parallel_loop3A_207 : i1 to i32
      %parallel_loop3A_209 = arith.subi %parallel_loop3A_205, %parallel_loop3A_208 : i32
      %parallel_loop3A_210 = arith.cmpi ne, %parallel_loop3A_202, %parallel_loop3A_209 : i32
      %parallel_loop3A_211 = arith.remsi %parallel_loop3A_191, %parallel_loop3A_194 : i32
      %parallel_loop3A_212 = arith.constant 0 : i32
      %parallel_loop3A_213 = arith.cmpi ne, %parallel_loop3A_211, %parallel_loop3A_212 : i32
      %parallel_loop3A_214 = arith.andi %parallel_loop3A_210, %parallel_loop3A_213 : i1
      %parallel_loop3A_215 = arith.constant 1 : i32
      %parallel_loop3A_216 = arith.subi %parallel_loop3A_195, %parallel_loop3A_215 : i32
      %parallel_loop3A_217 = arith.select %parallel_loop3A_214, %parallel_loop3A_216, %parallel_loop3A_195 : i32
      %parallel_loop3A_218 = arith.constant 8 : i32
      %parallel_loop3A_219 = arith.remsi %parallel_loop3A_191, %parallel_loop3A_218 : i32
      %parallel_loop3A_220 = arith.index_cast %parallel_loop3A_217 : i32 to index
      %parallel_loop3A_221 = arith.index_cast %parallel_loop3A_219 : i32 to index
      %parallel_loop3A_222 = arith.constant 0 : index
      %parallel_loop3A_223 = tpu.vector_load %arg14[%parallel_loop3A_220, %parallel_loop3A_221, %parallel_loop3A_222] {strides = array<i32>} : memref<8x8x128xf32, #tpu.memory_space<vmem>>, vector<16xf32>,
      tpu.vector_store %arg14[%parallel_loop3A_220, %parallel_loop3A_221, %parallel_loop3A_222], %parallel_loop3A_193 {strides = array<i32>} : memref<8x8x128xf32, #tpu.memory_space<vmem>>, vector<16xf32>,
      %parallel_loop3A_224 = tpu.vector_load_idx %arg12[%add3A_29, %parallel_loop3A_192] : memref<128x65xf32, #tpu.memory_space<vmem>>[vector<16xi32>, vector<16xi32>], vector<16xf32>,
      %parallel_loop3A_225 = arith.constant 8 : i32
      %parallel_loop3A_226 = arith.divsi %parallel_loop3A_191, %parallel_loop3A_225 : i32
      %parallel_loop3A_227 = arith.constant 0 : i32
      %parallel_loop3A_228 = arith.cmpi sgt, %parallel_loop3A_191, %parallel_loop3A_227 : i32
      %parallel_loop3A_229 = arith.extui %parallel_loop3A_228 : i1 to i32
      %parallel_loop3A_230 = arith.constant 0 : i32
      %parallel_loop3A_231 = arith.cmpi slt, %parallel_loop3A_191, %parallel_loop3A_230 : i32
      %parallel_loop3A_232 = arith.extui %parallel_loop3A_231 : i1 to i32
      %parallel_loop3A_233 = arith.subi %parallel_loop3A_229, %parallel_loop3A_232 : i32
      %parallel_loop3A_234 = arith.constant 0 : i32
      %parallel_loop3A_235 = arith.cmpi sgt, %parallel_loop3A_225, %parallel_loop3A_234 : i32
      %parallel_loop3A_236 = arith.extui %parallel_loop3A_235 : i1 to i32
      %parallel_loop3A_237 = arith.constant 0 : i32
      %parallel_loop3A_238 = arith.cmpi slt, %parallel_loop3A_225, %parallel_loop3A_237 : i32
      %parallel_loop3A_239 = arith.extui %parallel_loop3A_238 : i1 to i32
      %parallel_loop3A_240 = arith.subi %parallel_loop3A_236, %parallel_loop3A_239 : i32
      %parallel_loop3A_241 = arith.cmpi ne, %parallel_loop3A_233, %parallel_loop3A_240 : i32
      %parallel_loop3A_242 = arith.remsi %parallel_loop3A_191, %parallel_loop3A_225 : i32
      %parallel_loop3A_243 = arith.constant 0 : i32
      %parallel_loop3A_244 = arith.cmpi ne, %parallel_loop3A_242, %parallel_loop3A_243 : i32
      %parallel_loop3A_245 = arith.andi %parallel_loop3A_241, %parallel_loop3A_244 : i1
      %parallel_loop3A_246 = arith.constant 1 : i32
      %parallel_loop3A_247 = arith.subi %parallel_loop3A_226, %parallel_loop3A_246 : i32
      %parallel_loop3A_248 = arith.select %parallel_loop3A_245, %parallel_loop3A_247, %parallel_loop3A_226 : i32
      %parallel_loop3A_249 = arith.constant 8 : i32
      %parallel_loop3A_250 = arith.remsi %parallel_loop3A_191, %parallel_loop3A_249 : i32
      %parallel_loop3A_251 = arith.index_cast %parallel_loop3A_248 : i32 to index
      %parallel_loop3A_252 = arith.index_cast %parallel_loop3A_250 : i32 to index
      %parallel_loop3A_253 = arith.constant 16 : index
      %parallel_loop3A_254 = tpu.vector_load %arg14[%parallel_loop3A_251, %parallel_loop3A_252, %parallel_loop3A_253] {strides = array<i32>} : memref<8x8x128xf32, #tpu.memory_space<vmem>>, vector<16xf32>,
      tpu.vector_store %arg14[%parallel_loop3A_251, %parallel_loop3A_252, %parallel_loop3A_253], %parallel_loop3A_224 {strides = array<i32>} : memref<8x8x128xf32, #tpu.memory_space<vmem>>, vector<16xf32>,
      %parallel_loop3A_255 = tpu.vector_load_idx %arg12[%add3A_33, %parallel_loop3A_192] : memref<128x65xf32, #tpu.memory_space<vmem>>[vector<16xi32>, vector<16xi32>], vector<16xf32>,
      %parallel_loop3A_256 = arith.constant 8 : i32
      %parallel_loop3A_257 = arith.divsi %parallel_loop3A_191, %parallel_loop3A_256 : i32
      %parallel_loop3A_258 = arith.constant 0 : i32
      %parallel_loop3A_259 = arith.cmpi sgt, %parallel_loop3A_191, %parallel_loop3A_258 : i32
      %parallel_loop3A_260 = arith.extui %parallel_loop3A_259 : i1 to i32
      %parallel_loop3A_261 = arith.constant 0 : i32
      %parallel_loop3A_262 = arith.cmpi slt, %parallel_loop3A_191, %parallel_loop3A_261 : i32
      %parallel_loop3A_263 = arith.extui %parallel_loop3A_262 : i1 to i32
      %parallel_loop3A_264 = arith.subi %parallel_loop3A_260, %parallel_loop3A_263 : i32
      %parallel_loop3A_265 = arith.constant 0 : i32
      %parallel_loop3A_266 = arith.cmpi sgt, %parallel_loop3A_256, %parallel_loop3A_265 : i32
      %parallel_loop3A_267 = arith.extui %parallel_loop3A_266 : i1 to i32
      %parallel_loop3A_268 = arith.constant 0 : i32
      %parallel_loop3A_269 = arith.cmpi slt, %parallel_loop3A_256, %parallel_loop3A_268 : i32
      %parallel_loop3A_270 = arith.extui %parallel_loop3A_269 : i1 to i32
      %parallel_loop3A_271 = arith.subi %parallel_loop3A_267, %parallel_loop3A_270 : i32
      %parallel_loop3A_272 = arith.cmpi ne, %parallel_loop3A_264, %parallel_loop3A_271 : i32
      %parallel_loop3A_273 = arith.remsi %parallel_loop3A_191, %parallel_loop3A_256 : i32
      %parallel_loop3A_274 = arith.constant 0 : i32
      %parallel_loop3A_275 = arith.cmpi ne, %parallel_loop3A_273, %parallel_loop3A_274 : i32
      %parallel_loop3A_276 = arith.andi %parallel_loop3A_272, %parallel_loop3A_275 : i1
      %parallel_loop3A_277 = arith.constant 1 : i32
      %parallel_loop3A_278 = arith.subi %parallel_loop3A_257, %parallel_loop3A_277 : i32
      %parallel_loop3A_279 = arith.select %parallel_loop3A_276, %parallel_loop3A_278, %parallel_loop3A_257 : i32
      %parallel_loop3A_280 = arith.constant 8 : i32
      %parallel_loop3A_281 = arith.remsi %parallel_loop3A_191, %parallel_loop3A_280 : i32
      %parallel_loop3A_282 = arith.index_cast %parallel_loop3A_279 : i32 to index
      %parallel_loop3A_283 = arith.index_cast %parallel_loop3A_281 : i32 to index
      %parallel_loop3A_284 = arith.constant 32 : index
      %parallel_loop3A_285 = tpu.vector_load %arg14[%parallel_loop3A_282, %parallel_loop3A_283, %parallel_loop3A_284] {strides = array<i32>} : memref<8x8x128xf32, #tpu.memory_space<vmem>>, vector<16xf32>,
      tpu.vector_store %arg14[%parallel_loop3A_282, %parallel_loop3A_283, %parallel_loop3A_284], %parallel_loop3A_255 {strides = array<i32>} : memref<8x8x128xf32, #tpu.memory_space<vmem>>, vector<16xf32>,
      %parallel_loop3A_286 = tpu.vector_load_idx %arg12[%add3A_37, %parallel_loop3A_192] : memref<128x65xf32, #tpu.memory_space<vmem>>[vector<16xi32>, vector<16xi32>], vector<16xf32>,
      %parallel_loop3A_287 = arith.constant 8 : i32
      %parallel_loop3A_288 = arith.divsi %parallel_loop3A_191, %parallel_loop3A_287 : i32
      %parallel_loop3A_289 = arith.constant 0 : i32
      %parallel_loop3A_290 = arith.cmpi sgt, %parallel_loop3A_191, %parallel_loop3A_289 : i32
      %parallel_loop3A_291 = arith.extui %parallel_loop3A_290 : i1 to i32
      %parallel_loop3A_292 = arith.constant 0 : i32
      %parallel_loop3A_293 = arith.cmpi slt, %parallel_loop3A_191, %parallel_loop3A_292 : i32
      %parallel_loop3A_294 = arith.extui %parallel_loop3A_293 : i1 to i32
      %parallel_loop3A_295 = arith.subi %parallel_loop3A_291, %parallel_loop3A_294 : i32
      %parallel_loop3A_296 = arith.constant 0 : i32
      %parallel_loop3A_297 = arith.cmpi sgt, %parallel_loop3A_287, %parallel_loop3A_296 : i32
      %parallel_loop3A_298 = arith.extui %parallel_loop3A_297 : i1 to i32
      %parallel_loop3A_299 = arith.constant 0 : i32
      %parallel_loop3A_300 = arith.cmpi slt, %parallel_loop3A_287, %parallel_loop3A_299 : i32
      %parallel_loop3A_301 = arith.extui %parallel_loop3A_300 : i1 to i32
      %parallel_loop3A_302 = arith.subi %parallel_loop3A_298, %parallel_loop3A_301 : i32
      %parallel_loop3A_303 = arith.cmpi ne, %parallel_loop3A_295, %parallel_loop3A_302 : i32
      %parallel_loop3A_304 = arith.remsi %parallel_loop3A_191, %parallel_loop3A_287 : i32
      %parallel_loop3A_305 = arith.constant 0 : i32
      %parallel_loop3A_306 = arith.cmpi ne, %parallel_loop3A_304, %parallel_loop3A_305 : i32
      %parallel_loop3A_307 = arith.andi %parallel_loop3A_303, %parallel_loop3A_306 : i1
      %parallel_loop3A_308 = arith.constant 1 : i32
      %parallel_loop3A_309 = arith.subi %parallel_loop3A_288, %parallel_loop3A_308 : i32
      %parallel_loop3A_310 = arith.select %parallel_loop3A_307, %parallel_loop3A_309, %parallel_loop3A_288 : i32
      %parallel_loop3A_311 = arith.constant 8 : i32
      %parallel_loop3A_312 = arith.remsi %parallel_loop3A_191, %parallel_loop3A_311 : i32
      %parallel_loop3A_313 = arith.index_cast %parallel_loop3A_310 : i32 to index
      %parallel_loop3A_314 = arith.index_cast %parallel_loop3A_312 : i32 to index
      %parallel_loop3A_315 = arith.constant 48 : index
      %parallel_loop3A_316 = tpu.vector_load %arg14[%parallel_loop3A_313, %parallel_loop3A_314, %parallel_loop3A_315] {strides = array<i32>} : memref<8x8x128xf32, #tpu.memory_space<vmem>>, vector<16xf32>,
      tpu.vector_store %arg14[%parallel_loop3A_313, %parallel_loop3A_314, %parallel_loop3A_315], %parallel_loop3A_286 {strides = array<i32>} : memref<8x8x128xf32, #tpu.memory_space<vmem>>, vector<16xf32>,
      %parallel_loop3A_317 = tpu.vector_load_idx %arg12[%add3A_41, %parallel_loop3A_192] : memref<128x65xf32, #tpu.memory_space<vmem>>[vector<16xi32>, vector<16xi32>], vector<16xf32>,
      %parallel_loop3A_318 = arith.constant 8 : i32
      %parallel_loop3A_319 = arith.divsi %parallel_loop3A_191, %parallel_loop3A_318 : i32
      %parallel_loop3A_320 = arith.constant 0 : i32
      %parallel_loop3A_321 = arith.cmpi sgt, %parallel_loop3A_191, %parallel_loop3A_320 : i32
      %parallel_loop3A_322 = arith.extui %parallel_loop3A_321 : i1 to i32
      %parallel_loop3A_323 = arith.constant 0 : i32
      %parallel_loop3A_324 = arith.cmpi slt, %parallel_loop3A_191, %parallel_loop3A_323 : i32
      %parallel_loop3A_325 = arith.extui %parallel_loop3A_324 : i1 to i32
      %parallel_loop3A_326 = arith.subi %parallel_loop3A_322, %parallel_loop3A_325 : i32
      %parallel_loop3A_327 = arith.constant 0 : i32
      %parallel_loop3A_328 = arith.cmpi sgt, %parallel_loop3A_318, %parallel_loop3A_327 : i32
      %parallel_loop3A_329 = arith.extui %parallel_loop3A_328 : i1 to i32
      %parallel_loop3A_330 = arith.constant 0 : i32
      %parallel_loop3A_331 = arith.cmpi slt, %parallel_loop3A_318, %parallel_loop3A_330 : i32
      %parallel_loop3A_332 = arith.extui %parallel_loop3A_331 : i1 to i32
      %parallel_loop3A_333 = arith.subi %parallel_loop3A_329, %parallel_loop3A_332 : i32
      %parallel_loop3A_334 = arith.cmpi ne, %parallel_loop3A_326, %parallel_loop3A_333 : i32
      %parallel_loop3A_335 = arith.remsi %parallel_loop3A_191, %parallel_loop3A_318 : i32
      %parallel_loop3A_336 = arith.constant 0 : i32
      %parallel_loop3A_337 = arith.cmpi ne, %parallel_loop3A_335, %parallel_loop3A_336 : i32
      %parallel_loop3A_338 = arith.andi %parallel_loop3A_334, %parallel_loop3A_337 : i1
      %parallel_loop3A_339 = arith.constant 1 : i32
      %parallel_loop3A_340 = arith.subi %parallel_loop3A_319, %parallel_loop3A_339 : i32
      %parallel_loop3A_341 = arith.select %parallel_loop3A_338, %parallel_loop3A_340, %parallel_loop3A_319 : i32
      %parallel_loop3A_342 = arith.constant 8 : i32
      %parallel_loop3A_343 = arith.remsi %parallel_loop3A_191, %parallel_loop3A_342 : i32
      %parallel_loop3A_344 = arith.index_cast %parallel_loop3A_341 : i32 to index
      %parallel_loop3A_345 = arith.index_cast %parallel_loop3A_343 : i32 to index
      %parallel_loop3A_346 = arith.constant 64 : index
      %parallel_loop3A_347 = tpu.vector_load %arg14[%parallel_loop3A_344, %parallel_loop3A_345, %parallel_loop3A_346] {strides = array<i32>} : memref<8x8x128xf32, #tpu.memory_space<vmem>>, vector<16xf32>,
      tpu.vector_store %arg14[%parallel_loop3A_344, %parallel_loop3A_345, %parallel_loop3A_346], %parallel_loop3A_317 {strides = array<i32>} : memref<8x8x128xf32, #tpu.memory_space<vmem>>, vector<16xf32>,
      %parallel_loop3A_348 = tpu.vector_load_idx %arg12[%add3A_45, %parallel_loop3A_192] : memref<128x65xf32, #tpu.memory_space<vmem>>[vector<16xi32>, vector<16xi32>], vector<16xf32>,
      %parallel_loop3A_349 = arith.constant 8 : i32
      %parallel_loop3A_350 = arith.divsi %parallel_loop3A_191, %parallel_loop3A_349 : i32
      %parallel_loop3A_351 = arith.constant 0 : i32
      %parallel_loop3A_352 = arith.cmpi sgt, %parallel_loop3A_191, %parallel_loop3A_351 : i32
      %parallel_loop3A_353 = arith.extui %parallel_loop3A_352 : i1 to i32
      %parallel_loop3A_354 = arith.constant 0 : i32
      %parallel_loop3A_355 = arith.cmpi slt, %parallel_loop3A_191, %parallel_loop3A_354 : i32
      %parallel_loop3A_356 = arith.extui %parallel_loop3A_355 : i1 to i32
      %parallel_loop3A_357 = arith.subi %parallel_loop3A_353, %parallel_loop3A_356 : i32
      %parallel_loop3A_358 = arith.constant 0 : i32
      %parallel_loop3A_359 = arith.cmpi sgt, %parallel_loop3A_349, %parallel_loop3A_358 : i32
      %parallel_loop3A_360 = arith.extui %parallel_loop3A_359 : i1 to i32
      %parallel_loop3A_361 = arith.constant 0 : i32
      %parallel_loop3A_362 = arith.cmpi slt, %parallel_loop3A_349, %parallel_loop3A_361 : i32
      %parallel_loop3A_363 = arith.extui %parallel_loop3A_362 : i1 to i32
      %parallel_loop3A_364 = arith.subi %parallel_loop3A_360, %parallel_loop3A_363 : i32
      %parallel_loop3A_365 = arith.cmpi ne, %parallel_loop3A_357, %parallel_loop3A_364 : i32
      %parallel_loop3A_366 = arith.remsi %parallel_loop3A_191, %parallel_loop3A_349 : i32
      %parallel_loop3A_367 = arith.constant 0 : i32
      %parallel_loop3A_368 = arith.cmpi ne, %parallel_loop3A_366, %parallel_loop3A_367 : i32
      %parallel_loop3A_369 = arith.andi %parallel_loop3A_365, %parallel_loop3A_368 : i1
      %parallel_loop3A_370 = arith.constant 1 : i32
      %parallel_loop3A_371 = arith.subi %parallel_loop3A_350, %parallel_loop3A_370 : i32
      %parallel_loop3A_372 = arith.select %parallel_loop3A_369, %parallel_loop3A_371, %parallel_loop3A_350 : i32
      %parallel_loop3A_373 = arith.constant 8 : i32
      %parallel_loop3A_374 = arith.remsi %parallel_loop3A_191, %parallel_loop3A_373 : i32
      %parallel_loop3A_375 = arith.index_cast %parallel_loop3A_372 : i32 to index
      %parallel_loop3A_376 = arith.index_cast %parallel_loop3A_374 : i32 to index
      %parallel_loop3A_377 = arith.constant 80 : index
      %parallel_loop3A_378 = tpu.vector_load %arg14[%parallel_loop3A_375, %parallel_loop3A_376, %parallel_loop3A_377] {strides = array<i32>} : memref<8x8x128xf32, #tpu.memory_space<vmem>>, vector<16xf32>,
      tpu.vector_store %arg14[%parallel_loop3A_375, %parallel_loop3A_376, %parallel_loop3A_377], %parallel_loop3A_348 {strides = array<i32>} : memref<8x8x128xf32, #tpu.memory_space<vmem>>, vector<16xf32>,
      %parallel_loop3A_379 = tpu.vector_load_idx %arg12[%add3A_49, %parallel_loop3A_192] : memref<128x65xf32, #tpu.memory_space<vmem>>[vector<16xi32>, vector<16xi32>], vector<16xf32>,
      %parallel_loop3A_380 = arith.constant 8 : i32
      %parallel_loop3A_381 = arith.divsi %parallel_loop3A_191, %parallel_loop3A_380 : i32
      %parallel_loop3A_382 = arith.constant 0 : i32
      %parallel_loop3A_383 = arith.cmpi sgt, %parallel_loop3A_191, %parallel_loop3A_382 : i32
      %parallel_loop3A_384 = arith.extui %parallel_loop3A_383 : i1 to i32
      %parallel_loop3A_385 = arith.constant 0 : i32
      %parallel_loop3A_386 = arith.cmpi slt, %parallel_loop3A_191, %parallel_loop3A_385 : i32
      %parallel_loop3A_387 = arith.extui %parallel_loop3A_386 : i1 to i32
      %parallel_loop3A_388 = arith.subi %parallel_loop3A_384, %parallel_loop3A_387 : i32
      %parallel_loop3A_389 = arith.constant 0 : i32
      %parallel_loop3A_390 = arith.cmpi sgt, %parallel_loop3A_380, %parallel_loop3A_389 : i32
      %parallel_loop3A_391 = arith.extui %parallel_loop3A_390 : i1 to i32
      %parallel_loop3A_392 = arith.constant 0 : i32
      %parallel_loop3A_393 = arith.cmpi slt, %parallel_loop3A_380, %parallel_loop3A_392 : i32
      %parallel_loop3A_394 = arith.extui %parallel_loop3A_393 : i1 to i32
      %parallel_loop3A_395 = arith.subi %parallel_loop3A_391, %parallel_loop3A_394 : i32
      %parallel_loop3A_396 = arith.cmpi ne, %parallel_loop3A_388, %parallel_loop3A_395 : i32
      %parallel_loop3A_397 = arith.remsi %parallel_loop3A_191, %parallel_loop3A_380 : i32
      %parallel_loop3A_398 = arith.constant 0 : i32
      %parallel_loop3A_399 = arith.cmpi ne, %parallel_loop3A_397, %parallel_loop3A_398 : i32
      %parallel_loop3A_400 = arith.andi %parallel_loop3A_396, %parallel_loop3A_399 : i1
      %parallel_loop3A_401 = arith.constant 1 : i32
      %parallel_loop3A_402 = arith.subi %parallel_loop3A_381, %parallel_loop3A_401 : i32
      %parallel_loop3A_403 = arith.select %parallel_loop3A_400, %parallel_loop3A_402, %parallel_loop3A_381 : i32
      %parallel_loop3A_404 = arith.constant 8 : i32
      %parallel_loop3A_405 = arith.remsi %parallel_loop3A_191, %parallel_loop3A_404 : i32
      %parallel_loop3A_406 = arith.index_cast %parallel_loop3A_403 : i32 to index
      %parallel_loop3A_407 = arith.index_cast %parallel_loop3A_405 : i32 to index
      %parallel_loop3A_408 = arith.constant 96 : index
      %parallel_loop3A_409 = tpu.vector_load %arg14[%parallel_loop3A_406, %parallel_loop3A_407, %parallel_loop3A_408] {strides = array<i32>} : memref<8x8x128xf32, #tpu.memory_space<vmem>>, vector<16xf32>,
      tpu.vector_store %arg14[%parallel_loop3A_406, %parallel_loop3A_407, %parallel_loop3A_408], %parallel_loop3A_379 {strides = array<i32>} : memref<8x8x128xf32, #tpu.memory_space<vmem>>, vector<16xf32>,
      %parallel_loop3A_410 = tpu.vector_load_idx %arg12[%add3A_53, %parallel_loop3A_192] : memref<128x65xf32, #tpu.memory_space<vmem>>[vector<16xi32>, vector<16xi32>], vector<16xf32>,
      %parallel_loop3A_411 = arith.constant 8 : i32
      %parallel_loop3A_412 = arith.divsi %parallel_loop3A_191, %parallel_loop3A_411 : i32
      %parallel_loop3A_413 = arith.constant 0 : i32
      %parallel_loop3A_414 = arith.cmpi sgt, %parallel_loop3A_191, %parallel_loop3A_413 : i32
      %parallel_loop3A_415 = arith.extui %parallel_loop3A_414 : i1 to i32
      %parallel_loop3A_416 = arith.constant 0 : i32
      %parallel_loop3A_417 = arith.cmpi slt, %parallel_loop3A_191, %parallel_loop3A_416 : i32
      %parallel_loop3A_418 = arith.extui %parallel_loop3A_417 : i1 to i32
      %parallel_loop3A_419 = arith.subi %parallel_loop3A_415, %parallel_loop3A_418 : i32
      %parallel_loop3A_420 = arith.constant 0 : i32
      %parallel_loop3A_421 = arith.cmpi sgt, %parallel_loop3A_411, %parallel_loop3A_420 : i32
      %parallel_loop3A_422 = arith.extui %parallel_loop3A_421 : i1 to i32
      %parallel_loop3A_423 = arith.constant 0 : i32
      %parallel_loop3A_424 = arith.cmpi slt, %parallel_loop3A_411, %parallel_loop3A_423 : i32
      %parallel_loop3A_425 = arith.extui %parallel_loop3A_424 : i1 to i32
      %parallel_loop3A_426 = arith.subi %parallel_loop3A_422, %parallel_loop3A_425 : i32
      %parallel_loop3A_427 = arith.cmpi ne, %parallel_loop3A_419, %parallel_loop3A_426 : i32
      %parallel_loop3A_428 = arith.remsi %parallel_loop3A_191, %parallel_loop3A_411 : i32
      %parallel_loop3A_429 = arith.constant 0 : i32
      %parallel_loop3A_430 = arith.cmpi ne, %parallel_loop3A_428, %parallel_loop3A_429 : i32
      %parallel_loop3A_431 = arith.andi %parallel_loop3A_427, %parallel_loop3A_430 : i1
      %parallel_loop3A_432 = arith.constant 1 : i32
      %parallel_loop3A_433 = arith.subi %parallel_loop3A_412, %parallel_loop3A_432 : i32
      %parallel_loop3A_434 = arith.select %parallel_loop3A_431, %parallel_loop3A_433, %parallel_loop3A_412 : i32
      %parallel_loop3A_435 = arith.constant 8 : i32
      %parallel_loop3A_436 = arith.remsi %parallel_loop3A_191, %parallel_loop3A_435 : i32
      %parallel_loop3A_437 = arith.index_cast %parallel_loop3A_434 : i32 to index
      %parallel_loop3A_438 = arith.index_cast %parallel_loop3A_436 : i32 to index
      %parallel_loop3A_439 = arith.constant 112 : index
      %parallel_loop3A_440 = tpu.vector_load %arg14[%parallel_loop3A_437, %parallel_loop3A_438, %parallel_loop3A_439] {strides = array<i32>} : memref<8x8x128xf32, #tpu.memory_space<vmem>>, vector<16xf32>,
      tpu.vector_store %arg14[%parallel_loop3A_437, %parallel_loop3A_438, %parallel_loop3A_439], %parallel_loop3A_410 {strides = array<i32>} : memref<8x8x128xf32, #tpu.memory_space<vmem>>, vector<16xf32>,
    } {sc.loop_unroll_factor = 8 : i64, sc.parallel_access}
    %add3A_139 = arith.constant 49 : i32
    %add3A_140 = arith.addi %mul3A_22, %add3A_139 : i32
    %dma_start3A_141 = arith.constant 0 : i32
    %dma_start3A_142 = arith.constant 0 : i32
    %dma_start3A_143 = arith.constant 0 : i32
    %dma_start3A_144 = tpu.memref_slice %arg5[%add3A_140, %dma_start3A_141, %rem3A_1, %dma_start3A_142, %dma_start3A_143] : memref<200x8x8x8x128xf32, #tpu.memory_space<hbm>> -> memref<1x8x1x8x128xf32, #tpu.memory_space<hbm>>
    %dma_start3A_145 = tpu.memref_squeeze %dma_start3A_144 : memref<1x8x1x8x128xf32, #tpu.memory_space<hbm>> -> memref<8x8x128xf32, #tpu.memory_space<hbm>>
    %dma_start3A_146 = arith.constant 0 : i32
    %dma_start3A_147 = arith.constant 0 : i32
    %dma_start3A_148 = arith.constant 0 : i32
    %dma_start3A_149 = tpu.memref_slice %arg5[%add3A_140, %dma_start3A_146, %rem3A_1, %dma_start3A_147, %dma_start3A_148] : memref<200x8x8x8x128xf32, #tpu.memory_space<hbm>> -> memref<1x8x1x8x128xf32, #tpu.memory_space<hbm>>
    %dma_start3A_150 = tpu.memref_squeeze %dma_start3A_149 : memref<1x8x1x8x128xf32, #tpu.memory_space<hbm>> -> memref<8x8x128xf32, #tpu.memory_space<hbm>>
    tpu.enqueue_dma source(%arg14 : memref<8x8x128xf32, #tpu.memory_space<vmem>>) target(%dma_start3A_150 : memref<8x8x128xf32, #tpu.memory_space<hbm>>) target_semaphore(%arg22 : memref<!tpu.dma_semaphore, #tpu.memory_space<semaphore_mem>>)
    %dma_wait3A_151 = arith.constant 0 : i32
    %dma_wait3A_152 = arith.constant 0 : i32
    %dma_wait3A_153 = arith.constant 0 : i32
    %dma_wait3A_154 = tpu.memref_slice %arg5[%mul3A_22, %dma_wait3A_151, %rem3A_1, %dma_wait3A_152, %dma_wait3A_153] : memref<200x8x8x8x128xf32, #tpu.memory_space<hbm>> -> memref<1x8x1x8x128xf32, #tpu.memory_space<hbm>>
    %dma_wait3A_155 = tpu.memref_squeeze %dma_wait3A_154 : memref<1x8x1x8x128xf32, #tpu.memory_space<hbm>> -> memref<8x8x128xf32, #tpu.memory_space<hbm>>
    %dma_wait3A_156 = arith.constant 0 : i32
    %dma_wait3A_157 = arith.constant 0 : i32
    %dma_wait3A_158 = arith.constant 0 : i32
    %dma_wait3A_159 = tpu.memref_slice %arg5[%mul3A_22, %dma_wait3A_156, %rem3A_1, %dma_wait3A_157, %dma_wait3A_158] : memref<200x8x8x8x128xf32, #tpu.memory_space<hbm>> -> memref<1x8x1x8x128xf32, #tpu.memory_space<hbm>>
    %dma_wait3A_160 = tpu.memref_squeeze %dma_wait3A_159 : memref<1x8x1x8x128xf32, #tpu.memory_space<hbm>> -> memref<8x8x128xf32, #tpu.memory_space<hbm>>
    tpu.wait_dma2 semaphore(%arg21 : memref<!tpu.dma_semaphore, #tpu.memory_space<semaphore_mem>>) src(%arg13 : memref<8x8x128xf32, #tpu.memory_space<vmem>>) dst(%dma_wait3A_160 : memref<8x8x128xf32, #tpu.memory_space<hbm>>)
    %dma_wait3A_161 = arith.constant 0 : i32
    %dma_wait3A_162 = arith.constant 0 : i32
    %dma_wait3A_163 = arith.constant 0 : i32
    %dma_wait3A_164 = tpu.memref_slice %arg5[%mul3A_22, %dma_wait3A_161, %rem3A_1, %dma_wait3A_162, %dma_wait3A_163] : memref<200x8x8x8x128xf32, #tpu.memory_space<hbm>> -> memref<1x8x1x8x128xf32, #tpu.memory_space<hbm>>
    %dma_wait3A_165 = tpu.memref_squeeze %dma_wait3A_164 : memref<1x8x1x8x128xf32, #tpu.memory_space<hbm>> -> memref<8x8x128xf32, #tpu.memory_space<hbm>>
    %dma_wait3A_166 = arith.constant 0 : i32
    %dma_wait3A_167 = arith.constant 0 : i32
    %dma_wait3A_168 = arith.constant 0 : i32
    %dma_wait3A_169 = tpu.memref_slice %arg5[%mul3A_22, %dma_wait3A_166, %rem3A_1, %dma_wait3A_167, %dma_wait3A_168] : memref<200x8x8x8x128xf32, #tpu.memory_space<hbm>> -> memref<1x8x1x8x128xf32, #tpu.memory_space<hbm>>
    %dma_wait3A_170 = tpu.memref_squeeze %dma_wait3A_169 : memref<1x8x1x8x128xf32, #tpu.memory_space<hbm>> -> memref<8x8x128xf32, #tpu.memory_space<hbm>>
    tpu.wait_dma2 semaphore(%arg22 : memref<!tpu.dma_semaphore, #tpu.memory_space<semaphore_mem>>) src(%arg14 : memref<8x8x128xf32, #tpu.memory_space<vmem>>) dst(%dma_wait3A_170 : memref<8x8x128xf32, #tpu.memory_space<hbm>>)
    %dma_wait3A_171 = arith.constant 0 : i32
    %dma_wait3A_172 = arith.constant 0 : i32
    %dma_wait3A_173 = arith.constant 0 : i32
    %dma_wait3A_174 = tpu.memref_slice %arg5[%mul3A_22, %dma_wait3A_171, %rem3A_1, %dma_wait3A_172, %dma_wait3A_173] : memref<200x8x8x8x128xf32, #tpu.memory_space<hbm>> -> memref<1x8x1x8x128xf32, #tpu.memory_space<hbm>>
    %dma_wait3A_175 = tpu.memref_squeeze %dma_wait3A_174 : memref<1x8x1x8x128xf32, #tpu.memory_space<hbm>> -> memref<8x8x128xf32, #tpu.memory_space<hbm>>
    %dma_wait3A_176 = arith.constant 0 : i32
    %dma_wait3A_177 = arith.constant 0 : i32
    %dma_wait3A_178 = arith.constant 0 : i32
    %dma_wait3A_179 = tpu.memref_slice %arg5[%mul3A_22, %dma_wait3A_176, %rem3A_1, %dma_wait3A_177, %dma_wait3A_178] : memref<200x8x8x8x128xf32, #tpu.memory_space<hbm>> -> memref<1x8x1x8x128xf32, #tpu.memory_space<hbm>>
    %dma_wait3A_180 = tpu.memref_squeeze %dma_wait3A_179 : memref<1x8x1x8x128xf32, #tpu.memory_space<hbm>> -> memref<8x8x128xf32, #tpu.memory_space<hbm>>
    tpu.wait_dma2 semaphore(%arg23 : memref<!tpu.dma_semaphore, #tpu.memory_space<semaphore_mem>>) src(%arg15 : memref<8x8x128xf32, #tpu.memory_space<vmem>>) dst(%dma_wait3A_180 : memref<8x8x128xf32, #tpu.memory_space<hbm>>)
    %dma_wait3A_181 = arith.constant 0 : i32
    %dma_wait3A_182 = arith.constant 0 : i32
    %dma_wait3A_183 = arith.constant 0 : i32
    %dma_wait3A_184 = tpu.memref_slice %arg5[%mul3A_22, %dma_wait3A_181, %rem3A_1, %dma_wait3A_182, %dma_wait3A_183] : memref<200x8x8x8x128xf32, #tpu.memory_space<hbm>> -> memref<1x8x1x8x128xf32, #tpu.memory_space<hbm>>
    %dma_wait3A_185 = tpu.memref_squeeze %dma_wait3A_184 : memref<1x8x1x8x128xf32, #tpu.memory_space<hbm>> -> memref<8x8x128xf32, #tpu.memory_space<hbm>>
    %dma_wait3A_186 = arith.constant 0 : i32
    %dma_wait3A_187 = arith.constant 0 : i32
    %dma_wait3A_188 = arith.constant 0 : i32
    %dma_wait3A_189 = tpu.memref_slice %arg5[%mul3A_22, %dma_wait3A_186, %rem3A_1, %dma_wait3A_187, %dma_wait3A_188] : memref<200x8x8x8x128xf32, #tpu.memory_space<hbm>> -> memref<1x8x1x8x128xf32, #tpu.memory_space<hbm>>
    %dma_wait3A_190 = tpu.memref_squeeze %dma_wait3A_189 : memref<1x8x1x8x128xf32, #tpu.memory_space<hbm>> -> memref<8x8x128xf32, #tpu.memory_space<hbm>>
    tpu.wait_dma2 semaphore(%arg24 : memref<!tpu.dma_semaphore, #tpu.memory_space<semaphore_mem>>) src(%arg16 : memref<8x8x128xf32, #tpu.memory_space<vmem>>) dst(%dma_wait3A_190 : memref<8x8x128xf32, #tpu.memory_space<hbm>>)
    return
  }
}

</mosaic_0001>

<sc_bundles>
// kernel: kernel.3.cloned.1.call-start
scs
__scs_entry_jumppad:
0x0: {  	(pc) =	sbr.rel $0x88, $3  }
0x1: {  	(tag) =	ssettag $0x0;
	lr =	simm.s32 $0x1  }
0x2: {  	[smem:$0x3F9E] =	sst lr;
	_ =	strace $0xD0000000  }
0x3: {  	_ = 	snop  }
0x4: {  	_ = 	snop  }
0x5: {  	_ = 	snop  }
0x6: {  	_ = 	snop  }
0x7: {  	_ = 	snop  }
__scs_overlays_trampoline_lowered:
0x8: {  	[smem:$0x3FAD] =	sst s0  }
0x9: {  	[smem:$0x3FAE] =	sst s1  }
0xa: {  	[smem:$0x3FAF] =	sst s2  }
0xb: {  	[smem:$0x3FB0] =	sst s3  }
0xc: {  	[smem:$0x3FB1] =	sst s4  }
0xd: {  	[smem:$0x3FB2] =	sst s5  }
0xe: {  	[smem:$0x3FB3] =	sst s6  }
0xf: {  	[smem:$0x3FB4] =	sst s7  }
0x10: {  	[smem:$0x3FB5] =	sst s8  }
0x11: {  	[smem:$0x3FB6] =	sst s9;
	s0 =	simm.s32 @!p0 $0x0  }
0x12: {  	s1 =	sld [smem:$0x3F9C];
	s0 =	simm.s32 @p0 $0x1  }
0x13: {  	[smem:$0x3FB7] =	sst s0;
	s0 =	simm.s32 @!p1 $0x0  }
0x14: {  	s2 =	sld [smem:$0x3F9B];
	s0 =	simm.s32 @p1 $0x1  }
0x15: {  	[smem:$0x3FB8] =	sst s0;
	s0 =	simm.s32 @!p2 $0x0  }
0x16: {  	s3 =	sld [smem:$0x3FDB];
	s0 =	simm.s32 @p2 $0x1  }
0x17: {  	s4 =	simm.s32 $0x1BF5;
	[smem:$0x3FBA] =	sst s0  }
0x18: {  	s0 =	sld [smem:$0x3F9D];
	_ =	swait.ge [sflag:s4], $0x0  }
0x19: {  	s7 =	sld [smem:$0x3F9E]  }
0x1a: {  	s8 =	sadd.s32 $0xFFFFE003, lr  }
0x1b: {  	s9 =	sadd.s32 $0xFFFFFEF7, lr;
	s5 =	simm.s32 $0xFFFFFFFF;
	p2 =	slt.u32 s8, $0xFFFFF086  }
0x1c: {  	p1 =	slt.u32 s9, $0xF7A;
	s5 =	simm.s32 @!p2 $0x0  }
0x1d: {  	s5 =	simm.s32 @p1 $0x1;
	p0 =	seq.s32 s7, s2  }
0x1e: {  	s7 =	smul.u32 @!p0 $0xF7A, s2;
	p2 =	seq.s32 @!p0 s5, $0x0  }
0x1f: {  	s9 =	smul.u32 $0xF7A, s1;
	s8 =	simm.s32 @!p0 $0x1BF5;
	p2 =	por !p2, p0  }
0x20: {  	[sflag:s8] =	ssyncset.s32 @!p0 $0xFFFFF086;
	s6 =	sadd.s32 @!p0 s3, s7;
	s7 =	simm.s32 @!p0 $0x108  }
0x21: {  	s3 =	sadd.s32 s3, s9;
	s6 =	sadd.s32 @!p0 $0x88, s6;
	s7 =	simm.s32 @p2 $0x1082  }
0x22: {  	[simem:s7], [sflag:s8] =	dma.local @!p0 [hbm:s6], $0xF7A  }
0x23: {  	s9 =	sor.u32 $0xD0000000, s2;
	s6 =	simm.s32 $0x108;
	_ =	swait.ge @!p0 [sflag:s8], $0x0  }
0x24: {  	s3 =	sadd.s32 $0x88, s3;
	s6 =	simm.s32 @!p1 $0x1082;
	[sflag:s4] =	ssyncset.s32 $0xFFFFF086  }
0x25: {  	[simem:s6], [sflag:s4] =	dma.local [hbm:s3], $0xF7A  }
0x26: {  	[smem:$0x3F9E] =	sst s1;
	(tag) =	ssettag s2;
	_ =	strace s9  }
0x27: {  	s1 =	sld [smem:$0x3FAE]  }
0x28: {  	s2 =	sld [smem:$0x3FAF]  }
0x29: {  	s4 =	sld [smem:$0x3FB1]  }
0x2a: {  	p0 =	seq.s32 s5, $0x0;
	s5 =	sld [smem:$0x3FB2]  }
0x2b: {  	s6 =	sld [smem:$0x3FB3]  }
0x2c: {  	s7 =	sld [smem:$0x3FB4]  }
0x2d: {  	s3 =	simm.s32 $0x108;
	s8 =	sld [smem:$0x3FB5]  }
0x2e: {  	s3 =	simm.s32 @!p0 $0x1082;
	s9 =	sld [smem:$0x3FB6]  }
0x2f: {  	lr =	sadd.s32 s0, s3;
	s0 =	sld [smem:$0x3FAD]  }
0x30: {  	s3 =	sld [smem:$0x3FB0]  }
0x31: {  	[smem:$0x3FB9] =	sst s10  }
0x32: {  	s10 =	sld [smem:$0x3FB7];
	_ =	sdelay $0x3  }
0x33: {  	p0 =	seq.s32 s10, $0x1;
	s10 =	sld [smem:$0x3FB9];
	_ =	sdelay $0x3  }
0x34: {  	[smem:$0x3FB9] =	sst s10  }
0x35: {  	s10 =	sld [smem:$0x3FB8];
	_ =	sdelay $0x3  }
0x36: {  	p1 =	seq.s32 s10, $0x1;
	s10 =	sld [smem:$0x3FB9];
	_ =	sdelay $0x3  }
0x37: {  	[smem:$0x3FB9] =	sst s10  }
0x38: {  	s10 =	sld [smem:$0x3FBA]  }
0x39: {  	_ = 	snop;
	(pc) =	sbr.ind lr, $3  }
0x3a: {  	_ = 	snop  }
0x3b: {  	_ = 	snop  }
0x3c: {  	p2 =	seq.s32 s10, $0x1;
	s10 =	sld [smem:$0x3FB9]  }
0x3d: {  	_ =	shalt  }
0x3e: {  	_ =	shalt  }
0x3f: {  	_ =	shalt  }
0x40: {  	_ =	shalt  }
0x41: {  	_ =	shalt  }
0x42: {  	_ =	shalt  }
0x43: {  	_ =	shalt  }
0x44: {  	_ =	shalt  }
0x45: {  	_ =	shalt  }
0x46: {  	_ =	shalt  }
0x47: {  	_ =	shalt  }
0x48: {  	_ =	shalt  }
0x49: {  	_ =	shalt  }
0x4a: {  	_ =	shalt  }
0x4b: {  	_ =	shalt  }
0x4c: {  	_ =	shalt  }
0x4d: {  	_ =	shalt  }
0x4e: {  	_ =	shalt  }
0x4f: {  	_ =	shalt  }
0x50: {  	_ =	shalt  }
0x51: {  	_ =	shalt  }
0x52: {  	_ =	shalt  }
0x53: {  	_ =	shalt  }
0x54: {  	_ =	shalt  }
0x55: {  	_ =	shalt  }
0x56: {  	_ =	shalt  }
0x57: {  	_ =	shalt  }
0x58: {  	_ =	shalt  }
0x59: {  	_ =	shalt  }
0x5a: {  	_ =	shalt  }
0x5b: {  	_ =	shalt  }
0x5c: {  	_ =	shalt  }
0x5d: {  	_ =	shalt  }
0x5e: {  	_ =	shalt  }
0x5f: {  	_ =	shalt  }
0x60: {  	_ =	shalt  }
0x61: {  	_ =	shalt  }
0x62: {  	_ =	shalt  }
0x63: {  	_ =	shalt  }
0x64: {  	_ =	shalt  }
0x65: {  	_ =	shalt  }
0x66: {  	_ =	shalt  }
0x67: {  	_ =	shalt  }
0x68: {  	_ =	shalt  }
0x69: {  	_ =	shalt  }
0x6a: {  	_ =	shalt  }
0x6b: {  	_ =	shalt  }
0x6c: {  	_ =	shalt  }
0x6d: {  	_ =	shalt  }
0x6e: {  	_ =	shalt  }
0x6f: {  	_ =	shalt  }
0x70: {  	_ =	shalt  }
0x71: {  	_ =	shalt  }
0x72: {  	_ =	shalt  }
0x73: {  	_ =	shalt  }
0x74: {  	_ =	shalt  }
0x75: {  	_ =	shalt  }
0x76: {  	_ =	shalt  }
0x77: {  	_ =	shalt  }
0x78: {  	_ =	shalt  }
0x79: {  	_ =	shalt  }
0x7a: {  	_ =	shalt  }
0x7b: {  	_ =	shalt  }
0x7c: {  	_ =	shalt  }
0x7d: {  	_ =	shalt  }
0x7e: {  	_ =	shalt  }
0x7f: {  	_ =	shalt  }
0x80: {  	_ =	shalt  }
0x81: {  	_ =	shalt  }
0x82: {  	_ =	shalt  }
0x83: {  	_ =	shalt  }
0x84: {  	_ =	shalt  }
0x85: {  	_ =	shalt  }
0x86: {  	_ =	shalt  }
0x87: {  	_ =	shalt  }
.Lfunc_end0:
.L_simem_size_0:
called_computation_lowered:
.L_overlay_start_0:
0x88: {  	s2 =	sld [smem:$0x3FD9]  }
0x89: {  	s3 =	sld [smem:$0x3FFE];
	_ =	sdelay $0x1  }
0x8a: {  	s1 =	srdreg.scid  }
0x8b: {  	s0 =	sand.u32 $0x1, s1  }
0x8c: {  	s17 =	sshll.u32 s0, $0xA;
	s2 =	sadd.s32 s3, s2  }
0x8d: {  	s2 =	sadd.s32 s2, s17  }
0x8e: {  	[smem:$0x3FC5] =	sst s2  }
0x8f: {  	_ = 	snop  }
0x90: {  	s2 =	sld [smem:$0x3FD0];
	(tm) =	ssettm $0x1  }
0x91: {  	s18 =	sld [smem:$0x3FFB];
	_ =	sdelay $0x3  }
0x92: {  	_ =	strace s18  }
0x93: {  	s3 =	sld [smem:$0x3FFC];
	_ =	sdelay $0x3  }
0x94: {  	_ =	strace s3  }
0x95: {  	s3 =	sld [smem:$0x3FFD];
	_ =	sdelay $0x3  }
0x96: {  	_ =	strace s3  }
0x97: {  	_ =	strace $0x8FFFFFFF  }
0x98: {  	s19 =	sld [smem:$0x3FDB];
	_ =	sdelay $0x1  }
0x99: {  	s4 =	simm.s32 $_scs_section_size  }
0x9a: {  	s5 =	simm.s32 $_size__tile_overlayer_lowered;
	s6 =	simm.s32 $_tile_overlayer_lowered  }
0x9b: {  	s22 =	simm.s32 $0x1BFF;
	s21 =	sshll.u32 s6, $0x1;
	s3 =	sadd.s32 s4, s19  }
0x9c: {  	s7 =	simm.s32 $0x0;
	s20 =	sshll.u32 s5, $0x1;
	s5 =	sadd.s32 s21, s3  }
0x9d: {  	[timem:s7], [sflag:s22] =	dma.local [hbm:s5], s20  }
0x9e: {  	_ =	swait.ge [sflag:s22], s20  }
0x9f: {  	s4 =	ssub.s32 $0x0, s20;
	[sflag:s22] =	ssyncset.done $0x0  }
0xa0: {  	[sflag:s22] =	ssyncadd.s32 s4;
	_ =	sdelay $0x1  }
0xa1: {  	s23 =	simm.s32 $0x1B8B  }
0xa2: {  	_ =	swait.ge [sflag:s23], $0x1  }
0xa3: {  	[sflag:s23] =	ssyncset.done $0x0  }
0xa4: {  	s25 =	simm.s32 $0x1B8E;
	s24 =	sld [smem:$0x3FFE];
	[sflag:s23] =	ssyncadd.s32 $0xFFFFFFFF  }
0xa5: {  	s26 =	simm.s32 $execute0_lowered;
	[smem:$0x3FD2] =	sst s25  }
0xa6: {  	s5 =	sshll.u32 s26, $0x1;
	_ =	strace $0x80000046;
	[dreg:$0x1] =	wrdreg $0xFFFFFFFF  }
0xa7: {  	s28 =	simm.s32 $_size_execute0_lowered;
	s3 =	sadd.s32 s3, s5;
	[dreg:$0x0] =	wrdreg $0x0  }
0xa8: {  	s5 =	sshll.u32 s28, $0x1;
	[dreg:$0x2] =	wrdreg s3  }
0xa9: {  	[dreg:$0x3] =	wrdreg s5  }
0xaa: {  	[dreg:$0x4] =	wrdreg $0xC0  }
0xab: {  	_ =	task [dreg:s7], $0x5FFFF  }
0xac: {  	[dreg:$0x1] =	wrdreg $0xFFFFFFFF  }
0xad: {  	[dreg:$0x0] =	wrdreg $0x60  }
0xae: {  	[dreg:$0x2] =	wrdreg s24  }
0xaf: {  	[dreg:$0x3] =	wrdreg s2  }
0xb0: {  	[dreg:$0x4] =	wrdreg $0x9  }
0xb1: {  	_ =	task.clear_ibuf [dreg:s7], $0x5FFFF;
	_ =	strace $0x90000046  }
0xb2: {  	s29 =	simm.s32 $0x9;
	_ =	strace $0x80000048  }
0xb3: {  	_ =	swait.ge [sflag:s29], $0x1  }
0xb4: {  	[sflag:s29] =	ssyncadd.s32 $0xFFFFFFFF  }
0xb5: {  	_ =	strace $0x90000048  }
0xb6: {  	_ =	sfence  }
0xb7: {  	s30 =	sld [smem:$0x0];
	_ =	sdelay $0x2  }
0xb8: {  	s31 =	sshll.u32 s1, $0xD;
	s1 =	sshrl.u32 s1, $0x2  }
0xb9: {  	s3 =	sand.u32 $0x4000, s31;
	s1 =	sadd.s32 s1, s30  }
0xba: {  	s0 =	sor.u32 s3, s0;
	s1 =	sshll.u32 s1, $0x11  }
0xbb: {  	s0 =	sor.u32 s1, s0  }
0xbc: {  	s0 =	sadd.s32 $0x8F2B, s0  }
0xbd: {  	[sflag:s0] =	ssyncadd.remote.s32 $0x1  }
0xbe: {  	_ =	sfence.sel $0xFFFF  }
0xbf: {  	[dreg:$0x0] =	wrdreg $0xFFFFFFFF;
	(pc) =	sbr.abs _section_cstart, $3  }
0xc0: {  	[dreg:$0x1] =	wrdreg $0xFFFFFFFF  }
0xc1: {  	_ =	task.clear_ibuf [dreg:s7], $0x2FFFF;
	_ =	strace $0x9FFFFFFF  }
0xc2: {  	(tm) =	ssettm $0x7FFFFFFF  }
0xc3: {  	_ =	shalt  }
tec
execute0_lowered:
.L_overlay_start_1:
0x0: {  	(tag) =	ssettag $0x1  }
0x1: {  	v0 =	vlaneseq.u32  }
0x2: {  	v22 =	vmul.u32 $0x48, v0;
	_ =	sdelay $0x1  }
0x3: {  	v0 =	vadd.s32 $0x480, v22  }
0x4: {  	v44 =	vadd.s32 $0x900, v22;
	[tilespmem:$0x1FD20] =	vst v0  }
0x5: {  	v45 =	vadd.s32 $0xD80, v22;
	[tilespmem:$0x1FD30] =	vst v44  }
0x6: {  	v46 =	vadd.s32 $0x1B00, v22;
	[tilespmem:$0x1FD40] =	vst v45  }
0x7: {  	v47 =	vadd.s32 $0x1F80, v22;
	[tilespmem:$0x1FD50] =	vst v46  }
0x8: {  	v48 =	vadd.s32 $0x481, v22;
	[tilespmem:$0x1FD60] =	vst v47  }
0x9: {  	v49 =	vadd.s32 $0x901, v22;
	[tilespmem:$0x1FD70] =	vst v48  }
0xa: {  	v50 =	vadd.s32 $0x1201, v22;
	[tilespmem:$0x1FD80] =	vst v49  }
0xb: {  	v51 =	vadd.s32 $0x1681, v22;
	[tilespmem:$0x1FD90] =	vst v50  }
0xc: {  	s4 =	stileid.u32;
	s0 =	rddreg [dreg:$0x0];
	s7 =	simm.s32 $0x0;
	v52 =	vadd.s32 $0x1B01, v22;
	[tilespmem:$0x1FDA0] =	vst v51  }
0xd: {  	s2 =	sshll.u32 s4, $0x1;
	[smem:$0x7FF] =	sst s7;
	v53 =	vadd.s32 $0x482, v22;
	[tilespmem:$0x1FDB0] =	vst v52  }
0xe: {  	s3 =	sand.u32 $0x6, s2;
	s2 =	rddreg [dreg:$0x1];
	v54 =	vadd.s32 $0x902, v22;
	_ =	strace $0x80000047;
	[tilespmem:$0x1FDC0] =	vst v53  }
0xf: {  	v55 =	vadd.s32 $0xD82, v22;
	[tilespmem:$0x1FDD0] =	vst v54  }
0x10: {  	v56 =	vadd.s32 $0x1202, v22;
	[tilespmem:$0x1FDE0] =	vst v55  }
0x11: {  	v57 =	vadd.s32 $0x1682, v22;
	[tilespmem:$0x1FDF0] =	vst v56  }
0x12: {  	v58 =	vadd.s32 $0x1B02, v22;
	[tilespmem:$0x1FE00] =	vst v57  }
0x13: {  	v59 =	vadd.s32 $0xD83, v22;
	[tilespmem:$0x1FE10] =	vst v58  }
0x14: {  	v60 =	vadd.s32 $0x1683, v22;
	[tilespmem:$0x1FE20] =	vst v59  }
0x15: {  	v61 =	vadd.s32 $0x1B03, v22;
	[tilespmem:$0x1FE30] =	vst v60  }
0x16: {  	v62 =	vadd.s32 $0x1F83, v22;
	[tilespmem:$0x1FE40] =	vst v61  }
0x17: {  	v63 =	vadd.s32 $0xD84, v22;
	[tilespmem:$0x1FE50] =	vst v62  }
0x18: {  	v37 =	vor.u32 $0x3, v22;
	[tilespmem:$0x1FE60] =	vst v63  }
0x19: {  	v29 =	vor.u32 $0x1, v22;
	[tilespmem:$0x1FE70] =	vst v37  }
0x1a: {  	[tilespmem:$0x1FE80] =	vst v29  }
0x1b: {  	v45 =	vadd.s32 $0x903, v22;
	[tilespmem:$0x1FE90] =	vst v22  }
0x1c: {  	v34 =	vor.u32 $0x2, v22;
	[tilespmem:$0x1FEA0] =	vst v45  }
0x1d: {  	v36 =	vadd.s32 $0xD85, v22;
	[tilespmem:$0x1FEB0] =	vst v34  }
0x1e: {  	v27 =	vadd.s32 $0x1205, v22;
	[tilespmem:$0x1FEC0] =	vst v36  }
0x1f: {  	v21 =	vadd.s32 $0x905, v22;
	[tilespmem:$0x1FED0] =	vst v27  }
0x20: {  	s1 =	srdreg.scid;
	v24 =	vadd.s32 $0x1B05, v22;
	[tilespmem:$0x1FEE0] =	vst v21  }
0x21: {  	s12 =	simm.s32 $0x80;
	s13 =	simm.s32 $0x400;
	s16 =	simm.s32 $0x2580;
	v28 =	vadd.s32 $0x1F85, v22;
	[tilespmem:$0x1FF00] =	vst v24  }
0x22: {  	s17 =	simm.s32 $0x4580;
	s18 =	simm.s32 $0x6580;
	s19 =	simm.s32 $0x1;
	v16 =	vor.u32 $0x6, v22;
	[tilespmem:$0x1FF10] =	vst v28  }
0x23: {  	s20 =	simm.s32 $0xA580;
	s21 =	simm.s32 $0x2000;
	s6 =	sshrl.u32 s4, $0x2;
	v35 =	vadd.s32 $0x486, v22;
	[tilespmem:$0x1FF20] =	vst v16  }
0x24: {  	s28 =	simm.s32 $0x3;
	s29 =	simm.s32 $0x10980;
	s4 =	smul.u32 $0xC800, s6;
	v38 =	vadd.s32 $0x906, v22;
	[tilespmem:$0x1FF30] =	vst v35  }
0x25: {  	s30 =	simm.s32 $0x6;
	s1 =	sand.u32 $0x1, s1;
	s22 =	smul.u32 $0x190, s6;
	v42 =	vadd.s32 $0xD86, v22;
	[tilespmem:$0x1FF40] =	vst v38  }
0x26: {  	s31 =	simm.s32 $0x4;
	s9 =	smul.u32 $0x320000, s6;
	s3 =	sor.u32 s1, s3;
	v43 =	vadd.s32 $0x1206, v22;
	[tilespmem:$0x1FF50] =	vst v42  }
0x27: {  	s6 =	smul.u32 $0x32, s6;
	s1 =	ssub.s32 $0x2, s1;
	s5 =	sshll.u32 s3, $0x7;
	v47 =	vadd.s32 $0x1686, v22;
	[tilespmem:$0x1FF60] =	vst v43  }
0x28: {  	s10 =	sshrl.u32 s1, $0x1;
	v48 =	vadd.s32 $0x1B06, v22;
	s4 =	sor.u32 s4, s5;
	s5 =	sshll.u32 s3, $0xA;
	[tilespmem:$0x1FF70] =	vst v47  }
0x29: {  	v49 =	vadd.s32 $0x1F86, v22;
	s1 =	ssub.s32 s1, s10;
	[tilespmem:$0x1FF80] =	vst v48;
	s4 =	sshrl.u32 s4, $0x3;
	s3 =	sor.u32 s5, s9  }
0x2a: {  	v50 =	vor.u32 $0x7, v22;
	[tilespmem:$0x1FF90] =	vst v49;
	s26 =	smax.u32 s1, $0x1;
	s1 =	simm.s32 $0x12980;
	s8 =	sadd.s32 s4, s0  }
0x2b: {  	v39 =	vadd.s32 $0x1200, v22;
	v26 =	vadd.s32 $0xD87, v22;
	[tilespmem:$0x1FFA0] =	vst v50;
	s4 =	sadd.s32 $0x7000, s0;
	s0 =	sadd.s32 s22, s0;
	s23 =	sadd.s32 $0x300000, s3  }
0x2c: {  	v23 =	vadd.s32 $0x1680, v22;
	v30 =	vadd.s32 $0xD81, v22;
	v51 =	vadd.s32 $0x485, v22;
	[tilespmem:$0x1FFD0] =	vst v26;
	s3 =	sadd.s32 $0x310000, s3;
	[dreg:$0x7] =	wrdreg s26;
	s22 =	simm.s32 $0xC980  }
0x2d: {  	v33 =	vadd.s32 $0x1F81, v22;
	v40 =	vadd.s32 $0x1F82, v22;
	v53 =	vadd.s32 $0x1685, v22;
	[tilespmem:$0x1FFE0] =	vst v51;
	s26 =	simm.s32 $0x5;
	s8 =	sadd.s32 $0xC00, s8;
	s7 =	sshrl.u32 s23, $0x3  }
0x2e: {  	v44 =	vadd.s32 $0x483, v22;
	v46 =	vadd.s32 $0x1203, v22;
	v56 =	vadd.s32 $0x487, v22;
	[tilespmem:$0x1FEF0] =	vst v53;
	s3 =	sshrl.u32 s3, $0x3;
	s0 =	sadd.s32 $0x400, s0;
	[dreg:$0x3] =	wrdreg s8  }
0x2f: {  	v52 =	vor.u32 $0x4, v22;
	v54 =	vadd.s32 $0x484, v22;
	v59 =	vadd.s32 $0x907, v22;
	[tilespmem:$0x1FFB0] =	vst v56;
	s23 =	simm.s32 $0x8580;
	[dreg:$0x4] =	wrdreg s0;
	s24 =	sadd.s32 s2, s7  }
0x30: {  	v57 =	vadd.s32 $0x904, v22;
	v55 =	vadd.s32 $0x1204, v22;
	v58 =	vadd.s32 $0x1684, v22;
	[tilespmem:$0x1FFC0] =	vst v59;
	s25 =	sadd.s32 s2, s3;
	s7 =	simm.s32 $0x0;
	[dreg:$0x5] =	wrdreg s24  }
0x31: {  	v62 =	vadd.s32 $0x1B04, v22;
	v61 =	vadd.s32 $0x1F84, v22;
	v63 =	vor.u32 $0x5, v22;
	[tilespmem:$0x1FFF0] =	vst v55;
	[dreg:$0x6] =	wrdreg s25;
	s24 =	simm.s32 $0x2;
	s25 =	simm.s32 $0xE980  }
.LBB2_1:
0x32: {  	[dreg:$0x8] =	wrdreg s7  }
0x33: {  	s0 =	simm.s32 $0x0;
	s3 =	rddreg [dreg:$0x3];
	s14 =	simm.s32 $0x9  }
0x34: {  	[tilespmem:s0], [sflag:$0x9] =	stream.strided.gather [hbm4b:s3+s12], $0x1900, s13, s12, $0x38;
	[tilespmem:$0x14980] =	vst v63  }
0x35: {  	_ =	swait.ge [sflag:s14], $0x1900  }
0x36: {  	[sflag:s14] =	ssyncset.done $0x0  }
0x37: {  	s8 =	simm.s32 $0x1900;
	s15 =	rddreg [dreg:$0x4];
	[sflag:s14] =	ssyncadd.s32 $0xFFFFE700  }
0x38: {  	[tilespmem:s8], [sflag:$0x9] =	stream.linear.gather [hbm4b:s15+s0], $0xC80, $0x38;
	[tilespmem:$0x14980] =	vst v63  }
0x39: {  	_ =	swait.ge [sflag:s14], $0xC80  }
0x3a: {  	[sflag:s14] =	ssyncset.done $0x0  }
0x3b: {  	[sflag:s14] =	ssyncadd.s32 $0xFFFFF380  }
0x3c: {  	[tilespmem:s16], [sflag:$0x1] =	stream.indirect.gather [hbm4b:s4+s12], $0x40, s0, s12, $0xb8;
	[tilespmem:$0x14980] =	vst v63  }
0x3d: {  	s8 =	simm.s32 $0x0  }
0x3e: {  	[tilespmem:s17], [sflag:$0x2] =	stream.indirect.gather [hbm4b:s4+s12], $0x40, s12, s12, $0xb8;
	[tilespmem:$0x14980] =	vst v63  }
.LBB2_2:
0x3f: {  	p0 =	seq.s32 s8, $0x0  }
0x40: {  	s11 =	sshll.u32 s8, $0x2;
	s0 =	simm.s32 @!p0 $0x7  }
0x41: {  	s9 =	sor.u32 $0x2, s11;
	_ =	swait.ge @!p0 [sflag:s0], $0x2000  }
0x42: {  	s3 =	sshll.u32 s9, $0x7;
	[sflag:s0] =	ssyncset.done @!p0 $0x0  }
0x43: {  	s10 =	sand.u32 $0x3FFFFF80, s3;
	[sflag:s0] =	ssyncadd.s32 @!p0 $0xFFFFE000  }
0x44: {  	[tilespmem:s18], [sflag:$0x3] =	stream.indirect.gather [hbm4b:s4+s12], $0x40, s10, s12, $0xb8;
	[tilespmem:$0x14980] =	vst v63  }
0x45: {  	_ =	swait.ge [sflag:s19], $0x2000  }
0x46: {  	s14 =	sshll.u32 s8, $0x8;
	[sflag:s19] =	ssyncset.done $0x0  }
0x47: {  	s0 =	sand.u32 $0x3FFFFF00, s14;
	[sflag:s19] =	ssyncadd.s32 $0xFFFFE000  }
0x48: {  	v1 =	vld [tilespmem:s0+$0x1900]  }
0x49: {  	v2 =	vld [tilespmem:s0+$0x1910]  }
0x4a: {  	v3 =	vld [tilespmem:s0+$0x1920]  }
0x4b: {  	s15 =	simm.s32 $0x2680;
	v0 =	vld [tilespmem:s0+$0x1930]  }
0x4c: {  	v4 =	vld [tilespmem:s15+$0xC0]  }
0x4d: {  	v5 =	vld [tilespmem:s15+$0xFFFFFF40]  }
0x4e: {  	v6 =	vld [tilespmem:s15+$0xFFFFFF80]  }
0x4f: {  	v7 =	vld [tilespmem:s15+$0xFFFFFFC0]  }
0x50: {  	v8 =	vld [tilespmem:s15+$0x0]  }
0x51: {  	v9 =	vld [tilespmem:s15+$0x40];
	v4 =	vadd.f32 v4, v1  }
0x52: {  	s0 =	simm.s32 $0xA6A0;
	v10 =	vld [tilespmem:s15+$0x80];
	v5 =	vadd.f32 v5, v1  }
0x53: {  	v11 =	vld [tilespmem:s15+$0xFFFFFF00];
	v6 =	vadd.f32 v6, v1;
	[tilespmem:s0+$0xD8] =	vst v4  }
0x54: {  	[tilespmem:s0+$0xFFFFFF28] =	vst v5;
	v4 =	vadd.f32 v7, v1;
	v5 =	vld [tilespmem:s15+$0xD0]  }
0x55: {  	[tilespmem:s0+$0xFFFFFF70] =	vst v6;
	v6 =	vadd.f32 v8, v1;
	v7 =	vld [tilespmem:s15+$0xFFFFFF50]  }
0x56: {  	v8 =	vld [tilespmem:s15+$0xFFFFFF90];
	[tilespmem:s0+$0xFFFFFFB8] =	vst v4;
	v4 =	vadd.f32 v9, v1  }
0x57: {  	[tilespmem:s0+$0x0] =	vst v6;
	v6 =	vadd.f32 v10, v1;
	v9 =	vld [tilespmem:s15+$0xFFFFFFD0]  }
0x58: {  	v10 =	vadd.f32 v11, v1;
	v11 =	vld [tilespmem:s15+$0x10];
	[tilespmem:s0+$0x48] =	vst v4  }
0x59: {  	[tilespmem:s0+$0x90] =	vst v6;
	v4 =	vld [tilespmem:s15+$0x50];
	v5 =	vadd.f32 v5, v2  }
0x5a: {  	[tilespmem:s0+$0xFFFFFEE0] =	vst v10;
	v6 =	vadd.f32 v7, v2;
	v7 =	vld [tilespmem:s15+$0x90]  }
0x5b: {  	v10 =	vld [tilespmem:s15+$0xFFFFFF10];
	v8 =	vadd.f32 v8, v2;
	[tilespmem:s0+$0xE8] =	vst v5  }
0x5c: {  	[tilespmem:s0+$0xFFFFFF38] =	vst v6;
	v5 =	vadd.f32 v9, v2;
	v6 =	vld [tilespmem:s15+$0xE0]  }
0x5d: {  	[tilespmem:s0+$0xFFFFFF80] =	vst v8;
	v8 =	vadd.f32 v11, v2;
	v9 =	vld [tilespmem:s15+$0xFFFFFF60]  }
0x5e: {  	v11 =	vld [tilespmem:s15+$0xFFFFFFA0];
	[tilespmem:s0+$0xFFFFFFC8] =	vst v5;
	v4 =	vadd.f32 v4, v2  }
0x5f: {  	[tilespmem:s0+$0x10] =	vst v8;
	v5 =	vld [tilespmem:s15+$0xFFFFFFE0];
	v7 =	vadd.f32 v7, v2  }
0x60: {  	v8 =	vadd.f32 v10, v2;
	v10 =	vld [tilespmem:s15+$0x20];
	[tilespmem:s0+$0x58] =	vst v4  }
0x61: {  	v4 =	vld [tilespmem:s15+$0x60];
	[tilespmem:s0+$0xA0] =	vst v7;
	v6 =	vadd.f32 v6, v3  }
0x62: {  	[tilespmem:s0+$0xFFFFFEF0] =	vst v8;
	v7 =	vadd.f32 v9, v3;
	v8 =	vld [tilespmem:s15+$0xA0]  }
0x63: {  	v9 =	vld [tilespmem:s15+$0xFFFFFF20];
	v11 =	vadd.f32 v11, v3;
	[tilespmem:s0+$0xF8] =	vst v6  }
0x64: {  	[tilespmem:s0+$0xFFFFFF48] =	vst v7;
	v5 =	vadd.f32 v5, v3;
	v7 =	vld [tilespmem:s15+$0xF0]  }
0x65: {  	[tilespmem:s0+$0xFFFFFF90] =	vst v11;
	v6 =	vadd.f32 v10, v3;
	v12 =	vld [tilespmem:s15+$0xFFFFFF70]  }
0x66: {  	v11 =	vld [tilespmem:s15+$0xFFFFFFB0];
	[tilespmem:s0+$0xFFFFFFD8] =	vst v5;
	v5 =	vadd.f32 v4, v3  }
0x67: {  	[tilespmem:s0+$0x20] =	vst v6;
	v4 =	vld [tilespmem:s15+$0xFFFFFFF0];
	v8 =	vadd.f32 v8, v3  }
0x68: {  	v9 =	vadd.f32 v9, v3;
	v6 =	vld [tilespmem:s15+$0x30];
	[tilespmem:s0+$0x68] =	vst v5  }
0x69: {  	v5 =	vld [tilespmem:s15+$0x70];
	[tilespmem:s0+$0xB0] =	vst v8;
	v13 =	vadd.f32 v7, v0  }
0x6a: {  	[tilespmem:s0+$0xFFFFFF00] =	vst v9;
	v7 =	vld [tilespmem:s15+$0xB0];
	v10 =	vadd.f32 v12, v0  }
0x6b: {  	s3 =	simm.s32 $0xCB80;
	s10 =	simm.s32 $0x0;
	v8 =	vld [tilespmem:s15+$0xFFFFFF30];
	v9 =	vadd.f32 v11, v0;
	s15 =	simm.s32 $0x2880;
	[tilespmem:s0+$0x108] =	vst v13  }
.LBB2_3:
0x6c: {  	v11 =	vld [tilespmem:s15+$0xC0];
	s10 =	sadd.s32 $0x8, s10;
	[tilespmem:s0+$0xFFFFFF58] =	vst v10;
	v4 =	vadd.f32 v4, v0  }
0x6d: {  	v10 =	vld [tilespmem:s15+$0xFFFFFF40];
	p1 =	slt.u32 s10, $0x78;
	[tilespmem:s0+$0xFFFFFFA0] =	vst v9;
	v6 =	vadd.f32 v6, v0  }
0x6e: {  	v9 =	vld [tilespmem:s15+$0xFFFFFF80];
	[tilespmem:s0+$0xFFFFFFE8] =	vst v4;
	v4 =	vadd.f32 v5, v0  }
0x6f: {  	v5 =	vld [tilespmem:s15+$0xFFFFFFC0];
	[tilespmem:s0+$0x30] =	vst v6;
	v6 =	vadd.f32 v7, v0  }
0x70: {  	v7 =	vld [tilespmem:s15+$0x0];
	v8 =	vadd.f32 v8, v0;
	[tilespmem:s0+$0x78] =	vst v4  }
0x71: {  	v4 =	vld [tilespmem:s15+$0x40];
	v11 =	vadd.f32 v11, v1;
	[tilespmem:s0+$0xC0] =	vst v6  }
0x72: {  	v6 =	vadd.f32 v10, v1;
	v10 =	vld [tilespmem:s15+$0x80];
	[tilespmem:s0+$0xFFFFFF10] =	vst v8;
	s0 =	sadd.s32 $0x240, s0  }
0x73: {  	v8 =	vld [tilespmem:s15+$0xFFFFFF00];
	v9 =	vadd.f32 v9, v1;
	[tilespmem:s0+$0xD8] =	vst v11  }
0x74: {  	[tilespmem:s0+$0xFFFFFF28] =	vst v6;
	v5 =	vadd.f32 v5, v1;
	v6 =	vld [tilespmem:s15+$0xD0]  }
0x75: {  	v11 =	vld [tilespmem:s15+$0xFFFFFF50];
	[tilespmem:s0+$0xFFFFFF70] =	vst v9;
	v7 =	vadd.f32 v7, v1  }
0x76: {  	v9 =	vld [tilespmem:s15+$0xFFFFFF90];
	[tilespmem:s0+$0xFFFFFFB8] =	vst v5;
	v4 =	vadd.f32 v4, v1  }
0x77: {  	v5 =	vld [tilespmem:s15+$0xFFFFFFD0];
	[tilespmem:s0+$0x0] =	vst v7;
	v7 =	vadd.f32 v10, v1  }
0x78: {  	v8 =	vadd.f32 v8, v1;
	v10 =	vld [tilespmem:s15+$0x10];
	[tilespmem:s0+$0x48] =	vst v4  }
0x79: {  	v4 =	vld [tilespmem:s15+$0x50];
	[tilespmem:s0+$0x90] =	vst v7;
	v6 =	vadd.f32 v6, v2  }
0x7a: {  	[tilespmem:s0+$0xFFFFFEE0] =	vst v8;
	v7 =	vadd.f32 v11, v2;
	v8 =	vld [tilespmem:s15+$0x90]  }
0x7b: {  	v11 =	vld [tilespmem:s15+$0xFFFFFF10];
	v9 =	vadd.f32 v9, v2;
	[tilespmem:s0+$0xE8] =	vst v6  }
0x7c: {  	[tilespmem:s0+$0xFFFFFF38] =	vst v7;
	v5 =	vadd.f32 v5, v2;
	v6 =	vld [tilespmem:s15+$0xE0]  }
0x7d: {  	v7 =	vld [tilespmem:s15+$0xFFFFFF60];
	[tilespmem:s0+$0xFFFFFF80] =	vst v9;
	v9 =	vadd.f32 v10, v2  }
0x7e: {  	v10 =	vld [tilespmem:s15+$0xFFFFFFA0];
	[tilespmem:s0+$0xFFFFFFC8] =	vst v5;
	v4 =	vadd.f32 v4, v2  }
0x7f: {  	v5 =	vld [tilespmem:s15+$0xFFFFFFE0];
	[tilespmem:s0+$0x10] =	vst v9;
	v8 =	vadd.f32 v8, v2  }
0x80: {  	v9 =	vadd.f32 v11, v2;
	v11 =	vld [tilespmem:s15+$0x20];
	[tilespmem:s0+$0x58] =	vst v4  }
0x81: {  	v4 =	vld [tilespmem:s15+$0x60];
	[tilespmem:s0+$0xA0] =	vst v8;
	v6 =	vadd.f32 v6, v3  }
0x82: {  	[tilespmem:s0+$0xFFFFFEF0] =	vst v9;
	v7 =	vadd.f32 v7, v3;
	v8 =	vld [tilespmem:s15+$0xA0]  }
0x83: {  	v9 =	vld [tilespmem:s15+$0xFFFFFF20];
	v10 =	vadd.f32 v10, v3;
	[tilespmem:s0+$0xF8] =	vst v6  }
0x84: {  	[tilespmem:s0+$0xFFFFFF48] =	vst v7;
	v5 =	vadd.f32 v5, v3;
	v7 =	vld [tilespmem:s15+$0xF0]  }
0x85: {  	v12 =	vld [tilespmem:s15+$0xFFFFFF70];
	[tilespmem:s0+$0xFFFFFF90] =	vst v10;
	v6 =	vadd.f32 v11, v3  }
0x86: {  	v11 =	vld [tilespmem:s15+$0xFFFFFFB0];
	[tilespmem:s0+$0xFFFFFFD8] =	vst v5;
	v5 =	vadd.f32 v4, v3  }
.Ltmp0:
0x87: {  	v4 =	vld [tilespmem:s15+$0xFFFFFFF0];
	[tilespmem:s0+$0x20] =	vst v6;
	v8 =	vadd.f32 v8, v3;
	(pc) =	sbr.rel @p1 .LBB2_3-.Ltmp0, $4  }
0x88: {  	v9 =	vadd.f32 v9, v3;
	v6 =	vld [tilespmem:s15+$0x30];
	[tilespmem:s0+$0x68] =	vst v5  }
0x89: {  	v5 =	vld [tilespmem:s15+$0x70];
	[tilespmem:s0+$0xB0] =	vst v8;
	v13 =	vadd.f32 v7, v0  }
0x8a: {  	[tilespmem:s0+$0xFFFFFF00] =	vst v9;
	v10 =	vadd.f32 v12, v0;
	v7 =	vld [tilespmem:s15+$0xB0]  }
0x8b: {  	s14 =	simm.s32 $0x0;
	v8 =	vld [tilespmem:s15+$0xFFFFFF30];
	v9 =	vadd.f32 v11, v0;
	[tilespmem:s0+$0x108] =	vst v13;
	s15 =	sadd.s32 $0x200, s15  }
0x8c: {  	v1 =	vmov s14  }
0x8d: {  	v1 =	vshrl.u32 v1, $0x3  }
0x8e: {  	[tilespmem:s0+$0xFFFFFF58] =	vst v10;
	v2 =	vadd.f32 v4, v0;
	v1 =	vshll.u32 v1, $0x3  }
0x8f: {  	[tilespmem:s0+$0xFFFFFFA0] =	vst v9;
	v13 =	vbroadcast v1, $0x0;
	v1 =	vadd.f32 v6, v0  }
0x90: {  	[tilespmem:s0+$0xFFFFFFE8] =	vst v2;
	v2 =	vadd.f32 v5, v0  }
0x91: {  	[tilespmem:s0+$0x30] =	vst v1;
	v1 =	vadd.f32 v7, v0  }
0x92: {  	[tilespmem:s0+$0x78] =	vst v2;
	v0 =	vadd.f32 v8, v0  }
0x93: {  	v3 =	vadd.s32 v22, v13;
	[tilespmem:s0+$0xC0] =	vst v1  }
0x94: {  	v2 =	vadd.s32 v63, v13;
	[tilespmem:s0+$0xFFFFFF10] =	vst v0  }
0x95: {  	v4 =	vadd.s32 v29, v13;
	v31 =	vld [tilespmem:$0x1FDC0]  }
0x96: {  	v1 =	vadd.s32 v52, v13;
	v19 =	vld [tilespmem:$0x1FD70]  }
0x97: {  	v0 =	vadd.s32 v34, v13;
	v18 =	vld [tilespmem:$0x1FD20]  }
0x98: {  	v5 =	vadd.s32 v37, v13;
	v3 =	vld.idx.msk [tilespmem:v3+s20+$0x0], $0xffff  }
0x99: {  	v6 =	vadd.s32 v16, v13;
	v2 =	vld.idx.msk [tilespmem:v2+s20+$0x0], $0xffff  }
0x9a: {  	v7 =	vadd.s32 v50, v13;
	v4 =	vld.idx.msk [tilespmem:v4+s20+$0x0], $0xffff  }
0x9b: {  	v8 =	vadd.s32 v51, v13;
	v1 =	vld.idx.msk [tilespmem:v1+s20+$0x0], $0xffff  }
0x9c: {  	v9 =	vadd.s32 v54, v13;
	v0 =	vld.idx.msk [tilespmem:v0+s20+$0x0], $0xffff  }
0x9d: {  	v5 =	vld.idx.msk [tilespmem:v5+s20+$0x0], $0xffff;
	v10 =	vadd.s32 v31, v13  }
0x9e: {  	v6 =	vld.idx.msk [tilespmem:v6+s20+$0x0], $0xffff;
	v11 =	vadd.s32 v19, v13;
	[tilespmem:s3+$0x80] =	vst v2  }
0x9f: {  	v7 =	vld.idx.msk [tilespmem:v7+s20+$0x0], $0xffff;
	[tilespmem:s3+$0xFFFFFE80] =	vst v4  }
0xa0: {  	v12 =	vadd.s32 v18, v13;
	[tilespmem:s3+$0x0] =	vst v1;
	v1 =	vld.idx.msk [tilespmem:v8+s20+$0x0], $0xffff  }
0xa1: {  	v2 =	vadd.s32 v35, v13;
	[tilespmem:s3+$0xFFFFFF00] =	vst v0;
	v8 =	vld.idx.msk [tilespmem:v9+s20+$0x0], $0xffff  }
0xa2: {  	[tilespmem:s3+$0xFFFFFE00] =	vst v3;
	v0 =	vadd.s32 v21, v13;
	v4 =	vld.idx.msk [tilespmem:v10+s20+$0x0], $0xffff  }
0xa3: {  	[tilespmem:s3+$0x100] =	vst v6;
	v3 =	vld.idx.msk [tilespmem:v11+s20+$0x0], $0xffff  }
0xa4: {  	v25 =	vld [tilespmem:$0x1FD30]  }
0xa5: {  	v9 =	vadd.s32 v57, v13;
	v6 =	vld.idx.msk [tilespmem:v12+s20+$0x0], $0xffff;
	[tilespmem:s3+$0xFFFFFF80] =	vst v5  }
0xa6: {  	v10 =	vadd.s32 v44, v13;
	v2 =	vld.idx.msk [tilespmem:v2+s20+$0x0], $0xffff;
	[tilespmem:s3+$0x90] =	vst v1  }
0xa7: {  	v11 =	vadd.s32 v56, v13;
	[tilespmem:s3+$0x180] =	vst v7;
	v0 =	vld.idx.msk [tilespmem:v0+s20+$0x0], $0xffff  }
0xa8: {  	[tilespmem:s3+$0x10] =	vst v8  }
0xa9: {  	v12 =	vadd.s32 v25, v13;
	v7 =	vld [tilespmem:$0x1FE60]  }
0xaa: {  	v8 =	vld.idx.msk [tilespmem:v9+s20+$0x0], $0xffff;
	[tilespmem:s3+$0xFFFFFE10] =	vst v6  }
0xab: {  	v9 =	vld.idx.msk [tilespmem:v10+s20+$0x0], $0xffff;
	[tilespmem:s3+$0x110] =	vst v2  }
0xac: {  	v6 =	vld.idx.msk [tilespmem:v11+s20+$0x0], $0xffff;
	[tilespmem:s3+$0xA0] =	vst v0  }
0xad: {  	v5 =	vadd.s32 v36, v13;
	v17 =	vld [tilespmem:$0x1FD80]  }
0xae: {  	v2 =	vld.idx.msk [tilespmem:v12+s20+$0x0], $0xffff;
	v7 =	vadd.s32 v7, v13;
	_ =	sdelay $0x1  }
0xaf: {  	v1 =	vadd.s32 v38, v13;
	v20 =	vld [tilespmem:$0x1FD40];
	[tilespmem:s3+$0x20] =	vst v8  }
0xb0: {  	v11 =	vadd.s32 v59, v13;
	[tilespmem:s3+$0xFFFFFF90] =	vst v9  }
0xb1: {  	v5 =	vld.idx.msk [tilespmem:v5+s20+$0x0], $0xffff;
	[tilespmem:s3+$0x190] =	vst v6;
	v12 =	vadd.s32 v17, v13  }
0xb2: {  	[tilespmem:s3+$0xFFFFFE20] =	vst v2;
	v7 =	vld.idx.msk [tilespmem:v7+s20+$0x0], $0xffff  }
0xb3: {  	v60 =	vld [tilespmem:$0x1FFD0]  }
0xb4: {  	v1 =	vld.idx.msk [tilespmem:v1+s20+$0x0], $0xffff  }
0xb5: {  	v2 =	vld.idx.msk [tilespmem:v11+s20+$0x0], $0xffff;
	v14 =	vadd.s32 v20, v13;
	[tilespmem:s3+$0xFFFFFE90] =	vst v3  }
0xb6: {  	v10 =	vadd.s32 v45, v13;
	[tilespmem:s3+$0xB0] =	vst v5;
	v3 =	vld.idx.msk [tilespmem:v12+s20+$0x0], $0xffff  }
0xb7: {  	v6 =	vadd.s32 v42, v13;
	v12 =	vld [tilespmem:$0x1FDD0]  }
0xb8: {  	v11 =	vadd.s32 v60, v13;
	[tilespmem:s3+$0x30] =	vst v7  }
0xb9: {  	v50 =	vld [tilespmem:$0x1FE20]  }
0xba: {  	v0 =	vmov v13;
	v8 =	vadd.s32 v27, v13;
	v9 =	vadd.s32 v55, v13;
	v13 =	vld.idx.msk [tilespmem:v14+s20+$0x0], $0xffff  }
0xbb: {  	v10 =	vld.idx.msk [tilespmem:v10+s20+$0x0], $0xffff;
	v5 =	vadd.s32 v39, v0;
	[tilespmem:s3+$0x120] =	vst v1  }
0xbc: {  	[tilespmem:s3+$0x1A0] =	vst v2;
	v1 =	vld.idx.msk [tilespmem:v6+s20+$0x0], $0xffff;
	v12 =	vadd.s32 v12, v0  }
0xbd: {  	v6 =	vadd.s32 v43, v0;
	v14 =	vld.idx.msk [tilespmem:v11+s20+$0x0], $0xffff  }
0xbe: {  	[tilespmem:s3+$0xFFFFFF10] =	vst v4;
	v7 =	vadd.s32 v50, v0  }
0xbf: {  	v8 =	vld.idx.msk [tilespmem:v8+s20+$0x0], $0xffff;
	[tilespmem:s3+$0xFFFFFE30] =	vst v13  }
0xc0: {  	[tilespmem:s3+$0xFFFFFFA0] =	vst v10;
	v4 =	vld.idx.msk [tilespmem:v5+s20+$0x0], $0xffff  }
0xc1: {  	v32 =	vadd.s32 $0x1207, v22;
	s15 =	simm.s32 $0x8;
	v2 =	vadd.s32 v30, v0;
	[tilespmem:s3+$0x130] =	vst v1;
	v10 =	vld.idx.msk [tilespmem:v12+s20+$0x0], $0xffff  }
0xc2: {  	v11 =	vmov s15;
	v5 =	vadd.s32 v32, v0;
	[tilespmem:s3+$0x1B0] =	vst v14;
	v14 =	vld.idx.msk [tilespmem:v6+s20+$0x0], $0xffff  }
0xc3: {  	[tilespmem:s3+$0xFFFFFEA0] =	vst v3;
	v12 =	vadd.s32 v23, v0;
	v3 =	vld.idx.msk [tilespmem:v7+s20+$0x0], $0xffff;
	v7 =	vshrl.u32 v11, $0x3  }
0xc4: {  	v11 =	vadd.s32 v53, v0;
	v6 =	vld [tilespmem:$0x1FD90];
	v1 =	vshll.u32 v7, $0x3  }
0xc5: {  	v9 =	vld.idx.msk [tilespmem:v9+s20+$0x0], $0xffff;
	[tilespmem:s3+$0xFFFFFE40] =	vst v4;
	v4 =	vadd.s32 v47, v0;
	v1 =	vbroadcast v1, $0x0  }
0xc6: {  	v13 =	vadd.s32 v46, v0;
	v2 =	vld.idx.msk [tilespmem:v2+s20+$0x0], $0xffff  }
0xc7: {  	v5 =	vld.idx.msk [tilespmem:v5+s20+$0x0], $0xffff;
	[tilespmem:s3+$0xC0] =	vst v8;
	v7 =	vadd.s32 v22, v1  }
0xc8: {  	v8 =	vld.idx.msk [tilespmem:v12+s20+$0x0], $0xffff;
	v12 =	vadd.s32 v29, v1;
	[tilespmem:s3+$0x140] =	vst v14  }
0xc9: {  	v6 =	vadd.s32 v6, v0;
	[tilespmem:s3+$0xFFFFFFB0] =	vst v3;
	v3 =	vld.idx.msk [tilespmem:v11+s20+$0x0], $0xffff  }
0xca: {  	v11 =	vadd.s32 v34, v1;
	v4 =	vld.idx.msk [tilespmem:v4+s20+$0x0], $0xffff  }
0xcb: {  	[tilespmem:s3+$0xFFFFFEB0] =	vst v2;
	v2 =	vld.idx.msk [tilespmem:v13+s20+$0x0], $0xffff  }
0xcc: {  	v13 =	vadd.s32 v24, v0;
	v7 =	vld.idx.msk [tilespmem:v7+s20+$0x0], $0xffff  }
0xcd: {  	[tilespmem:s3+$0x1C0] =	vst v5;
	v5 =	vld.idx.msk [tilespmem:v12+s20+$0x0], $0xffff  }
0xce: {  	[tilespmem:s3+$0xFFFFFF20] =	vst v10;
	v6 =	vld.idx.msk [tilespmem:v6+s20+$0x0], $0xffff  }
0xcf: {  	v14 =	vadd.s32 v52, v1;
	v10 =	vld.idx.msk [tilespmem:v11+s20+$0x0], $0xffff;
	[tilespmem:s3+$0xD0] =	vst v3  }
0xd0: {  	v11 =	vadd.s32 v16, v1;
	v47 =	vld [tilespmem:$0x1FDE0]  }
0xd1: {  	[tilespmem:s3+$0xFFFFFE50] =	vst v8;
	v8 =	vld.idx.msk [tilespmem:v13+s20+$0x0], $0xffff  }
0xd2: {  	v12 =	vadd.s32 v63, v1;
	v13 =	vld [tilespmem:$0x1FFA0];
	[tilespmem:s3+$0xFFFFFFC0] =	vst v2  }
0xd3: {  	[tilespmem:s3+$0x150] =	vst v4  }
0xd4: {  	v2 =	vld.idx.msk [tilespmem:v14+s20+$0x0], $0xffff;
	[tilespmem:s3+$0x40] =	vst v9  }
0xd5: {  	s10 =	simm.s32 $0xCF80;
	v15 =	vadd.s32 v37, v1;
	[tilespmem:s3+$0xFFFFFEC0] =	vst v6;
	v9 =	vld.idx.msk [tilespmem:v11+s20+$0x0], $0xffff  }
0xd6: {  	v14 =	vadd.s32 v31, v1;
	v11 =	vld [tilespmem:$0x1FE30];
	[tilespmem:s10+$0xFFFFFF00] =	vst v10  }
0xd7: {  	v4 =	vld.idx.msk [tilespmem:v12+s20+$0x0], $0xffff;
	v12 =	vadd.s32 v48, v0;
	[tilespmem:s10+$0xFFFFFE00] =	vst v7  }
0xd8: {  	v3 =	vadd.s32 v47, v0;
	[tilespmem:s10+$0xFFFFFE80] =	vst v5  }
0xd9: {  	v10 =	vadd.s32 v19, v1;
	v13 =	vadd.s32 v13, v1;
	v19 =	vld [tilespmem:$0x1FDF0]  }
0xda: {  	v6 =	vld.idx.msk [tilespmem:v15+s20+$0x0], $0xffff;
	v15 =	vadd.s32 v51, v1  }
0xdb: {  	v5 =	vld.idx.msk [tilespmem:v14+s20+$0x0], $0xffff  }
0xdc: {  	[tilespmem:s10+$0x0] =	vst v2;
	v2 =	vld.idx.msk [tilespmem:v12+s20+$0x0], $0xffff;
	v12 =	vadd.s32 v54, v1  }
0xdd: {  	v11 =	vadd.s32 v11, v0;
	v3 =	vld.idx.msk [tilespmem:v3+s20+$0x0], $0xffff  }
0xde: {  	[tilespmem:s10+$0x80] =	vst v4;
	v7 =	vld.idx.msk [tilespmem:v13+s20+$0x0], $0xffff;
	v14 =	vadd.s32 v19, v0  }
0xdf: {  	v15 =	vld.idx.msk [tilespmem:v15+s20+$0x0], $0xffff  }
0xe0: {  	[tilespmem:s10+$0x100] =	vst v9;
	v10 =	vld.idx.msk [tilespmem:v10+s20+$0x0], $0xffff  }
0xe1: {  	v13 =	vadd.s32 v35, v1;
	[tilespmem:s10+$0xFFFFFF10] =	vst v5;
	v12 =	vld.idx.msk [tilespmem:v12+s20+$0x0], $0xffff  }
0xe2: {  	v4 =	vld.idx.msk [tilespmem:v11+s20+$0x0], $0xffff;
	v11 =	vadd.s32 v18, v1;
	[tilespmem:s3+$0xFFFFFF30] =	vst v3  }
0xe3: {  	[tilespmem:s10+$0x180] =	vst v7;
	v5 =	vld.idx.msk [tilespmem:v14+s20+$0x0], $0xffff  }
0xe4: {  	v9 =	vadd.s32 v44, v1;
	v7 =	vld [tilespmem:$0x1FE40]  }
0xe5: {  	v14 =	vld [tilespmem:$0x1FDA0];
	[tilespmem:s3+$0x160] =	vst v2  }
0xe6: {  	v13 =	vld.idx.msk [tilespmem:v13+s20+$0x0], $0xffff;
	[tilespmem:s10+$0xFFFFFF80] =	vst v6  }
0xe7: {  	[tilespmem:s10+$0x90] =	vst v15;
	v11 =	vld.idx.msk [tilespmem:v11+s20+$0x0], $0xffff  }
0xe8: {  	[tilespmem:s10+$0xFFFFFE90] =	vst v10  }
0xe9: {  	v15 =	vadd.s32 v56, v1;
	v9 =	vld.idx.msk [tilespmem:v9+s20+$0x0], $0xffff;
	[tilespmem:s10+$0x10] =	vst v12  }
0xea: {  	[tilespmem:s3+$0xFFFFFFD0] =	vst v4;
	v14 =	vadd.s32 v14, v0  }
0xeb: {  	[tilespmem:s10+$0x110] =	vst v13  }
0xec: {  	v12 =	vld [tilespmem:$0x1FE00];
	[tilespmem:s10+$0xFFFFFE10] =	vst v11  }
0xed: {  	v3 =	vadd.s32 v21, v1;
	v11 =	vld [tilespmem:$0x1FE50]  }
0xee: {  	v2 =	vadd.s32 v38, v1;
	[tilespmem:s10+$0xFFFFFF90] =	vst v9;
	v9 =	vld.idx.msk [tilespmem:v15+s20+$0x0], $0xffff  }
0xef: {  	v41 =	vadd.s32 $0x1687, v22;
	v10 =	vld.idx.msk [tilespmem:v14+s20+$0x0], $0xffff  }
0xf0: {  	v26 =	vmov v27;
	v27 =	vadd.s32 v41, v0;
	v14 =	vld [tilespmem:$0x1FDB0]  }
0xf1: {  	v7 =	vadd.s32 v7, v0;
	v15 =	vld [tilespmem:$0x1FD50]  }
0xf2: {  	v3 =	vld.idx.msk [tilespmem:v3+s20+$0x0], $0xffff;
	v4 =	vadd.s32 v45, v1  }
0xf3: {  	v2 =	vld.idx.msk [tilespmem:v2+s20+$0x0], $0xffff  }
0xf4: {  	v6 =	vadd.s32 v57, v1  }
0xf5: {  	v27 =	vld.idx.msk [tilespmem:v27+s20+$0x0], $0xffff;
	v14 =	vadd.s32 v14, v0  }
0xf6: {  	v7 =	vld.idx.msk [tilespmem:v7+s20+$0x0], $0xffff;
	[tilespmem:s3+$0xFFFFFF40] =	vst v5;
	v15 =	vadd.s32 v15, v0  }
0xf7: {  	v4 =	vld.idx.msk [tilespmem:v4+s20+$0x0], $0xffff;
	[tilespmem:s10+$0xA0] =	vst v3  }
0xf8: {  	v13 =	vadd.s32 v25, v1;
	[tilespmem:s10+$0x120] =	vst v2  }
0xf9: {  	v6 =	vld.idx.msk [tilespmem:v6+s20+$0x0], $0xffff;
	v12 =	vadd.s32 v12, v0;
	[tilespmem:s3+$0xFFFFFED0] =	vst v10  }
0xfa: {  	[tilespmem:s3+$0x1D0] =	vst v27;
	v2 =	vld.idx.msk [tilespmem:v14+s20+$0x0], $0xffff  }
0xfb: {  	[tilespmem:s3+$0xFFFFFFE0] =	vst v7;
	v14 =	vld.idx.msk [tilespmem:v15+s20+$0x0], $0xffff  }
0xfc: {  	v15 =	vld [tilespmem:$0x1FE60];
	[tilespmem:s10+$0xFFFFFFA0] =	vst v4  }
0xfd: {  	v13 =	vld.idx.msk [tilespmem:v13+s20+$0x0], $0xffff;
	v5 =	vadd.s32 v36, v1;
	[tilespmem:s3+$0xE0] =	vst v8  }
0xfe: {  	v3 =	vld.idx.msk [tilespmem:v12+s20+$0x0], $0xffff;
	v12 =	vadd.s32 v17, v1;
	[tilespmem:s10+$0x20] =	vst v6  }
0xff: {  	v6 =	vld [tilespmem:$0x1FD60]  }
0x100: {  	v11 =	vadd.s32 v11, v0  }
0x101: {  	v36 =	vadd.s32 $0x1B07, v22;
	v7 =	vadd.s32 v58, v0  }
0x102: {  	v17 =	vadd.s32 v36, v0;
	v4 =	vld.idx.msk [tilespmem:v5+s20+$0x0], $0xffff  }
0x103: {  	v8 =	vld.idx.msk [tilespmem:v12+s20+$0x0], $0xffff;
	[tilespmem:s10+$0xFFFFFE20] =	vst v13;
	v15 =	vadd.s32 v15, v1  }
0x104: {  	v5 =	vadd.s32 v20, v1;
	v12 =	vadd.s32 v6, v0;
	v6 =	vld [tilespmem:$0x1FE10]  }
0x105: {  	v10 =	vld.idx.msk [tilespmem:v11+s20+$0x0], $0xffff;
	v11 =	vadd.s32 v28, v0  }
0x106: {  	v7 =	vld.idx.msk [tilespmem:v7+s20+$0x0], $0xffff  }
0x107: {  	v17 =	vld.idx.msk [tilespmem:v17+s20+$0x0], $0xffff;
	[tilespmem:s10+$0xB0] =	vst v4;
	v4 =	vadd.s32 v49, v0  }
0x108: {  	[tilespmem:s10+$0x190] =	vst v9;
	v9 =	vld.idx.msk [tilespmem:v15+s20+$0x0], $0xffff;
	v15 =	vadd.s32 v26, v1  }
0x109: {  	v16 =	vld.idx.msk [tilespmem:v5+s20+$0x0], $0xffff;
	v13 =	vadd.s32 v6, v0  }
0x10a: {  	[tilespmem:s3+$0xFFFFFE60] =	vst v14;
	v6 =	vld.idx.msk [tilespmem:v11+s20+$0x0], $0xffff;
	v11 =	vadd.s32 v59, v1  }
0x10b: {  	v51 =	vadd.s32 $0x1F87, v22;
	v12 =	vld.idx.msk [tilespmem:v12+s20+$0x0], $0xffff  }
0x10c: {  	v5 =	vadd.s32 v51, v0;
	[tilespmem:s3+$0xFFFFFFF0] =	vst v10;
	v14 =	vld.idx.msk [tilespmem:v4+s20+$0x0], $0xffff  }
0x10d: {  	[tilespmem:s3+$0xFFFFFF50] =	vst v3;
	v3 =	vadd.s32 v42, v1;
	v15 =	vld.idx.msk [tilespmem:v15+s20+$0x0], $0xffff  }
0x10e: {  	v10 =	vadd.s32 v55, v1;
	[tilespmem:s3+$0xFFFFFEE0] =	vst v2;
	v25 =	vld.idx.msk [tilespmem:v13+s20+$0x0], $0xffff  }
0x10f: {  	[tilespmem:s3+$0x1E0] =	vst v17;
	v2 =	vld.idx.msk [tilespmem:v11+s20+$0x0], $0xffff  }
0x110: {  	v11 =	vadd.s32 v62, v0;
	v13 =	vld [tilespmem:$0x1FDD0];
	[tilespmem:s10+$0x30] =	vst v9  }
0x111: {  	v9 =	vld.idx.msk [tilespmem:v5+s20+$0x0], $0xffff;
	[tilespmem:s10+$0xFFFFFEA0] =	vst v8  }
0x112: {  	v8 =	vld.idx.msk [tilespmem:v3+s20+$0x0], $0xffff;
	[tilespmem:s3+$0xFFFFFE70] =	vst v12  }
0x113: {  	v18 =	vadd.s32 v33, v0;
	[tilespmem:s3+$0x50] =	vst v7;
	v5 =	vld.idx.msk [tilespmem:v10+s20+$0x0], $0xffff  }
0x114: {  	v4 =	vadd.s32 v50, v1;
	v50 =	vld [tilespmem:$0x1FFA0];
	[tilespmem:s10+$0xFFFFFE30] =	vst v16  }
0x115: {  	v20 =	vadd.s32 v13, v1;
	[tilespmem:s10+$0x1A0] =	vst v2;
	v10 =	vld.idx.msk [tilespmem:v11+s20+$0x0], $0xffff  }
0x116: {  	v13 =	vadd.s32 v60, v1;
	v27 =	vld [tilespmem:$0x1FF20]  }
0x117: {  	v17 =	vadd.s32 v39, v1;
	v3 =	vadd.s32 v47, v1;
	v47 =	vld [tilespmem:$0x1FF70]  }
0x118: {  	[tilespmem:s10+$0xC0] =	vst v15;
	v15 =	vld.idx.msk [tilespmem:v18+s20+$0x0], $0xffff  }
0x119: {  	[tilespmem:s3+$0x1F0] =	vst v9;
	v9 =	vld.idx.msk [tilespmem:v4+s20+$0x0], $0xffff  }
0x11a: {  	v55 =	vadd.s32 v46, v1;
	v16 =	vadd.s32 v40, v0;
	v2 =	vadd.s32 v19, v1;
	v7 =	vld.idx.msk [tilespmem:v20+s20+$0x0], $0xffff  }
0x11b: {  	v11 =	vadd.s32 v61, v0;
	[tilespmem:s3+$0xFFFFFF60] =	vst v25;
	v18 =	vadd.s32 v43, v1;
	v12 =	vld.idx.msk [tilespmem:v13+s20+$0x0], $0xffff  }
0x11c: {  	s0 =	simm.s32 $0x10;
	[tilespmem:s3+$0x170] =	vst v14;
	v14 =	vadd.s32 v32, v1;
	v13 =	vld.idx.msk [tilespmem:v17+s20+$0x0], $0xffff;
	v17 =	vadd.s32 v30, v1  }
.LBB2_5:
0x11d: {  	v0 =	vld [tilespmem:$0x1FD90];
	_ =	sdelay $0x3  }
0x11e: {  	v4 =	vmov s0;
	[tilespmem:s3+$0xF0] =	vst v6  }
0x11f: {  	v4 =	vshrl.u32 v4, $0x3;
	[tilespmem:s10+$0xFFFFFE40] =	vst v13;
	v13 =	vadd.s32 v0, v1;
	v0 =	vld [tilespmem:$0x1FD20]  }
0x120: {  	v4 =	vshll.u32 v4, $0x3;
	[tilespmem:s3+$0x60] =	vst v10  }
0x121: {  	v17 =	vld.idx.msk [tilespmem:v17+s20+$0x0], $0xffff;
	v4 =	vbroadcast v4, $0x0;
	[tilespmem:s10+$0x130] =	vst v8  }
0x122: {  	v16 =	vld.idx.msk [tilespmem:v16+s20+$0x0], $0xffff;
	[tilespmem:s3+$0xFFFFFEF0] =	vst v15  }
0x123: {  	v19 =	vadd.s32 v23, v1;
	[tilespmem:s10+$0xFFFFFFB0] =	vst v9;
	v9 =	vadd.s32 v34, v4  }
0x124: {  	v8 =	vadd.s32 v45, v4;
	v45 =	vmovc v23;
	v23 =	vadd.s32 v24, v1;
	v24 =	vadd.s32 v0, v4;
	v0 =	vld [tilespmem:$0x1FDC0]  }
0x125: {  	v11 =	vld.idx.msk [tilespmem:v11+s20+$0x0], $0xffff;
	[tilespmem:s10+$0xFFFFFF20] =	vst v7  }
0x126: {  	v15 =	vadd.s32 v22, v4;
	[tilespmem:s10+$0xFFFFFEB0] =	vst v17;
	v22 =	vld.idx.msk [tilespmem:v55+s20+$0x0], $0xffff  }
0x127: {  	v6 =	vadd.s32 v29, v4;
	[tilespmem:s3+$0xFFFFFF70] =	vst v16;
	v13 =	vld.idx.msk [tilespmem:v13+s20+$0x0], $0xffff  }
0x128: {  	v17 =	vadd.s32 v37, v4;
	v7 =	vld.idx.msk [tilespmem:v9+s20+$0x0], $0xffff  }
0x129: {  	v9 =	vadd.s32 v0, v4;
	v0 =	vld [tilespmem:$0x1FFE0];
	_ =	sdelay $0x1  }
0x12a: {  	[tilespmem:s3+$0x70] =	vst v11;
	s3 =	smov.u32 s10  }
0x12b: {  	v6 =	vld.idx.msk [tilespmem:v6+s20+$0x0], $0xffff;
	[tilespmem:s3+$0xFFFFFFC0] =	vst v22  }
0x12c: {  	[tilespmem:s3+$0xFFFFFEC0] =	vst v13;
	v13 =	vld.idx.msk [tilespmem:v17+s20+$0x0], $0xffff  }
0x12d: {  	v17 =	vadd.s32 v0, v4;
	v0 =	vld [tilespmem:$0x1FE30];
	_ =	sdelay $0x3  }
0x12e: {  	v10 =	vadd.s32 v53, v1  }
0x12f: {  	v25 =	vadd.s32 v0, v1;
	v0 =	vld [tilespmem:$0x1FD70]  }
0x130: {  	[tilespmem:s10+$0x1B0] =	vst v12;
	v12 =	vld.idx.msk [tilespmem:v18+s20+$0x0], $0xffff  }
0x131: {  	v14 =	vld.idx.msk [tilespmem:v14+s20+$0x0], $0xffff  }
0x132: {  	v18 =	vadd.s32 v47, v1;
	v19 =	vld.idx.msk [tilespmem:v19+s20+$0x0], $0xffff  }
0x133: {  	v16 =	vadd.s32 v52, v4;
	v10 =	vld.idx.msk [tilespmem:v10+s20+$0x0], $0xffff  }
0x134: {  	v26 =	vadd.s32 v0, v4;
	v0 =	vld [tilespmem:$0x1FDD0]  }
0x135: {  	[tilespmem:s10+$0x140] =	vst v12  }
0x136: {  	v11 =	vld.idx.msk [tilespmem:v15+s20+$0x0], $0xffff;
	[tilespmem:s10+$0x1C0] =	vst v14  }
0x137: {  	[tilespmem:s10+$0xFFFFFE50] =	vst v19;
	v18 =	vld.idx.msk [tilespmem:v18+s20+$0x0], $0xffff  }
0x138: {  	v15 =	vadd.s32 v27, v4;
	v16 =	vld.idx.msk [tilespmem:v16+s20+$0x0], $0xffff;
	[tilespmem:s10+$0xD0] =	vst v10;
	s10 =	sadd.s32 $0x400, s10  }
0x139: {  	[tilespmem:s10+$0xFFFFFF00] =	vst v7;
	v7 =	vadd.s32 v0, v4;
	v0 =	vld [tilespmem:$0x1FEE0];
	_ =	sdelay $0x1  }
0x13a: {  	[tilespmem:s3+$0x40] =	vst v5  }
0x13b: {  	v5 =	vadd.s32 v48, v1;
	[tilespmem:s3+$0x150] =	vst v18  }
0x13c: {  	v15 =	vld.idx.msk [tilespmem:v15+s20+$0x0], $0xffff  }
0x13d: {  	[tilespmem:s10+$0x0] =	vst v16;
	v16 =	vadd.s32 v0, v4;
	v0 =	vld [tilespmem:$0x1FD30];
	_ =	sdelay $0x2  }
0x13e: {  	[tilespmem:s10+$0xFFFFFE80] =	vst v6;
	v5 =	vld.idx.msk [tilespmem:v5+s20+$0x0], $0xffff  }
0x13f: {  	[tilespmem:s10+$0x100] =	vst v15;
	v15 =	vld.idx.msk [tilespmem:v26+s20+$0x0], $0xffff  }
0x140: {  	v26 =	vadd.s32 v0, v4;
	v0 =	vld [tilespmem:$0x1FD80];
	_ =	sdelay $0x3  }
0x141: {  	v3 =	vld.idx.msk [tilespmem:v3+s20+$0x0], $0xffff  }
0x142: {  	v37 =	vadd.s32 v0, v4;
	v0 =	vld [tilespmem:$0x1FDE0];
	_ =	sdelay $0x2  }
0x143: {  	v6 =	vld.idx.msk [tilespmem:v9+s20+$0x0], $0xffff;
	_ =	sdelay $0x1  }
0x144: {  	[tilespmem:s3+$0xFFFFFF30] =	vst v3;
	v3 =	vadd.s32 v0, v4;
	v0 =	vld [tilespmem:$0x1FE40];
	_ =	sdelay $0x2  }
0x145: {  	[tilespmem:s10+$0xFFFFFF10] =	vst v6  }
0x146: {  	v14 =	vadd.s32 v50, v4;
	v6 =	vld.idx.msk [tilespmem:v2+s20+$0x0], $0xffff  }
0x147: {  	v2 =	vadd.s32 v0, v1;
	v0 =	vld [tilespmem:$0x1FE20]  }
0x148: {  	v20 =	vadd.s32 v46, v4  }
0x149: {  	v55 =	vmov v20;
	v20 =	vadd.s32 v63, v4  }
0x14a: {  	v28 =	vld [tilespmem:$0x1FD50];
	v12 =	vadd.s32 v41, v1  }
0x14b: {  	v22 =	vadd.s32 v54, v4;
	[tilespmem:s10+$0xFFFFFE00] =	vst v11;
	v11 =	vld.idx.msk [tilespmem:v14+s20+$0x0], $0xffff  }
0x14c: {  	v9 =	vadd.s32 v0, v4;
	v0 =	vld [tilespmem:$0x1FDA0]  }
0x14d: {  	v31 =	vld [tilespmem:$0x1FD60]  }
0x14e: {  	v18 =	vld.idx.msk [tilespmem:v20+s20+$0x0], $0xffff;
	v20 =	vadd.s32 v35, v4  }
0x14f: {  	v10 =	vld.idx.msk [tilespmem:v12+s20+$0x0], $0xffff  }
0x150: {  	[tilespmem:s10+$0x180] =	vst v11;
	v11 =	vld.idx.msk [tilespmem:v22+s20+$0x0], $0xffff  }
0x151: {  	v22 =	vadd.s32 v0, v1;
	v0 =	vld [tilespmem:$0x1FE60]  }
0x152: {  	v19 =	vld.idx.msk [tilespmem:v23+s20+$0x0], $0xffff  }
0x153: {  	[tilespmem:s10+$0x80] =	vst v18;
	v20 =	vld.idx.msk [tilespmem:v20+s20+$0x0], $0xffff  }
0x154: {  	v17 =	vld.idx.msk [tilespmem:v17+s20+$0x0], $0xffff  }
0x155: {  	v18 =	vld.idx.msk [tilespmem:v25+s20+$0x0], $0xffff  }
0x156: {  	v34 =	vmov v61;
	v61 =	vmov v52;
	[tilespmem:s10+$0xFFFFFF80] =	vst v13;
	v13 =	vadd.s32 v0, v4;
	v0 =	vld [tilespmem:$0x1FEC0]  }
0x157: {  	v12 =	vadd.s32 v44, v4;
	[tilespmem:s3+$0x160] =	vst v5;
	v5 =	vld.idx.msk [tilespmem:v24+s20+$0x0], $0xffff  }
0x158: {  	v53 =	vld [tilespmem:$0x1FEF0];
	v14 =	vadd.s32 v57, v4  }
0x159: {  	v52 =	vmov v61;
	v61 =	vmov v34;
	v34 =	vld [tilespmem:$0x1FEB0]  }
0x15a: {  	v21 =	vadd.s32 v38, v4;
	v35 =	vadd.s32 v28, v1;
	v28 =	vld [tilespmem:$0x1FF10];
	[tilespmem:s10+$0x10] =	vst v11  }
0x15b: {  	[tilespmem:s10+$0x90] =	vst v17;
	v17 =	vadd.s32 v0, v4;
	v0 =	vld [tilespmem:$0x1FDF0]  }
0x15c: {  	[tilespmem:s10+$0xFFFFFE10] =	vst v5;
	v12 =	vld.idx.msk [tilespmem:v12+s20+$0x0], $0xffff  }
0x15d: {  	v5 =	vld.idx.msk [tilespmem:v14+s20+$0x0], $0xffff;
	[tilespmem:s3+$0xFFFFFFD0] =	vst v18  }
0x15e: {  	[tilespmem:s10+$0x110] =	vst v20;
	v20 =	vld.idx.msk [tilespmem:v2+s20+$0x0], $0xffff  }
0x15f: {  	v23 =	vadd.s32 v56, v4;
	v11 =	vld.idx.msk [tilespmem:v21+s20+$0x0], $0xffff  }
0x160: {  	v2 =	vadd.s32 v0, v4;
	v0 =	vld [tilespmem:$0x1FE00]  }
0x161: {  	v16 =	vld.idx.msk [tilespmem:v16+s20+$0x0], $0xffff;
	[tilespmem:s10+$0xFFFFFF90] =	vst v12  }
0x162: {  	[tilespmem:s10+$0xFFFFFE90] =	vst v15;
	v8 =	vld.idx.msk [tilespmem:v8+s20+$0x0], $0xffff  }
0x163: {  	[tilespmem:s3+$0xFFFFFFE0] =	vst v20;
	v20 =	vadd.s32 v58, v1;
	v15 =	vld.idx.msk [tilespmem:v22+s20+$0x0], $0xffff  }
0x164: {  	v22 =	vld.idx.msk [tilespmem:v23+s20+$0x0], $0xffff  }
0x165: {  	[tilespmem:s3+$0xFFFFFF40] =	vst v6;
	v21 =	vadd.s32 v0, v1;
	v0 =	vld [tilespmem:$0x1FE50]  }
0x166: {  	v6 =	vld.idx.msk [tilespmem:v26+s20+$0x0], $0xffff;
	[tilespmem:s3+$0x1D0] =	vst v10;
	v10 =	vadd.s32 v36, v1  }
0x167: {  	v26 =	vld [tilespmem:$0x1FD40]  }
0x168: {  	v20 =	vld.idx.msk [tilespmem:v20+s20+$0x0], $0xffff;
	[tilespmem:s10+$0x20] =	vst v5  }
0x169: {  	v13 =	vld.idx.msk [tilespmem:v13+s20+$0x0], $0xffff  }
0x16a: {  	[tilespmem:s10+$0x190] =	vst v22;
	v14 =	vadd.s32 v0, v1;
	v0 =	vld [tilespmem:$0x1FFF0]  }
0x16b: {  	v10 =	vld.idx.msk [tilespmem:v10+s20+$0x0], $0xffff  }
0x16c: {  	[tilespmem:s10+$0xA0] =	vst v16;
	v16 =	vld.idx.msk [tilespmem:v21+s20+$0x0], $0xffff  }
0x16d: {  	v21 =	vld.idx.msk [tilespmem:v35+s20+$0x0], $0xffff  }
0x16e: {  	v35 =	vld [tilespmem:$0x1FF30]  }
0x16f: {  	v12 =	vadd.s32 v0, v4;
	v0 =	vld [tilespmem:$0x1FDB0]  }
0x170: {  	v29 =	vmov v62;
	v62 =	vmov v54;
	[tilespmem:s3+$0xFFFFFED0] =	vst v15;
	v14 =	vld.idx.msk [tilespmem:v14+s20+$0x0], $0xffff  }
0x171: {  	v15 =	vadd.s32 v28, v1;
	[tilespmem:s10+$0xFFFFFFA0] =	vst v8;
	v8 =	vld.idx.msk [tilespmem:v17+s20+$0x0], $0xffff  }
0x172: {  	[tilespmem:s3+$0xE0] =	vst v19;
	v19 =	vld.idx.msk [tilespmem:v37+s20+$0x0], $0xffff  }
0x173: {  	v54 =	vmovc v62;
	v62 =	vmov v29;
	v17 =	vadd.s32 v26, v4;
	[tilespmem:s3+$0xFFFFFF50] =	vst v16;
	v16 =	vadd.s32 v29, v1;
	v29 =	vld [tilespmem:$0x1FE80]  }
0x174: {  	v37 =	vld [tilespmem:$0x1FE70];
	v23 =	vadd.s32 v0, v1  }
0x175: {  	v0 =	vld [tilespmem:$0x1FE10]  }
0x176: {  	v24 =	vadd.s32 v42, v4;
	[tilespmem:s10+$0xFFFFFE20] =	vst v6;
	v6 =	vld.idx.msk [tilespmem:v15+s20+$0x0], $0xffff  }
0x177: {  	v7 =	vld.idx.msk [tilespmem:v7+s20+$0x0], $0xffff  }
0x178: {  	v5 =	vadd.s32 v31, v1;
	[tilespmem:s3+$0xFFFFFFF0] =	vst v14;
	v14 =	vld.idx.msk [tilespmem:v17+s20+$0x0], $0xffff  }
0x179: {  	[tilespmem:s10+$0x120] =	vst v11;
	v11 =	vld.idx.msk [tilespmem:v23+s20+$0x0], $0xffff  }
0x17a: {  	v23 =	vadd.s32 v0, v1;
	v0 =	vld [tilespmem:$0x1FED0]  }
0x17b: {  	[tilespmem:s10+$0xB0] =	vst v8;
	v8 =	vld.idx.msk [tilespmem:v24+s20+$0x0], $0xffff  }
0x17c: {  	v25 =	vadd.s32 v59, v4;
	[tilespmem:s3+$0xFFFFFE60] =	vst v21;
	v24 =	vld [tilespmem:$0x1FF00]  }
0x17d: {  	[tilespmem:s10+$0x30] =	vst v13;
	v21 =	vld.idx.msk [tilespmem:v5+s20+$0x0], $0xffff  }
0x17e: {  	v17 =	vadd.s32 v51, v1;
	v5 =	vld.idx.msk [tilespmem:v12+s20+$0x0], $0xffff  }
0x17f: {  	v9 =	vld.idx.msk [tilespmem:v9+s20+$0x0], $0xffff;
	v15 =	vadd.s32 v0, v4  }
0x180: {  	[tilespmem:s3+$0x50] =	vst v20;
	v22 =	vld.idx.msk [tilespmem:v23+s20+$0x0], $0xffff;
	v23 =	vadd.s32 v49, v1  }
0x181: {  	[tilespmem:s3+$0xFFFFFEE0] =	vst v11;
	v11 =	vld.idx.msk [tilespmem:v25+s20+$0x0], $0xffff  }
0x182: {  	[tilespmem:s3+$0x1E0] =	vst v10;
	v10 =	vld.idx.msk [tilespmem:v16+s20+$0x0], $0xffff  }
0x183: {  	v18 =	vadd.s32 v60, v4;
	[tilespmem:s10+$0xFFFFFEA0] =	vst v19;
	v13 =	vld.idx.msk [tilespmem:v17+s20+$0x0], $0xffff  }
0x184: {  	v19 =	vadd.s32 v39, v4;
	[tilespmem:s10+$0xFFFFFE30] =	vst v14;
	v15 =	vld.idx.msk [tilespmem:v15+s20+$0x0], $0xffff  }
0x185: {  	p1 =	slt.u32 s0, $0x38;
	[tilespmem:s3+$0xFFFFFE70] =	vst v21;
	v21 =	vadd.s32 v33, v1;
	v20 =	vld.idx.msk [tilespmem:v23+s20+$0x0], $0xffff  }
.Ltmp1:
0x186: {  	v23 =	vmov v45;
	v45 =	vld [tilespmem:$0x1FEA0];
	[tilespmem:s10+$0x1A0] =	vst v11;
	(pc) =	sbr.rel @p1 .LBB2_5-.Ltmp1, $4  }
0x187: {  	[tilespmem:s3+$0xFFFFFF60] =	vst v22;
	v22 =	vld [tilespmem:$0x1FE90]  }
0x188: {  	v16 =	vadd.s32 v40, v1;
	v12 =	vld.idx.msk [tilespmem:v18+s20+$0x0], $0xffff;
	[tilespmem:s3+$0x1F0] =	vst v13  }
0x189: {  	v17 =	vadd.s32 v30, v4;
	v11 =	vadd.s32 v61, v1;
	v1 =	vmov v4;
	v13 =	vld.idx.msk [tilespmem:v19+s20+$0x0], $0xffff;
	[tilespmem:s10+$0xC0] =	vst v15  }
0x18a: {  	s0 =	sadd.s32 $0x8, s0;
	v18 =	vadd.s32 v43, v1;
	v14 =	vadd.s32 v32, v1;
	v15 =	vld.idx.msk [tilespmem:v21+s20+$0x0], $0xffff;
	[tilespmem:s3+$0x170] =	vst v20  }
0x18b: {  	_ = 	snop  }
0x18c: {  	[tilespmem:$0x1FCE0] =	vst v32;
	v20 =	vld [tilespmem:$0x1FFE0]  }
0x18d: {  	v31 =	vld [tilespmem:$0x1FFF0];
	[tilespmem:s10+$0x130] =	vst v8  }
0x18e: {  	[tilespmem:s3+$0x60] =	vst v10  }
0x18f: {  	v4 =	vld.idx.msk [tilespmem:v17+s20+$0x0], $0xffff;
	[tilespmem:s10+$0xFFFFFFB0] =	vst v9  }
0x190: {  	v8 =	vld.idx.msk [tilespmem:v16+s20+$0x0], $0xffff;
	[tilespmem:s3+$0xF0] =	vst v6  }
0x191: {  	[tilespmem:s10+$0x1B0] =	vst v12  }
0x192: {  	[tilespmem:s10+$0xFFFFFE40] =	vst v13  }
0x193: {  	v17 =	vld.idx.msk [tilespmem:v18+s20+$0x0], $0xffff;
	[tilespmem:s3+$0xFFFFFEF0] =	vst v15  }
0x194: {  	v6 =	vld.idx.msk [tilespmem:v11+s20+$0x0], $0xffff;
	[tilespmem:s10+$0xFFFFFEB0] =	vst v4  }
0x195: {  	v10 =	vadd.s32 v23, v1;
	v4 =	vld [tilespmem:$0x1FE30];
	[tilespmem:s3+$0xFFFFFF70] =	vst v8  }
0x196: {  	v9 =	vadd.s32 v53, v1;
	v8 =	vld [tilespmem:$0x1FD90]  }
0x197: {  	v32 =	vadd.s32 v47, v1;
	v0 =	vld.idx.msk [tilespmem:v55+s20+$0x0], $0xffff  }
0x198: {  	v11 =	vld.idx.msk [tilespmem:v14+s20+$0x0], $0xffff  }
0x199: {  	[tilespmem:s10+$0x140] =	vst v17  }
0x19a: {  	v10 =	vld.idx.msk [tilespmem:v10+s20+$0x0], $0xffff;
	[tilespmem:s10+$0xFFFFFF20] =	vst v7;
	v4 =	vadd.s32 v4, v1  }
0x19b: {  	[tilespmem:s3+$0x70] =	vst v6;
	v6 =	vld.idx.msk [tilespmem:v9+s20+$0x0], $0xffff;
	v8 =	vadd.s32 v8, v1  }
0x19c: {  	[tilespmem:s10+$0xFFFFFFC0] =	vst v0;
	v12 =	vld.idx.msk [tilespmem:v32+s20+$0x0], $0xffff  }
0x19d: {  	[tilespmem:s10+$0x1C0] =	vst v11;
	v3 =	vld.idx.msk [tilespmem:v3+s20+$0x0], $0xffff  }
0x19e: {  	v7 =	vld [tilespmem:$0x1FE40]  }
0x19f: {  	v4 =	vld.idx.msk [tilespmem:v4+s20+$0x0], $0xffff  }
0x1a0: {  	v8 =	vld.idx.msk [tilespmem:v8+s20+$0x0], $0xffff;
	[tilespmem:$0x1FCF0] =	vst v41  }
0x1a1: {  	[tilespmem:s10+$0xFFFFFE50] =	vst v10  }
0x1a2: {  	v0 =	vadd.s32 v48, v1;
	[tilespmem:s10+$0x150] =	vst v12  }
0x1a3: {  	v10 =	vld [tilespmem:$0x1FDA0];
	_ =	sdelay $0x1  }
0x1a4: {  	v7 =	vadd.s32 v7, v1;
	_ =	sdelay $0x1  }
0x1a5: {  	v9 =	vadd.s32 v41, v1;
	v0 =	vld.idx.msk [tilespmem:v0+s20+$0x0], $0xffff;
	[tilespmem:s10+$0xFFFFFF30] =	vst v3  }
0x1a6: {  	v2 =	vld.idx.msk [tilespmem:v2+s20+$0x0], $0xffff;
	[tilespmem:s10+$0xFFFFFFD0] =	vst v4;
	v10 =	vadd.s32 v10, v1  }
0x1a7: {  	v11 =	vadd.s32 v24, v1;
	v3 =	vld [tilespmem:$0x1FD50]  }
0x1a8: {  	[tilespmem:s10+$0xD0] =	vst v6;
	v4 =	vld.idx.msk [tilespmem:v7+s20+$0x0], $0xffff  }
0x1a9: {  	v6 =	vld [tilespmem:$0x1FE00];
	[tilespmem:s10+$0xFFFFFEC0] =	vst v8  }
0x1aa: {  	v7 =	vld.idx.msk [tilespmem:v9+s20+$0x0], $0xffff;
	[tilespmem:s10+$0x40] =	vst v5  }
0x1ab: {  	v5 =	vld.idx.msk [tilespmem:v10+s20+$0x0], $0xffff;
	[tilespmem:$0x1FD00] =	vst v36  }
0x1ac: {  	v10 =	vld.idx.msk [tilespmem:v11+s20+$0x0], $0xffff;
	[tilespmem:s10+$0x160] =	vst v0  }
0x1ad: {  	v0 =	vld [tilespmem:$0x1FE50]  }
0x1ae: {  	v11 =	vld [tilespmem:$0x1FDB0];
	[tilespmem:s10+$0xFFFFFF40] =	vst v2  }
0x1af: {  	v3 =	vadd.s32 v3, v1;
	[tilespmem:s10+$0xFFFFFFE0] =	vst v4  }
0x1b0: {  	v6 =	vadd.s32 v6, v1;
	v4 =	vld [tilespmem:$0x1FD60];
	[tilespmem:s10+$0x1D0] =	vst v7  }
0x1b1: {  	v8 =	vadd.s32 v58, v1;
	v7 =	vld [tilespmem:$0x1FE10]  }
0x1b2: {  	v9 =	vadd.s32 v36, v1  }
0x1b3: {  	v0 =	vadd.s32 v0, v1  }
0x1b4: {  	v2 =	vld.idx.msk [tilespmem:v3+s20+$0x0], $0xffff;
	v11 =	vadd.s32 v11, v1  }
0x1b5: {  	v3 =	vld.idx.msk [tilespmem:v6+s20+$0x0], $0xffff;
	v4 =	vadd.s32 v4, v1  }
0x1b6: {  	v6 =	vld.idx.msk [tilespmem:v8+s20+$0x0], $0xffff;
	[tilespmem:s10+$0xFFFFFED0] =	vst v5;
	v7 =	vadd.s32 v7, v1  }
0x1b7: {  	v8 =	vadd.s32 v62, v1;
	v5 =	vld.idx.msk [tilespmem:v9+s20+$0x0], $0xffff;
	[tilespmem:s10+$0xE0] =	vst v10  }
0x1b8: {  	v9 =	vadd.s32 v51, v1;
	v0 =	vld.idx.msk [tilespmem:v0+s20+$0x0], $0xffff;
	[tilespmem:$0x1FD10] =	vst v51  }
0x1b9: {  	v10 =	vld.idx.msk [tilespmem:v11+s20+$0x0], $0xffff;
	[tilespmem:s10+$0xFFFFFE60] =	vst v2;
	v2 =	vadd.s32 v49, v1  }
0x1ba: {  	[tilespmem:s10+$0xFFFFFF50] =	vst v3;
	v3 =	vadd.s32 v33, v1;
	v4 =	vld.idx.msk [tilespmem:v4+s20+$0x0], $0xffff  }
0x1bb: {  	v11 =	vadd.s32 v28, v1;
	[tilespmem:s10+$0x50] =	vst v6;
	v7 =	vld.idx.msk [tilespmem:v7+s20+$0x0], $0xffff  }
0x1bc: {  	[tilespmem:s10+$0x1E0] =	vst v5;
	v6 =	vadd.s32 v40, v1;
	v5 =	vld.idx.msk [tilespmem:v8+s20+$0x0], $0xffff  }
0x1bd: {  	v1 =	vadd.s32 v61, v1;
	[tilespmem:s10+$0xFFFFFFF0] =	vst v0;
	v0 =	vld.idx.msk [tilespmem:v9+s20+$0x0], $0xffff  }
0x1be: {  	[tilespmem:s10+$0xFFFFFEE0] =	vst v10;
	v2 =	vld.idx.msk [tilespmem:v2+s20+$0x0], $0xffff  }
0x1bf: {  	[tilespmem:s10+$0xFFFFFE70] =	vst v4;
	v3 =	vld.idx.msk [tilespmem:v3+s20+$0x0], $0xffff  }
0x1c0: {  	v4 =	vld.idx.msk [tilespmem:v11+s20+$0x0], $0xffff;
	[tilespmem:s10+$0xFFFFFF60] =	vst v7  }
0x1c1: {  	[tilespmem:s10+$0x60] =	vst v5;
	v6 =	vld.idx.msk [tilespmem:v6+s20+$0x0], $0xffff  }
0x1c2: {  	[tilespmem:s10+$0x1F0] =	vst v0;
	v0 =	vld.idx.msk [tilespmem:v1+s20+$0x0], $0xffff  }
0x1c3: {  	s0 =	sadd.s32 s6, s11;
	[tilespmem:s10+$0x170] =	vst v2  }
0x1c4: {  	s0 =	sshll.u32 s0, $0x10;
	[tilespmem:s10+$0xFFFFFEF0] =	vst v3  }
0x1c5: {  	s0 =	sor.u32 s5, s0;
	[tilespmem:s10+$0xF0] =	vst v4  }
0x1c6: {  	s0 =	sshrl.u32 s0, $0x3;
	[tilespmem:s10+$0xFFFFFF70] =	vst v6  }
0x1c7: {  	s0 =	sadd.s32 s2, s0;
	[tilespmem:s10+$0x70] =	vst v0  }
0x1c8: {  	[hbm4b:s0+s13] =	stream.strided.scatter [tilespmem:s22], [sflag:$0x5], $0x2000, s21, s13, $0x38;
	[tilespmem:$0x14980] =	vst v63  }
0x1c9: {  	s0 =	simm.s32 @!p0 $0x8  }
0x1ca: {  	s10 =	sor.u32 $0x3, s11;
	_ =	swait.ge @!p0 [sflag:s0], $0x2000  }
0x1cb: {  	s15 =	sshll.u32 s10, $0x7;
	[sflag:s0] =	ssyncset.done @!p0 $0x0  }
0x1cc: {  	s3 =	sand.u32 $0x3FFFFF80, s15;
	[sflag:s0] =	ssyncadd.s32 @!p0 $0xFFFFE000  }
0x1cd: {  	[tilespmem:s23], [sflag:$0x4] =	stream.indirect.gather [hbm4b:s4+s12], $0x40, s3, s12, $0xb8;
	[tilespmem:$0x14980] =	vst v63  }
0x1ce: {  	s11 =	sor.u32 $0x1, s11;
	_ =	swait.ge [sflag:s24], $0x2000  }
0x1cf: {  	s7 =	sshll.u32 s11, $0x6;
	[sflag:s24] =	ssyncset.done $0x0  }
0x1d0: {  	s0 =	sand.u32 $0x3FFFFFC0, s7;
	[sflag:s24] =	ssyncadd.s32 $0xFFFFE000  }
0x1d1: {  	v1 =	vld [tilespmem:s0+$0x1900]  }
0x1d2: {  	v2 =	vld [tilespmem:s0+$0x1910]  }
0x1d3: {  	v3 =	vld [tilespmem:s0+$0x1920]  }
0x1d4: {  	s14 =	simm.s32 $0x4680;
	v0 =	vld [tilespmem:s0+$0x1930]  }
0x1d5: {  	v4 =	vld [tilespmem:s14+$0xC0]  }
0x1d6: {  	v5 =	vld [tilespmem:s14+$0xFFFFFF40]  }
0x1d7: {  	v6 =	vld [tilespmem:s14+$0xFFFFFF80]  }
0x1d8: {  	v7 =	vld [tilespmem:s14+$0xFFFFFFC0]  }
0x1d9: {  	v8 =	vld [tilespmem:s14+$0x0]  }
0x1da: {  	v9 =	vld [tilespmem:s14+$0x40];
	v4 =	vadd.f32 v4, v1  }
0x1db: {  	s0 =	simm.s32 $0xA6A0;
	v10 =	vld [tilespmem:s14+$0x80];
	v5 =	vadd.f32 v5, v1  }
0x1dc: {  	v11 =	vld [tilespmem:s14+$0xFFFFFF00];
	v6 =	vadd.f32 v6, v1;
	[tilespmem:s0+$0xD8] =	vst v4  }
0x1dd: {  	[tilespmem:s0+$0xFFFFFF28] =	vst v5;
	v4 =	vadd.f32 v7, v1;
	v5 =	vld [tilespmem:s14+$0xD0]  }
0x1de: {  	[tilespmem:s0+$0xFFFFFF70] =	vst v6;
	v6 =	vadd.f32 v8, v1;
	v7 =	vld [tilespmem:s14+$0xFFFFFF50]  }
0x1df: {  	v8 =	vld [tilespmem:s14+$0xFFFFFF90];
	[tilespmem:s0+$0xFFFFFFB8] =	vst v4;
	v4 =	vadd.f32 v9, v1  }
0x1e0: {  	[tilespmem:s0+$0x0] =	vst v6;
	v6 =	vadd.f32 v10, v1;
	v9 =	vld [tilespmem:s14+$0xFFFFFFD0]  }
0x1e1: {  	v10 =	vadd.f32 v11, v1;
	v11 =	vld [tilespmem:s14+$0x10];
	[tilespmem:s0+$0x48] =	vst v4  }
0x1e2: {  	[tilespmem:s0+$0x90] =	vst v6;
	v4 =	vld [tilespmem:s14+$0x50];
	v5 =	vadd.f32 v5, v2  }
0x1e3: {  	[tilespmem:s0+$0xFFFFFEE0] =	vst v10;
	v6 =	vadd.f32 v7, v2;
	v7 =	vld [tilespmem:s14+$0x90]  }
0x1e4: {  	v10 =	vld [tilespmem:s14+$0xFFFFFF10];
	v8 =	vadd.f32 v8, v2;
	[tilespmem:s0+$0xE8] =	vst v5  }
0x1e5: {  	[tilespmem:s0+$0xFFFFFF38] =	vst v6;
	v5 =	vadd.f32 v9, v2;
	v6 =	vld [tilespmem:s14+$0xE0]  }
0x1e6: {  	[tilespmem:s0+$0xFFFFFF80] =	vst v8;
	v8 =	vadd.f32 v11, v2;
	v9 =	vld [tilespmem:s14+$0xFFFFFF60]  }
0x1e7: {  	v11 =	vld [tilespmem:s14+$0xFFFFFFA0];
	[tilespmem:s0+$0xFFFFFFC8] =	vst v5;
	v4 =	vadd.f32 v4, v2  }
0x1e8: {  	[tilespmem:s0+$0x10] =	vst v8;
	v5 =	vld [tilespmem:s14+$0xFFFFFFE0];
	v7 =	vadd.f32 v7, v2  }
0x1e9: {  	v8 =	vadd.f32 v10, v2;
	v10 =	vld [tilespmem:s14+$0x20];
	[tilespmem:s0+$0x58] =	vst v4  }
0x1ea: {  	v4 =	vld [tilespmem:s14+$0x60];
	[tilespmem:s0+$0xA0] =	vst v7;
	v6 =	vadd.f32 v6, v3  }
0x1eb: {  	[tilespmem:s0+$0xFFFFFEF0] =	vst v8;
	v7 =	vadd.f32 v9, v3;
	v8 =	vld [tilespmem:s14+$0xA0]  }
0x1ec: {  	v9 =	vld [tilespmem:s14+$0xFFFFFF20];
	v11 =	vadd.f32 v11, v3;
	[tilespmem:s0+$0xF8] =	vst v6  }
0x1ed: {  	[tilespmem:s0+$0xFFFFFF48] =	vst v7;
	v5 =	vadd.f32 v5, v3;
	v7 =	vld [tilespmem:s14+$0xF0]  }
0x1ee: {  	[tilespmem:s0+$0xFFFFFF90] =	vst v11;
	v6 =	vadd.f32 v10, v3;
	v55 =	vld [tilespmem:s14+$0xFFFFFF70]  }
0x1ef: {  	v11 =	vld [tilespmem:s14+$0xFFFFFFB0];
	[tilespmem:s0+$0xFFFFFFD8] =	vst v5;
	v5 =	vadd.f32 v4, v3  }
0x1f0: {  	[tilespmem:s0+$0x20] =	vst v6;
	v4 =	vld [tilespmem:s14+$0xFFFFFFF0];
	v8 =	vadd.f32 v8, v3  }
0x1f1: {  	v9 =	vadd.f32 v9, v3;
	v6 =	vld [tilespmem:s14+$0x30];
	[tilespmem:s0+$0x68] =	vst v5  }
0x1f2: {  	v5 =	vld [tilespmem:s14+$0x70];
	[tilespmem:s0+$0xB0] =	vst v8;
	v60 =	vadd.f32 v7, v0  }
0x1f3: {  	[tilespmem:s0+$0xFFFFFF00] =	vst v9;
	v7 =	vld [tilespmem:s14+$0xB0];
	v10 =	vadd.f32 v55, v0  }
0x1f4: {  	s15 =	simm.s32 $0x0;
	s3 =	simm.s32 $0xEB80;
	v8 =	vld [tilespmem:s14+$0xFFFFFF30];
	v9 =	vadd.f32 v11, v0;
	s14 =	simm.s32 $0x4880;
	[tilespmem:s0+$0x108] =	vst v60  }
.LBB2_7:
0x1f5: {  	v11 =	vld [tilespmem:s14+$0xC0];
	s15 =	sadd.s32 $0x8, s15;
	[tilespmem:s0+$0xFFFFFF58] =	vst v10;
	v4 =	vadd.f32 v4, v0  }
0x1f6: {  	v10 =	vld [tilespmem:s14+$0xFFFFFF40];
	p0 =	slt.u32 s15, $0x78;
	[tilespmem:s0+$0xFFFFFFA0] =	vst v9;
	v6 =	vadd.f32 v6, v0  }
0x1f7: {  	v9 =	vld [tilespmem:s14+$0xFFFFFF80];
	[tilespmem:s0+$0xFFFFFFE8] =	vst v4;
	v4 =	vadd.f32 v5, v0  }
0x1f8: {  	v5 =	vld [tilespmem:s14+$0xFFFFFFC0];
	[tilespmem:s0+$0x30] =	vst v6;
	v6 =	vadd.f32 v7, v0  }
0x1f9: {  	v7 =	vld [tilespmem:s14+$0x0];
	v8 =	vadd.f32 v8, v0;
	[tilespmem:s0+$0x78] =	vst v4  }
0x1fa: {  	v4 =	vld [tilespmem:s14+$0x40];
	v11 =	vadd.f32 v11, v1;
	[tilespmem:s0+$0xC0] =	vst v6  }
0x1fb: {  	v6 =	vadd.f32 v10, v1;
	v10 =	vld [tilespmem:s14+$0x80];
	[tilespmem:s0+$0xFFFFFF10] =	vst v8;
	s0 =	sadd.s32 $0x240, s0  }
0x1fc: {  	v8 =	vld [tilespmem:s14+$0xFFFFFF00];
	v9 =	vadd.f32 v9, v1;
	[tilespmem:s0+$0xD8] =	vst v11  }
0x1fd: {  	[tilespmem:s0+$0xFFFFFF28] =	vst v6;
	v5 =	vadd.f32 v5, v1;
	v6 =	vld [tilespmem:s14+$0xD0]  }
0x1fe: {  	v11 =	vld [tilespmem:s14+$0xFFFFFF50];
	[tilespmem:s0+$0xFFFFFF70] =	vst v9;
	v7 =	vadd.f32 v7, v1  }
0x1ff: {  	v9 =	vld [tilespmem:s14+$0xFFFFFF90];
	[tilespmem:s0+$0xFFFFFFB8] =	vst v5;
	v4 =	vadd.f32 v4, v1  }
0x200: {  	v5 =	vld [tilespmem:s14+$0xFFFFFFD0];
	[tilespmem:s0+$0x0] =	vst v7;
	v7 =	vadd.f32 v10, v1  }
0x201: {  	v8 =	vadd.f32 v8, v1;
	v10 =	vld [tilespmem:s14+$0x10];
	[tilespmem:s0+$0x48] =	vst v4  }
0x202: {  	v4 =	vld [tilespmem:s14+$0x50];
	[tilespmem:s0+$0x90] =	vst v7;
	v6 =	vadd.f32 v6, v2  }
0x203: {  	[tilespmem:s0+$0xFFFFFEE0] =	vst v8;
	v7 =	vadd.f32 v11, v2;
	v8 =	vld [tilespmem:s14+$0x90]  }
0x204: {  	v11 =	vld [tilespmem:s14+$0xFFFFFF10];
	v9 =	vadd.f32 v9, v2;
	[tilespmem:s0+$0xE8] =	vst v6  }
0x205: {  	[tilespmem:s0+$0xFFFFFF38] =	vst v7;
	v5 =	vadd.f32 v5, v2;
	v6 =	vld [tilespmem:s14+$0xE0]  }
0x206: {  	v7 =	vld [tilespmem:s14+$0xFFFFFF60];
	[tilespmem:s0+$0xFFFFFF80] =	vst v9;
	v9 =	vadd.f32 v10, v2  }
0x207: {  	v10 =	vld [tilespmem:s14+$0xFFFFFFA0];
	[tilespmem:s0+$0xFFFFFFC8] =	vst v5;
	v4 =	vadd.f32 v4, v2  }
0x208: {  	v5 =	vld [tilespmem:s14+$0xFFFFFFE0];
	[tilespmem:s0+$0x10] =	vst v9;
	v8 =	vadd.f32 v8, v2  }
0x209: {  	v9 =	vadd.f32 v11, v2;
	v11 =	vld [tilespmem:s14+$0x20];
	[tilespmem:s0+$0x58] =	vst v4  }
0x20a: {  	v4 =	vld [tilespmem:s14+$0x60];
	[tilespmem:s0+$0xA0] =	vst v8;
	v6 =	vadd.f32 v6, v3  }
0x20b: {  	[tilespmem:s0+$0xFFFFFEF0] =	vst v9;
	v7 =	vadd.f32 v7, v3;
	v8 =	vld [tilespmem:s14+$0xA0]  }
0x20c: {  	v9 =	vld [tilespmem:s14+$0xFFFFFF20];
	v10 =	vadd.f32 v10, v3;
	[tilespmem:s0+$0xF8] =	vst v6  }
0x20d: {  	[tilespmem:s0+$0xFFFFFF48] =	vst v7;
	v5 =	vadd.f32 v5, v3;
	v7 =	vld [tilespmem:s14+$0xF0]  }
0x20e: {  	v12 =	vld [tilespmem:s14+$0xFFFFFF70];
	[tilespmem:s0+$0xFFFFFF90] =	vst v10;
	v6 =	vadd.f32 v11, v3  }
0x20f: {  	v11 =	vld [tilespmem:s14+$0xFFFFFFB0];
	[tilespmem:s0+$0xFFFFFFD8] =	vst v5;
	v5 =	vadd.f32 v4, v3  }
.Ltmp2:
0x210: {  	v4 =	vld [tilespmem:s14+$0xFFFFFFF0];
	[tilespmem:s0+$0x20] =	vst v6;
	v8 =	vadd.f32 v8, v3;
	(pc) =	sbr.rel @p0 .LBB2_7-.Ltmp2, $4  }
0x211: {  	v9 =	vadd.f32 v9, v3;
	v6 =	vld [tilespmem:s14+$0x30];
	[tilespmem:s0+$0x68] =	vst v5  }
0x212: {  	v5 =	vld [tilespmem:s14+$0x70];
	[tilespmem:s0+$0xB0] =	vst v8;
	v13 =	vadd.f32 v7, v0  }
0x213: {  	[tilespmem:s0+$0xFFFFFF00] =	vst v9;
	v10 =	vadd.f32 v12, v0;
	v7 =	vld [tilespmem:s14+$0xB0]  }
0x214: {  	s7 =	simm.s32 $0x0;
	v8 =	vld [tilespmem:s14+$0xFFFFFF30];
	v9 =	vadd.f32 v11, v0;
	[tilespmem:s0+$0x108] =	vst v13;
	s14 =	sadd.s32 $0x200, s14  }
0x215: {  	v1 =	vmov s7  }
0x216: {  	v1 =	vshrl.u32 v1, $0x3  }
0x217: {  	[tilespmem:s0+$0xFFFFFF58] =	vst v10;
	v2 =	vadd.f32 v4, v0;
	v1 =	vshll.u32 v1, $0x3  }
0x218: {  	[tilespmem:s0+$0xFFFFFFA0] =	vst v9;
	v12 =	vbroadcast v1, $0x0;
	v1 =	vadd.f32 v6, v0  }
0x219: {  	[tilespmem:s0+$0xFFFFFFE8] =	vst v2;
	v2 =	vadd.f32 v5, v0  }
0x21a: {  	v3 =	vadd.s32 v22, v12;
	[tilespmem:s0+$0x30] =	vst v1;
	v1 =	vadd.f32 v7, v0  }
0x21b: {  	[tilespmem:s0+$0x78] =	vst v2;
	v4 =	vadd.s32 v29, v12;
	v0 =	vadd.f32 v8, v0  }
0x21c: {  	v2 =	vadd.s32 v34, v12;
	[tilespmem:s0+$0xC0] =	vst v1  }
0x21d: {  	v1 =	vadd.s32 v37, v12;
	[tilespmem:s0+$0xFFFFFF10] =	vst v0  }
0x21e: {  	v0 =	vadd.s32 v52, v12;
	v51 =	vld [tilespmem:$0x1FDC0]  }
0x21f: {  	v5 =	vadd.s32 v63, v12;
	v3 =	vld.idx.msk [tilespmem:v3+s20+$0x0], $0xffff  }
0x220: {  	v6 =	vadd.s32 v27, v12;
	v4 =	vld.idx.msk [tilespmem:v4+s20+$0x0], $0xffff  }
0x221: {  	v7 =	vadd.s32 v50, v12;
	v2 =	vld.idx.msk [tilespmem:v2+s20+$0x0], $0xffff  }
0x222: {  	v1 =	vld.idx.msk [tilespmem:v1+s20+$0x0], $0xffff  }
0x223: {  	v0 =	vld.idx.msk [tilespmem:v0+s20+$0x0], $0xffff  }
0x224: {  	v5 =	vld.idx.msk [tilespmem:v5+s20+$0x0], $0xffff;
	v8 =	vadd.s32 v51, v12  }
0x225: {  	v9 =	vadd.s32 v44, v12;
	v6 =	vld.idx.msk [tilespmem:v6+s20+$0x0], $0xffff;
	[tilespmem:s3+$0xFFFFFE00] =	vst v3  }
0x226: {  	v10 =	vadd.s32 v54, v12;
	v7 =	vld.idx.msk [tilespmem:v7+s20+$0x0], $0xffff;
	[tilespmem:s3+$0xFFFFFF00] =	vst v2  }
0x227: {  	v14 =	vld [tilespmem:$0x1FD70];
	[tilespmem:s3+$0xFFFFFF80] =	vst v1  }
0x228: {  	v11 =	vadd.s32 v56, v12;
	v13 =	vld [tilespmem:$0x1FD20];
	[tilespmem:s3+$0x0] =	vst v0  }
0x229: {  	v3 =	vadd.s32 v20, v12;
	v8 =	vld.idx.msk [tilespmem:v8+s20+$0x0], $0xffff;
	[tilespmem:s3+$0x80] =	vst v5  }
0x22a: {  	v9 =	vld.idx.msk [tilespmem:v9+s20+$0x0], $0xffff;
	[tilespmem:s3+$0xFFFFFE80] =	vst v4  }
0x22b: {  	v0 =	vadd.s32 v35, v12;
	[tilespmem:s3+$0x180] =	vst v7;
	v10 =	vld.idx.msk [tilespmem:v10+s20+$0x0], $0xffff  }
0x22c: {  	v21 =	vld [tilespmem:$0x1FEE0]  }
0x22d: {  	[tilespmem:s3+$0x100] =	vst v6;
	v6 =	vld.idx.msk [tilespmem:v11+s20+$0x0], $0xffff;
	v2 =	vadd.s32 v14, v12  }
0x22e: {  	v4 =	vadd.s32 v45, v12;
	v3 =	vld.idx.msk [tilespmem:v3+s20+$0x0], $0xffff  }
0x22f: {  	v16 =	vld [tilespmem:$0x1FD80];
	[tilespmem:s3+$0xFFFFFF10] =	vst v8  }
0x230: {  	v5 =	vadd.s32 v57, v12;
	[tilespmem:s3+$0xFFFFFF90] =	vst v9;
	v0 =	vld.idx.msk [tilespmem:v0+s20+$0x0], $0xffff  }
0x231: {  	v1 =	vadd.s32 v13, v12;
	v15 =	vld [tilespmem:$0x1FDD0]  }
0x232: {  	v7 =	vadd.s32 v21, v12;
	v2 =	vld.idx.msk [tilespmem:v2+s20+$0x0], $0xffff  }
0x233: {  	v4 =	vld.idx.msk [tilespmem:v4+s20+$0x0], $0xffff;
	[tilespmem:s3+$0x10] =	vst v10  }
0x234: {  	v11 =	vadd.s32 v16, v12;
	v18 =	vld [tilespmem:$0x1FE20]  }
0x235: {  	v5 =	vld.idx.msk [tilespmem:v5+s20+$0x0], $0xffff  }
0x236: {  	v8 =	vadd.s32 v59, v12;
	[tilespmem:s3+$0x90] =	vst v3;
	v1 =	vld.idx.msk [tilespmem:v1+s20+$0x0], $0xffff  }
0x237: {  	[tilespmem:s3+$0xFFFFFE90] =	vst v2;
	v2 =	vld.idx.msk [tilespmem:v7+s20+$0x0], $0xffff  }
0x238: {  	v9 =	vadd.s32 v15, v12;
	v55 =	vld [tilespmem:$0x1FEC0]  }
0x239: {  	v11 =	vld.idx.msk [tilespmem:v11+s20+$0x0], $0xffff;
	[tilespmem:s3+$0x190] =	vst v6  }
0x23a: {  	v10 =	vadd.s32 v18, v12;
	v25 =	vld [tilespmem:$0x1FD30]  }
0x23b: {  	[tilespmem:s3+$0xFFFFFE10] =	vst v1;
	v1 =	vld.idx.msk [tilespmem:v8+s20+$0x0], $0xffff  }
0x23c: {  	v3 =	vadd.s32 v38, v12;
	v60 =	vld [tilespmem:$0x1FFD0]  }
0x23d: {  	v9 =	vld.idx.msk [tilespmem:v9+s20+$0x0], $0xffff;
	[tilespmem:s3+$0xFFFFFFA0] =	vst v4  }
0x23e: {  	v19 =	vld [tilespmem:$0x1FE60]  }
0x23f: {  	[tilespmem:s3+$0x110] =	vst v0;
	v0 =	vld.idx.msk [tilespmem:v10+s20+$0x0], $0xffff  }
0x240: {  	v10 =	vld [tilespmem:$0x1FDE0];
	[tilespmem:s3+$0xA0] =	vst v2  }
0x241: {  	v2 =	vld.idx.msk [tilespmem:v3+s20+$0x0], $0xffff;
	[tilespmem:s3+$0x20] =	vst v5;
	v7 =	vadd.s32 v55, v12  }
0x242: {  	[tilespmem:s3+$0x1A0] =	vst v1  }
0x243: {  	v6 =	vadd.s32 v25, v12;
	v53 =	vld [tilespmem:$0x1FED0];
	[tilespmem:s3+$0xFFFFFEA0] =	vst v11  }
0x244: {  	v3 =	vadd.s32 v42, v12;
	[tilespmem:s3+$0xFFFFFF20] =	vst v9  }
0x245: {  	v8 =	vadd.s32 v60, v12;
	v17 =	vld [tilespmem:$0x1FD40]  }
0x246: {  	v11 =	vadd.s32 v30, v12;
	[tilespmem:s3+$0x120] =	vst v2;
	v5 =	vld.idx.msk [tilespmem:v7+s20+$0x0], $0xffff  }
0x247: {  	v4 =	vadd.s32 v19, v12;
	v32 =	vld [tilespmem:$0x1FCE0]  }
0x248: {  	v6 =	vld.idx.msk [tilespmem:v6+s20+$0x0], $0xffff;
	v1 =	vadd.s32 v53, v12  }
0x249: {  	v3 =	vld.idx.msk [tilespmem:v3+s20+$0x0], $0xffff  }
0x24a: {  	v10 =	vadd.s32 v10, v12;
	v8 =	vld.idx.msk [tilespmem:v8+s20+$0x0], $0xffff  }
0x24b: {  	v7 =	vadd.s32 v46, v12;
	[tilespmem:s3+$0xFFFFFFB0] =	vst v0;
	v11 =	vld.idx.msk [tilespmem:v11+s20+$0x0], $0xffff  }
0x24c: {  	v4 =	vld.idx.msk [tilespmem:v4+s20+$0x0], $0xffff;
	v9 =	vadd.s32 v17, v12;
	[tilespmem:s3+$0xB0] =	vst v5  }
0x24d: {  	[tilespmem:s3+$0xFFFFFE20] =	vst v6;
	v0 =	vld.idx.msk [tilespmem:v1+s20+$0x0], $0xffff  }
0x24e: {  	v2 =	vadd.s32 v32, v12;
	v24 =	vld [tilespmem:$0x1FEF0]  }
0x24f: {  	v10 =	vld.idx.msk [tilespmem:v10+s20+$0x0], $0xffff  }
0x250: {  	v5 =	vld.idx.msk [tilespmem:v7+s20+$0x0], $0xffff;
	v1 =	vadd.s32 v43, v12;
	[tilespmem:s3+$0x1B0] =	vst v8  }
0x251: {  	v8 =	vld.idx.msk [tilespmem:v9+s20+$0x0], $0xffff;
	[tilespmem:s3+$0x30] =	vst v4  }
0x252: {  	v7 =	vadd.s32 v31, v12;
	v4 =	vld [tilespmem:$0x1FE30];
	[tilespmem:s3+$0x130] =	vst v3  }
0x253: {  	v2 =	vld.idx.msk [tilespmem:v2+s20+$0x0], $0xffff;
	v6 =	vadd.s32 v24, v12;
	[tilespmem:s3+$0xC0] =	vst v0  }
0x254: {  	v9 =	vadd.s32 v39, v12;
	v41 =	vld [tilespmem:$0x1FCF0];
	[tilespmem:s3+$0xFFFFFF30] =	vst v10  }
0x255: {  	v0 =	vld.idx.msk [tilespmem:v1+s20+$0x0], $0xffff;
	[tilespmem:s3+$0xFFFFFFC0] =	vst v5  }
0x256: {  	v28 =	vld [tilespmem:$0x1FF00]  }
0x257: {  	v5 =	vld.idx.msk [tilespmem:v7+s20+$0x0], $0xffff;
	v4 =	vadd.s32 v4, v12  }
0x258: {  	[tilespmem:s3+$0xFFFFFE30] =	vst v8;
	v3 =	vld.idx.msk [tilespmem:v6+s20+$0x0], $0xffff;
	v6 =	vadd.s32 v47, v12  }
0x259: {  	v9 =	vld.idx.msk [tilespmem:v9+s20+$0x0], $0xffff;
	[tilespmem:s3+$0x1C0] =	vst v2;
	v1 =	vadd.s32 v41, v12  }
0x25a: {  	v2 =	vld [tilespmem:$0x1FE40];
	[tilespmem:s3+$0x140] =	vst v0  }
0x25b: {  	v0 =	vld [tilespmem:$0x1FD90];
	v7 =	vadd.s32 v28, v12  }
0x25c: {  	v8 =	vadd.s32 v58, v12;
	v4 =	vld.idx.msk [tilespmem:v4+s20+$0x0], $0xffff  }
0x25d: {  	v10 =	vadd.s32 v23, v12;
	[tilespmem:s3+$0xD0] =	vst v3;
	v3 =	vld.idx.msk [tilespmem:v6+s20+$0x0], $0xffff  }
0x25e: {  	v1 =	vld.idx.msk [tilespmem:v1+s20+$0x0], $0xffff  }
0x25f: {  	v2 =	vadd.s32 v2, v12;
	v6 =	vld [tilespmem:$0x1FDF0];
	[tilespmem:s3+$0x40] =	vst v5  }
0x260: {  	[tilespmem:s3+$0xFFFFFE40] =	vst v9;
	v5 =	vld.idx.msk [tilespmem:v7+s20+$0x0], $0xffff  }
0x261: {  	v0 =	vadd.s32 v0, v12;
	[tilespmem:s3+$0xFFFFFFD0] =	vst v4;
	v4 =	vld.idx.msk [tilespmem:v8+s20+$0x0], $0xffff  }
0x262: {  	v36 =	vmovc v27;
	v49 =	vmov v48;
	v7 =	vadd.s32 v48, v12;
	v48 =	vmov v47;
	v9 =	vld.idx.msk [tilespmem:v10+s20+$0x0], $0xffff  }
0x263: {  	v47 =	vmovc v43;
	v43 =	vmovc v42;
	v42 =	vmov v38;
	v38 =	vmov v35;
	v35 =	vmov v36;
	v36 =	vld [tilespmem:$0x1FF10]  }
0x264: {  	[tilespmem:s3+$0xFFFFFEB0] =	vst v11;
	v2 =	vld.idx.msk [tilespmem:v2+s20+$0x0], $0xffff  }
0x265: {  	s15 =	simm.s32 $0x8;
	v27 =	vmov v20;
	v20 =	vld [tilespmem:$0x1FE50];
	[tilespmem:s3+$0x150] =	vst v3  }
0x266: {  	[tilespmem:s3+$0x1D0] =	vst v1;
	v1 =	vmov s15;
	v0 =	vld.idx.msk [tilespmem:v0+s20+$0x0], $0xffff  }
0x267: {  	v6 =	vadd.s32 v6, v12;
	v1 =	vshrl.u32 v1, $0x3;
	v3 =	vld [tilespmem:$0x1FD50];
	[tilespmem:s3+$0xE0] =	vst v5  }
0x268: {  	v8 =	vadd.s32 v36, v12;
	v1 =	vshll.u32 v1, $0x3;
	v5 =	vld [tilespmem:$0x1FDA0]  }
0x269: {  	v10 =	vadd.s32 v62, v12;
	v7 =	vld.idx.msk [tilespmem:v7+s20+$0x0], $0xffff;
	[tilespmem:s3+$0x50] =	vst v4;
	v1 =	vbroadcast v1, $0x0  }
0x26a: {  	v11 =	vadd.s32 v20, v12;
	v4 =	vld [tilespmem:$0x1FE00];
	[tilespmem:s3+$0xFFFFFFE0] =	vst v2  }
0x26b: {  	v26 =	vmovc v59;
	v59 =	vmov v56;
	v56 =	vmov v50;
	v50 =	vld [tilespmem:$0x1FF90];
	[tilespmem:s3+$0xFFFFFE50] =	vst v9;
	v9 =	vadd.s32 v22, v1  }
0x26c: {  	v6 =	vld.idx.msk [tilespmem:v6+s20+$0x0], $0xffff;
	v3 =	vadd.s32 v3, v12  }
0x26d: {  	v5 =	vadd.s32 v5, v12;
	v8 =	vld.idx.msk [tilespmem:v8+s20+$0x0], $0xffff  }
0x26e: {  	v2 =	vld.idx.msk [tilespmem:v10+s20+$0x0], $0xffff  }
0x26f: {  	[tilespmem:s3+$0xFFFFFEC0] =	vst v0;
	v4 =	vadd.s32 v4, v12;
	v11 =	vld.idx.msk [tilespmem:v11+s20+$0x0], $0xffff  }
0x270: {  	[tilespmem:s3+$0x160] =	vst v7;
	v10 =	vadd.s32 v50, v12;
	v9 =	vld.idx.msk [tilespmem:v9+s20+$0x0], $0xffff  }
0x271: {  	[tilespmem:s3+$0xFFFFFF40] =	vst v6;
	v3 =	vld.idx.msk [tilespmem:v3+s20+$0x0], $0xffff  }
0x272: {  	v5 =	vld.idx.msk [tilespmem:v5+s20+$0x0], $0xffff;
	[tilespmem:s3+$0xF0] =	vst v8  }
0x273: {  	v0 =	vadd.s32 v29, v1;
	v8 =	vld [tilespmem:$0x1FDB0]  }
0x274: {  	v7 =	vadd.s32 v34, v1;
	v4 =	vld.idx.msk [tilespmem:v4+s20+$0x0], $0xffff  }
0x275: {  	v6 =	vadd.s32 v61, v12;
	[tilespmem:s3+$0x60] =	vst v2;
	v10 =	vld.idx.msk [tilespmem:v10+s20+$0x0], $0xffff  }
0x276: {  	v2 =	vld [tilespmem:$0x1FE10];
	[tilespmem:s3+$0xFFFFFFF0] =	vst v11;
	v11 =	vadd.s32 v37, v1  }
0x277: {  	s0 =	simm.s32 $0xEF80;
	[tilespmem:s3+$0xFFFFFE60] =	vst v3;
	v3 =	vadd.s32 v52, v1  }
0x278: {  	v0 =	vld.idx.msk [tilespmem:v0+s20+$0x0], $0xffff;
	[tilespmem:s0+$0xFFFFFE00] =	vst v9;
	v8 =	vadd.s32 v8, v12  }
0x279: {  	v7 =	vld.idx.msk [tilespmem:v7+s20+$0x0], $0xffff;
	[tilespmem:s3+$0xFFFFFED0] =	vst v5;
	v5 =	vadd.s32 v63, v1  }
0x27a: {  	v6 =	vld.idx.msk [tilespmem:v6+s20+$0x0], $0xffff;
	[tilespmem:s3+$0xFFFFFF50] =	vst v4;
	v4 =	vadd.s32 v35, v1  }
0x27b: {  	[tilespmem:s3+$0x170] =	vst v10;
	v10 =	vadd.s32 v56, v1;
	v9 =	vld.idx.msk [tilespmem:v11+s20+$0x0], $0xffff  }
0x27c: {  	v2 =	vadd.s32 v2, v12;
	v3 =	vld.idx.msk [tilespmem:v3+s20+$0x0], $0xffff  }
0x27d: {  	[tilespmem:s0+$0xFFFFFE80] =	vst v0;
	v0 =	vadd.s32 v51, v1;
	v8 =	vld.idx.msk [tilespmem:v8+s20+$0x0], $0xffff  }
0x27e: {  	[tilespmem:s0+$0xFFFFFF00] =	vst v7;
	v11 =	vadd.s32 v33, v12;
	v5 =	vld.idx.msk [tilespmem:v5+s20+$0x0], $0xffff  }
0x27f: {  	[tilespmem:s3+$0x70] =	vst v6;
	v6 =	vadd.s32 v44, v1;
	v4 =	vld.idx.msk [tilespmem:v4+s20+$0x0], $0xffff  }
0x280: {  	v7 =	vadd.s32 v54, v1;
	v10 =	vld.idx.msk [tilespmem:v10+s20+$0x0], $0xffff;
	[tilespmem:s0+$0xFFFFFF80] =	vst v9  }
0x281: {  	v2 =	vld.idx.msk [tilespmem:v2+s20+$0x0], $0xffff;
	v9 =	vadd.s32 v59, v1;
	[tilespmem:s0+$0x0] =	vst v3  }
0x282: {  	v0 =	vld.idx.msk [tilespmem:v0+s20+$0x0], $0xffff;
	[tilespmem:s3+$0xFFFFFEE0] =	vst v8;
	v8 =	vadd.s32 v27, v1  }
0x283: {  	v3 =	vadd.s32 v13, v1;
	[tilespmem:s0+$0x80] =	vst v5;
	v11 =	vld.idx.msk [tilespmem:v11+s20+$0x0], $0xffff  }
0x284: {  	v6 =	vld.idx.msk [tilespmem:v6+s20+$0x0], $0xffff;
	v5 =	vadd.s32 v38, v1;
	[tilespmem:s0+$0x100] =	vst v4  }
0x285: {  	v7 =	vld.idx.msk [tilespmem:v7+s20+$0x0], $0xffff;
	v4 =	vadd.s32 v45, v1;
	[tilespmem:s0+$0x180] =	vst v10  }
0x286: {  	[tilespmem:s3+$0xFFFFFF60] =	vst v2;
	v2 =	vadd.s32 v14, v1;
	v9 =	vld.idx.msk [tilespmem:v9+s20+$0x0], $0xffff  }
0x287: {  	[tilespmem:s0+$0xFFFFFF10] =	vst v0;
	v10 =	vadd.s32 v57, v1;
	v8 =	vld.idx.msk [tilespmem:v8+s20+$0x0], $0xffff  }
0x288: {  	v3 =	vld.idx.msk [tilespmem:v3+s20+$0x0], $0xffff;
	[tilespmem:s3+$0xFFFFFEF0] =	vst v11;
	v11 =	vadd.s32 v21, v1  }
0x289: {  	[tilespmem:s0+$0xFFFFFF90] =	vst v6;
	v5 =	vld.idx.msk [tilespmem:v5+s20+$0x0], $0xffff  }
0x28a: {  	[tilespmem:s0+$0x10] =	vst v7;
	v4 =	vld.idx.msk [tilespmem:v4+s20+$0x0], $0xffff  }
0x28b: {  	v2 =	vld.idx.msk [tilespmem:v2+s20+$0x0], $0xffff;
	[tilespmem:s0+$0x190] =	vst v9  }
0x28c: {  	v10 =	vld.idx.msk [tilespmem:v10+s20+$0x0], $0xffff;
	[tilespmem:s0+$0x90] =	vst v8  }
0x28d: {  	v0 =	vadd.s32 v16, v1;
	[tilespmem:s0+$0xFFFFFE10] =	vst v3;
	v11 =	vld.idx.msk [tilespmem:v11+s20+$0x0], $0xffff  }
0x28e: {  	[tilespmem:s0+$0x110] =	vst v5  }
0x28f: {  	v6 =	vadd.s32 v26, v1;
	[tilespmem:s0+$0xFFFFFFA0] =	vst v4  }
0x290: {  	v7 =	vadd.s32 v15, v1;
	[tilespmem:s0+$0xFFFFFE90] =	vst v2  }
0x291: {  	v9 =	vadd.s32 v42, v1;
	[tilespmem:s0+$0x20] =	vst v10  }
0x292: {  	v8 =	vadd.s32 v40, v12;
	v0 =	vld.idx.msk [tilespmem:v0+s20+$0x0], $0xffff;
	[tilespmem:s0+$0xA0] =	vst v11  }
0x293: {  	v2 =	vadd.s32 v18, v1;
	v11 =	vld [tilespmem:$0x1FDE0]  }
0x294: {  	v6 =	vld.idx.msk [tilespmem:v6+s20+$0x0], $0xffff;
	v5 =	vadd.s32 v25, v1  }
0x295: {  	v3 =	vadd.s32 v55, v1;
	v7 =	vld.idx.msk [tilespmem:v7+s20+$0x0], $0xffff  }
0x296: {  	v4 =	vadd.s32 v60, v1;
	v9 =	vld.idx.msk [tilespmem:v9+s20+$0x0], $0xffff  }
0x297: {  	v10 =	vadd.s32 v19, v1;
	v8 =	vld.idx.msk [tilespmem:v8+s20+$0x0], $0xffff  }
0x298: {  	v2 =	vld.idx.msk [tilespmem:v2+s20+$0x0], $0xffff;
	[tilespmem:s0+$0xFFFFFEA0] =	vst v0;
	v11 =	vadd.s32 v11, v1  }
0x299: {  	v5 =	vld.idx.msk [tilespmem:v5+s20+$0x0], $0xffff;
	v0 =	vadd.s32 v46, v1;
	[tilespmem:s0+$0x1A0] =	vst v6  }
0x29a: {  	v3 =	vld.idx.msk [tilespmem:v3+s20+$0x0], $0xffff;
	v6 =	vadd.s32 v43, v1;
	[tilespmem:s0+$0xFFFFFF20] =	vst v7  }
0x29b: {  	[tilespmem:s0+$0x120] =	vst v9;
	v4 =	vld.idx.msk [tilespmem:v4+s20+$0x0], $0xffff  }
0x29c: {  	v10 =	vld.idx.msk [tilespmem:v10+s20+$0x0], $0xffff;
	v7 =	vadd.s32 v53, v1;
	[tilespmem:s3+$0xFFFFFF70] =	vst v8  }
0x29d: {  	v8 =	vadd.s32 v30, v1;
	[tilespmem:s0+$0xFFFFFFB0] =	vst v2;
	v11 =	vld.idx.msk [tilespmem:v11+s20+$0x0], $0xffff  }
0x29e: {  	[tilespmem:s0+$0xFFFFFE20] =	vst v5;
	v0 =	vld.idx.msk [tilespmem:v0+s20+$0x0], $0xffff  }
0x29f: {  	[tilespmem:s0+$0xB0] =	vst v3;
	v6 =	vld.idx.msk [tilespmem:v6+s20+$0x0], $0xffff  }
0x2a0: {  	v51 =	vld [tilespmem:$0x1FD00];
	[tilespmem:s0+$0x1B0] =	vst v4  }
0x2a1: {  	v9 =	vadd.s32 v32, v1;
	v5 =	vld.idx.msk [tilespmem:v7+s20+$0x0], $0xffff;
	[tilespmem:s0+$0x30] =	vst v10  }
0x2a2: {  	v2 =	vadd.s32 v17, v1;
	v8 =	vld.idx.msk [tilespmem:v8+s20+$0x0], $0xffff;
	[tilespmem:s0+$0xFFFFFF30] =	vst v11  }
0x2a3: {  	v11 =	vld [tilespmem:$0x1FE30];
	[tilespmem:s0+$0xFFFFFFC0] =	vst v0  }
0x2a4: {  	v3 =	vadd.s32 v31, v1;
	[tilespmem:s0+$0x130] =	vst v6  }
0x2a5: {  	v7 =	vadd.s32 v51, v12;
	v6 =	vld [tilespmem:$0x1FD60]  }
0x2a6: {  	v4 =	vadd.s32 v47, v1;
	v9 =	vld.idx.msk [tilespmem:v9+s20+$0x0], $0xffff;
	[tilespmem:s0+$0xC0] =	vst v5  }
0x2a7: {  	v10 =	vadd.s32 v24, v1;
	v2 =	vld.idx.msk [tilespmem:v2+s20+$0x0], $0xffff;
	[tilespmem:s0+$0xFFFFFEB0] =	vst v8  }
0x2a8: {  	v0 =	vadd.s32 v39, v1;
	v25 =	vld [tilespmem:$0x1FD10]  }
0x2a9: {  	v3 =	vld.idx.msk [tilespmem:v3+s20+$0x0], $0xffff;
	v11 =	vadd.s32 v11, v1  }
0x2aa: {  	v7 =	vld.idx.msk [tilespmem:v7+s20+$0x0], $0xffff;
	v6 =	vadd.s32 v6, v12  }
0x2ab: {  	v4 =	vld.idx.msk [tilespmem:v4+s20+$0x0], $0xffff  }
0x2ac: {  	v10 =	vld.idx.msk [tilespmem:v10+s20+$0x0], $0xffff;
	[tilespmem:s0+$0xFFFFFE30] =	vst v2  }
0x2ad: {  	v8 =	vadd.s32 v25, v12;
	v12 =	vld.idx.msk [tilespmem:v0+s20+$0x0], $0xffff  }
0x2ae: {  	v5 =	vadd.s32 v41, v1;
	[tilespmem:s0+$0x1C0] =	vst v9;
	v2 =	vld.idx.msk [tilespmem:v11+s20+$0x0], $0xffff  }
0x2af: {  	[tilespmem:s0+$0x40] =	vst v3;
	v9 =	vld.idx.msk [tilespmem:v6+s20+$0x0], $0xffff  }
0x2b0: {  	v3 =	vadd.s32 v58, v1;
	v6 =	vld [tilespmem:$0x1FE40];
	[tilespmem:s3+$0x1E0] =	vst v7  }
0x2b1: {  	[tilespmem:s0+$0x140] =	vst v4  }
0x2b2: {  	[tilespmem:s0+$0xD0] =	vst v10  }
0x2b3: {  	v14 =	vld.idx.msk [tilespmem:v5+s20+$0x0], $0xffff;
	v11 =	vadd.s32 v48, v1;
	[tilespmem:s0+$0xFFFFFFD0] =	vst v2  }
0x2b4: {  	v0 =	vadd.s32 v28, v1;
	v4 =	vld [tilespmem:$0x1FDF0]  }
0x2b5: {  	v5 =	vadd.s32 v23, v1;
	v13 =	vadd.s32 v6, v1;
	[tilespmem:s0+$0xFFFFFE40] =	vst v12;
	v6 =	vld.idx.msk [tilespmem:v3+s20+$0x0], $0xffff  }
0x2b6: {  	v3 =	vld [tilespmem:$0x1FD90]  }
0x2b7: {  	v8 =	vld.idx.msk [tilespmem:v8+s20+$0x0], $0xffff  }
0x2b8: {  	v7 =	vld.idx.msk [tilespmem:v11+s20+$0x0], $0xffff  }
0x2b9: {  	v10 =	vadd.s32 v49, v1;
	v2 =	vld.idx.msk [tilespmem:v0+s20+$0x0], $0xffff;
	v0 =	vadd.s32 v20, v1  }
0x2ba: {  	v11 =	vadd.s32 v62, v1;
	[tilespmem:s3+$0xFFFFFE70] =	vst v9;
	v9 =	vadd.s32 v36, v1;
	v5 =	vld.idx.msk [tilespmem:v5+s20+$0x0], $0xffff  }
0x2bb: {  	s15 =	simm.s32 $0x10;
	[tilespmem:s0+$0x1D0] =	vst v14;
	v4 =	vadd.s32 v4, v1;
	v12 =	vadd.s32 v3, v1;
	v3 =	vld.idx.msk [tilespmem:v13+s20+$0x0], $0xffff  }
.LBB2_9:
0x2bc: {  	_ =	sdelay $0x3  }
0x2bd: {  	v12 =	vld.idx.msk [tilespmem:v12+s20+$0x0], $0xffff  }
0x2be: {  	v4 =	vld.idx.msk [tilespmem:v4+s20+$0x0], $0xffff  }
0x2bf: {  	v17 =	vld [tilespmem:$0x1FDB0]  }
0x2c0: {  	v18 =	vld [tilespmem:$0x1FE10];
	[tilespmem:s3+$0x1F0] =	vst v8  }
0x2c1: {  	v13 =	vmov s15;
	v20 =	vld [tilespmem:$0x1FD70];
	[tilespmem:s0+$0x150] =	vst v7  }
0x2c2: {  	v8 =	vshrl.u32 v13, $0x3;
	v13 =	vld [tilespmem:$0x1FD50];
	[tilespmem:s0+$0xE0] =	vst v2  }
0x2c3: {  	[tilespmem:s0+$0x50] =	vst v6;
	v10 =	vld.idx.msk [tilespmem:v10+s20+$0x0], $0xffff  }
0x2c4: {  	[tilespmem:s0+$0xFFFFFFE0] =	vst v3;
	v7 =	vshll.u32 v8, $0x3;
	v6 =	vld.idx.msk [tilespmem:v9+s20+$0x0], $0xffff  }
0x2c5: {  	[tilespmem:s0+$0xFFFFFE50] =	vst v5;
	v9 =	vld.idx.msk [tilespmem:v11+s20+$0x0], $0xffff;
	v11 =	vadd.s32 v50, v1;
	v2 =	vbroadcast v7, $0x0  }
0x2c6: {  	v8 =	vld [tilespmem:$0x1FDA0];
	[tilespmem:s0+$0xFFFFFF40] =	vst v4;
	v4 =	vadd.s32 v61, v1  }
0x2c7: {  	v5 =	vld.idx.msk [tilespmem:v0+s20+$0x0], $0xffff;
	[tilespmem:s0+$0xFFFFFEC0] =	vst v12;
	v14 =	vadd.s32 v22, v2  }
0x2c8: {  	v7 =	vld [tilespmem:$0x1FE00];
	v15 =	vadd.s32 v29, v2;
	[tilespmem:s0+$0x160] =	vst v10  }
0x2c9: {  	v0 =	vld [tilespmem:$0x1FE50];
	v12 =	vadd.s32 v34, v2;
	[tilespmem:s0+$0xF0] =	vst v6  }
0x2ca: {  	v13 =	vadd.s32 v13, v1;
	[tilespmem:s0+$0x60] =	vst v9;
	v6 =	vld.idx.msk [tilespmem:v11+s20+$0x0], $0xffff  }
0x2cb: {  	v8 =	vadd.s32 v8, v1;
	v4 =	vld.idx.msk [tilespmem:v4+s20+$0x0], $0xffff  }
0x2cc: {  	[tilespmem:s0+$0xFFFFFFF0] =	vst v5;
	v5 =	vadd.s32 v56, v2;
	v11 =	vld.idx.msk [tilespmem:v14+s20+$0x0], $0xffff  }
0x2cd: {  	v7 =	vadd.s32 v7, v1;
	v9 =	vld.idx.msk [tilespmem:v15+s20+$0x0], $0xffff  }
0x2ce: {  	v16 =	vadd.s32 v37, v2;
	v12 =	vld.idx.msk [tilespmem:v12+s20+$0x0], $0xffff  }
0x2cf: {  	v14 =	vadd.s32 v63, v2;
	v13 =	vld.idx.msk [tilespmem:v13+s20+$0x0], $0xffff  }
0x2d0: {  	v8 =	vld.idx.msk [tilespmem:v8+s20+$0x0], $0xffff  }
0x2d1: {  	v5 =	vld.idx.msk [tilespmem:v5+s20+$0x0], $0xffff  }
0x2d2: {  	s3 =	smov.u32 s0;
	v17 =	vadd.s32 v17, v1;
	v7 =	vld.idx.msk [tilespmem:v7+s20+$0x0], $0xffff  }
0x2d3: {  	v18 =	vadd.s32 v18, v1;
	[tilespmem:s3+$0x170] =	vst v6;
	v6 =	vld.idx.msk [tilespmem:v16+s20+$0x0], $0xffff  }
0x2d4: {  	v10 =	vadd.s32 v52, v2;
	v14 =	vld.idx.msk [tilespmem:v14+s20+$0x0], $0xffff  }
0x2d5: {  	v15 =	vadd.s32 v35, v2;
	[tilespmem:s0+$0xFFFFFE60] =	vst v13;
	v13 =	vld [tilespmem:$0x1FD20]  }
0x2d6: {  	[tilespmem:s0+$0xFFFFFED0] =	vst v8;
	v8 =	vld [tilespmem:$0x1FDC0]  }
0x2d7: {  	v17 =	vld.idx.msk [tilespmem:v17+s20+$0x0], $0xffff;
	[tilespmem:s0+$0xFFFFFF50] =	vst v7;
	s0 =	sadd.s32 $0x400, s0  }
0x2d8: {  	v7 =	vadd.s32 v44, v2;
	v18 =	vld.idx.msk [tilespmem:v18+s20+$0x0], $0xffff;
	[tilespmem:s0+$0xFFFFFE80] =	vst v9  }
0x2d9: {  	v16 =	vadd.s32 v33, v1;
	v9 =	vld.idx.msk [tilespmem:v10+s20+$0x0], $0xffff;
	[tilespmem:s3+$0x70] =	vst v4  }
0x2da: {  	v10 =	vadd.s32 v27, v2;
	[tilespmem:s0+$0xFFFFFF00] =	vst v12;
	v4 =	vld.idx.msk [tilespmem:v15+s20+$0x0], $0xffff  }
0x2db: {  	v20 =	vadd.s32 v20, v2;
	v15 =	vld [tilespmem:$0x1FD30];
	[tilespmem:s0+$0xFFFFFF80] =	vst v6  }
0x2dc: {  	v12 =	vadd.s32 v59, v2;
	[tilespmem:s3+$0xFFFFFEE0] =	vst v17;
	v17 =	vld [tilespmem:$0x1FDD0]  }
0x2dd: {  	[tilespmem:s0+$0xFFFFFE00] =	vst v11;
	v11 =	vadd.s32 v54, v2;
	v7 =	vld.idx.msk [tilespmem:v7+s20+$0x0], $0xffff  }
0x2de: {  	v19 =	vadd.s32 v38, v2;
	[tilespmem:s0+$0x80] =	vst v14;
	v16 =	vld.idx.msk [tilespmem:v16+s20+$0x0], $0xffff  }
0x2df: {  	[tilespmem:s0+$0x180] =	vst v5;
	v13 =	vadd.s32 v13, v2;
	v10 =	vld.idx.msk [tilespmem:v10+s20+$0x0], $0xffff  }
0x2e0: {  	v8 =	vadd.s32 v8, v2;
	[tilespmem:s0+$0x100] =	vst v4;
	v4 =	vld.idx.msk [tilespmem:v20+s20+$0x0], $0xffff  }
0x2e1: {  	[tilespmem:s0+$0x0] =	vst v9;
	v12 =	vld.idx.msk [tilespmem:v12+s20+$0x0], $0xffff  }
0x2e2: {  	v11 =	vld.idx.msk [tilespmem:v11+s20+$0x0], $0xffff  }
0x2e3: {  	v6 =	vadd.s32 v45, v2;
	v19 =	vld.idx.msk [tilespmem:v19+s20+$0x0], $0xffff  }
0x2e4: {  	[tilespmem:s3+$0xFFFFFF60] =	vst v18;
	v13 =	vld.idx.msk [tilespmem:v13+s20+$0x0], $0xffff  }
0x2e5: {  	v8 =	vld.idx.msk [tilespmem:v8+s20+$0x0], $0xffff  }
0x2e6: {  	v14 =	vadd.s32 v21, v2;
	[tilespmem:s0+$0xFFFFFF90] =	vst v7;
	v7 =	vld [tilespmem:$0x1FE20]  }
0x2e7: {  	v5 =	vadd.s32 v26, v2;
	[tilespmem:s3+$0xFFFFFEF0] =	vst v16;
	v16 =	vld [tilespmem:$0x1FD80]  }
0x2e8: {  	v9 =	vadd.s32 v57, v2;
	v6 =	vld.idx.msk [tilespmem:v6+s20+$0x0], $0xffff;
	[tilespmem:s0+$0x90] =	vst v10  }
0x2e9: {  	[tilespmem:s0+$0xFFFFFE90] =	vst v4;
	v4 =	vld [tilespmem:$0x1FDF0]  }
0x2ea: {  	v17 =	vadd.s32 v17, v2;
	[tilespmem:s0+$0x10] =	vst v11;
	v11 =	vld [tilespmem:$0x1FE60]  }
0x2eb: {  	v20 =	vadd.s32 v40, v1;
	[tilespmem:s0+$0x190] =	vst v12;
	v14 =	vld.idx.msk [tilespmem:v14+s20+$0x0], $0xffff  }
0x2ec: {  	v15 =	vadd.s32 v15, v2;
	v5 =	vld.idx.msk [tilespmem:v5+s20+$0x0], $0xffff  }
0x2ed: {  	v18 =	vadd.s32 v42, v2;
	[tilespmem:s0+$0x110] =	vst v19;
	v9 =	vld.idx.msk [tilespmem:v9+s20+$0x0], $0xffff  }
0x2ee: {  	v10 =	vadd.s32 v55, v2;
	[tilespmem:s0+$0xFFFFFF10] =	vst v8;
	v8 =	vld [tilespmem:$0x1FDE0]  }
0x2ef: {  	v12 =	vadd.s32 v60, v2;
	[tilespmem:s0+$0xFFFFFE10] =	vst v13;
	v17 =	vld.idx.msk [tilespmem:v17+s20+$0x0], $0xffff  }
0x2f0: {  	v7 =	vadd.s32 v7, v2;
	[tilespmem:s0+$0xFFFFFFA0] =	vst v6;
	v6 =	vld.idx.msk [tilespmem:v20+s20+$0x0], $0xffff  }
0x2f1: {  	v16 =	vadd.s32 v16, v2;
	[tilespmem:s0+$0xA0] =	vst v14;
	v14 =	vld.idx.msk [tilespmem:v15+s20+$0x0], $0xffff  }
0x2f2: {  	[tilespmem:s0+$0x20] =	vst v9;
	v9 =	vld.idx.msk [tilespmem:v18+s20+$0x0], $0xffff  }
0x2f3: {  	v11 =	vadd.s32 v11, v2;
	[tilespmem:s0+$0x1A0] =	vst v5;
	v10 =	vld.idx.msk [tilespmem:v10+s20+$0x0], $0xffff  }
0x2f4: {  	v12 =	vld.idx.msk [tilespmem:v12+s20+$0x0], $0xffff;
	v8 =	vadd.s32 v8, v2  }
0x2f5: {  	v21 =	vadd.s32 v43, v2;
	v7 =	vld.idx.msk [tilespmem:v7+s20+$0x0], $0xffff  }
0x2f6: {  	v5 =	vadd.s32 v53, v2;
	[tilespmem:s0+$0xFFFFFF20] =	vst v17;
	v16 =	vld.idx.msk [tilespmem:v16+s20+$0x0], $0xffff  }
0x2f7: {  	v3 =	vadd.s32 v46, v2;
	[tilespmem:s3+$0xFFFFFF70] =	vst v6;
	v6 =	vld [tilespmem:$0x1FD40]  }
0x2f8: {  	v13 =	vadd.s32 v30, v2;
	v11 =	vld.idx.msk [tilespmem:v11+s20+$0x0], $0xffff;
	[tilespmem:s0+$0xFFFFFE20] =	vst v14  }
0x2f9: {  	[tilespmem:s0+$0x120] =	vst v9;
	v8 =	vld.idx.msk [tilespmem:v8+s20+$0x0], $0xffff  }
0x2fa: {  	v14 =	vadd.s32 v51, v1;
	[tilespmem:s0+$0xB0] =	vst v10;
	v10 =	vld.idx.msk [tilespmem:v21+s20+$0x0], $0xffff  }
0x2fb: {  	v5 =	vld.idx.msk [tilespmem:v5+s20+$0x0], $0xffff;
	[tilespmem:s0+$0xFFFFFFB0] =	vst v7;
	v7 =	vadd.s32 v32, v2  }
0x2fc: {  	v9 =	vadd.s32 v31, v2;
	[tilespmem:s0+$0xFFFFFEA0] =	vst v16;
	v3 =	vld.idx.msk [tilespmem:v3+s20+$0x0], $0xffff  }
0x2fd: {  	[tilespmem:s0+$0x1B0] =	vst v12;
	v13 =	vld.idx.msk [tilespmem:v13+s20+$0x0], $0xffff  }
0x2fe: {  	v15 =	vadd.s32 v47, v2;
	[tilespmem:s0+$0xFFFFFF30] =	vst v8;
	v8 =	vld [tilespmem:$0x1FE30]  }
0x2ff: {  	v6 =	vadd.s32 v6, v2;
	[tilespmem:s0+$0x130] =	vst v10;
	v10 =	vld.idx.msk [tilespmem:v14+s20+$0x0], $0xffff  }
0x300: {  	[tilespmem:s0+$0x30] =	vst v11;
	v7 =	vld.idx.msk [tilespmem:v7+s20+$0x0], $0xffff  }
0x301: {  	v11 =	vadd.s32 v24, v2;
	[tilespmem:s0+$0xFFFFFFC0] =	vst v3;
	v3 =	vld.idx.msk [tilespmem:v9+s20+$0x0], $0xffff  }
0x302: {  	v9 =	vld [tilespmem:$0x1FD60]  }
0x303: {  	[tilespmem:s0+$0xC0] =	vst v5;
	v5 =	vld.idx.msk [tilespmem:v15+s20+$0x0], $0xffff  }
0x304: {  	v14 =	vadd.s32 v41, v2;
	v6 =	vld.idx.msk [tilespmem:v6+s20+$0x0], $0xffff  }
0x305: {  	v12 =	vadd.s32 v39, v2;
	v21 =	vld [tilespmem:$0x1FEE0]  }
0x306: {  	[tilespmem:s0+$0xFFFFFEB0] =	vst v13;
	v11 =	vld.idx.msk [tilespmem:v11+s20+$0x0], $0xffff;
	v8 =	vadd.s32 v8, v2  }
0x307: {  	[tilespmem:s0+$0x1C0] =	vst v7;
	v7 =	vld [tilespmem:$0x1FE40];
	v9 =	vadd.s32 v9, v1  }
0x308: {  	v13 =	vadd.s32 v25, v1;
	[tilespmem:s0+$0x140] =	vst v5;
	v5 =	vld [tilespmem:$0x1FD90];
	v1 =	vmov v2  }
0x309: {  	[tilespmem:s0+$0xFFFFFE30] =	vst v6;
	v14 =	vld.idx.msk [tilespmem:v14+s20+$0x0], $0xffff;
	v6 =	vadd.s32 v48, v1  }
0x30a: {  	[tilespmem:s0+$0x40] =	vst v3;
	v15 =	vld.idx.msk [tilespmem:v12+s20+$0x0], $0xffff;
	v3 =	vadd.s32 v58, v1  }
0x30b: {  	v0 =	vadd.s32 v0, v2;
	v4 =	vadd.s32 v4, v2;
	v16 =	vadd.s32 v28, v1;
	v2 =	vld.idx.msk [tilespmem:v8+s20+$0x0], $0xffff  }
0x30c: {  	[tilespmem:s3+$0x1E0] =	vst v10;
	v17 =	vld.idx.msk [tilespmem:v9+s20+$0x0], $0xffff;
	v9 =	vadd.s32 v7, v1  }
0x30d: {  	p0 =	slt.u32 s15, $0x38;
	v18 =	vadd.s32 v23, v1;
	v8 =	vld.idx.msk [tilespmem:v13+s20+$0x0], $0xffff  }
.Ltmp3:
0x30e: {  	[tilespmem:s0+$0xD0] =	vst v11;
	v7 =	vld.idx.msk [tilespmem:v6+s20+$0x0], $0xffff;
	(pc) =	sbr.rel @p0 .LBB2_9-.Ltmp3, $4  }
0x30f: {  	[tilespmem:s0+$0xFFFFFE40] =	vst v15;
	v6 =	vld.idx.msk [tilespmem:v3+s20+$0x0], $0xffff  }
0x310: {  	[tilespmem:s0+$0xFFFFFFD0] =	vst v2;
	v2 =	vld.idx.msk [tilespmem:v16+s20+$0x0], $0xffff  }
0x311: {  	v10 =	vadd.s32 v49, v1;
	v11 =	vadd.s32 v62, v1;
	v3 =	vld.idx.msk [tilespmem:v9+s20+$0x0], $0xffff;
	[tilespmem:s3+$0xFFFFFE70] =	vst v17  }
0x312: {  	s15 =	sadd.s32 $0x8, s15;
	v12 =	vadd.s32 v5, v1;
	[tilespmem:s0+$0x1D0] =	vst v14;
	v9 =	vadd.s32 v36, v1;
	v5 =	vld.idx.msk [tilespmem:v18+s20+$0x0], $0xffff  }
0x313: {  	_ =	sdelay $0x3  }
0x314: {  	v12 =	vld.idx.msk [tilespmem:v12+s20+$0x0], $0xffff  }
0x315: {  	v4 =	vld.idx.msk [tilespmem:v4+s20+$0x0], $0xffff  }
0x316: {  	v13 =	vld [tilespmem:$0x1FDA0]  }
0x317: {  	v14 =	vld [tilespmem:$0x1FE00];
	[tilespmem:s3+$0x1F0] =	vst v8  }
0x318: {  	[tilespmem:s0+$0x150] =	vst v7  }
0x319: {  	[tilespmem:s0+$0xE0] =	vst v2  }
0x31a: {  	v8 =	vld.idx.msk [tilespmem:v10+s20+$0x0], $0xffff;
	[tilespmem:s0+$0xFFFFFEC0] =	vst v12  }
0x31b: {  	v9 =	vld.idx.msk [tilespmem:v9+s20+$0x0], $0xffff;
	v13 =	vadd.s32 v13, v1;
	[tilespmem:s0+$0xFFFFFF40] =	vst v4  }
0x31c: {  	v14 =	vadd.s32 v14, v1;
	v4 =	vld [tilespmem:$0x1FDB0];
	[tilespmem:s0+$0x50] =	vst v6  }
0x31d: {  	v6 =	vld [tilespmem:$0x1FE10]  }
0x31e: {  	v10 =	vld [tilespmem:$0x1FD50]  }
0x31f: {  	[tilespmem:s0+$0xFFFFFFE0] =	vst v3;
	v3 =	vld.idx.msk [tilespmem:v11+s20+$0x0], $0xffff  }
0x320: {  	v7 =	vld.idx.msk [tilespmem:v13+s20+$0x0], $0xffff  }
0x321: {  	[tilespmem:s0+$0xFFFFFE50] =	vst v5;
	v2 =	vld.idx.msk [tilespmem:v14+s20+$0x0], $0xffff  }
0x322: {  	[tilespmem:s0+$0x160] =	vst v8  }
0x323: {  	v5 =	vadd.s32 v51, v1;
	[tilespmem:s0+$0xF0] =	vst v9  }
0x324: {  	v0 =	vld.idx.msk [tilespmem:v0+s20+$0x0], $0xffff;
	v4 =	vadd.s32 v4, v1;
	[tilespmem:s0+$0x60] =	vst v3  }
0x325: {  	v6 =	vadd.s32 v6, v1;
	[tilespmem:s0+$0xFFFFFED0] =	vst v7  }
0x326: {  	v10 =	vadd.s32 v10, v1;
	[tilespmem:s0+$0xFFFFFF50] =	vst v2  }
0x327: {  	v11 =	vadd.s32 v50, v1;
	v3 =	vld [tilespmem:$0x1FD60]  }
0x328: {  	v5 =	vld.idx.msk [tilespmem:v5+s20+$0x0], $0xffff;
	v7 =	vadd.s32 v61, v1  }
0x329: {  	v4 =	vld.idx.msk [tilespmem:v4+s20+$0x0], $0xffff;
	[tilespmem:s0+$0xFFFFFFF0] =	vst v0;
	v0 =	vadd.s32 v25, v1  }
0x32a: {  	v2 =	vld.idx.msk [tilespmem:v6+s20+$0x0], $0xffff;
	v6 =	vadd.s32 v33, v1  }
0x32b: {  	v9 =	vadd.s32 v40, v1;
	v8 =	vld.idx.msk [tilespmem:v10+s20+$0x0], $0xffff  }
0x32c: {  	v10 =	vld.idx.msk [tilespmem:v11+s20+$0x0], $0xffff;
	v3 =	vadd.s32 v3, v1  }
0x32d: {  	[tilespmem:s0+$0x1E0] =	vst v5;
	v1 =	vld.idx.msk [tilespmem:v7+s20+$0x0], $0xffff  }
0x32e: {  	[tilespmem:s0+$0xFFFFFEE0] =	vst v4;
	v0 =	vld.idx.msk [tilespmem:v0+s20+$0x0], $0xffff  }
0x32f: {  	v4 =	vld.idx.msk [tilespmem:v6+s20+$0x0], $0xffff;
	[tilespmem:s0+$0xFFFFFF60] =	vst v2  }
0x330: {  	[tilespmem:s0+$0xFFFFFE60] =	vst v8;
	v2 =	vld.idx.msk [tilespmem:v9+s20+$0x0], $0xffff  }
0x331: {  	[tilespmem:s0+$0x170] =	vst v10;
	v3 =	vld.idx.msk [tilespmem:v3+s20+$0x0], $0xffff  }
0x332: {  	s14 =	sadd.s32 s6, s11;
	[tilespmem:s0+$0x70] =	vst v1  }
0x333: {  	s3 =	sshll.u32 s14, $0x10;
	[tilespmem:s0+$0x1F0] =	vst v0  }
0x334: {  	s3 =	sor.u32 s5, s3;
	[tilespmem:s0+$0xFFFFFEF0] =	vst v4  }
0x335: {  	s3 =	sshrl.u32 s3, $0x3;
	[tilespmem:s0+$0xFFFFFF70] =	vst v2  }
0x336: {  	s15 =	sadd.s32 s2, s3;
	[tilespmem:s0+$0xFFFFFE70] =	vst v3  }
0x337: {  	[hbm4b:s15+s13] =	stream.strided.scatter [tilespmem:s25], [sflag:$0x6], $0x2000, s21, s13, $0x38;
	[tilespmem:$0x14980] =	vst v63  }
0x338: {  	s3 =	sshll.u32 s8, $0x9;
	_ =	swait.ge [sflag:s26], $0x2000  }
0x339: {  	s11 =	sand.u32 $0x3FFFFE00, s3;
	[sflag:s26] =	ssyncset.done $0x0  }
0x33a: {  	s0 =	sadd.s32 $0x200, s11;
	[sflag:s26] =	ssyncadd.s32 $0xFFFFE000  }
0x33b: {  	[tilespmem:s16], [sflag:$0x1] =	stream.indirect.gather [hbm4b:s4+s12], $0x40, s0, s12, $0xb8;
	[tilespmem:$0x14980] =	vst v63  }
0x33c: {  	_ =	swait.ge [sflag:s28], $0x2000  }
0x33d: {  	s7 =	sshll.u32 s9, $0x6;
	[sflag:s28] =	ssyncset.done $0x0  }
0x33e: {  	s0 =	sand.u32 $0x3FFFFFC0, s7;
	[sflag:s28] =	ssyncadd.s32 $0xFFFFE000  }
0x33f: {  	v1 =	vld [tilespmem:s0+$0x1900]  }
0x340: {  	v2 =	vld [tilespmem:s0+$0x1910]  }
0x341: {  	v3 =	vld [tilespmem:s0+$0x1920]  }
0x342: {  	s14 =	simm.s32 $0x6680;
	v0 =	vld [tilespmem:s0+$0x1930]  }
0x343: {  	v4 =	vld [tilespmem:s14+$0xC0]  }
0x344: {  	v5 =	vld [tilespmem:s14+$0xFFFFFF40]  }
0x345: {  	v6 =	vld [tilespmem:s14+$0xFFFFFF80]  }
0x346: {  	v7 =	vld [tilespmem:s14+$0xFFFFFFC0]  }
0x347: {  	v8 =	vld [tilespmem:s14+$0x0]  }
0x348: {  	v9 =	vld [tilespmem:s14+$0x40];
	v4 =	vadd.f32 v4, v1  }
0x349: {  	s0 =	simm.s32 $0xA6A0;
	v10 =	vld [tilespmem:s14+$0x80];
	v5 =	vadd.f32 v5, v1  }
0x34a: {  	v11 =	vld [tilespmem:s14+$0xFFFFFF00];
	v6 =	vadd.f32 v6, v1;
	[tilespmem:s0+$0xD8] =	vst v4  }
0x34b: {  	[tilespmem:s0+$0xFFFFFF28] =	vst v5;
	v4 =	vadd.f32 v7, v1;
	v5 =	vld [tilespmem:s14+$0xD0]  }
0x34c: {  	[tilespmem:s0+$0xFFFFFF70] =	vst v6;
	v6 =	vadd.f32 v8, v1;
	v7 =	vld [tilespmem:s14+$0xFFFFFF50]  }
0x34d: {  	v8 =	vld [tilespmem:s14+$0xFFFFFF90];
	[tilespmem:s0+$0xFFFFFFB8] =	vst v4;
	v4 =	vadd.f32 v9, v1  }
0x34e: {  	[tilespmem:s0+$0x0] =	vst v6;
	v6 =	vadd.f32 v10, v1;
	v9 =	vld [tilespmem:s14+$0xFFFFFFD0]  }
0x34f: {  	v10 =	vadd.f32 v11, v1;
	v11 =	vld [tilespmem:s14+$0x10];
	[tilespmem:s0+$0x48] =	vst v4  }
0x350: {  	[tilespmem:s0+$0x90] =	vst v6;
	v4 =	vld [tilespmem:s14+$0x50];
	v5 =	vadd.f32 v5, v2  }
0x351: {  	[tilespmem:s0+$0xFFFFFEE0] =	vst v10;
	v6 =	vadd.f32 v7, v2;
	v7 =	vld [tilespmem:s14+$0x90]  }
0x352: {  	v10 =	vld [tilespmem:s14+$0xFFFFFF10];
	v8 =	vadd.f32 v8, v2;
	[tilespmem:s0+$0xE8] =	vst v5  }
0x353: {  	[tilespmem:s0+$0xFFFFFF38] =	vst v6;
	v5 =	vadd.f32 v9, v2;
	v6 =	vld [tilespmem:s14+$0xE0]  }
0x354: {  	[tilespmem:s0+$0xFFFFFF80] =	vst v8;
	v8 =	vadd.f32 v11, v2;
	v9 =	vld [tilespmem:s14+$0xFFFFFF60]  }
0x355: {  	v11 =	vld [tilespmem:s14+$0xFFFFFFA0];
	[tilespmem:s0+$0xFFFFFFC8] =	vst v5;
	v4 =	vadd.f32 v4, v2  }
0x356: {  	[tilespmem:s0+$0x10] =	vst v8;
	v5 =	vld [tilespmem:s14+$0xFFFFFFE0];
	v7 =	vadd.f32 v7, v2  }
0x357: {  	v8 =	vadd.f32 v10, v2;
	v10 =	vld [tilespmem:s14+$0x20];
	[tilespmem:s0+$0x58] =	vst v4  }
0x358: {  	v4 =	vld [tilespmem:s14+$0x60];
	[tilespmem:s0+$0xA0] =	vst v7;
	v6 =	vadd.f32 v6, v3  }
0x359: {  	[tilespmem:s0+$0xFFFFFEF0] =	vst v8;
	v7 =	vadd.f32 v9, v3;
	v8 =	vld [tilespmem:s14+$0xA0]  }
0x35a: {  	v9 =	vld [tilespmem:s14+$0xFFFFFF20];
	v11 =	vadd.f32 v11, v3;
	[tilespmem:s0+$0xF8] =	vst v6  }
0x35b: {  	[tilespmem:s0+$0xFFFFFF48] =	vst v7;
	v5 =	vadd.f32 v5, v3;
	v7 =	vld [tilespmem:s14+$0xF0]  }
0x35c: {  	[tilespmem:s0+$0xFFFFFF90] =	vst v11;
	v6 =	vadd.f32 v10, v3;
	v59 =	vld [tilespmem:s14+$0xFFFFFF70]  }
0x35d: {  	v11 =	vld [tilespmem:s14+$0xFFFFFFB0];
	[tilespmem:s0+$0xFFFFFFD8] =	vst v5;
	v5 =	vadd.f32 v4, v3  }
0x35e: {  	[tilespmem:s0+$0x20] =	vst v6;
	v4 =	vld [tilespmem:s14+$0xFFFFFFF0];
	v8 =	vadd.f32 v8, v3  }
0x35f: {  	v9 =	vadd.f32 v9, v3;
	v6 =	vld [tilespmem:s14+$0x30];
	[tilespmem:s0+$0x68] =	vst v5  }
0x360: {  	v5 =	vld [tilespmem:s14+$0x70];
	[tilespmem:s0+$0xB0] =	vst v8;
	v60 =	vadd.f32 v7, v0  }
0x361: {  	[tilespmem:s0+$0xFFFFFF00] =	vst v9;
	v7 =	vld [tilespmem:s14+$0xB0];
	v10 =	vadd.f32 v59, v0  }
0x362: {  	s3 =	simm.s32 $0x10B80;
	s15 =	simm.s32 $0x0;
	v8 =	vld [tilespmem:s14+$0xFFFFFF30];
	v9 =	vadd.f32 v11, v0;
	s14 =	simm.s32 $0x6880;
	[tilespmem:s0+$0x108] =	vst v60  }
.LBB2_11:
0x363: {  	v11 =	vld [tilespmem:s14+$0xC0];
	s15 =	sadd.s32 $0x8, s15;
	[tilespmem:s0+$0xFFFFFF58] =	vst v10;
	v4 =	vadd.f32 v4, v0  }
0x364: {  	v10 =	vld [tilespmem:s14+$0xFFFFFF40];
	p0 =	slt.u32 s15, $0x78;
	[tilespmem:s0+$0xFFFFFFA0] =	vst v9;
	v6 =	vadd.f32 v6, v0  }
0x365: {  	v9 =	vld [tilespmem:s14+$0xFFFFFF80];
	[tilespmem:s0+$0xFFFFFFE8] =	vst v4;
	v4 =	vadd.f32 v5, v0  }
0x366: {  	v5 =	vld [tilespmem:s14+$0xFFFFFFC0];
	[tilespmem:s0+$0x30] =	vst v6;
	v6 =	vadd.f32 v7, v0  }
0x367: {  	v7 =	vld [tilespmem:s14+$0x0];
	v8 =	vadd.f32 v8, v0;
	[tilespmem:s0+$0x78] =	vst v4  }
0x368: {  	v4 =	vld [tilespmem:s14+$0x40];
	v11 =	vadd.f32 v11, v1;
	[tilespmem:s0+$0xC0] =	vst v6  }
0x369: {  	v6 =	vadd.f32 v10, v1;
	v10 =	vld [tilespmem:s14+$0x80];
	[tilespmem:s0+$0xFFFFFF10] =	vst v8;
	s0 =	sadd.s32 $0x240, s0  }
0x36a: {  	v8 =	vld [tilespmem:s14+$0xFFFFFF00];
	v9 =	vadd.f32 v9, v1;
	[tilespmem:s0+$0xD8] =	vst v11  }
0x36b: {  	[tilespmem:s0+$0xFFFFFF28] =	vst v6;
	v5 =	vadd.f32 v5, v1;
	v6 =	vld [tilespmem:s14+$0xD0]  }
0x36c: {  	v11 =	vld [tilespmem:s14+$0xFFFFFF50];
	[tilespmem:s0+$0xFFFFFF70] =	vst v9;
	v7 =	vadd.f32 v7, v1  }
0x36d: {  	v9 =	vld [tilespmem:s14+$0xFFFFFF90];
	[tilespmem:s0+$0xFFFFFFB8] =	vst v5;
	v4 =	vadd.f32 v4, v1  }
0x36e: {  	v5 =	vld [tilespmem:s14+$0xFFFFFFD0];
	[tilespmem:s0+$0x0] =	vst v7;
	v7 =	vadd.f32 v10, v1  }
0x36f: {  	v8 =	vadd.f32 v8, v1;
	v10 =	vld [tilespmem:s14+$0x10];
	[tilespmem:s0+$0x48] =	vst v4  }
0x370: {  	v4 =	vld [tilespmem:s14+$0x50];
	[tilespmem:s0+$0x90] =	vst v7;
	v6 =	vadd.f32 v6, v2  }
0x371: {  	[tilespmem:s0+$0xFFFFFEE0] =	vst v8;
	v7 =	vadd.f32 v11, v2;
	v8 =	vld [tilespmem:s14+$0x90]  }
0x372: {  	v11 =	vld [tilespmem:s14+$0xFFFFFF10];
	v9 =	vadd.f32 v9, v2;
	[tilespmem:s0+$0xE8] =	vst v6  }
0x373: {  	[tilespmem:s0+$0xFFFFFF38] =	vst v7;
	v5 =	vadd.f32 v5, v2;
	v6 =	vld [tilespmem:s14+$0xE0]  }
0x374: {  	v7 =	vld [tilespmem:s14+$0xFFFFFF60];
	[tilespmem:s0+$0xFFFFFF80] =	vst v9;
	v9 =	vadd.f32 v10, v2  }
0x375: {  	v10 =	vld [tilespmem:s14+$0xFFFFFFA0];
	[tilespmem:s0+$0xFFFFFFC8] =	vst v5;
	v4 =	vadd.f32 v4, v2  }
0x376: {  	v5 =	vld [tilespmem:s14+$0xFFFFFFE0];
	[tilespmem:s0+$0x10] =	vst v9;
	v8 =	vadd.f32 v8, v2  }
0x377: {  	v9 =	vadd.f32 v11, v2;
	v11 =	vld [tilespmem:s14+$0x20];
	[tilespmem:s0+$0x58] =	vst v4  }
0x378: {  	v4 =	vld [tilespmem:s14+$0x60];
	[tilespmem:s0+$0xA0] =	vst v8;
	v6 =	vadd.f32 v6, v3  }
0x379: {  	[tilespmem:s0+$0xFFFFFEF0] =	vst v9;
	v7 =	vadd.f32 v7, v3;
	v8 =	vld [tilespmem:s14+$0xA0]  }
0x37a: {  	v9 =	vld [tilespmem:s14+$0xFFFFFF20];
	v10 =	vadd.f32 v10, v3;
	[tilespmem:s0+$0xF8] =	vst v6  }
0x37b: {  	[tilespmem:s0+$0xFFFFFF48] =	vst v7;
	v5 =	vadd.f32 v5, v3;
	v7 =	vld [tilespmem:s14+$0xF0]  }
0x37c: {  	v12 =	vld [tilespmem:s14+$0xFFFFFF70];
	[tilespmem:s0+$0xFFFFFF90] =	vst v10;
	v6 =	vadd.f32 v11, v3  }
0x37d: {  	v11 =	vld [tilespmem:s14+$0xFFFFFFB0];
	[tilespmem:s0+$0xFFFFFFD8] =	vst v5;
	v5 =	vadd.f32 v4, v3  }
.Ltmp4:
0x37e: {  	v4 =	vld [tilespmem:s14+$0xFFFFFFF0];
	[tilespmem:s0+$0x20] =	vst v6;
	v8 =	vadd.f32 v8, v3;
	(pc) =	sbr.rel @p0 .LBB2_11-.Ltmp4, $4  }
0x37f: {  	v9 =	vadd.f32 v9, v3;
	v6 =	vld [tilespmem:s14+$0x30];
	[tilespmem:s0+$0x68] =	vst v5  }
0x380: {  	v5 =	vld [tilespmem:s14+$0x70];
	[tilespmem:s0+$0xB0] =	vst v8;
	v13 =	vadd.f32 v7, v0  }
0x381: {  	[tilespmem:s0+$0xFFFFFF00] =	vst v9;
	v10 =	vadd.f32 v12, v0;
	v7 =	vld [tilespmem:s14+$0xB0]  }
0x382: {  	s7 =	simm.s32 $0x0;
	v8 =	vld [tilespmem:s14+$0xFFFFFF30];
	v9 =	vadd.f32 v11, v0;
	[tilespmem:s0+$0x108] =	vst v13;
	s14 =	sadd.s32 $0x200, s14  }
0x383: {  	v1 =	vmov s7  }
0x384: {  	v1 =	vshrl.u32 v1, $0x3  }
0x385: {  	[tilespmem:s0+$0xFFFFFF58] =	vst v10;
	v2 =	vadd.f32 v4, v0;
	v1 =	vshll.u32 v1, $0x3  }
0x386: {  	[tilespmem:s0+$0xFFFFFFA0] =	vst v9;
	v12 =	vbroadcast v1, $0x0;
	v1 =	vadd.f32 v6, v0  }
0x387: {  	[tilespmem:s0+$0xFFFFFFE8] =	vst v2;
	v2 =	vadd.f32 v5, v0  }
0x388: {  	[tilespmem:s0+$0x30] =	vst v1;
	v1 =	vadd.f32 v7, v0  }
0x389: {  	[tilespmem:s0+$0x78] =	vst v2;
	v0 =	vadd.f32 v8, v0  }
0x38a: {  	v3 =	vadd.s32 v22, v12;
	[tilespmem:s0+$0xC0] =	vst v1  }
0x38b: {  	v2 =	vadd.s32 v34, v12;
	[tilespmem:s0+$0xFFFFFF10] =	vst v0  }
0x38c: {  	v4 =	vadd.s32 v29, v12;
	v35 =	vld [tilespmem:$0x1FF20]  }
0x38d: {  	v5 =	vadd.s32 v63, v12;
	v56 =	vld [tilespmem:$0x1FFA0]  }
0x38e: {  	v1 =	vadd.s32 v37, v12;
	v51 =	vld [tilespmem:$0x1FDC0]  }
0x38f: {  	v0 =	vadd.s32 v52, v12;
	v3 =	vld.idx.msk [tilespmem:v3+s20+$0x0], $0xffff  }
0x390: {  	v2 =	vld.idx.msk [tilespmem:v2+s20+$0x0], $0xffff  }
0x391: {  	v4 =	vld.idx.msk [tilespmem:v4+s20+$0x0], $0xffff  }
0x392: {  	v5 =	vld.idx.msk [tilespmem:v5+s20+$0x0], $0xffff  }
0x393: {  	v1 =	vld.idx.msk [tilespmem:v1+s20+$0x0], $0xffff;
	v6 =	vadd.s32 v35, v12  }
0x394: {  	v0 =	vld.idx.msk [tilespmem:v0+s20+$0x0], $0xffff;
	v7 =	vadd.s32 v56, v12;
	[tilespmem:s3+$0xFFFFFE00] =	vst v3  }
0x395: {  	v8 =	vadd.s32 v51, v12;
	v27 =	vld [tilespmem:$0x1FFE0];
	[tilespmem:s3+$0xFFFFFF00] =	vst v2  }
0x396: {  	v14 =	vld [tilespmem:$0x1FD70]  }
0x397: {  	v59 =	vld [tilespmem:$0x1FFB0]  }
0x398: {  	v9 =	vadd.s32 v44, v12;
	v6 =	vld.idx.msk [tilespmem:v6+s20+$0x0], $0xffff  }
0x399: {  	v7 =	vld.idx.msk [tilespmem:v7+s20+$0x0], $0xffff  }
0x39a: {  	v10 =	vadd.s32 v54, v12;
	[tilespmem:s3+$0xFFFFFF80] =	vst v1;
	v8 =	vld.idx.msk [tilespmem:v8+s20+$0x0], $0xffff  }
0x39b: {  	v13 =	vld [tilespmem:$0x1FD20];
	[tilespmem:s3+$0x0] =	vst v0  }
0x39c: {  	v38 =	vld [tilespmem:$0x1FF30];
	[tilespmem:s3+$0x80] =	vst v5  }
0x39d: {  	v9 =	vld.idx.msk [tilespmem:v9+s20+$0x0], $0xffff;
	[tilespmem:s3+$0xFFFFFE80] =	vst v4;
	v3 =	vadd.s32 v27, v12  }
0x39e: {  	[tilespmem:s3+$0x180] =	vst v7  }
0x39f: {  	v10 =	vld.idx.msk [tilespmem:v10+s20+$0x0], $0xffff;
	v4 =	vadd.s32 v45, v12;
	[tilespmem:s3+$0x100] =	vst v6  }
0x3a0: {  	v2 =	vadd.s32 v14, v12;
	v16 =	vld [tilespmem:$0x1FD80];
	[tilespmem:s3+$0xFFFFFF10] =	vst v8  }
0x3a1: {  	v11 =	vadd.s32 v59, v12;
	v26 =	vld [tilespmem:$0x1FFC0]  }
0x3a2: {  	[tilespmem:s3+$0xFFFFFF90] =	vst v9;
	v3 =	vld.idx.msk [tilespmem:v3+s20+$0x0], $0xffff  }
0x3a3: {  	v5 =	vadd.s32 v57, v12;
	v15 =	vld [tilespmem:$0x1FDD0]  }
0x3a4: {  	v1 =	vadd.s32 v13, v12;
	v4 =	vld.idx.msk [tilespmem:v4+s20+$0x0], $0xffff  }
0x3a5: {  	v0 =	vadd.s32 v38, v12;
	v2 =	vld.idx.msk [tilespmem:v2+s20+$0x0], $0xffff  }
0x3a6: {  	[tilespmem:s3+$0x10] =	vst v10;
	v6 =	vld.idx.msk [tilespmem:v11+s20+$0x0], $0xffff  }
0x3a7: {  	v7 =	vadd.s32 v21, v12;
	v18 =	vld [tilespmem:$0x1FE20]  }
0x3a8: {  	v5 =	vld.idx.msk [tilespmem:v5+s20+$0x0], $0xffff  }
0x3a9: {  	v1 =	vld.idx.msk [tilespmem:v1+s20+$0x0], $0xffff;
	v11 =	vadd.s32 v16, v12  }
0x3aa: {  	v0 =	vld.idx.msk [tilespmem:v0+s20+$0x0], $0xffff;
	[tilespmem:s3+$0x90] =	vst v3  }
0x3ab: {  	v8 =	vadd.s32 v26, v12;
	v42 =	vld [tilespmem:$0x1FF40]  }
0x3ac: {  	[tilespmem:s3+$0xFFFFFE90] =	vst v2;
	v2 =	vld.idx.msk [tilespmem:v7+s20+$0x0], $0xffff  }
0x3ad: {  	v9 =	vadd.s32 v15, v12;
	v55 =	vld [tilespmem:$0x1FEC0]  }
0x3ae: {  	[tilespmem:s3+$0x190] =	vst v6;
	v11 =	vld.idx.msk [tilespmem:v11+s20+$0x0], $0xffff  }
0x3af: {  	v10 =	vadd.s32 v18, v12;
	v25 =	vld [tilespmem:$0x1FD30]  }
0x3b0: {  	[tilespmem:s3+$0xFFFFFE10] =	vst v1;
	v1 =	vld.idx.msk [tilespmem:v8+s20+$0x0], $0xffff  }
0x3b1: {  	v60 =	vld [tilespmem:$0x1FFD0]  }
0x3b2: {  	[tilespmem:s3+$0xFFFFFFA0] =	vst v4;
	v9 =	vld.idx.msk [tilespmem:v9+s20+$0x0], $0xffff  }
0x3b3: {  	v19 =	vld [tilespmem:$0x1FE60]  }
0x3b4: {  	[tilespmem:s3+$0x110] =	vst v0;
	v3 =	vadd.s32 v42, v12;
	v0 =	vld.idx.msk [tilespmem:v10+s20+$0x0], $0xffff  }
0x3b5: {  	v10 =	vld [tilespmem:$0x1FDE0];
	[tilespmem:s3+$0xA0] =	vst v2  }
0x3b6: {  	v7 =	vadd.s32 v55, v12;
	v43 =	vld [tilespmem:$0x1FF50];
	[tilespmem:s3+$0x20] =	vst v5  }
0x3b7: {  	v6 =	vadd.s32 v25, v12;
	[tilespmem:s3+$0x1A0] =	vst v1  }
0x3b8: {  	v8 =	vadd.s32 v60, v12;
	v53 =	vld [tilespmem:$0x1FED0];
	[tilespmem:s3+$0xFFFFFEA0] =	vst v11  }
0x3b9: {  	v4 =	vadd.s32 v19, v12;
	[tilespmem:s3+$0xFFFFFF20] =	vst v9;
	v2 =	vld.idx.msk [tilespmem:v3+s20+$0x0], $0xffff  }
0x3ba: {  	v11 =	vadd.s32 v30, v12;
	v17 =	vld [tilespmem:$0x1FD40]  }
0x3bb: {  	v10 =	vadd.s32 v10, v12;
	v5 =	vld.idx.msk [tilespmem:v7+s20+$0x0], $0xffff  }
0x3bc: {  	v6 =	vld.idx.msk [tilespmem:v6+s20+$0x0], $0xffff  }
0x3bd: {  	v3 =	vadd.s32 v43, v12;
	v8 =	vld.idx.msk [tilespmem:v8+s20+$0x0], $0xffff  }
0x3be: {  	v4 =	vld.idx.msk [tilespmem:v4+s20+$0x0], $0xffff  }
0x3bf: {  	v1 =	vadd.s32 v53, v12;
	v11 =	vld.idx.msk [tilespmem:v11+s20+$0x0], $0xffff  }
0x3c0: {  	v10 =	vld.idx.msk [tilespmem:v10+s20+$0x0], $0xffff;
	[tilespmem:s3+$0x120] =	vst v2  }
0x3c1: {  	v32 =	vld [tilespmem:$0x1FCE0];
	[tilespmem:s3+$0xB0] =	vst v5  }
0x3c2: {  	v7 =	vadd.s32 v46, v12;
	v3 =	vld.idx.msk [tilespmem:v3+s20+$0x0], $0xffff;
	[tilespmem:s3+$0xFFFFFFB0] =	vst v0  }
0x3c3: {  	v47 =	vld [tilespmem:$0x1FF60]  }
0x3c4: {  	v9 =	vadd.s32 v17, v12;
	[tilespmem:s3+$0xFFFFFE20] =	vst v6;
	v0 =	vld.idx.msk [tilespmem:v1+s20+$0x0], $0xffff  }
0x3c5: {  	v24 =	vld [tilespmem:$0x1FEF0]  }
0x3c6: {  	v31 =	vld [tilespmem:$0x1FFF0];
	[tilespmem:s3+$0x1B0] =	vst v8;
	v2 =	vadd.s32 v32, v12  }
0x3c7: {  	v5 =	vld.idx.msk [tilespmem:v7+s20+$0x0], $0xffff;
	[tilespmem:s3+$0x30] =	vst v4  }
0x3c8: {  	v4 =	vld [tilespmem:$0x1FE30];
	[tilespmem:s3+$0x130] =	vst v3;
	v1 =	vadd.s32 v47, v12  }
0x3c9: {  	v8 =	vld.idx.msk [tilespmem:v9+s20+$0x0], $0xffff;
	[tilespmem:s3+$0xC0] =	vst v0  }
0x3ca: {  	v6 =	vadd.s32 v24, v12;
	v41 =	vld [tilespmem:$0x1FCF0]  }
0x3cb: {  	v7 =	vadd.s32 v31, v12;
	[tilespmem:s3+$0xFFFFFF30] =	vst v10;
	v2 =	vld.idx.msk [tilespmem:v2+s20+$0x0], $0xffff  }
0x3cc: {  	v9 =	vadd.s32 v39, v12;
	v48 =	vld [tilespmem:$0x1FF70]  }
0x3cd: {  	v4 =	vadd.s32 v4, v12;
	[tilespmem:s3+$0xFFFFFFC0] =	vst v5;
	v0 =	vld.idx.msk [tilespmem:v1+s20+$0x0], $0xffff  }
0x3ce: {  	v28 =	vld [tilespmem:$0x1FF00]  }
0x3cf: {  	v3 =	vld.idx.msk [tilespmem:v6+s20+$0x0], $0xffff  }
0x3d0: {  	[tilespmem:s3+$0xFFFFFE30] =	vst v8;
	v5 =	vld.idx.msk [tilespmem:v7+s20+$0x0], $0xffff;
	v1 =	vadd.s32 v41, v12  }
0x3d1: {  	v9 =	vld.idx.msk [tilespmem:v9+s20+$0x0], $0xffff;
	v6 =	vadd.s32 v48, v12  }
0x3d2: {  	v4 =	vld.idx.msk [tilespmem:v4+s20+$0x0], $0xffff;
	[tilespmem:s3+$0x1C0] =	vst v2  }
0x3d3: {  	v7 =	vadd.s32 v28, v12;
	v2 =	vld [tilespmem:$0x1FE40];
	[tilespmem:s3+$0x140] =	vst v0  }
0x3d4: {  	v8 =	vadd.s32 v58, v12;
	v0 =	vld [tilespmem:$0x1FD90]  }
0x3d5: {  	v1 =	vld.idx.msk [tilespmem:v1+s20+$0x0], $0xffff  }
0x3d6: {  	[tilespmem:s3+$0xD0] =	vst v3;
	v3 =	vld.idx.msk [tilespmem:v6+s20+$0x0], $0xffff  }
0x3d7: {  	v10 =	vadd.s32 v23, v12;
	v6 =	vld [tilespmem:$0x1FDF0]  }
0x3d8: {  	[tilespmem:s3+$0x40] =	vst v5;
	v5 =	vld.idx.msk [tilespmem:v7+s20+$0x0], $0xffff  }
0x3d9: {  	[tilespmem:s3+$0xFFFFFFD0] =	vst v4;
	v2 =	vadd.s32 v2, v12;
	v4 =	vld.idx.msk [tilespmem:v8+s20+$0x0], $0xffff  }
0x3da: {  	v49 =	vld [tilespmem:$0x1FF80];
	[tilespmem:s3+$0xFFFFFE40] =	vst v9  }
0x3db: {  	v36 =	vld [tilespmem:$0x1FF10]  }
0x3dc: {  	v0 =	vadd.s32 v0, v12;
	[tilespmem:s3+$0xFFFFFEB0] =	vst v11;
	v9 =	vld.idx.msk [tilespmem:v10+s20+$0x0], $0xffff  }
0x3dd: {  	v20 =	vld [tilespmem:$0x1FE50];
	[tilespmem:s3+$0x1D0] =	vst v1  }
0x3de: {  	v6 =	vadd.s32 v6, v12;
	[tilespmem:s3+$0x150] =	vst v3;
	v2 =	vld.idx.msk [tilespmem:v2+s20+$0x0], $0xffff  }
0x3df: {  	v7 =	vadd.s32 v49, v12;
	v3 =	vld [tilespmem:$0x1FD50];
	[tilespmem:s3+$0xE0] =	vst v5  }
0x3e0: {  	s15 =	simm.s32 $0x8;
	v8 =	vadd.s32 v36, v12;
	v5 =	vld [tilespmem:$0x1FDA0]  }
0x3e1: {  	v1 =	vmov s15;
	v0 =	vld.idx.msk [tilespmem:v0+s20+$0x0], $0xffff;
	[tilespmem:s3+$0x50] =	vst v4  }
0x3e2: {  	v10 =	vadd.s32 v62, v12;
	v1 =	vshrl.u32 v1, $0x3;
	v4 =	vld [tilespmem:$0x1FE00]  }
0x3e3: {  	v1 =	vshll.u32 v1, $0x3;
	v11 =	vadd.s32 v20, v12;
	v6 =	vld.idx.msk [tilespmem:v6+s20+$0x0], $0xffff  }
0x3e4: {  	v1 =	vbroadcast v1, $0x0;
	v3 =	vadd.s32 v3, v12;
	v7 =	vld.idx.msk [tilespmem:v7+s20+$0x0], $0xffff  }
0x3e5: {  	[tilespmem:s3+$0xFFFFFFE0] =	vst v2;
	v5 =	vadd.s32 v5, v12;
	v8 =	vld.idx.msk [tilespmem:v8+s20+$0x0], $0xffff  }
0x3e6: {  	v50 =	vld [tilespmem:$0x1FF90];
	[tilespmem:s3+$0xFFFFFE50] =	vst v9;
	v9 =	vadd.s32 v22, v1  }
0x3e7: {  	v2 =	vld.idx.msk [tilespmem:v10+s20+$0x0], $0xffff  }
0x3e8: {  	[tilespmem:s3+$0xFFFFFEC0] =	vst v0;
	v0 =	vadd.s32 v29, v1;
	v11 =	vld.idx.msk [tilespmem:v11+s20+$0x0], $0xffff  }
0x3e9: {  	v4 =	vadd.s32 v4, v12;
	[tilespmem:s3+$0xFFFFFF40] =	vst v6;
	v3 =	vld.idx.msk [tilespmem:v3+s20+$0x0], $0xffff  }
0x3ea: {  	[tilespmem:s3+$0x160] =	vst v7;
	v5 =	vld.idx.msk [tilespmem:v5+s20+$0x0], $0xffff  }
0x3eb: {  	[tilespmem:s3+$0xF0] =	vst v8;
	v9 =	vld.idx.msk [tilespmem:v9+s20+$0x0], $0xffff  }
0x3ec: {  	v10 =	vadd.s32 v50, v12;
	v8 =	vld [tilespmem:$0x1FDB0]  }
0x3ed: {  	v7 =	vadd.s32 v34, v1;
	v0 =	vld.idx.msk [tilespmem:v0+s20+$0x0], $0xffff  }
0x3ee: {  	v6 =	vadd.s32 v61, v12;
	v4 =	vld.idx.msk [tilespmem:v4+s20+$0x0], $0xffff;
	[tilespmem:s3+$0x60] =	vst v2  }
0x3ef: {  	v2 =	vld [tilespmem:$0x1FE10];
	[tilespmem:s3+$0xFFFFFFF0] =	vst v11;
	v11 =	vadd.s32 v37, v1  }
0x3f0: {  	[tilespmem:s3+$0xFFFFFE60] =	vst v3;
	v3 =	vadd.s32 v52, v1  }
0x3f1: {  	s0 =	simm.s32 $0x10F80;
	v10 =	vld.idx.msk [tilespmem:v10+s20+$0x0], $0xffff;
	[tilespmem:s3+$0xFFFFFED0] =	vst v5;
	v8 =	vadd.s32 v8, v12  }
0x3f2: {  	v7 =	vld.idx.msk [tilespmem:v7+s20+$0x0], $0xffff;
	v5 =	vadd.s32 v63, v1;
	[tilespmem:s0+$0xFFFFFE00] =	vst v9  }
0x3f3: {  	v6 =	vld.idx.msk [tilespmem:v6+s20+$0x0], $0xffff;
	[tilespmem:s0+$0xFFFFFE80] =	vst v0;
	v0 =	vadd.s32 v51, v1  }
0x3f4: {  	[tilespmem:s3+$0xFFFFFF50] =	vst v4;
	v4 =	vadd.s32 v35, v1;
	v9 =	vld.idx.msk [tilespmem:v11+s20+$0x0], $0xffff  }
0x3f5: {  	v2 =	vadd.s32 v2, v12;
	v3 =	vld.idx.msk [tilespmem:v3+s20+$0x0], $0xffff  }
0x3f6: {  	[tilespmem:s3+$0x170] =	vst v10;
	v10 =	vadd.s32 v56, v1;
	v8 =	vld.idx.msk [tilespmem:v8+s20+$0x0], $0xffff  }
0x3f7: {  	v11 =	vadd.s32 v33, v12;
	[tilespmem:s0+$0xFFFFFF00] =	vst v7;
	v5 =	vld.idx.msk [tilespmem:v5+s20+$0x0], $0xffff  }
0x3f8: {  	[tilespmem:s3+$0x70] =	vst v6;
	v6 =	vadd.s32 v44, v1;
	v0 =	vld.idx.msk [tilespmem:v0+s20+$0x0], $0xffff  }
0x3f9: {  	v7 =	vadd.s32 v54, v1;
	v4 =	vld.idx.msk [tilespmem:v4+s20+$0x0], $0xffff;
	[tilespmem:s0+$0xFFFFFF80] =	vst v9  }
0x3fa: {  	v2 =	vld.idx.msk [tilespmem:v2+s20+$0x0], $0xffff;
	[tilespmem:s0+$0x0] =	vst v3;
	v3 =	vadd.s32 v13, v1  }
0x3fb: {  	v10 =	vld.idx.msk [tilespmem:v10+s20+$0x0], $0xffff;
	[tilespmem:s3+$0xFFFFFEE0] =	vst v8;
	v8 =	vadd.s32 v27, v1  }
0x3fc: {  	[tilespmem:s0+$0x80] =	vst v5;
	v5 =	vadd.s32 v38, v1;
	v11 =	vld.idx.msk [tilespmem:v11+s20+$0x0], $0xffff  }
0x3fd: {  	v9 =	vadd.s32 v59, v1;
	v6 =	vld.idx.msk [tilespmem:v6+s20+$0x0], $0xffff;
	[tilespmem:s0+$0xFFFFFF10] =	vst v0  }
0x3fe: {  	v7 =	vld.idx.msk [tilespmem:v7+s20+$0x0], $0xffff;
	[tilespmem:s0+$0x100] =	vst v4;
	v4 =	vadd.s32 v45, v1  }
0x3ff: {  	[tilespmem:s3+$0xFFFFFF60] =	vst v2;
	v2 =	vadd.s32 v14, v1;
	v3 =	vld.idx.msk [tilespmem:v3+s20+$0x0], $0xffff  }
0x400: {  	[tilespmem:s0+$0x180] =	vst v10;
	v10 =	vadd.s32 v57, v1;
	v8 =	vld.idx.msk [tilespmem:v8+s20+$0x0], $0xffff  }
0x401: {  	v5 =	vld.idx.msk [tilespmem:v5+s20+$0x0], $0xffff;
	[tilespmem:s3+$0xFFFFFEF0] =	vst v11;
	v11 =	vadd.s32 v21, v1  }
0x402: {  	[tilespmem:s0+$0xFFFFFF90] =	vst v6;
	v9 =	vld.idx.msk [tilespmem:v9+s20+$0x0], $0xffff  }
0x403: {  	[tilespmem:s0+$0x10] =	vst v7;
	v4 =	vld.idx.msk [tilespmem:v4+s20+$0x0], $0xffff  }
0x404: {  	v2 =	vld.idx.msk [tilespmem:v2+s20+$0x0], $0xffff;
	[tilespmem:s0+$0xFFFFFE10] =	vst v3  }
0x405: {  	v10 =	vld.idx.msk [tilespmem:v10+s20+$0x0], $0xffff;
	[tilespmem:s0+$0x90] =	vst v8  }
0x406: {  	v0 =	vadd.s32 v16, v1;
	[tilespmem:s0+$0x110] =	vst v5;
	v11 =	vld.idx.msk [tilespmem:v11+s20+$0x0], $0xffff  }
0x407: {  	[tilespmem:s0+$0x190] =	vst v9  }
0x408: {  	v6 =	vadd.s32 v26, v1;
	[tilespmem:s0+$0xFFFFFFA0] =	vst v4  }
0x409: {  	v7 =	vadd.s32 v15, v1;
	[tilespmem:s0+$0xFFFFFE90] =	vst v2  }
0x40a: {  	v5 =	vadd.s32 v25, v1;
	[tilespmem:s0+$0x20] =	vst v10  }
0x40b: {  	v8 =	vadd.s32 v40, v12;
	v0 =	vld.idx.msk [tilespmem:v0+s20+$0x0], $0xffff;
	[tilespmem:s0+$0xA0] =	vst v11  }
0x40c: {  	v2 =	vadd.s32 v18, v1;
	v11 =	vld [tilespmem:$0x1FDE0]  }
0x40d: {  	v9 =	vadd.s32 v42, v1;
	v6 =	vld.idx.msk [tilespmem:v6+s20+$0x0], $0xffff  }
0x40e: {  	v3 =	vadd.s32 v55, v1;
	v7 =	vld.idx.msk [tilespmem:v7+s20+$0x0], $0xffff  }
0x40f: {  	v4 =	vadd.s32 v60, v1;
	v5 =	vld.idx.msk [tilespmem:v5+s20+$0x0], $0xffff  }
0x410: {  	v10 =	vadd.s32 v19, v1;
	v8 =	vld.idx.msk [tilespmem:v8+s20+$0x0], $0xffff  }
0x411: {  	v2 =	vld.idx.msk [tilespmem:v2+s20+$0x0], $0xffff;
	[tilespmem:s0+$0xFFFFFEA0] =	vst v0;
	v11 =	vadd.s32 v11, v1  }
0x412: {  	v9 =	vld.idx.msk [tilespmem:v9+s20+$0x0], $0xffff;
	v0 =	vadd.s32 v46, v1;
	[tilespmem:s0+$0x1A0] =	vst v6  }
0x413: {  	v3 =	vld.idx.msk [tilespmem:v3+s20+$0x0], $0xffff;
	v6 =	vadd.s32 v43, v1;
	[tilespmem:s0+$0xFFFFFF20] =	vst v7  }
0x414: {  	v4 =	vld.idx.msk [tilespmem:v4+s20+$0x0], $0xffff;
	[tilespmem:s0+$0xFFFFFE20] =	vst v5  }
0x415: {  	v7 =	vadd.s32 v53, v1;
	v10 =	vld.idx.msk [tilespmem:v10+s20+$0x0], $0xffff;
	[tilespmem:s3+$0xFFFFFF70] =	vst v8  }
0x416: {  	v8 =	vadd.s32 v30, v1;
	[tilespmem:s0+$0xFFFFFFB0] =	vst v2;
	v11 =	vld.idx.msk [tilespmem:v11+s20+$0x0], $0xffff  }
0x417: {  	[tilespmem:s0+$0x120] =	vst v9;
	v0 =	vld.idx.msk [tilespmem:v0+s20+$0x0], $0xffff  }
0x418: {  	[tilespmem:s0+$0xB0] =	vst v3;
	v6 =	vld.idx.msk [tilespmem:v6+s20+$0x0], $0xffff  }
0x419: {  	v51 =	vld [tilespmem:$0x1FD00];
	[tilespmem:s0+$0x1B0] =	vst v4  }
0x41a: {  	v9 =	vadd.s32 v32, v1;
	v5 =	vld.idx.msk [tilespmem:v7+s20+$0x0], $0xffff;
	[tilespmem:s0+$0x30] =	vst v10  }
0x41b: {  	v2 =	vadd.s32 v17, v1;
	v8 =	vld.idx.msk [tilespmem:v8+s20+$0x0], $0xffff;
	[tilespmem:s0+$0xFFFFFF30] =	vst v11  }
0x41c: {  	v11 =	vld [tilespmem:$0x1FE30];
	[tilespmem:s0+$0xFFFFFFC0] =	vst v0  }
0x41d: {  	v3 =	vadd.s32 v31, v1;
	[tilespmem:s0+$0x130] =	vst v6  }
0x41e: {  	v7 =	vadd.s32 v51, v12;
	v6 =	vld [tilespmem:$0x1FD60]  }
0x41f: {  	v4 =	vadd.s32 v47, v1;
	v9 =	vld.idx.msk [tilespmem:v9+s20+$0x0], $0xffff;
	[tilespmem:s0+$0xC0] =	vst v5  }
0x420: {  	v10 =	vadd.s32 v24, v1;
	v2 =	vld.idx.msk [tilespmem:v2+s20+$0x0], $0xffff;
	[tilespmem:s0+$0xFFFFFEB0] =	vst v8  }
0x421: {  	v0 =	vadd.s32 v39, v1;
	v25 =	vld [tilespmem:$0x1FD10]  }
0x422: {  	v3 =	vld.idx.msk [tilespmem:v3+s20+$0x0], $0xffff;
	v11 =	vadd.s32 v11, v1  }
0x423: {  	v7 =	vld.idx.msk [tilespmem:v7+s20+$0x0], $0xffff;
	v6 =	vadd.s32 v6, v12  }
0x424: {  	v4 =	vld.idx.msk [tilespmem:v4+s20+$0x0], $0xffff  }
0x425: {  	v10 =	vld.idx.msk [tilespmem:v10+s20+$0x0], $0xffff;
	[tilespmem:s0+$0xFFFFFE30] =	vst v2  }
0x426: {  	v8 =	vadd.s32 v25, v12;
	v12 =	vld.idx.msk [tilespmem:v0+s20+$0x0], $0xffff  }
0x427: {  	v5 =	vadd.s32 v41, v1;
	[tilespmem:s0+$0x1C0] =	vst v9;
	v2 =	vld.idx.msk [tilespmem:v11+s20+$0x0], $0xffff  }
0x428: {  	[tilespmem:s0+$0x40] =	vst v3;
	v9 =	vld.idx.msk [tilespmem:v6+s20+$0x0], $0xffff  }
0x429: {  	v3 =	vadd.s32 v58, v1;
	v6 =	vld [tilespmem:$0x1FE40];
	[tilespmem:s3+$0x1E0] =	vst v7  }
0x42a: {  	[tilespmem:s0+$0x140] =	vst v4  }
0x42b: {  	[tilespmem:s0+$0xD0] =	vst v10  }
0x42c: {  	v14 =	vld.idx.msk [tilespmem:v5+s20+$0x0], $0xffff;
	v11 =	vadd.s32 v48, v1;
	[tilespmem:s0+$0xFFFFFFD0] =	vst v2  }
0x42d: {  	v0 =	vadd.s32 v28, v1;
	v4 =	vld [tilespmem:$0x1FDF0]  }
0x42e: {  	v5 =	vadd.s32 v23, v1;
	v13 =	vadd.s32 v6, v1;
	[tilespmem:s0+$0xFFFFFE40] =	vst v12;
	v6 =	vld.idx.msk [tilespmem:v3+s20+$0x0], $0xffff  }
0x42f: {  	v3 =	vld [tilespmem:$0x1FD90]  }
0x430: {  	v8 =	vld.idx.msk [tilespmem:v8+s20+$0x0], $0xffff  }
0x431: {  	v7 =	vld.idx.msk [tilespmem:v11+s20+$0x0], $0xffff  }
0x432: {  	v10 =	vadd.s32 v49, v1;
	v2 =	vld.idx.msk [tilespmem:v0+s20+$0x0], $0xffff;
	v0 =	vadd.s32 v20, v1  }
0x433: {  	v11 =	vadd.s32 v62, v1;
	[tilespmem:s3+$0xFFFFFE70] =	vst v9;
	v9 =	vadd.s32 v36, v1;
	v5 =	vld.idx.msk [tilespmem:v5+s20+$0x0], $0xffff  }
0x434: {  	s15 =	simm.s32 $0x10;
	[tilespmem:s0+$0x1D0] =	vst v14;
	v4 =	vadd.s32 v4, v1;
	v12 =	vadd.s32 v3, v1;
	v3 =	vld.idx.msk [tilespmem:v13+s20+$0x0], $0xffff  }
.LBB2_13:
0x435: {  	_ =	sdelay $0x3  }
0x436: {  	v12 =	vld.idx.msk [tilespmem:v12+s20+$0x0], $0xffff  }
0x437: {  	v4 =	vld.idx.msk [tilespmem:v4+s20+$0x0], $0xffff  }
0x438: {  	v17 =	vld [tilespmem:$0x1FDB0]  }
0x439: {  	v18 =	vld [tilespmem:$0x1FE10];
	[tilespmem:s3+$0x1F0] =	vst v8  }
0x43a: {  	v13 =	vmov s15;
	v20 =	vld [tilespmem:$0x1FD70];
	[tilespmem:s0+$0x150] =	vst v7  }
0x43b: {  	v8 =	vshrl.u32 v13, $0x3;
	v13 =	vld [tilespmem:$0x1FD50];
	[tilespmem:s0+$0xE0] =	vst v2  }
0x43c: {  	[tilespmem:s0+$0x50] =	vst v6;
	v10 =	vld.idx.msk [tilespmem:v10+s20+$0x0], $0xffff  }
0x43d: {  	[tilespmem:s0+$0xFFFFFFE0] =	vst v3;
	v7 =	vshll.u32 v8, $0x3;
	v6 =	vld.idx.msk [tilespmem:v9+s20+$0x0], $0xffff  }
0x43e: {  	[tilespmem:s0+$0xFFFFFE50] =	vst v5;
	v9 =	vld.idx.msk [tilespmem:v11+s20+$0x0], $0xffff;
	v11 =	vadd.s32 v50, v1;
	v2 =	vbroadcast v7, $0x0  }
0x43f: {  	v8 =	vld [tilespmem:$0x1FDA0];
	[tilespmem:s0+$0xFFFFFF40] =	vst v4;
	v4 =	vadd.s32 v61, v1  }
0x440: {  	v5 =	vld.idx.msk [tilespmem:v0+s20+$0x0], $0xffff;
	[tilespmem:s0+$0xFFFFFEC0] =	vst v12;
	v14 =	vadd.s32 v22, v2  }
0x441: {  	v7 =	vld [tilespmem:$0x1FE00];
	v15 =	vadd.s32 v29, v2;
	[tilespmem:s0+$0x160] =	vst v10  }
0x442: {  	v0 =	vld [tilespmem:$0x1FE50];
	v12 =	vadd.s32 v34, v2;
	[tilespmem:s0+$0xF0] =	vst v6  }
0x443: {  	v13 =	vadd.s32 v13, v1;
	[tilespmem:s0+$0x60] =	vst v9;
	v6 =	vld.idx.msk [tilespmem:v11+s20+$0x0], $0xffff  }
0x444: {  	v8 =	vadd.s32 v8, v1;
	v4 =	vld.idx.msk [tilespmem:v4+s20+$0x0], $0xffff  }
0x445: {  	[tilespmem:s0+$0xFFFFFFF0] =	vst v5;
	v5 =	vadd.s32 v56, v2;
	v11 =	vld.idx.msk [tilespmem:v14+s20+$0x0], $0xffff  }
0x446: {  	v7 =	vadd.s32 v7, v1;
	v9 =	vld.idx.msk [tilespmem:v15+s20+$0x0], $0xffff  }
0x447: {  	v16 =	vadd.s32 v37, v2;
	v12 =	vld.idx.msk [tilespmem:v12+s20+$0x0], $0xffff  }
0x448: {  	v14 =	vadd.s32 v63, v2;
	v13 =	vld.idx.msk [tilespmem:v13+s20+$0x0], $0xffff  }
0x449: {  	v8 =	vld.idx.msk [tilespmem:v8+s20+$0x0], $0xffff  }
0x44a: {  	v5 =	vld.idx.msk [tilespmem:v5+s20+$0x0], $0xffff  }
0x44b: {  	s3 =	smov.u32 s0;
	v17 =	vadd.s32 v17, v1;
	v7 =	vld.idx.msk [tilespmem:v7+s20+$0x0], $0xffff  }
0x44c: {  	v18 =	vadd.s32 v18, v1;
	[tilespmem:s3+$0x170] =	vst v6;
	v6 =	vld.idx.msk [tilespmem:v16+s20+$0x0], $0xffff  }
0x44d: {  	v10 =	vadd.s32 v52, v2;
	v14 =	vld.idx.msk [tilespmem:v14+s20+$0x0], $0xffff  }
0x44e: {  	v15 =	vadd.s32 v35, v2;
	[tilespmem:s0+$0xFFFFFE60] =	vst v13;
	v13 =	vld [tilespmem:$0x1FD20]  }
0x44f: {  	[tilespmem:s0+$0xFFFFFED0] =	vst v8;
	v8 =	vld [tilespmem:$0x1FDC0]  }
0x450: {  	v17 =	vld.idx.msk [tilespmem:v17+s20+$0x0], $0xffff;
	[tilespmem:s0+$0xFFFFFF50] =	vst v7;
	s0 =	sadd.s32 $0x400, s0  }
0x451: {  	v7 =	vadd.s32 v44, v2;
	v18 =	vld.idx.msk [tilespmem:v18+s20+$0x0], $0xffff;
	[tilespmem:s0+$0xFFFFFE80] =	vst v9  }
0x452: {  	v16 =	vadd.s32 v33, v1;
	v9 =	vld.idx.msk [tilespmem:v10+s20+$0x0], $0xffff;
	[tilespmem:s3+$0x70] =	vst v4  }
0x453: {  	v10 =	vadd.s32 v27, v2;
	[tilespmem:s0+$0xFFFFFF00] =	vst v12;
	v4 =	vld.idx.msk [tilespmem:v15+s20+$0x0], $0xffff  }
0x454: {  	v20 =	vadd.s32 v20, v2;
	v15 =	vld [tilespmem:$0x1FD30];
	[tilespmem:s0+$0xFFFFFF80] =	vst v6  }
0x455: {  	v12 =	vadd.s32 v59, v2;
	[tilespmem:s3+$0xFFFFFEE0] =	vst v17;
	v17 =	vld [tilespmem:$0x1FDD0]  }
0x456: {  	[tilespmem:s0+$0xFFFFFE00] =	vst v11;
	v11 =	vadd.s32 v54, v2;
	v7 =	vld.idx.msk [tilespmem:v7+s20+$0x0], $0xffff  }
0x457: {  	v19 =	vadd.s32 v38, v2;
	[tilespmem:s0+$0x80] =	vst v14;
	v16 =	vld.idx.msk [tilespmem:v16+s20+$0x0], $0xffff  }
0x458: {  	[tilespmem:s0+$0x180] =	vst v5;
	v13 =	vadd.s32 v13, v2;
	v10 =	vld.idx.msk [tilespmem:v10+s20+$0x0], $0xffff  }
0x459: {  	v8 =	vadd.s32 v8, v2;
	[tilespmem:s0+$0x100] =	vst v4;
	v4 =	vld.idx.msk [tilespmem:v20+s20+$0x0], $0xffff  }
0x45a: {  	[tilespmem:s0+$0x0] =	vst v9;
	v12 =	vld.idx.msk [tilespmem:v12+s20+$0x0], $0xffff  }
0x45b: {  	v11 =	vld.idx.msk [tilespmem:v11+s20+$0x0], $0xffff  }
0x45c: {  	v6 =	vadd.s32 v45, v2;
	v19 =	vld.idx.msk [tilespmem:v19+s20+$0x0], $0xffff  }
0x45d: {  	[tilespmem:s3+$0xFFFFFF60] =	vst v18;
	v13 =	vld.idx.msk [tilespmem:v13+s20+$0x0], $0xffff  }
0x45e: {  	v8 =	vld.idx.msk [tilespmem:v8+s20+$0x0], $0xffff  }
0x45f: {  	v14 =	vadd.s32 v21, v2;
	[tilespmem:s0+$0xFFFFFF90] =	vst v7;
	v7 =	vld [tilespmem:$0x1FE20]  }
0x460: {  	v5 =	vadd.s32 v26, v2;
	[tilespmem:s3+$0xFFFFFEF0] =	vst v16;
	v16 =	vld [tilespmem:$0x1FD80]  }
0x461: {  	v9 =	vadd.s32 v57, v2;
	v6 =	vld.idx.msk [tilespmem:v6+s20+$0x0], $0xffff;
	[tilespmem:s0+$0x90] =	vst v10  }
0x462: {  	[tilespmem:s0+$0xFFFFFE90] =	vst v4;
	v4 =	vld [tilespmem:$0x1FDF0]  }
0x463: {  	v17 =	vadd.s32 v17, v2;
	[tilespmem:s0+$0x10] =	vst v11;
	v11 =	vld [tilespmem:$0x1FE60]  }
0x464: {  	v20 =	vadd.s32 v40, v1;
	[tilespmem:s0+$0x190] =	vst v12;
	v14 =	vld.idx.msk [tilespmem:v14+s20+$0x0], $0xffff  }
0x465: {  	v15 =	vadd.s32 v15, v2;
	v5 =	vld.idx.msk [tilespmem:v5+s20+$0x0], $0xffff  }
0x466: {  	v18 =	vadd.s32 v42, v2;
	[tilespmem:s0+$0x110] =	vst v19;
	v9 =	vld.idx.msk [tilespmem:v9+s20+$0x0], $0xffff  }
0x467: {  	v10 =	vadd.s32 v55, v2;
	[tilespmem:s0+$0xFFFFFF10] =	vst v8;
	v8 =	vld [tilespmem:$0x1FDE0]  }
0x468: {  	v12 =	vadd.s32 v60, v2;
	[tilespmem:s0+$0xFFFFFE10] =	vst v13;
	v17 =	vld.idx.msk [tilespmem:v17+s20+$0x0], $0xffff  }
0x469: {  	v7 =	vadd.s32 v7, v2;
	[tilespmem:s0+$0xFFFFFFA0] =	vst v6;
	v6 =	vld.idx.msk [tilespmem:v20+s20+$0x0], $0xffff  }
0x46a: {  	v16 =	vadd.s32 v16, v2;
	[tilespmem:s0+$0xA0] =	vst v14;
	v14 =	vld.idx.msk [tilespmem:v15+s20+$0x0], $0xffff  }
0x46b: {  	[tilespmem:s0+$0x20] =	vst v9;
	v9 =	vld.idx.msk [tilespmem:v18+s20+$0x0], $0xffff  }
0x46c: {  	v11 =	vadd.s32 v11, v2;
	[tilespmem:s0+$0x1A0] =	vst v5;
	v10 =	vld.idx.msk [tilespmem:v10+s20+$0x0], $0xffff  }
0x46d: {  	v12 =	vld.idx.msk [tilespmem:v12+s20+$0x0], $0xffff;
	v8 =	vadd.s32 v8, v2  }
0x46e: {  	v21 =	vadd.s32 v43, v2;
	v7 =	vld.idx.msk [tilespmem:v7+s20+$0x0], $0xffff  }
0x46f: {  	v5 =	vadd.s32 v53, v2;
	[tilespmem:s0+$0xFFFFFF20] =	vst v17;
	v16 =	vld.idx.msk [tilespmem:v16+s20+$0x0], $0xffff  }
0x470: {  	v3 =	vadd.s32 v46, v2;
	[tilespmem:s3+$0xFFFFFF70] =	vst v6;
	v6 =	vld [tilespmem:$0x1FD40]  }
0x471: {  	v13 =	vadd.s32 v30, v2;
	v11 =	vld.idx.msk [tilespmem:v11+s20+$0x0], $0xffff;
	[tilespmem:s0+$0xFFFFFE20] =	vst v14  }
0x472: {  	[tilespmem:s0+$0x120] =	vst v9;
	v8 =	vld.idx.msk [tilespmem:v8+s20+$0x0], $0xffff  }
0x473: {  	v14 =	vadd.s32 v51, v1;
	[tilespmem:s0+$0xB0] =	vst v10;
	v10 =	vld.idx.msk [tilespmem:v21+s20+$0x0], $0xffff  }
0x474: {  	v5 =	vld.idx.msk [tilespmem:v5+s20+$0x0], $0xffff;
	[tilespmem:s0+$0xFFFFFFB0] =	vst v7;
	v7 =	vadd.s32 v32, v2  }
0x475: {  	v9 =	vadd.s32 v31, v2;
	[tilespmem:s0+$0xFFFFFEA0] =	vst v16;
	v3 =	vld.idx.msk [tilespmem:v3+s20+$0x0], $0xffff  }
0x476: {  	[tilespmem:s0+$0x1B0] =	vst v12;
	v13 =	vld.idx.msk [tilespmem:v13+s20+$0x0], $0xffff  }
0x477: {  	v15 =	vadd.s32 v47, v2;
	[tilespmem:s0+$0xFFFFFF30] =	vst v8;
	v8 =	vld [tilespmem:$0x1FE30]  }
0x478: {  	v6 =	vadd.s32 v6, v2;
	[tilespmem:s0+$0x130] =	vst v10;
	v10 =	vld.idx.msk [tilespmem:v14+s20+$0x0], $0xffff  }
0x479: {  	[tilespmem:s0+$0x30] =	vst v11;
	v7 =	vld.idx.msk [tilespmem:v7+s20+$0x0], $0xffff  }
0x47a: {  	v11 =	vadd.s32 v24, v2;
	[tilespmem:s0+$0xFFFFFFC0] =	vst v3;
	v3 =	vld.idx.msk [tilespmem:v9+s20+$0x0], $0xffff  }
0x47b: {  	v9 =	vld [tilespmem:$0x1FD60]  }
0x47c: {  	[tilespmem:s0+$0xC0] =	vst v5;
	v5 =	vld.idx.msk [tilespmem:v15+s20+$0x0], $0xffff  }
0x47d: {  	v14 =	vadd.s32 v41, v2;
	v6 =	vld.idx.msk [tilespmem:v6+s20+$0x0], $0xffff  }
0x47e: {  	v12 =	vadd.s32 v39, v2;
	v21 =	vld [tilespmem:$0x1FEE0]  }
0x47f: {  	[tilespmem:s0+$0xFFFFFEB0] =	vst v13;
	v11 =	vld.idx.msk [tilespmem:v11+s20+$0x0], $0xffff;
	v8 =	vadd.s32 v8, v2  }
0x480: {  	[tilespmem:s0+$0x1C0] =	vst v7;
	v7 =	vld [tilespmem:$0x1FE40];
	v9 =	vadd.s32 v9, v1  }
0x481: {  	v13 =	vadd.s32 v25, v1;
	[tilespmem:s0+$0x140] =	vst v5;
	v5 =	vld [tilespmem:$0x1FD90];
	v1 =	vmov v2  }
0x482: {  	[tilespmem:s0+$0xFFFFFE30] =	vst v6;
	v14 =	vld.idx.msk [tilespmem:v14+s20+$0x0], $0xffff;
	v6 =	vadd.s32 v48, v1  }
0x483: {  	[tilespmem:s0+$0x40] =	vst v3;
	v15 =	vld.idx.msk [tilespmem:v12+s20+$0x0], $0xffff;
	v3 =	vadd.s32 v58, v1  }
0x484: {  	v0 =	vadd.s32 v0, v2;
	v4 =	vadd.s32 v4, v2;
	v16 =	vadd.s32 v28, v1;
	v2 =	vld.idx.msk [tilespmem:v8+s20+$0x0], $0xffff  }
0x485: {  	[tilespmem:s3+$0x1E0] =	vst v10;
	v17 =	vld.idx.msk [tilespmem:v9+s20+$0x0], $0xffff;
	v9 =	vadd.s32 v7, v1  }
0x486: {  	p0 =	slt.u32 s15, $0x38;
	v18 =	vadd.s32 v23, v1;
	v8 =	vld.idx.msk [tilespmem:v13+s20+$0x0], $0xffff  }
.Ltmp5:
0x487: {  	[tilespmem:s0+$0xD0] =	vst v11;
	v7 =	vld.idx.msk [tilespmem:v6+s20+$0x0], $0xffff;
	(pc) =	sbr.rel @p0 .LBB2_13-.Ltmp5, $4  }
0x488: {  	[tilespmem:s0+$0xFFFFFE40] =	vst v15;
	v6 =	vld.idx.msk [tilespmem:v3+s20+$0x0], $0xffff  }
0x489: {  	[tilespmem:s0+$0xFFFFFFD0] =	vst v2;
	v2 =	vld.idx.msk [tilespmem:v16+s20+$0x0], $0xffff  }
0x48a: {  	v10 =	vadd.s32 v49, v1;
	v11 =	vadd.s32 v62, v1;
	v3 =	vld.idx.msk [tilespmem:v9+s20+$0x0], $0xffff;
	[tilespmem:s3+$0xFFFFFE70] =	vst v17  }
0x48b: {  	s15 =	sadd.s32 $0x8, s15;
	v12 =	vadd.s32 v5, v1;
	[tilespmem:s0+$0x1D0] =	vst v14;
	v9 =	vadd.s32 v36, v1;
	v5 =	vld.idx.msk [tilespmem:v18+s20+$0x0], $0xffff  }
0x48c: {  	_ =	sdelay $0x3  }
0x48d: {  	v12 =	vld.idx.msk [tilespmem:v12+s20+$0x0], $0xffff  }
0x48e: {  	v4 =	vld.idx.msk [tilespmem:v4+s20+$0x0], $0xffff  }
0x48f: {  	v13 =	vld [tilespmem:$0x1FDA0]  }
0x490: {  	v14 =	vld [tilespmem:$0x1FE00];
	[tilespmem:s3+$0x1F0] =	vst v8  }
0x491: {  	[tilespmem:s0+$0x150] =	vst v7  }
0x492: {  	[tilespmem:s0+$0xE0] =	vst v2  }
0x493: {  	v8 =	vld.idx.msk [tilespmem:v10+s20+$0x0], $0xffff;
	[tilespmem:s0+$0xFFFFFEC0] =	vst v12  }
0x494: {  	v9 =	vld.idx.msk [tilespmem:v9+s20+$0x0], $0xffff;
	v13 =	vadd.s32 v13, v1;
	[tilespmem:s0+$0xFFFFFF40] =	vst v4  }
0x495: {  	v14 =	vadd.s32 v14, v1;
	v4 =	vld [tilespmem:$0x1FDB0];
	[tilespmem:s0+$0x50] =	vst v6  }
0x496: {  	v6 =	vld [tilespmem:$0x1FE10]  }
0x497: {  	v10 =	vld [tilespmem:$0x1FD50]  }
0x498: {  	[tilespmem:s0+$0xFFFFFFE0] =	vst v3;
	v3 =	vld.idx.msk [tilespmem:v11+s20+$0x0], $0xffff  }
0x499: {  	v7 =	vld.idx.msk [tilespmem:v13+s20+$0x0], $0xffff  }
0x49a: {  	[tilespmem:s0+$0xFFFFFE50] =	vst v5;
	v2 =	vld.idx.msk [tilespmem:v14+s20+$0x0], $0xffff  }
0x49b: {  	[tilespmem:s0+$0x160] =	vst v8  }
0x49c: {  	v5 =	vadd.s32 v51, v1;
	[tilespmem:s0+$0xF0] =	vst v9  }
0x49d: {  	v0 =	vld.idx.msk [tilespmem:v0+s20+$0x0], $0xffff;
	v4 =	vadd.s32 v4, v1;
	[tilespmem:s0+$0x60] =	vst v3  }
0x49e: {  	v6 =	vadd.s32 v6, v1;
	[tilespmem:s0+$0xFFFFFED0] =	vst v7  }
0x49f: {  	v10 =	vadd.s32 v10, v1;
	[tilespmem:s0+$0xFFFFFF50] =	vst v2  }
0x4a0: {  	v11 =	vadd.s32 v50, v1;
	v3 =	vld [tilespmem:$0x1FD60]  }
0x4a1: {  	v5 =	vld.idx.msk [tilespmem:v5+s20+$0x0], $0xffff;
	v7 =	vadd.s32 v61, v1  }
0x4a2: {  	v4 =	vld.idx.msk [tilespmem:v4+s20+$0x0], $0xffff;
	[tilespmem:s0+$0xFFFFFFF0] =	vst v0;
	v0 =	vadd.s32 v25, v1  }
0x4a3: {  	v2 =	vld.idx.msk [tilespmem:v6+s20+$0x0], $0xffff;
	v6 =	vadd.s32 v33, v1  }
0x4a4: {  	v9 =	vadd.s32 v40, v1;
	v8 =	vld.idx.msk [tilespmem:v10+s20+$0x0], $0xffff  }
0x4a5: {  	v10 =	vld.idx.msk [tilespmem:v11+s20+$0x0], $0xffff;
	v3 =	vadd.s32 v3, v1  }
0x4a6: {  	[tilespmem:s0+$0x1E0] =	vst v5;
	v1 =	vld.idx.msk [tilespmem:v7+s20+$0x0], $0xffff  }
0x4a7: {  	[tilespmem:s0+$0xFFFFFEE0] =	vst v4;
	v0 =	vld.idx.msk [tilespmem:v0+s20+$0x0], $0xffff  }
0x4a8: {  	v4 =	vld.idx.msk [tilespmem:v6+s20+$0x0], $0xffff;
	[tilespmem:s0+$0xFFFFFF60] =	vst v2  }
0x4a9: {  	[tilespmem:s0+$0xFFFFFE60] =	vst v8;
	v2 =	vld.idx.msk [tilespmem:v9+s20+$0x0], $0xffff  }
0x4aa: {  	[tilespmem:s0+$0x170] =	vst v10;
	v3 =	vld.idx.msk [tilespmem:v3+s20+$0x0], $0xffff  }
0x4ab: {  	s7 =	sadd.s32 s6, s9;
	[tilespmem:s0+$0x70] =	vst v1  }
0x4ac: {  	s3 =	sshll.u32 s7, $0x10;
	[tilespmem:s0+$0x1F0] =	vst v0  }
0x4ad: {  	s3 =	sor.u32 s5, s3;
	[tilespmem:s0+$0xFFFFFEF0] =	vst v4  }
0x4ae: {  	s3 =	sshrl.u32 s3, $0x3;
	[tilespmem:s0+$0xFFFFFF70] =	vst v2  }
0x4af: {  	s9 =	sadd.s32 s2, s3;
	[tilespmem:s0+$0xFFFFFE70] =	vst v3  }
0x4b0: {  	[hbm4b:s9+s13] =	stream.strided.scatter [tilespmem:s29], [sflag:$0x7], $0x2000, s21, s13, $0x38;
	[tilespmem:$0x14980] =	vst v63  }
0x4b1: {  	_ =	swait.ge [sflag:s30], $0x2000  }
0x4b2: {  	[sflag:s30] =	ssyncset.done $0x0  }
0x4b3: {  	s11 =	sadd.s32 $0x280, s11;
	[sflag:s30] =	ssyncadd.s32 $0xFFFFE000  }
0x4b4: {  	[tilespmem:s17], [sflag:$0x2] =	stream.indirect.gather [hbm4b:s4+s12], $0x40, s11, s12, $0xb8;
	[tilespmem:$0x14980] =	vst v63  }
0x4b5: {  	_ =	swait.ge [sflag:s31], $0x2000  }
0x4b6: {  	s14 =	sshll.u32 s10, $0x6;
	[sflag:s31] =	ssyncset.done $0x0  }
0x4b7: {  	s0 =	sand.u32 $0x3FFFFFC0, s14;
	[sflag:s31] =	ssyncadd.s32 $0xFFFFE000  }
0x4b8: {  	v1 =	vld [tilespmem:s0+$0x1900]  }
0x4b9: {  	v2 =	vld [tilespmem:s0+$0x1910]  }
0x4ba: {  	v3 =	vld [tilespmem:s0+$0x1920]  }
0x4bb: {  	s15 =	simm.s32 $0x8680;
	v0 =	vld [tilespmem:s0+$0x1930]  }
0x4bc: {  	v4 =	vld [tilespmem:s15+$0xC0]  }
0x4bd: {  	v5 =	vld [tilespmem:s15+$0xFFFFFF40]  }
0x4be: {  	v6 =	vld [tilespmem:s15+$0xFFFFFF80]  }
0x4bf: {  	v7 =	vld [tilespmem:s15+$0xFFFFFFC0]  }
0x4c0: {  	v8 =	vld [tilespmem:s15+$0x0]  }
0x4c1: {  	v9 =	vld [tilespmem:s15+$0x40];
	v4 =	vadd.f32 v4, v1  }
0x4c2: {  	s0 =	simm.s32 $0xA6A0;
	v10 =	vld [tilespmem:s15+$0x80];
	v5 =	vadd.f32 v5, v1  }
0x4c3: {  	v11 =	vld [tilespmem:s15+$0xFFFFFF00];
	v6 =	vadd.f32 v6, v1;
	[tilespmem:s0+$0xD8] =	vst v4  }
0x4c4: {  	[tilespmem:s0+$0xFFFFFF28] =	vst v5;
	v4 =	vadd.f32 v7, v1;
	v5 =	vld [tilespmem:s15+$0xD0]  }
0x4c5: {  	[tilespmem:s0+$0xFFFFFF70] =	vst v6;
	v6 =	vadd.f32 v8, v1;
	v7 =	vld [tilespmem:s15+$0xFFFFFF50]  }
0x4c6: {  	v8 =	vld [tilespmem:s15+$0xFFFFFF90];
	[tilespmem:s0+$0xFFFFFFB8] =	vst v4;
	v4 =	vadd.f32 v9, v1  }
0x4c7: {  	[tilespmem:s0+$0x0] =	vst v6;
	v6 =	vadd.f32 v10, v1;
	v9 =	vld [tilespmem:s15+$0xFFFFFFD0]  }
0x4c8: {  	v10 =	vadd.f32 v11, v1;
	v11 =	vld [tilespmem:s15+$0x10];
	[tilespmem:s0+$0x48] =	vst v4  }
0x4c9: {  	[tilespmem:s0+$0x90] =	vst v6;
	v4 =	vld [tilespmem:s15+$0x50];
	v5 =	vadd.f32 v5, v2  }
0x4ca: {  	[tilespmem:s0+$0xFFFFFEE0] =	vst v10;
	v6 =	vadd.f32 v7, v2;
	v7 =	vld [tilespmem:s15+$0x90]  }
0x4cb: {  	v10 =	vld [tilespmem:s15+$0xFFFFFF10];
	v8 =	vadd.f32 v8, v2;
	[tilespmem:s0+$0xE8] =	vst v5  }
0x4cc: {  	[tilespmem:s0+$0xFFFFFF38] =	vst v6;
	v5 =	vadd.f32 v9, v2;
	v6 =	vld [tilespmem:s15+$0xE0]  }
0x4cd: {  	[tilespmem:s0+$0xFFFFFF80] =	vst v8;
	v8 =	vadd.f32 v11, v2;
	v9 =	vld [tilespmem:s15+$0xFFFFFF60]  }
0x4ce: {  	v11 =	vld [tilespmem:s15+$0xFFFFFFA0];
	[tilespmem:s0+$0xFFFFFFC8] =	vst v5;
	v4 =	vadd.f32 v4, v2  }
0x4cf: {  	[tilespmem:s0+$0x10] =	vst v8;
	v5 =	vld [tilespmem:s15+$0xFFFFFFE0];
	v7 =	vadd.f32 v7, v2  }
0x4d0: {  	v8 =	vadd.f32 v10, v2;
	v10 =	vld [tilespmem:s15+$0x20];
	[tilespmem:s0+$0x58] =	vst v4  }
0x4d1: {  	v4 =	vld [tilespmem:s15+$0x60];
	[tilespmem:s0+$0xA0] =	vst v7;
	v6 =	vadd.f32 v6, v3  }
0x4d2: {  	[tilespmem:s0+$0xFFFFFEF0] =	vst v8;
	v7 =	vadd.f32 v9, v3;
	v8 =	vld [tilespmem:s15+$0xA0]  }
0x4d3: {  	v9 =	vld [tilespmem:s15+$0xFFFFFF20];
	v11 =	vadd.f32 v11, v3;
	[tilespmem:s0+$0xF8] =	vst v6  }
0x4d4: {  	[tilespmem:s0+$0xFFFFFF48] =	vst v7;
	v5 =	vadd.f32 v5, v3;
	v7 =	vld [tilespmem:s15+$0xF0]  }
0x4d5: {  	[tilespmem:s0+$0xFFFFFF90] =	vst v11;
	v6 =	vadd.f32 v10, v3;
	v59 =	vld [tilespmem:s15+$0xFFFFFF70]  }
0x4d6: {  	v11 =	vld [tilespmem:s15+$0xFFFFFFB0];
	[tilespmem:s0+$0xFFFFFFD8] =	vst v5;
	v5 =	vadd.f32 v4, v3  }
0x4d7: {  	[tilespmem:s0+$0x20] =	vst v6;
	v4 =	vld [tilespmem:s15+$0xFFFFFFF0];
	v8 =	vadd.f32 v8, v3  }
0x4d8: {  	v9 =	vadd.f32 v9, v3;
	v6 =	vld [tilespmem:s15+$0x30];
	[tilespmem:s0+$0x68] =	vst v5  }
0x4d9: {  	v5 =	vld [tilespmem:s15+$0x70];
	[tilespmem:s0+$0xB0] =	vst v8;
	v60 =	vadd.f32 v7, v0  }
0x4da: {  	[tilespmem:s0+$0xFFFFFF00] =	vst v9;
	v7 =	vld [tilespmem:s15+$0xB0];
	v10 =	vadd.f32 v59, v0  }
0x4db: {  	s3 =	simm.s32 $0x12B80;
	s9 =	simm.s32 $0x0;
	s11 =	simm.s32 $0x8880;
	v8 =	vld [tilespmem:s15+$0xFFFFFF30];
	v9 =	vadd.f32 v11, v0;
	[tilespmem:s0+$0x108] =	vst v60  }
.LBB2_15:
0x4dc: {  	v11 =	vld [tilespmem:s11+$0xC0];
	s9 =	sadd.s32 $0x8, s9;
	[tilespmem:s0+$0xFFFFFF58] =	vst v10;
	v4 =	vadd.f32 v4, v0  }
0x4dd: {  	v10 =	vld [tilespmem:s11+$0xFFFFFF40];
	p0 =	slt.u32 s9, $0x78;
	[tilespmem:s0+$0xFFFFFFA0] =	vst v9;
	v6 =	vadd.f32 v6, v0  }
0x4de: {  	v9 =	vld [tilespmem:s11+$0xFFFFFF80];
	[tilespmem:s0+$0xFFFFFFE8] =	vst v4;
	v4 =	vadd.f32 v5, v0  }
0x4df: {  	v5 =	vld [tilespmem:s11+$0xFFFFFFC0];
	[tilespmem:s0+$0x30] =	vst v6;
	v6 =	vadd.f32 v7, v0  }
0x4e0: {  	v7 =	vld [tilespmem:s11+$0x0];
	v8 =	vadd.f32 v8, v0;
	[tilespmem:s0+$0x78] =	vst v4  }
0x4e1: {  	v4 =	vld [tilespmem:s11+$0x40];
	v11 =	vadd.f32 v11, v1;
	[tilespmem:s0+$0xC0] =	vst v6  }
0x4e2: {  	v6 =	vadd.f32 v10, v1;
	v10 =	vld [tilespmem:s11+$0x80];
	[tilespmem:s0+$0xFFFFFF10] =	vst v8;
	s0 =	sadd.s32 $0x240, s0  }
0x4e3: {  	v8 =	vld [tilespmem:s11+$0xFFFFFF00];
	v9 =	vadd.f32 v9, v1;
	[tilespmem:s0+$0xD8] =	vst v11  }
0x4e4: {  	[tilespmem:s0+$0xFFFFFF28] =	vst v6;
	v5 =	vadd.f32 v5, v1;
	v6 =	vld [tilespmem:s11+$0xD0]  }
0x4e5: {  	v11 =	vld [tilespmem:s11+$0xFFFFFF50];
	[tilespmem:s0+$0xFFFFFF70] =	vst v9;
	v7 =	vadd.f32 v7, v1  }
0x4e6: {  	v9 =	vld [tilespmem:s11+$0xFFFFFF90];
	[tilespmem:s0+$0xFFFFFFB8] =	vst v5;
	v4 =	vadd.f32 v4, v1  }
0x4e7: {  	v5 =	vld [tilespmem:s11+$0xFFFFFFD0];
	[tilespmem:s0+$0x0] =	vst v7;
	v7 =	vadd.f32 v10, v1  }
0x4e8: {  	v8 =	vadd.f32 v8, v1;
	v10 =	vld [tilespmem:s11+$0x10];
	[tilespmem:s0+$0x48] =	vst v4  }
0x4e9: {  	v4 =	vld [tilespmem:s11+$0x50];
	[tilespmem:s0+$0x90] =	vst v7;
	v6 =	vadd.f32 v6, v2  }
0x4ea: {  	[tilespmem:s0+$0xFFFFFEE0] =	vst v8;
	v7 =	vadd.f32 v11, v2;
	v8 =	vld [tilespmem:s11+$0x90]  }
0x4eb: {  	v11 =	vld [tilespmem:s11+$0xFFFFFF10];
	v9 =	vadd.f32 v9, v2;
	[tilespmem:s0+$0xE8] =	vst v6  }
0x4ec: {  	[tilespmem:s0+$0xFFFFFF38] =	vst v7;
	v5 =	vadd.f32 v5, v2;
	v6 =	vld [tilespmem:s11+$0xE0]  }
0x4ed: {  	v7 =	vld [tilespmem:s11+$0xFFFFFF60];
	[tilespmem:s0+$0xFFFFFF80] =	vst v9;
	v9 =	vadd.f32 v10, v2  }
0x4ee: {  	v10 =	vld [tilespmem:s11+$0xFFFFFFA0];
	[tilespmem:s0+$0xFFFFFFC8] =	vst v5;
	v4 =	vadd.f32 v4, v2  }
0x4ef: {  	v5 =	vld [tilespmem:s11+$0xFFFFFFE0];
	[tilespmem:s0+$0x10] =	vst v9;
	v8 =	vadd.f32 v8, v2  }
0x4f0: {  	v9 =	vadd.f32 v11, v2;
	v11 =	vld [tilespmem:s11+$0x20];
	[tilespmem:s0+$0x58] =	vst v4  }
0x4f1: {  	v4 =	vld [tilespmem:s11+$0x60];
	[tilespmem:s0+$0xA0] =	vst v8;
	v6 =	vadd.f32 v6, v3  }
0x4f2: {  	[tilespmem:s0+$0xFFFFFEF0] =	vst v9;
	v7 =	vadd.f32 v7, v3;
	v8 =	vld [tilespmem:s11+$0xA0]  }
0x4f3: {  	v9 =	vld [tilespmem:s11+$0xFFFFFF20];
	v10 =	vadd.f32 v10, v3;
	[tilespmem:s0+$0xF8] =	vst v6  }
0x4f4: {  	[tilespmem:s0+$0xFFFFFF48] =	vst v7;
	v5 =	vadd.f32 v5, v3;
	v7 =	vld [tilespmem:s11+$0xF0]  }
0x4f5: {  	v12 =	vld [tilespmem:s11+$0xFFFFFF70];
	[tilespmem:s0+$0xFFFFFF90] =	vst v10;
	v6 =	vadd.f32 v11, v3  }
0x4f6: {  	v11 =	vld [tilespmem:s11+$0xFFFFFFB0];
	[tilespmem:s0+$0xFFFFFFD8] =	vst v5;
	v5 =	vadd.f32 v4, v3  }
.Ltmp6:
0x4f7: {  	v4 =	vld [tilespmem:s11+$0xFFFFFFF0];
	[tilespmem:s0+$0x20] =	vst v6;
	v8 =	vadd.f32 v8, v3;
	(pc) =	sbr.rel @p0 .LBB2_15-.Ltmp6, $4  }
0x4f8: {  	v9 =	vadd.f32 v9, v3;
	v6 =	vld [tilespmem:s11+$0x30];
	[tilespmem:s0+$0x68] =	vst v5  }
0x4f9: {  	v5 =	vld [tilespmem:s11+$0x70];
	[tilespmem:s0+$0xB0] =	vst v8;
	v13 =	vadd.f32 v7, v0  }
0x4fa: {  	[tilespmem:s0+$0xFFFFFF00] =	vst v9;
	v10 =	vadd.f32 v12, v0;
	v7 =	vld [tilespmem:s11+$0xB0]  }
0x4fb: {  	s7 =	simm.s32 $0x0;
	v8 =	vld [tilespmem:s11+$0xFFFFFF30];
	v9 =	vadd.f32 v11, v0;
	[tilespmem:s0+$0x108] =	vst v13;
	s11 =	sadd.s32 $0x200, s11  }
0x4fc: {  	v1 =	vmov s7  }
0x4fd: {  	v1 =	vshrl.u32 v1, $0x3  }
0x4fe: {  	[tilespmem:s0+$0xFFFFFF58] =	vst v10;
	v2 =	vadd.f32 v4, v0;
	v1 =	vshll.u32 v1, $0x3  }
0x4ff: {  	[tilespmem:s0+$0xFFFFFFA0] =	vst v9;
	v12 =	vbroadcast v1, $0x0;
	v1 =	vadd.f32 v6, v0  }
0x500: {  	[tilespmem:s0+$0xFFFFFFE8] =	vst v2;
	v2 =	vadd.f32 v5, v0  }
0x501: {  	[tilespmem:s0+$0x30] =	vst v1;
	v1 =	vadd.f32 v7, v0  }
0x502: {  	[tilespmem:s0+$0x78] =	vst v2;
	v0 =	vadd.f32 v8, v0  }
0x503: {  	v3 =	vadd.s32 v22, v12;
	[tilespmem:s0+$0xC0] =	vst v1  }
0x504: {  	v2 =	vadd.s32 v34, v12;
	[tilespmem:s0+$0xFFFFFF10] =	vst v0  }
0x505: {  	v4 =	vadd.s32 v29, v12;
	v50 =	vld [tilespmem:$0x1FF20]  }
0x506: {  	v5 =	vadd.s32 v63, v12;
	v26 =	vld [tilespmem:$0x1FFA0]  }
0x507: {  	v1 =	vadd.s32 v37, v12;
	v51 =	vld [tilespmem:$0x1FDC0]  }
0x508: {  	v0 =	vadd.s32 v52, v12;
	v3 =	vld.idx.msk [tilespmem:v3+s20+$0x0], $0xffff  }
0x509: {  	v2 =	vld.idx.msk [tilespmem:v2+s20+$0x0], $0xffff  }
0x50a: {  	v4 =	vld.idx.msk [tilespmem:v4+s20+$0x0], $0xffff  }
0x50b: {  	v5 =	vld.idx.msk [tilespmem:v5+s20+$0x0], $0xffff  }
0x50c: {  	v1 =	vld.idx.msk [tilespmem:v1+s20+$0x0], $0xffff;
	v6 =	vadd.s32 v50, v12  }
0x50d: {  	v0 =	vld.idx.msk [tilespmem:v0+s20+$0x0], $0xffff;
	v7 =	vadd.s32 v26, v12;
	[tilespmem:s3+$0xFFFFFE00] =	vst v3  }
0x50e: {  	v8 =	vadd.s32 v51, v12;
	v27 =	vld [tilespmem:$0x1FFE0];
	[tilespmem:s3+$0xFFFFFF00] =	vst v2  }
0x50f: {  	v14 =	vld [tilespmem:$0x1FD70]  }
0x510: {  	v56 =	vld [tilespmem:$0x1FFB0]  }
0x511: {  	v9 =	vadd.s32 v44, v12;
	v6 =	vld.idx.msk [tilespmem:v6+s20+$0x0], $0xffff  }
0x512: {  	v7 =	vld.idx.msk [tilespmem:v7+s20+$0x0], $0xffff  }
0x513: {  	v10 =	vadd.s32 v54, v12;
	[tilespmem:s3+$0xFFFFFF80] =	vst v1;
	v8 =	vld.idx.msk [tilespmem:v8+s20+$0x0], $0xffff  }
0x514: {  	v13 =	vld [tilespmem:$0x1FD20];
	[tilespmem:s3+$0x0] =	vst v0  }
0x515: {  	v35 =	vld [tilespmem:$0x1FF30];
	[tilespmem:s3+$0x80] =	vst v5  }
0x516: {  	v9 =	vld.idx.msk [tilespmem:v9+s20+$0x0], $0xffff;
	[tilespmem:s3+$0xFFFFFE80] =	vst v4;
	v3 =	vadd.s32 v27, v12  }
0x517: {  	[tilespmem:s3+$0x180] =	vst v7  }
0x518: {  	v10 =	vld.idx.msk [tilespmem:v10+s20+$0x0], $0xffff;
	v4 =	vadd.s32 v45, v12;
	[tilespmem:s3+$0x100] =	vst v6  }
0x519: {  	v2 =	vadd.s32 v14, v12;
	v16 =	vld [tilespmem:$0x1FD80];
	[tilespmem:s3+$0xFFFFFF10] =	vst v8  }
0x51a: {  	v11 =	vadd.s32 v56, v12;
	v59 =	vld [tilespmem:$0x1FFC0]  }
0x51b: {  	[tilespmem:s3+$0xFFFFFF90] =	vst v9;
	v3 =	vld.idx.msk [tilespmem:v3+s20+$0x0], $0xffff  }
0x51c: {  	v5 =	vadd.s32 v57, v12;
	v15 =	vld [tilespmem:$0x1FDD0]  }
0x51d: {  	v1 =	vadd.s32 v13, v12;
	v4 =	vld.idx.msk [tilespmem:v4+s20+$0x0], $0xffff  }
0x51e: {  	v0 =	vadd.s32 v35, v12;
	v2 =	vld.idx.msk [tilespmem:v2+s20+$0x0], $0xffff  }
0x51f: {  	[tilespmem:s3+$0x10] =	vst v10;
	v6 =	vld.idx.msk [tilespmem:v11+s20+$0x0], $0xffff  }
0x520: {  	v7 =	vadd.s32 v21, v12;
	v18 =	vld [tilespmem:$0x1FE20]  }
0x521: {  	v5 =	vld.idx.msk [tilespmem:v5+s20+$0x0], $0xffff  }
0x522: {  	v1 =	vld.idx.msk [tilespmem:v1+s20+$0x0], $0xffff;
	v11 =	vadd.s32 v16, v12  }
0x523: {  	v0 =	vld.idx.msk [tilespmem:v0+s20+$0x0], $0xffff;
	[tilespmem:s3+$0x90] =	vst v3  }
0x524: {  	v8 =	vadd.s32 v59, v12;
	v38 =	vld [tilespmem:$0x1FF40]  }
0x525: {  	[tilespmem:s3+$0xFFFFFE90] =	vst v2;
	v2 =	vld.idx.msk [tilespmem:v7+s20+$0x0], $0xffff  }
0x526: {  	v9 =	vadd.s32 v15, v12;
	v36 =	vld [tilespmem:$0x1FEC0]  }
0x527: {  	[tilespmem:s3+$0x190] =	vst v6;
	v11 =	vld.idx.msk [tilespmem:v11+s20+$0x0], $0xffff  }
0x528: {  	v10 =	vadd.s32 v18, v12;
	v25 =	vld [tilespmem:$0x1FD30]  }
0x529: {  	[tilespmem:s3+$0xFFFFFE10] =	vst v1;
	v1 =	vld.idx.msk [tilespmem:v8+s20+$0x0], $0xffff  }
0x52a: {  	v60 =	vld [tilespmem:$0x1FFD0]  }
0x52b: {  	[tilespmem:s3+$0xFFFFFFA0] =	vst v4;
	v9 =	vld.idx.msk [tilespmem:v9+s20+$0x0], $0xffff  }
0x52c: {  	v19 =	vld [tilespmem:$0x1FE60]  }
0x52d: {  	[tilespmem:s3+$0x110] =	vst v0;
	v3 =	vadd.s32 v38, v12;
	v0 =	vld.idx.msk [tilespmem:v10+s20+$0x0], $0xffff  }
0x52e: {  	v10 =	vld [tilespmem:$0x1FDE0];
	[tilespmem:s3+$0xA0] =	vst v2  }
0x52f: {  	v7 =	vadd.s32 v36, v12;
	v42 =	vld [tilespmem:$0x1FF50];
	[tilespmem:s3+$0x20] =	vst v5  }
0x530: {  	v6 =	vadd.s32 v25, v12;
	[tilespmem:s3+$0x1A0] =	vst v1  }
0x531: {  	v8 =	vadd.s32 v60, v12;
	v55 =	vld [tilespmem:$0x1FED0];
	[tilespmem:s3+$0xFFFFFEA0] =	vst v11  }
0x532: {  	v4 =	vadd.s32 v19, v12;
	[tilespmem:s3+$0xFFFFFF20] =	vst v9;
	v2 =	vld.idx.msk [tilespmem:v3+s20+$0x0], $0xffff  }
0x533: {  	v11 =	vadd.s32 v30, v12;
	v17 =	vld [tilespmem:$0x1FD40]  }
0x534: {  	v10 =	vadd.s32 v10, v12;
	v5 =	vld.idx.msk [tilespmem:v7+s20+$0x0], $0xffff  }
0x535: {  	v6 =	vld.idx.msk [tilespmem:v6+s20+$0x0], $0xffff  }
0x536: {  	v3 =	vadd.s32 v42, v12;
	v8 =	vld.idx.msk [tilespmem:v8+s20+$0x0], $0xffff  }
0x537: {  	v4 =	vld.idx.msk [tilespmem:v4+s20+$0x0], $0xffff  }
0x538: {  	v1 =	vadd.s32 v55, v12;
	v11 =	vld.idx.msk [tilespmem:v11+s20+$0x0], $0xffff  }
0x539: {  	v10 =	vld.idx.msk [tilespmem:v10+s20+$0x0], $0xffff;
	[tilespmem:s3+$0x120] =	vst v2  }
0x53a: {  	v32 =	vld [tilespmem:$0x1FCE0];
	[tilespmem:s3+$0xB0] =	vst v5  }
0x53b: {  	v7 =	vadd.s32 v46, v12;
	v3 =	vld.idx.msk [tilespmem:v3+s20+$0x0], $0xffff;
	[tilespmem:s3+$0xFFFFFFB0] =	vst v0  }
0x53c: {  	v43 =	vld [tilespmem:$0x1FF60]  }
0x53d: {  	v9 =	vadd.s32 v17, v12;
	[tilespmem:s3+$0xFFFFFE20] =	vst v6;
	v0 =	vld.idx.msk [tilespmem:v1+s20+$0x0], $0xffff  }
0x53e: {  	v53 =	vld [tilespmem:$0x1FEF0]  }
0x53f: {  	v31 =	vld [tilespmem:$0x1FFF0];
	[tilespmem:s3+$0x1B0] =	vst v8;
	v2 =	vadd.s32 v32, v12  }
0x540: {  	v5 =	vld.idx.msk [tilespmem:v7+s20+$0x0], $0xffff;
	[tilespmem:s3+$0x30] =	vst v4  }
0x541: {  	v4 =	vld [tilespmem:$0x1FE30];
	[tilespmem:s3+$0x130] =	vst v3;
	v1 =	vadd.s32 v43, v12  }
0x542: {  	v8 =	vld.idx.msk [tilespmem:v9+s20+$0x0], $0xffff;
	[tilespmem:s3+$0xC0] =	vst v0  }
0x543: {  	v6 =	vadd.s32 v53, v12;
	v41 =	vld [tilespmem:$0x1FCF0]  }
0x544: {  	v7 =	vadd.s32 v31, v12;
	[tilespmem:s3+$0xFFFFFF30] =	vst v10;
	v2 =	vld.idx.msk [tilespmem:v2+s20+$0x0], $0xffff  }
0x545: {  	v9 =	vadd.s32 v39, v12;
	v47 =	vld [tilespmem:$0x1FF70]  }
0x546: {  	v4 =	vadd.s32 v4, v12;
	[tilespmem:s3+$0xFFFFFFC0] =	vst v5;
	v0 =	vld.idx.msk [tilespmem:v1+s20+$0x0], $0xffff  }
0x547: {  	v24 =	vld [tilespmem:$0x1FF00]  }
0x548: {  	v3 =	vld.idx.msk [tilespmem:v6+s20+$0x0], $0xffff  }
0x549: {  	[tilespmem:s3+$0xFFFFFE30] =	vst v8;
	v5 =	vld.idx.msk [tilespmem:v7+s20+$0x0], $0xffff;
	v1 =	vadd.s32 v41, v12  }
0x54a: {  	v9 =	vld.idx.msk [tilespmem:v9+s20+$0x0], $0xffff;
	v6 =	vadd.s32 v47, v12  }
0x54b: {  	v4 =	vld.idx.msk [tilespmem:v4+s20+$0x0], $0xffff;
	[tilespmem:s3+$0x1C0] =	vst v2  }
0x54c: {  	v7 =	vadd.s32 v24, v12;
	v2 =	vld [tilespmem:$0x1FE40];
	[tilespmem:s3+$0x140] =	vst v0  }
0x54d: {  	v8 =	vadd.s32 v58, v12;
	v0 =	vld [tilespmem:$0x1FD90]  }
0x54e: {  	v1 =	vld.idx.msk [tilespmem:v1+s20+$0x0], $0xffff  }
0x54f: {  	[tilespmem:s3+$0xD0] =	vst v3;
	v3 =	vld.idx.msk [tilespmem:v6+s20+$0x0], $0xffff  }
0x550: {  	v10 =	vadd.s32 v23, v12;
	v6 =	vld [tilespmem:$0x1FDF0]  }
0x551: {  	[tilespmem:s3+$0x40] =	vst v5;
	v5 =	vld.idx.msk [tilespmem:v7+s20+$0x0], $0xffff  }
0x552: {  	[tilespmem:s3+$0xFFFFFFD0] =	vst v4;
	v2 =	vadd.s32 v2, v12;
	v4 =	vld.idx.msk [tilespmem:v8+s20+$0x0], $0xffff  }
0x553: {  	v48 =	vld [tilespmem:$0x1FF80];
	[tilespmem:s3+$0xFFFFFE40] =	vst v9  }
0x554: {  	v28 =	vld [tilespmem:$0x1FF10]  }
0x555: {  	v0 =	vadd.s32 v0, v12;
	[tilespmem:s3+$0xFFFFFEB0] =	vst v11;
	v9 =	vld.idx.msk [tilespmem:v10+s20+$0x0], $0xffff  }
0x556: {  	v20 =	vld [tilespmem:$0x1FE50];
	[tilespmem:s3+$0x1D0] =	vst v1  }
0x557: {  	v6 =	vadd.s32 v6, v12;
	[tilespmem:s3+$0x150] =	vst v3;
	v2 =	vld.idx.msk [tilespmem:v2+s20+$0x0], $0xffff  }
0x558: {  	v7 =	vadd.s32 v48, v12;
	v3 =	vld [tilespmem:$0x1FD50];
	[tilespmem:s3+$0xE0] =	vst v5  }
0x559: {  	s15 =	simm.s32 $0x8;
	v8 =	vadd.s32 v28, v12;
	v5 =	vld [tilespmem:$0x1FDA0]  }
0x55a: {  	v1 =	vmov s15;
	v0 =	vld.idx.msk [tilespmem:v0+s20+$0x0], $0xffff;
	[tilespmem:s3+$0x50] =	vst v4  }
0x55b: {  	v10 =	vadd.s32 v62, v12;
	v1 =	vshrl.u32 v1, $0x3;
	v4 =	vld [tilespmem:$0x1FE00]  }
0x55c: {  	v1 =	vshll.u32 v1, $0x3;
	v11 =	vadd.s32 v20, v12;
	v6 =	vld.idx.msk [tilespmem:v6+s20+$0x0], $0xffff  }
0x55d: {  	v1 =	vbroadcast v1, $0x0;
	v3 =	vadd.s32 v3, v12;
	v7 =	vld.idx.msk [tilespmem:v7+s20+$0x0], $0xffff  }
0x55e: {  	[tilespmem:s3+$0xFFFFFFE0] =	vst v2;
	v5 =	vadd.s32 v5, v12;
	v8 =	vld.idx.msk [tilespmem:v8+s20+$0x0], $0xffff  }
0x55f: {  	v49 =	vld [tilespmem:$0x1FF90];
	[tilespmem:s3+$0xFFFFFE50] =	vst v9;
	v9 =	vadd.s32 v22, v1  }
0x560: {  	v2 =	vld.idx.msk [tilespmem:v10+s20+$0x0], $0xffff  }
0x561: {  	[tilespmem:s3+$0xFFFFFEC0] =	vst v0;
	v0 =	vadd.s32 v29, v1;
	v11 =	vld.idx.msk [tilespmem:v11+s20+$0x0], $0xffff  }
0x562: {  	v4 =	vadd.s32 v4, v12;
	[tilespmem:s3+$0xFFFFFF40] =	vst v6;
	v3 =	vld.idx.msk [tilespmem:v3+s20+$0x0], $0xffff  }
0x563: {  	[tilespmem:s3+$0x160] =	vst v7;
	v5 =	vld.idx.msk [tilespmem:v5+s20+$0x0], $0xffff  }
0x564: {  	[tilespmem:s3+$0xF0] =	vst v8;
	v9 =	vld.idx.msk [tilespmem:v9+s20+$0x0], $0xffff  }
0x565: {  	v10 =	vadd.s32 v49, v12;
	v8 =	vld [tilespmem:$0x1FDB0]  }
0x566: {  	v7 =	vadd.s32 v34, v1;
	v0 =	vld.idx.msk [tilespmem:v0+s20+$0x0], $0xffff  }
0x567: {  	v6 =	vadd.s32 v61, v12;
	v4 =	vld.idx.msk [tilespmem:v4+s20+$0x0], $0xffff;
	[tilespmem:s3+$0x60] =	vst v2  }
0x568: {  	v2 =	vld [tilespmem:$0x1FE10];
	[tilespmem:s3+$0xFFFFFFF0] =	vst v11;
	v11 =	vadd.s32 v37, v1  }
0x569: {  	[tilespmem:s3+$0xFFFFFE60] =	vst v3;
	v3 =	vadd.s32 v52, v1  }
0x56a: {  	s0 =	simm.s32 $0x12F80;
	v10 =	vld.idx.msk [tilespmem:v10+s20+$0x0], $0xffff;
	[tilespmem:s3+$0xFFFFFED0] =	vst v5;
	v8 =	vadd.s32 v8, v12  }
0x56b: {  	v7 =	vld.idx.msk [tilespmem:v7+s20+$0x0], $0xffff;
	v5 =	vadd.s32 v63, v1;
	[tilespmem:s0+$0xFFFFFE00] =	vst v9  }
0x56c: {  	v6 =	vld.idx.msk [tilespmem:v6+s20+$0x0], $0xffff;
	[tilespmem:s0+$0xFFFFFE80] =	vst v0;
	v0 =	vadd.s32 v51, v1  }
0x56d: {  	[tilespmem:s3+$0xFFFFFF50] =	vst v4;
	v4 =	vadd.s32 v50, v1;
	v9 =	vld.idx.msk [tilespmem:v11+s20+$0x0], $0xffff  }
0x56e: {  	v2 =	vadd.s32 v2, v12;
	v3 =	vld.idx.msk [tilespmem:v3+s20+$0x0], $0xffff  }
0x56f: {  	[tilespmem:s3+$0x170] =	vst v10;
	v10 =	vadd.s32 v26, v1;
	v8 =	vld.idx.msk [tilespmem:v8+s20+$0x0], $0xffff  }
0x570: {  	v11 =	vadd.s32 v33, v12;
	[tilespmem:s0+$0xFFFFFF00] =	vst v7;
	v5 =	vld.idx.msk [tilespmem:v5+s20+$0x0], $0xffff  }
0x571: {  	[tilespmem:s3+$0x70] =	vst v6;
	v6 =	vadd.s32 v44, v1;
	v0 =	vld.idx.msk [tilespmem:v0+s20+$0x0], $0xffff  }
0x572: {  	v7 =	vadd.s32 v54, v1;
	v4 =	vld.idx.msk [tilespmem:v4+s20+$0x0], $0xffff;
	[tilespmem:s0+$0xFFFFFF80] =	vst v9  }
0x573: {  	v2 =	vld.idx.msk [tilespmem:v2+s20+$0x0], $0xffff;
	[tilespmem:s0+$0x0] =	vst v3;
	v3 =	vadd.s32 v13, v1  }
0x574: {  	v10 =	vld.idx.msk [tilespmem:v10+s20+$0x0], $0xffff;
	[tilespmem:s3+$0xFFFFFEE0] =	vst v8;
	v8 =	vadd.s32 v27, v1  }
0x575: {  	[tilespmem:s0+$0x80] =	vst v5;
	v5 =	vadd.s32 v35, v1;
	v11 =	vld.idx.msk [tilespmem:v11+s20+$0x0], $0xffff  }
0x576: {  	v9 =	vadd.s32 v56, v1;
	v6 =	vld.idx.msk [tilespmem:v6+s20+$0x0], $0xffff;
	[tilespmem:s0+$0xFFFFFF10] =	vst v0  }
0x577: {  	v7 =	vld.idx.msk [tilespmem:v7+s20+$0x0], $0xffff;
	[tilespmem:s0+$0x100] =	vst v4;
	v4 =	vadd.s32 v45, v1  }
0x578: {  	[tilespmem:s3+$0xFFFFFF60] =	vst v2;
	v2 =	vadd.s32 v14, v1;
	v3 =	vld.idx.msk [tilespmem:v3+s20+$0x0], $0xffff  }
0x579: {  	[tilespmem:s0+$0x180] =	vst v10;
	v10 =	vadd.s32 v57, v1;
	v8 =	vld.idx.msk [tilespmem:v8+s20+$0x0], $0xffff  }
0x57a: {  	v5 =	vld.idx.msk [tilespmem:v5+s20+$0x0], $0xffff;
	[tilespmem:s3+$0xFFFFFEF0] =	vst v11;
	v11 =	vadd.s32 v21, v1  }
0x57b: {  	[tilespmem:s0+$0xFFFFFF90] =	vst v6;
	v9 =	vld.idx.msk [tilespmem:v9+s20+$0x0], $0xffff  }
0x57c: {  	[tilespmem:s0+$0x10] =	vst v7;
	v4 =	vld.idx.msk [tilespmem:v4+s20+$0x0], $0xffff  }
0x57d: {  	v2 =	vld.idx.msk [tilespmem:v2+s20+$0x0], $0xffff;
	[tilespmem:s0+$0xFFFFFE10] =	vst v3  }
0x57e: {  	v10 =	vld.idx.msk [tilespmem:v10+s20+$0x0], $0xffff;
	[tilespmem:s0+$0x90] =	vst v8  }
0x57f: {  	v0 =	vadd.s32 v16, v1;
	[tilespmem:s0+$0x110] =	vst v5;
	v11 =	vld.idx.msk [tilespmem:v11+s20+$0x0], $0xffff  }
0x580: {  	[tilespmem:s0+$0x190] =	vst v9  }
0x581: {  	v6 =	vadd.s32 v59, v1;
	[tilespmem:s0+$0xFFFFFFA0] =	vst v4  }
0x582: {  	v7 =	vadd.s32 v15, v1;
	[tilespmem:s0+$0xFFFFFE90] =	vst v2  }
0x583: {  	v5 =	vadd.s32 v25, v1;
	[tilespmem:s0+$0x20] =	vst v10  }
0x584: {  	v8 =	vadd.s32 v40, v12;
	v0 =	vld.idx.msk [tilespmem:v0+s20+$0x0], $0xffff;
	[tilespmem:s0+$0xA0] =	vst v11  }
0x585: {  	v2 =	vadd.s32 v18, v1;
	v11 =	vld [tilespmem:$0x1FDE0]  }
0x586: {  	v9 =	vadd.s32 v38, v1;
	v6 =	vld.idx.msk [tilespmem:v6+s20+$0x0], $0xffff  }
0x587: {  	v3 =	vadd.s32 v36, v1;
	v7 =	vld.idx.msk [tilespmem:v7+s20+$0x0], $0xffff  }
0x588: {  	v4 =	vadd.s32 v60, v1;
	v5 =	vld.idx.msk [tilespmem:v5+s20+$0x0], $0xffff  }
0x589: {  	v10 =	vadd.s32 v19, v1;
	v8 =	vld.idx.msk [tilespmem:v8+s20+$0x0], $0xffff  }
0x58a: {  	v2 =	vld.idx.msk [tilespmem:v2+s20+$0x0], $0xffff;
	[tilespmem:s0+$0xFFFFFEA0] =	vst v0;
	v11 =	vadd.s32 v11, v1  }
0x58b: {  	v9 =	vld.idx.msk [tilespmem:v9+s20+$0x0], $0xffff;
	v0 =	vadd.s32 v46, v1;
	[tilespmem:s0+$0x1A0] =	vst v6  }
0x58c: {  	v3 =	vld.idx.msk [tilespmem:v3+s20+$0x0], $0xffff;
	v6 =	vadd.s32 v42, v1;
	[tilespmem:s0+$0xFFFFFF20] =	vst v7  }
0x58d: {  	v4 =	vld.idx.msk [tilespmem:v4+s20+$0x0], $0xffff;
	[tilespmem:s0+$0xFFFFFE20] =	vst v5  }
0x58e: {  	v7 =	vadd.s32 v55, v1;
	v10 =	vld.idx.msk [tilespmem:v10+s20+$0x0], $0xffff;
	[tilespmem:s3+$0xFFFFFF70] =	vst v8  }
0x58f: {  	v8 =	vadd.s32 v30, v1;
	[tilespmem:s0+$0xFFFFFFB0] =	vst v2;
	v11 =	vld.idx.msk [tilespmem:v11+s20+$0x0], $0xffff  }
0x590: {  	[tilespmem:s0+$0x120] =	vst v9;
	v0 =	vld.idx.msk [tilespmem:v0+s20+$0x0], $0xffff  }
0x591: {  	[tilespmem:s0+$0xB0] =	vst v3;
	v6 =	vld.idx.msk [tilespmem:v6+s20+$0x0], $0xffff  }
0x592: {  	v51 =	vld [tilespmem:$0x1FD00];
	[tilespmem:s0+$0x1B0] =	vst v4  }
0x593: {  	v9 =	vadd.s32 v32, v1;
	v5 =	vld.idx.msk [tilespmem:v7+s20+$0x0], $0xffff;
	[tilespmem:s0+$0x30] =	vst v10  }
0x594: {  	v2 =	vadd.s32 v17, v1;
	v8 =	vld.idx.msk [tilespmem:v8+s20+$0x0], $0xffff;
	[tilespmem:s0+$0xFFFFFF30] =	vst v11  }
0x595: {  	v11 =	vld [tilespmem:$0x1FE30];
	[tilespmem:s0+$0xFFFFFFC0] =	vst v0  }
0x596: {  	v3 =	vadd.s32 v31, v1;
	[tilespmem:s0+$0x130] =	vst v6  }
0x597: {  	v7 =	vadd.s32 v51, v12;
	v6 =	vld [tilespmem:$0x1FD60]  }
0x598: {  	v4 =	vadd.s32 v43, v1;
	v9 =	vld.idx.msk [tilespmem:v9+s20+$0x0], $0xffff;
	[tilespmem:s0+$0xC0] =	vst v5  }
0x599: {  	v10 =	vadd.s32 v53, v1;
	v2 =	vld.idx.msk [tilespmem:v2+s20+$0x0], $0xffff;
	[tilespmem:s0+$0xFFFFFEB0] =	vst v8  }
0x59a: {  	v0 =	vadd.s32 v39, v1;
	v25 =	vld [tilespmem:$0x1FD10]  }
0x59b: {  	v3 =	vld.idx.msk [tilespmem:v3+s20+$0x0], $0xffff;
	v11 =	vadd.s32 v11, v1  }
0x59c: {  	v7 =	vld.idx.msk [tilespmem:v7+s20+$0x0], $0xffff;
	v6 =	vadd.s32 v6, v12  }
0x59d: {  	v4 =	vld.idx.msk [tilespmem:v4+s20+$0x0], $0xffff  }
0x59e: {  	v10 =	vld.idx.msk [tilespmem:v10+s20+$0x0], $0xffff;
	[tilespmem:s0+$0xFFFFFE30] =	vst v2  }
0x59f: {  	v8 =	vadd.s32 v25, v12;
	v12 =	vld.idx.msk [tilespmem:v0+s20+$0x0], $0xffff  }
0x5a0: {  	v5 =	vadd.s32 v41, v1;
	[tilespmem:s0+$0x1C0] =	vst v9;
	v2 =	vld.idx.msk [tilespmem:v11+s20+$0x0], $0xffff  }
0x5a1: {  	[tilespmem:s0+$0x40] =	vst v3;
	v9 =	vld.idx.msk [tilespmem:v6+s20+$0x0], $0xffff  }
0x5a2: {  	v3 =	vadd.s32 v58, v1;
	v6 =	vld [tilespmem:$0x1FE40];
	[tilespmem:s3+$0x1E0] =	vst v7  }
0x5a3: {  	[tilespmem:s0+$0x140] =	vst v4  }
0x5a4: {  	[tilespmem:s0+$0xD0] =	vst v10  }
0x5a5: {  	v14 =	vld.idx.msk [tilespmem:v5+s20+$0x0], $0xffff;
	v11 =	vadd.s32 v47, v1;
	[tilespmem:s0+$0xFFFFFFD0] =	vst v2  }
0x5a6: {  	v0 =	vadd.s32 v24, v1;
	v4 =	vld [tilespmem:$0x1FDF0]  }
0x5a7: {  	v5 =	vadd.s32 v23, v1;
	v13 =	vadd.s32 v6, v1;
	[tilespmem:s0+$0xFFFFFE40] =	vst v12;
	v6 =	vld.idx.msk [tilespmem:v3+s20+$0x0], $0xffff  }
0x5a8: {  	v3 =	vld [tilespmem:$0x1FD90]  }
0x5a9: {  	v8 =	vld.idx.msk [tilespmem:v8+s20+$0x0], $0xffff  }
0x5aa: {  	v7 =	vld.idx.msk [tilespmem:v11+s20+$0x0], $0xffff  }
0x5ab: {  	v10 =	vadd.s32 v48, v1;
	v2 =	vld.idx.msk [tilespmem:v0+s20+$0x0], $0xffff;
	v0 =	vadd.s32 v20, v1  }
0x5ac: {  	v11 =	vadd.s32 v62, v1;
	[tilespmem:s3+$0xFFFFFE70] =	vst v9;
	v9 =	vadd.s32 v28, v1;
	v5 =	vld.idx.msk [tilespmem:v5+s20+$0x0], $0xffff  }
0x5ad: {  	s9 =	simm.s32 $0x10;
	[tilespmem:s0+$0x1D0] =	vst v14;
	v4 =	vadd.s32 v4, v1;
	v12 =	vadd.s32 v3, v1;
	v3 =	vld.idx.msk [tilespmem:v13+s20+$0x0], $0xffff  }
.LBB2_17:
0x5ae: {  	_ =	sdelay $0x3  }
0x5af: {  	v12 =	vld.idx.msk [tilespmem:v12+s20+$0x0], $0xffff  }
0x5b0: {  	v4 =	vld.idx.msk [tilespmem:v4+s20+$0x0], $0xffff  }
0x5b1: {  	v17 =	vld [tilespmem:$0x1FDB0]  }
0x5b2: {  	v18 =	vld [tilespmem:$0x1FE10];
	[tilespmem:s3+$0x1F0] =	vst v8  }
0x5b3: {  	v13 =	vmov s9;
	v20 =	vld [tilespmem:$0x1FD70];
	[tilespmem:s0+$0x150] =	vst v7  }
0x5b4: {  	v8 =	vshrl.u32 v13, $0x3;
	v13 =	vld [tilespmem:$0x1FD50];
	[tilespmem:s0+$0xE0] =	vst v2  }
0x5b5: {  	[tilespmem:s0+$0x50] =	vst v6;
	v10 =	vld.idx.msk [tilespmem:v10+s20+$0x0], $0xffff  }
0x5b6: {  	[tilespmem:s0+$0xFFFFFFE0] =	vst v3;
	v7 =	vshll.u32 v8, $0x3;
	v6 =	vld.idx.msk [tilespmem:v9+s20+$0x0], $0xffff  }
0x5b7: {  	[tilespmem:s0+$0xFFFFFE50] =	vst v5;
	v9 =	vld.idx.msk [tilespmem:v11+s20+$0x0], $0xffff;
	v11 =	vadd.s32 v49, v1;
	v2 =	vbroadcast v7, $0x0  }
0x5b8: {  	v8 =	vld [tilespmem:$0x1FDA0];
	[tilespmem:s0+$0xFFFFFF40] =	vst v4;
	v4 =	vadd.s32 v61, v1  }
0x5b9: {  	v5 =	vld.idx.msk [tilespmem:v0+s20+$0x0], $0xffff;
	[tilespmem:s0+$0xFFFFFEC0] =	vst v12;
	v14 =	vadd.s32 v22, v2  }
0x5ba: {  	v7 =	vld [tilespmem:$0x1FE00];
	v15 =	vadd.s32 v29, v2;
	[tilespmem:s0+$0x160] =	vst v10  }
0x5bb: {  	v0 =	vld [tilespmem:$0x1FE50];
	v12 =	vadd.s32 v34, v2;
	[tilespmem:s0+$0xF0] =	vst v6  }
0x5bc: {  	v13 =	vadd.s32 v13, v1;
	[tilespmem:s0+$0x60] =	vst v9;
	v6 =	vld.idx.msk [tilespmem:v11+s20+$0x0], $0xffff  }
0x5bd: {  	v8 =	vadd.s32 v8, v1;
	v4 =	vld.idx.msk [tilespmem:v4+s20+$0x0], $0xffff  }
0x5be: {  	[tilespmem:s0+$0xFFFFFFF0] =	vst v5;
	v5 =	vadd.s32 v26, v2;
	v11 =	vld.idx.msk [tilespmem:v14+s20+$0x0], $0xffff  }
0x5bf: {  	v7 =	vadd.s32 v7, v1;
	v9 =	vld.idx.msk [tilespmem:v15+s20+$0x0], $0xffff  }
0x5c0: {  	v16 =	vadd.s32 v37, v2;
	v12 =	vld.idx.msk [tilespmem:v12+s20+$0x0], $0xffff  }
0x5c1: {  	v14 =	vadd.s32 v63, v2;
	v13 =	vld.idx.msk [tilespmem:v13+s20+$0x0], $0xffff  }
0x5c2: {  	v8 =	vld.idx.msk [tilespmem:v8+s20+$0x0], $0xffff  }
0x5c3: {  	v5 =	vld.idx.msk [tilespmem:v5+s20+$0x0], $0xffff  }
0x5c4: {  	s3 =	smov.u32 s0;
	v17 =	vadd.s32 v17, v1;
	v7 =	vld.idx.msk [tilespmem:v7+s20+$0x0], $0xffff  }
0x5c5: {  	v18 =	vadd.s32 v18, v1;
	[tilespmem:s3+$0x170] =	vst v6;
	v6 =	vld.idx.msk [tilespmem:v16+s20+$0x0], $0xffff  }
0x5c6: {  	v10 =	vadd.s32 v52, v2;
	v14 =	vld.idx.msk [tilespmem:v14+s20+$0x0], $0xffff  }
0x5c7: {  	v15 =	vadd.s32 v50, v2;
	[tilespmem:s0+$0xFFFFFE60] =	vst v13;
	v13 =	vld [tilespmem:$0x1FD20]  }
0x5c8: {  	[tilespmem:s0+$0xFFFFFED0] =	vst v8;
	v8 =	vld [tilespmem:$0x1FDC0]  }
0x5c9: {  	v17 =	vld.idx.msk [tilespmem:v17+s20+$0x0], $0xffff;
	[tilespmem:s0+$0xFFFFFF50] =	vst v7;
	s0 =	sadd.s32 $0x400, s0  }
0x5ca: {  	v7 =	vadd.s32 v44, v2;
	v18 =	vld.idx.msk [tilespmem:v18+s20+$0x0], $0xffff;
	[tilespmem:s0+$0xFFFFFE80] =	vst v9  }
0x5cb: {  	v16 =	vadd.s32 v33, v1;
	v9 =	vld.idx.msk [tilespmem:v10+s20+$0x0], $0xffff;
	[tilespmem:s3+$0x70] =	vst v4  }
0x5cc: {  	v10 =	vadd.s32 v27, v2;
	[tilespmem:s0+$0xFFFFFF00] =	vst v12;
	v4 =	vld.idx.msk [tilespmem:v15+s20+$0x0], $0xffff  }
0x5cd: {  	v20 =	vadd.s32 v20, v2;
	v15 =	vld [tilespmem:$0x1FD30];
	[tilespmem:s0+$0xFFFFFF80] =	vst v6  }
0x5ce: {  	v12 =	vadd.s32 v56, v2;
	[tilespmem:s3+$0xFFFFFEE0] =	vst v17;
	v17 =	vld [tilespmem:$0x1FDD0]  }
0x5cf: {  	[tilespmem:s0+$0xFFFFFE00] =	vst v11;
	v11 =	vadd.s32 v54, v2;
	v7 =	vld.idx.msk [tilespmem:v7+s20+$0x0], $0xffff  }
0x5d0: {  	v19 =	vadd.s32 v35, v2;
	[tilespmem:s0+$0x80] =	vst v14;
	v16 =	vld.idx.msk [tilespmem:v16+s20+$0x0], $0xffff  }
0x5d1: {  	[tilespmem:s0+$0x180] =	vst v5;
	v13 =	vadd.s32 v13, v2;
	v10 =	vld.idx.msk [tilespmem:v10+s20+$0x0], $0xffff  }
0x5d2: {  	v8 =	vadd.s32 v8, v2;
	[tilespmem:s0+$0x100] =	vst v4;
	v4 =	vld.idx.msk [tilespmem:v20+s20+$0x0], $0xffff  }
0x5d3: {  	[tilespmem:s0+$0x0] =	vst v9;
	v12 =	vld.idx.msk [tilespmem:v12+s20+$0x0], $0xffff  }
0x5d4: {  	v11 =	vld.idx.msk [tilespmem:v11+s20+$0x0], $0xffff  }
0x5d5: {  	v6 =	vadd.s32 v45, v2;
	v19 =	vld.idx.msk [tilespmem:v19+s20+$0x0], $0xffff  }
0x5d6: {  	[tilespmem:s3+$0xFFFFFF60] =	vst v18;
	v13 =	vld.idx.msk [tilespmem:v13+s20+$0x0], $0xffff  }
0x5d7: {  	v8 =	vld.idx.msk [tilespmem:v8+s20+$0x0], $0xffff  }
0x5d8: {  	v14 =	vadd.s32 v21, v2;
	[tilespmem:s0+$0xFFFFFF90] =	vst v7;
	v7 =	vld [tilespmem:$0x1FE20]  }
0x5d9: {  	v5 =	vadd.s32 v59, v2;
	[tilespmem:s3+$0xFFFFFEF0] =	vst v16;
	v16 =	vld [tilespmem:$0x1FD80]  }
0x5da: {  	v9 =	vadd.s32 v57, v2;
	v6 =	vld.idx.msk [tilespmem:v6+s20+$0x0], $0xffff;
	[tilespmem:s0+$0x90] =	vst v10  }
0x5db: {  	[tilespmem:s0+$0xFFFFFE90] =	vst v4;
	v4 =	vld [tilespmem:$0x1FDF0]  }
0x5dc: {  	v17 =	vadd.s32 v17, v2;
	[tilespmem:s0+$0x10] =	vst v11;
	v11 =	vld [tilespmem:$0x1FE60]  }
0x5dd: {  	v20 =	vadd.s32 v40, v1;
	[tilespmem:s0+$0x190] =	vst v12;
	v14 =	vld.idx.msk [tilespmem:v14+s20+$0x0], $0xffff  }
0x5de: {  	v15 =	vadd.s32 v15, v2;
	v5 =	vld.idx.msk [tilespmem:v5+s20+$0x0], $0xffff  }
0x5df: {  	v18 =	vadd.s32 v38, v2;
	[tilespmem:s0+$0x110] =	vst v19;
	v9 =	vld.idx.msk [tilespmem:v9+s20+$0x0], $0xffff  }
0x5e0: {  	v10 =	vadd.s32 v36, v2;
	[tilespmem:s0+$0xFFFFFF10] =	vst v8;
	v8 =	vld [tilespmem:$0x1FDE0]  }
0x5e1: {  	v12 =	vadd.s32 v60, v2;
	[tilespmem:s0+$0xFFFFFE10] =	vst v13;
	v17 =	vld.idx.msk [tilespmem:v17+s20+$0x0], $0xffff  }
0x5e2: {  	v7 =	vadd.s32 v7, v2;
	[tilespmem:s0+$0xFFFFFFA0] =	vst v6;
	v6 =	vld.idx.msk [tilespmem:v20+s20+$0x0], $0xffff  }
0x5e3: {  	v16 =	vadd.s32 v16, v2;
	[tilespmem:s0+$0xA0] =	vst v14;
	v14 =	vld.idx.msk [tilespmem:v15+s20+$0x0], $0xffff  }
0x5e4: {  	[tilespmem:s0+$0x20] =	vst v9;
	v9 =	vld.idx.msk [tilespmem:v18+s20+$0x0], $0xffff  }
0x5e5: {  	v11 =	vadd.s32 v11, v2;
	[tilespmem:s0+$0x1A0] =	vst v5;
	v10 =	vld.idx.msk [tilespmem:v10+s20+$0x0], $0xffff  }
0x5e6: {  	v12 =	vld.idx.msk [tilespmem:v12+s20+$0x0], $0xffff;
	v8 =	vadd.s32 v8, v2  }
0x5e7: {  	v21 =	vadd.s32 v42, v2;
	v7 =	vld.idx.msk [tilespmem:v7+s20+$0x0], $0xffff  }
0x5e8: {  	v5 =	vadd.s32 v55, v2;
	[tilespmem:s0+$0xFFFFFF20] =	vst v17;
	v16 =	vld.idx.msk [tilespmem:v16+s20+$0x0], $0xffff  }
0x5e9: {  	v3 =	vadd.s32 v46, v2;
	[tilespmem:s3+$0xFFFFFF70] =	vst v6;
	v6 =	vld [tilespmem:$0x1FD40]  }
0x5ea: {  	v13 =	vadd.s32 v30, v2;
	v11 =	vld.idx.msk [tilespmem:v11+s20+$0x0], $0xffff;
	[tilespmem:s0+$0xFFFFFE20] =	vst v14  }
0x5eb: {  	[tilespmem:s0+$0x120] =	vst v9;
	v8 =	vld.idx.msk [tilespmem:v8+s20+$0x0], $0xffff  }
0x5ec: {  	v14 =	vadd.s32 v51, v1;
	[tilespmem:s0+$0xB0] =	vst v10;
	v10 =	vld.idx.msk [tilespmem:v21+s20+$0x0], $0xffff  }
0x5ed: {  	v5 =	vld.idx.msk [tilespmem:v5+s20+$0x0], $0xffff;
	[tilespmem:s0+$0xFFFFFFB0] =	vst v7;
	v7 =	vadd.s32 v32, v2  }
0x5ee: {  	v9 =	vadd.s32 v31, v2;
	[tilespmem:s0+$0xFFFFFEA0] =	vst v16;
	v3 =	vld.idx.msk [tilespmem:v3+s20+$0x0], $0xffff  }
0x5ef: {  	[tilespmem:s0+$0x1B0] =	vst v12;
	v13 =	vld.idx.msk [tilespmem:v13+s20+$0x0], $0xffff  }
0x5f0: {  	v15 =	vadd.s32 v43, v2;
	[tilespmem:s0+$0xFFFFFF30] =	vst v8;
	v8 =	vld [tilespmem:$0x1FE30]  }
0x5f1: {  	v6 =	vadd.s32 v6, v2;
	[tilespmem:s0+$0x130] =	vst v10;
	v10 =	vld.idx.msk [tilespmem:v14+s20+$0x0], $0xffff  }
0x5f2: {  	[tilespmem:s0+$0x30] =	vst v11;
	v7 =	vld.idx.msk [tilespmem:v7+s20+$0x0], $0xffff  }
0x5f3: {  	v11 =	vadd.s32 v53, v2;
	[tilespmem:s0+$0xFFFFFFC0] =	vst v3;
	v3 =	vld.idx.msk [tilespmem:v9+s20+$0x0], $0xffff  }
0x5f4: {  	v9 =	vld [tilespmem:$0x1FD60]  }
0x5f5: {  	[tilespmem:s0+$0xC0] =	vst v5;
	v5 =	vld.idx.msk [tilespmem:v15+s20+$0x0], $0xffff  }
0x5f6: {  	v14 =	vadd.s32 v41, v2;
	v6 =	vld.idx.msk [tilespmem:v6+s20+$0x0], $0xffff  }
0x5f7: {  	v12 =	vadd.s32 v39, v2;
	v21 =	vld [tilespmem:$0x1FEE0]  }
0x5f8: {  	[tilespmem:s0+$0xFFFFFEB0] =	vst v13;
	v11 =	vld.idx.msk [tilespmem:v11+s20+$0x0], $0xffff;
	v8 =	vadd.s32 v8, v2  }
0x5f9: {  	[tilespmem:s0+$0x1C0] =	vst v7;
	v7 =	vld [tilespmem:$0x1FE40];
	v9 =	vadd.s32 v9, v1  }
0x5fa: {  	v13 =	vadd.s32 v25, v1;
	[tilespmem:s0+$0x140] =	vst v5;
	v5 =	vld [tilespmem:$0x1FD90];
	v1 =	vmov v2  }
0x5fb: {  	[tilespmem:s0+$0xFFFFFE30] =	vst v6;
	v14 =	vld.idx.msk [tilespmem:v14+s20+$0x0], $0xffff;
	v6 =	vadd.s32 v47, v1  }
0x5fc: {  	[tilespmem:s0+$0x40] =	vst v3;
	v15 =	vld.idx.msk [tilespmem:v12+s20+$0x0], $0xffff;
	v3 =	vadd.s32 v58, v1  }
0x5fd: {  	v0 =	vadd.s32 v0, v2;
	v4 =	vadd.s32 v4, v2;
	v16 =	vadd.s32 v24, v1;
	v2 =	vld.idx.msk [tilespmem:v8+s20+$0x0], $0xffff  }
0x5fe: {  	[tilespmem:s3+$0x1E0] =	vst v10;
	v17 =	vld.idx.msk [tilespmem:v9+s20+$0x0], $0xffff;
	v9 =	vadd.s32 v7, v1  }
0x5ff: {  	p0 =	slt.u32 s9, $0x38;
	v18 =	vadd.s32 v23, v1;
	v8 =	vld.idx.msk [tilespmem:v13+s20+$0x0], $0xffff  }
.Ltmp7:
0x600: {  	[tilespmem:s0+$0xD0] =	vst v11;
	v7 =	vld.idx.msk [tilespmem:v6+s20+$0x0], $0xffff;
	(pc) =	sbr.rel @p0 .LBB2_17-.Ltmp7, $4  }
0x601: {  	[tilespmem:s0+$0xFFFFFE40] =	vst v15;
	v6 =	vld.idx.msk [tilespmem:v3+s20+$0x0], $0xffff  }
0x602: {  	[tilespmem:s0+$0xFFFFFFD0] =	vst v2;
	v2 =	vld.idx.msk [tilespmem:v16+s20+$0x0], $0xffff  }
0x603: {  	v10 =	vadd.s32 v48, v1;
	v11 =	vadd.s32 v62, v1;
	v3 =	vld.idx.msk [tilespmem:v9+s20+$0x0], $0xffff;
	[tilespmem:s3+$0xFFFFFE70] =	vst v17  }
0x604: {  	s9 =	sadd.s32 $0x8, s9;
	v12 =	vadd.s32 v5, v1;
	[tilespmem:s0+$0x1D0] =	vst v14;
	v9 =	vadd.s32 v28, v1;
	v5 =	vld.idx.msk [tilespmem:v18+s20+$0x0], $0xffff  }
0x605: {  	_ =	sdelay $0x3  }
0x606: {  	v12 =	vld.idx.msk [tilespmem:v12+s20+$0x0], $0xffff  }
0x607: {  	v4 =	vld.idx.msk [tilespmem:v4+s20+$0x0], $0xffff  }
0x608: {  	v13 =	vld [tilespmem:$0x1FDA0]  }
0x609: {  	v14 =	vld [tilespmem:$0x1FE00];
	[tilespmem:s3+$0x1F0] =	vst v8  }
0x60a: {  	[tilespmem:s0+$0x150] =	vst v7  }
0x60b: {  	[tilespmem:s0+$0xE0] =	vst v2  }
0x60c: {  	[tilespmem:s0+$0xFFFFFEC0] =	vst v12  }
0x60d: {  	v9 =	vld.idx.msk [tilespmem:v9+s20+$0x0], $0xffff;
	v13 =	vadd.s32 v13, v1;
	[tilespmem:s0+$0xFFFFFF40] =	vst v4  }
0x60e: {  	v14 =	vadd.s32 v14, v1;
	v4 =	vld [tilespmem:$0x1FDB0];
	[tilespmem:s0+$0x50] =	vst v6  }
0x60f: {  	v6 =	vld [tilespmem:$0x1FE10]  }
0x610: {  	v32 =	vld [tilespmem:$0x1FD50]  }
0x611: {  	v41 =	vld.idx.msk [tilespmem:v11+s20+$0x0], $0xffff  }
0x612: {  	v12 =	vld.idx.msk [tilespmem:v13+s20+$0x0], $0xffff  }
0x613: {  	[tilespmem:s0+$0xFFFFFFE0] =	vst v3;
	v13 =	vld.idx.msk [tilespmem:v14+s20+$0x0], $0xffff  }
0x614: {  	v51 =	vadd.s32 v51, v1;
	[tilespmem:s0+$0xFFFFFE50] =	vst v5;
	v14 =	vld.idx.msk [tilespmem:v10+s20+$0x0], $0xffff  }
0x615: {  	[tilespmem:s0+$0xF0] =	vst v9  }
0x616: {  	[tilespmem:s0+$0x60] =	vst v41  }
0x617: {  	v4 =	vadd.s32 v4, v1;
	[tilespmem:s0+$0xFFFFFED0] =	vst v12  }
0x618: {  	v6 =	vadd.s32 v6, v1;
	[tilespmem:s0+$0xFFFFFF50] =	vst v13  }
0x619: {  	v5 =	vld.idx.msk [tilespmem:v51+s20+$0x0], $0xffff;
	v10 =	vadd.s32 v32, v1;
	[tilespmem:s0+$0x160] =	vst v14  }
0x61a: {  	v60 =	vadd.s32 v49, v1;
	v3 =	vld [tilespmem:$0x1FD60]  }
0x61b: {  	v51 =	vadd.s32 v25, v1;
	v0 =	vld.idx.msk [tilespmem:v0+s20+$0x0], $0xffff  }
0x61c: {  	v12 =	vadd.s32 v61, v1;
	v4 =	vld.idx.msk [tilespmem:v4+s20+$0x0], $0xffff  }
0x61d: {  	v13 =	vadd.s32 v33, v1;
	v2 =	vld.idx.msk [tilespmem:v6+s20+$0x0], $0xffff  }
0x61e: {  	v32 =	vadd.s32 v40, v1;
	v14 =	vld.idx.msk [tilespmem:v10+s20+$0x0], $0xffff  }
0x61f: {  	v41 =	vld.idx.msk [tilespmem:v60+s20+$0x0], $0xffff;
	[tilespmem:s0+$0x1E0] =	vst v5;
	v3 =	vadd.s32 v3, v1  }
0x620: {  	[tilespmem:s0+$0xFFFFFFF0] =	vst v0;
	v0 =	vld.idx.msk [tilespmem:v51+s20+$0x0], $0xffff  }
0x621: {  	v60 =	vld.idx.msk [tilespmem:v12+s20+$0x0], $0xffff;
	[tilespmem:s0+$0xFFFFFEE0] =	vst v4  }
0x622: {  	v4 =	vld.idx.msk [tilespmem:v13+s20+$0x0], $0xffff;
	[tilespmem:s0+$0xFFFFFF60] =	vst v2  }
0x623: {  	[tilespmem:s0+$0xFFFFFE60] =	vst v14;
	v2 =	vld.idx.msk [tilespmem:v32+s20+$0x0], $0xffff  }
0x624: {  	s8 =	sadd.s32 $0x1, s8;
	[tilespmem:s0+$0x170] =	vst v41;
	v3 =	vld.idx.msk [tilespmem:v3+s20+$0x0], $0xffff  }
0x625: {  	s14 =	sadd.s32 s6, s10;
	p0 =	sne.s32 s8, $0xC;
	[tilespmem:s0+$0x1F0] =	vst v0  }
.Ltmp8:
0x626: {  	s3 =	sshll.u32 s14, $0x10;
	[tilespmem:s0+$0x70] =	vst v60;
	(pc) =	sbr.rel @p0 .LBB2_2-.Ltmp8, $4  }
0x627: {  	s3 =	sor.u32 s5, s3;
	[tilespmem:s0+$0xFFFFFEF0] =	vst v4  }
0x628: {  	s3 =	sshrl.u32 s3, $0x3;
	[tilespmem:s0+$0xFFFFFF70] =	vst v2  }
0x629: {  	s15 =	sadd.s32 s2, s3;
	[tilespmem:s0+$0xFFFFFE70] =	vst v3  }
0x62a: {  	v16 =	vmovc v50;
	v50 =	vmovc v26;
	v51 =	vmov v27;
	v27 =	vmov v55;
	v55 =	vmov v31;
	[hbm4b:s15+s13] =	stream.strided.scatter [tilespmem:s1], [sflag:$0x8], $0x2000, s21, s13, $0x38;
	[tilespmem:$0x14980] =	vst v63  }
0x62b: {  	_ =	swait.ge [sflag:s19], $0x2000  }
0x62c: {  	[sflag:s19] =	ssyncset.done $0x0  }
0x62d: {  	[sflag:s19] =	ssyncadd.s32 $0xFFFFE000  }
0x62e: {  	v1 =	vld [tilespmem:$0x2500]  }
0x62f: {  	v2 =	vld [tilespmem:$0x2510]  }
0x630: {  	v3 =	vld [tilespmem:$0x2520]  }
0x631: {  	s3 =	simm.s32 $0x2680;
	v0 =	vld [tilespmem:$0x2530]  }
0x632: {  	v4 =	vld [tilespmem:s3+$0xC0]  }
0x633: {  	v5 =	vld [tilespmem:s3+$0xFFFFFF40]  }
0x634: {  	v6 =	vld [tilespmem:s3+$0xFFFFFF80]  }
0x635: {  	v7 =	vld [tilespmem:s3+$0xFFFFFFC0]  }
0x636: {  	v8 =	vld [tilespmem:s3+$0x0]  }
0x637: {  	v9 =	vld [tilespmem:s3+$0x40];
	v4 =	vadd.f32 v4, v1  }
0x638: {  	s0 =	simm.s32 $0xA6A0;
	v10 =	vld [tilespmem:s3+$0x80];
	v5 =	vadd.f32 v5, v1  }
0x639: {  	v11 =	vld [tilespmem:s3+$0xFFFFFF00];
	v6 =	vadd.f32 v6, v1;
	[tilespmem:s0+$0xD8] =	vst v4  }
0x63a: {  	[tilespmem:s0+$0xFFFFFF28] =	vst v5;
	v4 =	vadd.f32 v7, v1;
	v5 =	vld [tilespmem:s3+$0xD0]  }
0x63b: {  	[tilespmem:s0+$0xFFFFFF70] =	vst v6;
	v6 =	vadd.f32 v8, v1;
	v7 =	vld [tilespmem:s3+$0xFFFFFF50]  }
0x63c: {  	v8 =	vld [tilespmem:s3+$0xFFFFFF90];
	[tilespmem:s0+$0xFFFFFFB8] =	vst v4;
	v4 =	vadd.f32 v9, v1  }
0x63d: {  	[tilespmem:s0+$0x0] =	vst v6;
	v6 =	vadd.f32 v10, v1;
	v9 =	vld [tilespmem:s3+$0xFFFFFFD0]  }
0x63e: {  	v10 =	vadd.f32 v11, v1;
	v11 =	vld [tilespmem:s3+$0x10];
	[tilespmem:s0+$0x48] =	vst v4  }
0x63f: {  	[tilespmem:s0+$0x90] =	vst v6;
	v4 =	vld [tilespmem:s3+$0x50];
	v5 =	vadd.f32 v5, v2  }
0x640: {  	[tilespmem:s0+$0xFFFFFEE0] =	vst v10;
	v6 =	vadd.f32 v7, v2;
	v7 =	vld [tilespmem:s3+$0x90]  }
0x641: {  	v10 =	vld [tilespmem:s3+$0xFFFFFF10];
	v8 =	vadd.f32 v8, v2;
	[tilespmem:s0+$0xE8] =	vst v5  }
0x642: {  	[tilespmem:s0+$0xFFFFFF38] =	vst v6;
	v5 =	vadd.f32 v9, v2;
	v6 =	vld [tilespmem:s3+$0xE0]  }
0x643: {  	[tilespmem:s0+$0xFFFFFF80] =	vst v8;
	v8 =	vadd.f32 v11, v2;
	v9 =	vld [tilespmem:s3+$0xFFFFFF60]  }
0x644: {  	v11 =	vld [tilespmem:s3+$0xFFFFFFA0];
	[tilespmem:s0+$0xFFFFFFC8] =	vst v5;
	v4 =	vadd.f32 v4, v2  }
0x645: {  	[tilespmem:s0+$0x10] =	vst v8;
	v5 =	vld [tilespmem:s3+$0xFFFFFFE0];
	v7 =	vadd.f32 v7, v2  }
0x646: {  	v8 =	vadd.f32 v10, v2;
	v10 =	vld [tilespmem:s3+$0x20];
	[tilespmem:s0+$0x58] =	vst v4  }
0x647: {  	v4 =	vld [tilespmem:s3+$0x60];
	[tilespmem:s0+$0xA0] =	vst v7;
	v6 =	vadd.f32 v6, v3  }
0x648: {  	[tilespmem:s0+$0xFFFFFEF0] =	vst v8;
	v7 =	vadd.f32 v9, v3;
	v8 =	vld [tilespmem:s3+$0xA0]  }
0x649: {  	v9 =	vld [tilespmem:s3+$0xFFFFFF20];
	v11 =	vadd.f32 v11, v3;
	[tilespmem:s0+$0xF8] =	vst v6  }
0x64a: {  	[tilespmem:s0+$0xFFFFFF48] =	vst v7;
	v5 =	vadd.f32 v5, v3;
	v7 =	vld [tilespmem:s3+$0xF0]  }
0x64b: {  	[tilespmem:s0+$0xFFFFFF90] =	vst v11;
	v6 =	vadd.f32 v10, v3;
	v12 =	vld [tilespmem:s3+$0xFFFFFF70]  }
0x64c: {  	v11 =	vld [tilespmem:s3+$0xFFFFFFB0];
	[tilespmem:s0+$0xFFFFFFD8] =	vst v5;
	v5 =	vadd.f32 v4, v3  }
0x64d: {  	[tilespmem:s0+$0x20] =	vst v6;
	v4 =	vld [tilespmem:s3+$0xFFFFFFF0];
	v8 =	vadd.f32 v8, v3  }
0x64e: {  	v9 =	vadd.f32 v9, v3;
	v6 =	vld [tilespmem:s3+$0x30];
	[tilespmem:s0+$0x68] =	vst v5  }
0x64f: {  	v5 =	vld [tilespmem:s3+$0x70];
	[tilespmem:s0+$0xB0] =	vst v8;
	v13 =	vadd.f32 v7, v0  }
0x650: {  	[tilespmem:s0+$0xFFFFFF00] =	vst v9;
	v7 =	vld [tilespmem:s3+$0xB0];
	v10 =	vadd.f32 v12, v0  }
0x651: {  	s8 =	simm.s32 $0x0;
	s9 =	simm.s32 $0x2880;
	v8 =	vld [tilespmem:s3+$0xFFFFFF30];
	v9 =	vadd.f32 v11, v0;
	[tilespmem:s0+$0x108] =	vst v13  }
.LBB2_20:
0x652: {  	v11 =	vld [tilespmem:s9+$0xC0];
	s8 =	sadd.s32 $0x8, s8;
	[tilespmem:s0+$0xFFFFFF58] =	vst v10;
	v4 =	vadd.f32 v4, v0  }
0x653: {  	v10 =	vld [tilespmem:s9+$0xFFFFFF40];
	p0 =	slt.u32 s8, $0x78;
	[tilespmem:s0+$0xFFFFFFA0] =	vst v9;
	v6 =	vadd.f32 v6, v0  }
0x654: {  	v9 =	vld [tilespmem:s9+$0xFFFFFF80];
	[tilespmem:s0+$0xFFFFFFE8] =	vst v4;
	v4 =	vadd.f32 v5, v0  }
0x655: {  	v5 =	vld [tilespmem:s9+$0xFFFFFFC0];
	[tilespmem:s0+$0x30] =	vst v6;
	v6 =	vadd.f32 v7, v0  }
0x656: {  	v7 =	vld [tilespmem:s9+$0x0];
	v8 =	vadd.f32 v8, v0;
	[tilespmem:s0+$0x78] =	vst v4  }
0x657: {  	v4 =	vld [tilespmem:s9+$0x40];
	v11 =	vadd.f32 v11, v1;
	[tilespmem:s0+$0xC0] =	vst v6  }
0x658: {  	v6 =	vadd.f32 v10, v1;
	v10 =	vld [tilespmem:s9+$0x80];
	[tilespmem:s0+$0xFFFFFF10] =	vst v8;
	s0 =	sadd.s32 $0x240, s0  }
0x659: {  	v8 =	vld [tilespmem:s9+$0xFFFFFF00];
	v9 =	vadd.f32 v9, v1;
	[tilespmem:s0+$0xD8] =	vst v11  }
0x65a: {  	[tilespmem:s0+$0xFFFFFF28] =	vst v6;
	v5 =	vadd.f32 v5, v1;
	v6 =	vld [tilespmem:s9+$0xD0]  }
0x65b: {  	v11 =	vld [tilespmem:s9+$0xFFFFFF50];
	[tilespmem:s0+$0xFFFFFF70] =	vst v9;
	v7 =	vadd.f32 v7, v1  }
0x65c: {  	v9 =	vld [tilespmem:s9+$0xFFFFFF90];
	[tilespmem:s0+$0xFFFFFFB8] =	vst v5;
	v4 =	vadd.f32 v4, v1  }
0x65d: {  	v5 =	vld [tilespmem:s9+$0xFFFFFFD0];
	[tilespmem:s0+$0x0] =	vst v7;
	v7 =	vadd.f32 v10, v1  }
0x65e: {  	v8 =	vadd.f32 v8, v1;
	v10 =	vld [tilespmem:s9+$0x10];
	[tilespmem:s0+$0x48] =	vst v4  }
0x65f: {  	v4 =	vld [tilespmem:s9+$0x50];
	[tilespmem:s0+$0x90] =	vst v7;
	v6 =	vadd.f32 v6, v2  }
0x660: {  	[tilespmem:s0+$0xFFFFFEE0] =	vst v8;
	v7 =	vadd.f32 v11, v2;
	v8 =	vld [tilespmem:s9+$0x90]  }
0x661: {  	v11 =	vld [tilespmem:s9+$0xFFFFFF10];
	v9 =	vadd.f32 v9, v2;
	[tilespmem:s0+$0xE8] =	vst v6  }
0x662: {  	[tilespmem:s0+$0xFFFFFF38] =	vst v7;
	v5 =	vadd.f32 v5, v2;
	v6 =	vld [tilespmem:s9+$0xE0]  }
0x663: {  	v7 =	vld [tilespmem:s9+$0xFFFFFF60];
	[tilespmem:s0+$0xFFFFFF80] =	vst v9;
	v9 =	vadd.f32 v10, v2  }
0x664: {  	v10 =	vld [tilespmem:s9+$0xFFFFFFA0];
	[tilespmem:s0+$0xFFFFFFC8] =	vst v5;
	v4 =	vadd.f32 v4, v2  }
0x665: {  	v5 =	vld [tilespmem:s9+$0xFFFFFFE0];
	[tilespmem:s0+$0x10] =	vst v9;
	v8 =	vadd.f32 v8, v2  }
0x666: {  	v9 =	vadd.f32 v11, v2;
	v11 =	vld [tilespmem:s9+$0x20];
	[tilespmem:s0+$0x58] =	vst v4  }
0x667: {  	v4 =	vld [tilespmem:s9+$0x60];
	[tilespmem:s0+$0xA0] =	vst v8;
	v6 =	vadd.f32 v6, v3  }
0x668: {  	[tilespmem:s0+$0xFFFFFEF0] =	vst v9;
	v7 =	vadd.f32 v7, v3;
	v8 =	vld [tilespmem:s9+$0xA0]  }
0x669: {  	v9 =	vld [tilespmem:s9+$0xFFFFFF20];
	v10 =	vadd.f32 v10, v3;
	[tilespmem:s0+$0xF8] =	vst v6  }
0x66a: {  	[tilespmem:s0+$0xFFFFFF48] =	vst v7;
	v5 =	vadd.f32 v5, v3;
	v7 =	vld [tilespmem:s9+$0xF0]  }
0x66b: {  	v12 =	vld [tilespmem:s9+$0xFFFFFF70];
	[tilespmem:s0+$0xFFFFFF90] =	vst v10;
	v6 =	vadd.f32 v11, v3  }
0x66c: {  	v11 =	vld [tilespmem:s9+$0xFFFFFFB0];
	[tilespmem:s0+$0xFFFFFFD8] =	vst v5;
	v5 =	vadd.f32 v4, v3  }
.Ltmp9:
0x66d: {  	v4 =	vld [tilespmem:s9+$0xFFFFFFF0];
	[tilespmem:s0+$0x20] =	vst v6;
	v8 =	vadd.f32 v8, v3;
	(pc) =	sbr.rel @p0 .LBB2_20-.Ltmp9, $4  }
0x66e: {  	v9 =	vadd.f32 v9, v3;
	v6 =	vld [tilespmem:s9+$0x30];
	[tilespmem:s0+$0x68] =	vst v5  }
0x66f: {  	v5 =	vld [tilespmem:s9+$0x70];
	[tilespmem:s0+$0xB0] =	vst v8;
	v13 =	vadd.f32 v7, v0  }
0x670: {  	[tilespmem:s0+$0xFFFFFF00] =	vst v9;
	v10 =	vadd.f32 v12, v0;
	v7 =	vld [tilespmem:s9+$0xB0]  }
0x671: {  	s10 =	simm.s32 $0x0;
	s3 =	simm.s32 $0xCB80;
	v8 =	vld [tilespmem:s9+$0xFFFFFF30];
	v9 =	vadd.f32 v11, v0;
	[tilespmem:s0+$0x108] =	vst v13;
	s9 =	sadd.s32 $0x200, s9  }
0x672: {  	v1 =	vmov s10  }
0x673: {  	v1 =	vshrl.u32 v1, $0x3  }
0x674: {  	[tilespmem:s0+$0xFFFFFF58] =	vst v10;
	v2 =	vadd.f32 v4, v0;
	v1 =	vshll.u32 v1, $0x3  }
0x675: {  	[tilespmem:s0+$0xFFFFFFA0] =	vst v9;
	v12 =	vbroadcast v1, $0x0;
	v1 =	vadd.f32 v6, v0  }
0x676: {  	[tilespmem:s0+$0xFFFFFFE8] =	vst v2;
	v2 =	vadd.f32 v5, v0  }
0x677: {  	v3 =	vadd.s32 v22, v12;
	[tilespmem:s0+$0x30] =	vst v1;
	v1 =	vadd.f32 v7, v0  }
0x678: {  	[tilespmem:s0+$0x78] =	vst v2;
	v4 =	vadd.s32 v29, v12;
	v0 =	vadd.f32 v8, v0  }
0x679: {  	v2 =	vadd.s32 v34, v12;
	[tilespmem:s0+$0xC0] =	vst v1  }
0x67a: {  	v1 =	vadd.s32 v37, v12;
	[tilespmem:s0+$0xFFFFFF10] =	vst v0  }
0x67b: {  	v0 =	vadd.s32 v52, v12;
	v31 =	vld [tilespmem:$0x1FDC0]  }
0x67c: {  	v5 =	vadd.s32 v63, v12;
	v3 =	vld.idx.msk [tilespmem:v3+s20+$0x0], $0xffff  }
0x67d: {  	v6 =	vadd.s32 v16, v12;
	v4 =	vld.idx.msk [tilespmem:v4+s20+$0x0], $0xffff  }
0x67e: {  	v7 =	vadd.s32 v50, v12;
	v2 =	vld.idx.msk [tilespmem:v2+s20+$0x0], $0xffff  }
0x67f: {  	v1 =	vld.idx.msk [tilespmem:v1+s20+$0x0], $0xffff  }
0x680: {  	v0 =	vld.idx.msk [tilespmem:v0+s20+$0x0], $0xffff  }
0x681: {  	v5 =	vld.idx.msk [tilespmem:v5+s20+$0x0], $0xffff;
	v8 =	vadd.s32 v31, v12  }
0x682: {  	v9 =	vadd.s32 v44, v12;
	v6 =	vld.idx.msk [tilespmem:v6+s20+$0x0], $0xffff;
	[tilespmem:s3+$0xFFFFFE00] =	vst v3  }
0x683: {  	v10 =	vadd.s32 v54, v12;
	v7 =	vld.idx.msk [tilespmem:v7+s20+$0x0], $0xffff;
	[tilespmem:s3+$0xFFFFFF00] =	vst v2  }
0x684: {  	v11 =	vadd.s32 v56, v12;
	v14 =	vld [tilespmem:$0x1FD70];
	[tilespmem:s3+$0xFFFFFF80] =	vst v1  }
0x685: {  	v13 =	vld [tilespmem:$0x1FD20];
	[tilespmem:s3+$0x0] =	vst v0  }
0x686: {  	v3 =	vadd.s32 v51, v12;
	v8 =	vld.idx.msk [tilespmem:v8+s20+$0x0], $0xffff;
	[tilespmem:s3+$0x80] =	vst v5  }
0x687: {  	v9 =	vld.idx.msk [tilespmem:v9+s20+$0x0], $0xffff;
	v0 =	vadd.s32 v35, v12;
	[tilespmem:s3+$0xFFFFFE80] =	vst v4  }
0x688: {  	[tilespmem:s3+$0x180] =	vst v7;
	v10 =	vld.idx.msk [tilespmem:v10+s20+$0x0], $0xffff  }
0x689: {  	[tilespmem:s3+$0x100] =	vst v6;
	v6 =	vld.idx.msk [tilespmem:v11+s20+$0x0], $0xffff;
	v2 =	vadd.s32 v14, v12  }
0x68a: {  	v4 =	vadd.s32 v45, v12;
	v17 =	vld [tilespmem:$0x1FD80]  }
0x68b: {  	v3 =	vld.idx.msk [tilespmem:v3+s20+$0x0], $0xffff;
	[tilespmem:s3+$0xFFFFFF10] =	vst v8  }
0x68c: {  	v1 =	vadd.s32 v13, v12;
	[tilespmem:s3+$0xFFFFFF90] =	vst v9;
	v0 =	vld.idx.msk [tilespmem:v0+s20+$0x0], $0xffff  }
0x68d: {  	v15 =	vmov v16;
	v5 =	vadd.s32 v57, v12;
	v16 =	vld [tilespmem:$0x1FDD0]  }
0x68e: {  	v7 =	vadd.s32 v21, v12;
	v2 =	vld.idx.msk [tilespmem:v2+s20+$0x0], $0xffff  }
0x68f: {  	v11 =	vadd.s32 v17, v12;
	v4 =	vld.idx.msk [tilespmem:v4+s20+$0x0], $0xffff;
	[tilespmem:s3+$0x10] =	vst v10  }
0x690: {  	v19 =	vld [tilespmem:$0x1FE20]  }
0x691: {  	v8 =	vadd.s32 v59, v12;
	v1 =	vld.idx.msk [tilespmem:v1+s20+$0x0], $0xffff  }
0x692: {  	v5 =	vld.idx.msk [tilespmem:v5+s20+$0x0], $0xffff;
	[tilespmem:s3+$0x90] =	vst v3  }
0x693: {  	v9 =	vadd.s32 v16, v12;
	[tilespmem:s3+$0xFFFFFE90] =	vst v2;
	v2 =	vld.idx.msk [tilespmem:v7+s20+$0x0], $0xffff  }
0x694: {  	[tilespmem:s3+$0x190] =	vst v6;
	v11 =	vld.idx.msk [tilespmem:v11+s20+$0x0], $0xffff  }
0x695: {  	v10 =	vadd.s32 v19, v12;
	v25 =	vld [tilespmem:$0x1FD30]  }
0x696: {  	[tilespmem:s3+$0xFFFFFE10] =	vst v1;
	v1 =	vld.idx.msk [tilespmem:v8+s20+$0x0], $0xffff  }
0x697: {  	v3 =	vadd.s32 v38, v12;
	v60 =	vld [tilespmem:$0x1FFD0]  }
0x698: {  	v9 =	vld.idx.msk [tilespmem:v9+s20+$0x0], $0xffff;
	[tilespmem:s3+$0xFFFFFFA0] =	vst v4  }
0x699: {  	v20 =	vld [tilespmem:$0x1FE60]  }
0x69a: {  	[tilespmem:s3+$0x110] =	vst v0;
	v0 =	vld.idx.msk [tilespmem:v10+s20+$0x0], $0xffff  }
0x69b: {  	v10 =	vld [tilespmem:$0x1FDE0];
	[tilespmem:s3+$0xA0] =	vst v2  }
0x69c: {  	v7 =	vadd.s32 v36, v12;
	v2 =	vld.idx.msk [tilespmem:v3+s20+$0x0], $0xffff;
	[tilespmem:s3+$0x20] =	vst v5  }
0x69d: {  	[tilespmem:s3+$0xFFFFFEA0] =	vst v11  }
0x69e: {  	v6 =	vadd.s32 v25, v12;
	[tilespmem:s3+$0x1A0] =	vst v1  }
0x69f: {  	v8 =	vadd.s32 v60, v12;
	[tilespmem:s3+$0xFFFFFF20] =	vst v9  }
0x6a0: {  	v4 =	vadd.s32 v20, v12;
	v18 =	vld [tilespmem:$0x1FD40]  }
0x6a1: {  	v3 =	vadd.s32 v42, v12;
	v5 =	vld.idx.msk [tilespmem:v7+s20+$0x0], $0xffff;
	[tilespmem:s3+$0x120] =	vst v2  }
0x6a2: {  	v1 =	vadd.s32 v27, v12;
	v32 =	vld [tilespmem:$0x1FCE0]  }
0x6a3: {  	v7 =	vadd.s32 v46, v12;
	v6 =	vld.idx.msk [tilespmem:v6+s20+$0x0], $0xffff  }
0x6a4: {  	v10 =	vadd.s32 v10, v12;
	v8 =	vld.idx.msk [tilespmem:v8+s20+$0x0], $0xffff  }
0x6a5: {  	v4 =	vld.idx.msk [tilespmem:v4+s20+$0x0], $0xffff;
	v9 =	vadd.s32 v18, v12  }
0x6a6: {  	[tilespmem:s3+$0xB0] =	vst v5;
	v3 =	vld.idx.msk [tilespmem:v3+s20+$0x0], $0xffff  }
0x6a7: {  	[tilespmem:s3+$0xFFFFFFB0] =	vst v0;
	v0 =	vld.idx.msk [tilespmem:v1+s20+$0x0], $0xffff;
	v2 =	vadd.s32 v32, v12  }
0x6a8: {  	v5 =	vld.idx.msk [tilespmem:v7+s20+$0x0], $0xffff;
	[tilespmem:s3+$0xFFFFFE20] =	vst v6  }
0x6a9: {  	v1 =	vadd.s32 v43, v12;
	v10 =	vld.idx.msk [tilespmem:v10+s20+$0x0], $0xffff;
	[tilespmem:s3+$0x1B0] =	vst v8  }
0x6aa: {  	v11 =	vadd.s32 v30, v12;
	v8 =	vld.idx.msk [tilespmem:v9+s20+$0x0], $0xffff;
	[tilespmem:s3+$0x30] =	vst v4  }
0x6ab: {  	v6 =	vadd.s32 v53, v12;
	v4 =	vld [tilespmem:$0x1FE30];
	[tilespmem:s3+$0x130] =	vst v3  }
0x6ac: {  	v7 =	vadd.s32 v55, v12;
	[tilespmem:s3+$0xC0] =	vst v0;
	v2 =	vld.idx.msk [tilespmem:v2+s20+$0x0], $0xffff  }
0x6ad: {  	v9 =	vadd.s32 v39, v12;
	v41 =	vld [tilespmem:$0x1FCF0]  }
0x6ae: {  	v0 =	vld.idx.msk [tilespmem:v1+s20+$0x0], $0xffff  }
0x6af: {  	v11 =	vld.idx.msk [tilespmem:v11+s20+$0x0], $0xffff;
	[tilespmem:s3+$0xFFFFFF30] =	vst v10  }
0x6b0: {  	v3 =	vld.idx.msk [tilespmem:v6+s20+$0x0], $0xffff;
	v6 =	vadd.s32 v47, v12;
	[tilespmem:s3+$0xFFFFFFC0] =	vst v5  }
0x6b1: {  	v5 =	vld.idx.msk [tilespmem:v7+s20+$0x0], $0xffff;
	[tilespmem:s3+$0xFFFFFE30] =	vst v8;
	v4 =	vadd.s32 v4, v12  }
0x6b2: {  	v9 =	vld.idx.msk [tilespmem:v9+s20+$0x0], $0xffff;
	v1 =	vadd.s32 v41, v12;
	[tilespmem:s3+$0x1C0] =	vst v2  }
0x6b3: {  	v2 =	vld [tilespmem:$0x1FE40];
	[tilespmem:s3+$0x140] =	vst v0  }
0x6b4: {  	v7 =	vadd.s32 v24, v12;
	v0 =	vld [tilespmem:$0x1FD90]  }
0x6b5: {  	v10 =	vadd.s32 v23, v12;
	[tilespmem:s3+$0xD0] =	vst v3;
	v3 =	vld.idx.msk [tilespmem:v6+s20+$0x0], $0xffff  }
0x6b6: {  	v8 =	vadd.s32 v58, v12;
	v4 =	vld.idx.msk [tilespmem:v4+s20+$0x0], $0xffff  }
0x6b7: {  	v1 =	vld.idx.msk [tilespmem:v1+s20+$0x0], $0xffff  }
0x6b8: {  	v6 =	vld [tilespmem:$0x1FDF0];
	[tilespmem:s3+$0x40] =	vst v5;
	v2 =	vadd.s32 v2, v12  }
0x6b9: {  	v5 =	vld.idx.msk [tilespmem:v7+s20+$0x0], $0xffff;
	[tilespmem:s3+$0xFFFFFE40] =	vst v9  }
0x6ba: {  	v7 =	vadd.s32 v48, v12;
	[tilespmem:s3+$0xFFFFFEB0] =	vst v11;
	v9 =	vld.idx.msk [tilespmem:v10+s20+$0x0], $0xffff  }
0x6bb: {  	v0 =	vadd.s32 v0, v12;
	[tilespmem:s3+$0xFFFFFFD0] =	vst v4;
	v4 =	vld.idx.msk [tilespmem:v8+s20+$0x0], $0xffff  }
0x6bc: {  	v26 =	vmov v59;
	v59 =	vld [tilespmem:$0x1FE50];
	[tilespmem:s3+$0x1D0] =	vst v1  }
0x6bd: {  	v6 =	vadd.s32 v6, v12;
	[tilespmem:s3+$0x150] =	vst v3;
	v2 =	vld.idx.msk [tilespmem:v2+s20+$0x0], $0xffff  }
0x6be: {  	v8 =	vadd.s32 v28, v12;
	v3 =	vld [tilespmem:$0x1FD50]  }
0x6bf: {  	v7 =	vld.idx.msk [tilespmem:v7+s20+$0x0], $0xffff  }
0x6c0: {  	[tilespmem:s3+$0xE0] =	vst v5;
	v0 =	vld.idx.msk [tilespmem:v0+s20+$0x0], $0xffff  }
0x6c1: {  	v5 =	vld [tilespmem:$0x1FDA0]  }
0x6c2: {  	v10 =	vadd.s32 v62, v12;
	v6 =	vld.idx.msk [tilespmem:v6+s20+$0x0], $0xffff  }
0x6c3: {  	[tilespmem:s3+$0x50] =	vst v4;
	v8 =	vld.idx.msk [tilespmem:v8+s20+$0x0], $0xffff  }
0x6c4: {  	s15 =	simm.s32 $0x8;
	v11 =	vadd.s32 v59, v12;
	v4 =	vld [tilespmem:$0x1FE00];
	[tilespmem:s3+$0xFFFFFE50] =	vst v9  }
0x6c5: {  	v1 =	vmov s15;
	[tilespmem:s3+$0xFFFFFFE0] =	vst v2  }
0x6c6: {  	v1 =	vshrl.u32 v1, $0x3;
	v3 =	vadd.s32 v3, v12;
	[tilespmem:s3+$0x160] =	vst v7  }
0x6c7: {  	v1 =	vshll.u32 v1, $0x3;
	v2 =	vld.idx.msk [tilespmem:v10+s20+$0x0], $0xffff;
	v10 =	vadd.s32 v49, v12;
	[tilespmem:s3+$0xFFFFFEC0] =	vst v0  }
0x6c8: {  	v1 =	vbroadcast v1, $0x0;
	v5 =	vadd.s32 v5, v12;
	[tilespmem:s3+$0xFFFFFF40] =	vst v6  }
0x6c9: {  	[tilespmem:s3+$0xF0] =	vst v8;
	v11 =	vld.idx.msk [tilespmem:v11+s20+$0x0], $0xffff  }
0x6ca: {  	v9 =	vadd.s32 v22, v1;
	v8 =	vld [tilespmem:$0x1FDB0]  }
0x6cb: {  	v0 =	vadd.s32 v29, v1;
	v3 =	vld.idx.msk [tilespmem:v3+s20+$0x0], $0xffff  }
0x6cc: {  	v4 =	vadd.s32 v4, v12;
	v10 =	vld.idx.msk [tilespmem:v10+s20+$0x0], $0xffff  }
0x6cd: {  	v7 =	vadd.s32 v34, v1;
	[tilespmem:s3+$0x60] =	vst v2;
	v5 =	vld.idx.msk [tilespmem:v5+s20+$0x0], $0xffff  }
0x6ce: {  	v6 =	vadd.s32 v61, v12;
	v2 =	vld [tilespmem:$0x1FE10]  }
0x6cf: {  	v9 =	vld.idx.msk [tilespmem:v9+s20+$0x0], $0xffff;
	v8 =	vadd.s32 v8, v12  }
0x6d0: {  	v0 =	vld.idx.msk [tilespmem:v0+s20+$0x0], $0xffff;
	[tilespmem:s3+$0xFFFFFFF0] =	vst v11;
	v11 =	vadd.s32 v37, v1  }
0x6d1: {  	v4 =	vld.idx.msk [tilespmem:v4+s20+$0x0], $0xffff;
	[tilespmem:s3+$0xFFFFFE60] =	vst v3;
	v3 =	vadd.s32 v52, v1  }
0x6d2: {  	v7 =	vld.idx.msk [tilespmem:v7+s20+$0x0], $0xffff;
	[tilespmem:s3+$0x170] =	vst v10;
	v10 =	vadd.s32 v50, v1  }
0x6d3: {  	s0 =	simm.s32 $0xCF80;
	v6 =	vld.idx.msk [tilespmem:v6+s20+$0x0], $0xffff;
	v2 =	vadd.s32 v2, v12;
	[tilespmem:s3+$0xFFFFFED0] =	vst v5  }
0x6d4: {  	[tilespmem:s0+$0xFFFFFE00] =	vst v9;
	v5 =	vadd.s32 v63, v1;
	v8 =	vld.idx.msk [tilespmem:v8+s20+$0x0], $0xffff  }
0x6d5: {  	[tilespmem:s0+$0xFFFFFE80] =	vst v0;
	v0 =	vadd.s32 v31, v1;
	v9 =	vld.idx.msk [tilespmem:v11+s20+$0x0], $0xffff  }
0x6d6: {  	[tilespmem:s3+$0xFFFFFF50] =	vst v4;
	v4 =	vadd.s32 v15, v1;
	v3 =	vld.idx.msk [tilespmem:v3+s20+$0x0], $0xffff  }
0x6d7: {  	[tilespmem:s0+$0xFFFFFF00] =	vst v7;
	v11 =	vadd.s32 v33, v12;
	v10 =	vld.idx.msk [tilespmem:v10+s20+$0x0], $0xffff  }
0x6d8: {  	[tilespmem:s3+$0x70] =	vst v6;
	v6 =	vadd.s32 v44, v1;
	v2 =	vld.idx.msk [tilespmem:v2+s20+$0x0], $0xffff  }
0x6d9: {  	v7 =	vadd.s32 v54, v1;
	v5 =	vld.idx.msk [tilespmem:v5+s20+$0x0], $0xffff;
	[tilespmem:s3+$0xFFFFFEE0] =	vst v8  }
0x6da: {  	v0 =	vld.idx.msk [tilespmem:v0+s20+$0x0], $0xffff;
	v8 =	vadd.s32 v51, v1;
	[tilespmem:s0+$0xFFFFFF80] =	vst v9  }
0x6db: {  	v4 =	vld.idx.msk [tilespmem:v4+s20+$0x0], $0xffff;
	v9 =	vadd.s32 v56, v1;
	[tilespmem:s0+$0x0] =	vst v3  }
0x6dc: {  	v11 =	vld.idx.msk [tilespmem:v11+s20+$0x0], $0xffff;
	v3 =	vadd.s32 v13, v1;
	[tilespmem:s0+$0x180] =	vst v10  }
0x6dd: {  	v6 =	vld.idx.msk [tilespmem:v6+s20+$0x0], $0xffff;
	[tilespmem:s3+$0xFFFFFF60] =	vst v2;
	v2 =	vadd.s32 v14, v1  }
0x6de: {  	[tilespmem:s0+$0x80] =	vst v5;
	v5 =	vadd.s32 v35, v1;
	v7 =	vld.idx.msk [tilespmem:v7+s20+$0x0], $0xffff  }
0x6df: {  	v10 =	vadd.s32 v57, v1;
	[tilespmem:s0+$0xFFFFFF10] =	vst v0;
	v8 =	vld.idx.msk [tilespmem:v8+s20+$0x0], $0xffff  }
0x6e0: {  	[tilespmem:s0+$0x100] =	vst v4;
	v4 =	vadd.s32 v45, v1;
	v9 =	vld.idx.msk [tilespmem:v9+s20+$0x0], $0xffff  }
0x6e1: {  	[tilespmem:s3+$0xFFFFFEF0] =	vst v11;
	v11 =	vadd.s32 v21, v1;
	v3 =	vld.idx.msk [tilespmem:v3+s20+$0x0], $0xffff  }
0x6e2: {  	[tilespmem:s0+$0xFFFFFF90] =	vst v6;
	v2 =	vld.idx.msk [tilespmem:v2+s20+$0x0], $0xffff  }
0x6e3: {  	v5 =	vld.idx.msk [tilespmem:v5+s20+$0x0], $0xffff;
	[tilespmem:s0+$0x10] =	vst v7  }
0x6e4: {  	v10 =	vld.idx.msk [tilespmem:v10+s20+$0x0], $0xffff;
	[tilespmem:s0+$0x90] =	vst v8  }
0x6e5: {  	v4 =	vld.idx.msk [tilespmem:v4+s20+$0x0], $0xffff;
	[tilespmem:s0+$0x190] =	vst v9  }
0x6e6: {  	v6 =	vadd.s32 v26, v1;
	v11 =	vld.idx.msk [tilespmem:v11+s20+$0x0], $0xffff;
	[tilespmem:s0+$0xFFFFFE10] =	vst v3  }
0x6e7: {  	[tilespmem:s0+$0xFFFFFE90] =	vst v2  }
0x6e8: {  	v0 =	vadd.s32 v17, v1;
	[tilespmem:s0+$0x110] =	vst v5  }
0x6e9: {  	v7 =	vadd.s32 v16, v1;
	[tilespmem:s0+$0x20] =	vst v10  }
0x6ea: {  	v8 =	vadd.s32 v40, v12;
	[tilespmem:s0+$0xFFFFFFA0] =	vst v4  }
0x6eb: {  	v9 =	vadd.s32 v38, v1;
	v6 =	vld.idx.msk [tilespmem:v6+s20+$0x0], $0xffff;
	[tilespmem:s0+$0xA0] =	vst v11  }
0x6ec: {  	v2 =	vadd.s32 v19, v1;
	v11 =	vld [tilespmem:$0x1FDE0]  }
0x6ed: {  	v3 =	vadd.s32 v36, v1;
	v0 =	vld.idx.msk [tilespmem:v0+s20+$0x0], $0xffff  }
0x6ee: {  	v5 =	vadd.s32 v25, v1;
	v7 =	vld.idx.msk [tilespmem:v7+s20+$0x0], $0xffff  }
0x6ef: {  	v10 =	vadd.s32 v20, v1;
	v8 =	vld.idx.msk [tilespmem:v8+s20+$0x0], $0xffff  }
0x6f0: {  	v4 =	vadd.s32 v60, v1;
	v9 =	vld.idx.msk [tilespmem:v9+s20+$0x0], $0xffff  }
0x6f1: {  	v2 =	vld.idx.msk [tilespmem:v2+s20+$0x0], $0xffff;
	[tilespmem:s0+$0x1A0] =	vst v6;
	v11 =	vadd.s32 v11, v1  }
0x6f2: {  	v3 =	vld.idx.msk [tilespmem:v3+s20+$0x0], $0xffff;
	[tilespmem:s0+$0xFFFFFEA0] =	vst v0;
	v0 =	vadd.s32 v46, v1  }
0x6f3: {  	v6 =	vadd.s32 v42, v1;
	v5 =	vld.idx.msk [tilespmem:v5+s20+$0x0], $0xffff;
	[tilespmem:s0+$0xFFFFFF20] =	vst v7  }
0x6f4: {  	v10 =	vld.idx.msk [tilespmem:v10+s20+$0x0], $0xffff;
	[tilespmem:s3+$0xFFFFFF70] =	vst v8  }
0x6f5: {  	v7 =	vadd.s32 v27, v1;
	v4 =	vld.idx.msk [tilespmem:v4+s20+$0x0], $0xffff;
	[tilespmem:s0+$0x120] =	vst v9  }
0x6f6: {  	v8 =	vadd.s32 v30, v1;
	[tilespmem:s0+$0xFFFFFFB0] =	vst v2;
	v11 =	vld.idx.msk [tilespmem:v11+s20+$0x0], $0xffff  }
0x6f7: {  	[tilespmem:s0+$0xB0] =	vst v3;
	v0 =	vld.idx.msk [tilespmem:v0+s20+$0x0], $0xffff  }
0x6f8: {  	v6 =	vld.idx.msk [tilespmem:v6+s20+$0x0], $0xffff;
	[tilespmem:s0+$0xFFFFFE20] =	vst v5  }
0x6f9: {  	v16 =	vmov v27;
	v27 =	vmov v51;
	v51 =	vld [tilespmem:$0x1FD00];
	[tilespmem:s0+$0x30] =	vst v10  }
0x6fa: {  	v9 =	vadd.s32 v32, v1;
	v5 =	vld.idx.msk [tilespmem:v7+s20+$0x0], $0xffff;
	[tilespmem:s0+$0x1B0] =	vst v4  }
0x6fb: {  	v2 =	vadd.s32 v18, v1;
	v8 =	vld.idx.msk [tilespmem:v8+s20+$0x0], $0xffff;
	[tilespmem:s0+$0xFFFFFF30] =	vst v11  }
0x6fc: {  	v11 =	vld [tilespmem:$0x1FE30];
	[tilespmem:s0+$0xFFFFFFC0] =	vst v0  }
0x6fd: {  	v3 =	vadd.s32 v55, v1;
	[tilespmem:s0+$0x130] =	vst v6  }
0x6fe: {  	v7 =	vadd.s32 v51, v12;
	v6 =	vld [tilespmem:$0x1FD60]  }
0x6ff: {  	v4 =	vadd.s32 v43, v1;
	v9 =	vld.idx.msk [tilespmem:v9+s20+$0x0], $0xffff;
	[tilespmem:s0+$0xC0] =	vst v5  }
0x700: {  	v10 =	vadd.s32 v53, v1;
	v2 =	vld.idx.msk [tilespmem:v2+s20+$0x0], $0xffff;
	[tilespmem:s0+$0xFFFFFEB0] =	vst v8  }
0x701: {  	v0 =	vadd.s32 v39, v1;
	v25 =	vld [tilespmem:$0x1FD10]  }
0x702: {  	v3 =	vld.idx.msk [tilespmem:v3+s20+$0x0], $0xffff;
	v11 =	vadd.s32 v11, v1  }
0x703: {  	v7 =	vld.idx.msk [tilespmem:v7+s20+$0x0], $0xffff;
	v6 =	vadd.s32 v6, v12  }
0x704: {  	v4 =	vld.idx.msk [tilespmem:v4+s20+$0x0], $0xffff  }
0x705: {  	v10 =	vld.idx.msk [tilespmem:v10+s20+$0x0], $0xffff;
	[tilespmem:s0+$0xFFFFFE30] =	vst v2  }
0x706: {  	v5 =	vadd.s32 v41, v1;
	v8 =	vadd.s32 v25, v12;
	v12 =	vld.idx.msk [tilespmem:v0+s20+$0x0], $0xffff  }
0x707: {  	[tilespmem:s0+$0x1C0] =	vst v9;
	v2 =	vld.idx.msk [tilespmem:v11+s20+$0x0], $0xffff;
	v11 =	vadd.s32 v47, v1  }
0x708: {  	[tilespmem:s0+$0x40] =	vst v3;
	v9 =	vld.idx.msk [tilespmem:v6+s20+$0x0], $0xffff  }
0x709: {  	v3 =	vadd.s32 v58, v1;
	v6 =	vld [tilespmem:$0x1FE40];
	[tilespmem:s3+$0x1E0] =	vst v7  }
0x70a: {  	[tilespmem:s0+$0x140] =	vst v4  }
0x70b: {  	v14 =	vld.idx.msk [tilespmem:v5+s20+$0x0], $0xffff;
	v0 =	vadd.s32 v24, v1;
	[tilespmem:s0+$0xD0] =	vst v10  }
0x70c: {  	v7 =	vld.idx.msk [tilespmem:v11+s20+$0x0], $0xffff;
	[tilespmem:s0+$0xFFFFFFD0] =	vst v2  }
0x70d: {  	v4 =	vld [tilespmem:$0x1FDF0]  }
0x70e: {  	v5 =	vadd.s32 v23, v1;
	v13 =	vadd.s32 v6, v1;
	[tilespmem:s0+$0xFFFFFE40] =	vst v12;
	v6 =	vld.idx.msk [tilespmem:v3+s20+$0x0], $0xffff  }
0x70f: {  	v17 =	vmov v36;
	v3 =	vld [tilespmem:$0x1FD90]  }
0x710: {  	v31 =	vmovc v55;
	v36 =	vmov v28;
	v55 =	vmov v17;
	v10 =	vadd.s32 v48, v1;
	v2 =	vld.idx.msk [tilespmem:v0+s20+$0x0], $0xffff  }
0x711: {  	v0 =	vadd.s32 v59, v1;
	v11 =	vadd.s32 v62, v1;
	v59 =	vmovc v56;
	v56 =	vmovc v50;
	v50 =	vmov v49  }
0x712: {  	v8 =	vld.idx.msk [tilespmem:v8+s20+$0x0], $0xffff;
	v49 =	vmovc v48;
	v48 =	vmovc v47;
	v47 =	vmov v43;
	v43 =	vmov v42;
	v42 =	vmov v38;
	[tilespmem:s3+$0xFFFFFE70] =	vst v9  }
0x713: {  	v38 =	vmovc v35;
	v35 =	vmov v15;
	v9 =	vadd.s32 v28, v1;
	v5 =	vld.idx.msk [tilespmem:v5+s20+$0x0], $0xffff;
	[tilespmem:s0+$0x1D0] =	vst v14;
	v28 =	vmov v24  }
0x714: {  	s8 =	simm.s32 $0x10;
	v24 =	vmovc v53;
	v53 =	vmov v16;
	s7 =	rddreg [dreg:$0x8];
	v4 =	vadd.s32 v4, v1;
	v12 =	vadd.s32 v3, v1;
	v3 =	vld.idx.msk [tilespmem:v13+s20+$0x0], $0xffff  }
.LBB2_22:
0x715: {  	_ =	sdelay $0x3  }
0x716: {  	v12 =	vld.idx.msk [tilespmem:v12+s20+$0x0], $0xffff  }
0x717: {  	v4 =	vld.idx.msk [tilespmem:v4+s20+$0x0], $0xffff  }
0x718: {  	v17 =	vld [tilespmem:$0x1FDB0]  }
0x719: {  	v18 =	vld [tilespmem:$0x1FE10];
	[tilespmem:s3+$0x1F0] =	vst v8  }
0x71a: {  	v13 =	vmov s8;
	v20 =	vld [tilespmem:$0x1FD70];
	[tilespmem:s0+$0x150] =	vst v7  }
0x71b: {  	v8 =	vshrl.u32 v13, $0x3;
	v13 =	vld [tilespmem:$0x1FD50];
	[tilespmem:s0+$0xE0] =	vst v2  }
0x71c: {  	[tilespmem:s0+$0x50] =	vst v6;
	v10 =	vld.idx.msk [tilespmem:v10+s20+$0x0], $0xffff  }
0x71d: {  	[tilespmem:s0+$0xFFFFFFE0] =	vst v3;
	v7 =	vshll.u32 v8, $0x3;
	v6 =	vld.idx.msk [tilespmem:v9+s20+$0x0], $0xffff  }
0x71e: {  	[tilespmem:s0+$0xFFFFFE50] =	vst v5;
	v9 =	vld.idx.msk [tilespmem:v11+s20+$0x0], $0xffff;
	v11 =	vadd.s32 v50, v1;
	v2 =	vbroadcast v7, $0x0  }
0x71f: {  	v8 =	vld [tilespmem:$0x1FDA0];
	[tilespmem:s0+$0xFFFFFF40] =	vst v4;
	v4 =	vadd.s32 v61, v1  }
0x720: {  	v5 =	vld.idx.msk [tilespmem:v0+s20+$0x0], $0xffff;
	[tilespmem:s0+$0xFFFFFEC0] =	vst v12;
	v14 =	vadd.s32 v22, v2  }
0x721: {  	v7 =	vld [tilespmem:$0x1FE00];
	v15 =	vadd.s32 v29, v2;
	[tilespmem:s0+$0x160] =	vst v10  }
0x722: {  	v0 =	vld [tilespmem:$0x1FE50];
	v12 =	vadd.s32 v34, v2;
	[tilespmem:s0+$0xF0] =	vst v6  }
0x723: {  	v13 =	vadd.s32 v13, v1;
	[tilespmem:s0+$0x60] =	vst v9;
	v6 =	vld.idx.msk [tilespmem:v11+s20+$0x0], $0xffff  }
0x724: {  	v8 =	vadd.s32 v8, v1;
	v4 =	vld.idx.msk [tilespmem:v4+s20+$0x0], $0xffff  }
0x725: {  	[tilespmem:s0+$0xFFFFFFF0] =	vst v5;
	v5 =	vadd.s32 v56, v2;
	v11 =	vld.idx.msk [tilespmem:v14+s20+$0x0], $0xffff  }
0x726: {  	v7 =	vadd.s32 v7, v1;
	v9 =	vld.idx.msk [tilespmem:v15+s20+$0x0], $0xffff  }
0x727: {  	v16 =	vadd.s32 v37, v2;
	v12 =	vld.idx.msk [tilespmem:v12+s20+$0x0], $0xffff  }
0x728: {  	v14 =	vadd.s32 v63, v2;
	v13 =	vld.idx.msk [tilespmem:v13+s20+$0x0], $0xffff  }
0x729: {  	v8 =	vld.idx.msk [tilespmem:v8+s20+$0x0], $0xffff  }
0x72a: {  	v5 =	vld.idx.msk [tilespmem:v5+s20+$0x0], $0xffff  }
0x72b: {  	s3 =	smov.u32 s0;
	v17 =	vadd.s32 v17, v1;
	v7 =	vld.idx.msk [tilespmem:v7+s20+$0x0], $0xffff  }
0x72c: {  	v18 =	vadd.s32 v18, v1;
	[tilespmem:s3+$0x170] =	vst v6;
	v6 =	vld.idx.msk [tilespmem:v16+s20+$0x0], $0xffff  }
0x72d: {  	v10 =	vadd.s32 v52, v2;
	v14 =	vld.idx.msk [tilespmem:v14+s20+$0x0], $0xffff  }
0x72e: {  	v15 =	vadd.s32 v35, v2;
	[tilespmem:s0+$0xFFFFFE60] =	vst v13;
	v13 =	vld [tilespmem:$0x1FD20]  }
0x72f: {  	[tilespmem:s0+$0xFFFFFED0] =	vst v8;
	v8 =	vld [tilespmem:$0x1FDC0]  }
0x730: {  	v17 =	vld.idx.msk [tilespmem:v17+s20+$0x0], $0xffff;
	[tilespmem:s0+$0xFFFFFF50] =	vst v7;
	s0 =	sadd.s32 $0x400, s0  }
0x731: {  	v7 =	vadd.s32 v44, v2;
	v18 =	vld.idx.msk [tilespmem:v18+s20+$0x0], $0xffff;
	[tilespmem:s0+$0xFFFFFE80] =	vst v9  }
0x732: {  	v16 =	vadd.s32 v33, v1;
	v9 =	vld.idx.msk [tilespmem:v10+s20+$0x0], $0xffff;
	[tilespmem:s3+$0x70] =	vst v4  }
0x733: {  	v10 =	vadd.s32 v27, v2;
	[tilespmem:s0+$0xFFFFFF00] =	vst v12;
	v4 =	vld.idx.msk [tilespmem:v15+s20+$0x0], $0xffff  }
0x734: {  	v20 =	vadd.s32 v20, v2;
	v15 =	vld [tilespmem:$0x1FD30];
	[tilespmem:s0+$0xFFFFFF80] =	vst v6  }
0x735: {  	v12 =	vadd.s32 v59, v2;
	[tilespmem:s3+$0xFFFFFEE0] =	vst v17;
	v17 =	vld [tilespmem:$0x1FDD0]  }
0x736: {  	[tilespmem:s0+$0xFFFFFE00] =	vst v11;
	v11 =	vadd.s32 v54, v2;
	v7 =	vld.idx.msk [tilespmem:v7+s20+$0x0], $0xffff  }
0x737: {  	v19 =	vadd.s32 v38, v2;
	[tilespmem:s0+$0x80] =	vst v14;
	v16 =	vld.idx.msk [tilespmem:v16+s20+$0x0], $0xffff  }
0x738: {  	[tilespmem:s0+$0x180] =	vst v5;
	v13 =	vadd.s32 v13, v2;
	v10 =	vld.idx.msk [tilespmem:v10+s20+$0x0], $0xffff  }
0x739: {  	v8 =	vadd.s32 v8, v2;
	[tilespmem:s0+$0x100] =	vst v4;
	v4 =	vld.idx.msk [tilespmem:v20+s20+$0x0], $0xffff  }
0x73a: {  	[tilespmem:s0+$0x0] =	vst v9;
	v12 =	vld.idx.msk [tilespmem:v12+s20+$0x0], $0xffff  }
0x73b: {  	v11 =	vld.idx.msk [tilespmem:v11+s20+$0x0], $0xffff  }
0x73c: {  	v6 =	vadd.s32 v45, v2;
	v19 =	vld.idx.msk [tilespmem:v19+s20+$0x0], $0xffff  }
0x73d: {  	[tilespmem:s3+$0xFFFFFF60] =	vst v18;
	v13 =	vld.idx.msk [tilespmem:v13+s20+$0x0], $0xffff  }
0x73e: {  	v8 =	vld.idx.msk [tilespmem:v8+s20+$0x0], $0xffff  }
0x73f: {  	v14 =	vadd.s32 v21, v2;
	[tilespmem:s0+$0xFFFFFF90] =	vst v7;
	v7 =	vld [tilespmem:$0x1FE20]  }
0x740: {  	v5 =	vadd.s32 v26, v2;
	[tilespmem:s3+$0xFFFFFEF0] =	vst v16;
	v16 =	vld [tilespmem:$0x1FD80]  }
0x741: {  	v9 =	vadd.s32 v57, v2;
	v6 =	vld.idx.msk [tilespmem:v6+s20+$0x0], $0xffff;
	[tilespmem:s0+$0x90] =	vst v10  }
0x742: {  	[tilespmem:s0+$0xFFFFFE90] =	vst v4;
	v4 =	vld [tilespmem:$0x1FDF0]  }
0x743: {  	v17 =	vadd.s32 v17, v2;
	[tilespmem:s0+$0x10] =	vst v11;
	v11 =	vld [tilespmem:$0x1FE60]  }
0x744: {  	v20 =	vadd.s32 v40, v1;
	[tilespmem:s0+$0x190] =	vst v12;
	v14 =	vld.idx.msk [tilespmem:v14+s20+$0x0], $0xffff  }
0x745: {  	v15 =	vadd.s32 v15, v2;
	v5 =	vld.idx.msk [tilespmem:v5+s20+$0x0], $0xffff  }
0x746: {  	v18 =	vadd.s32 v42, v2;
	[tilespmem:s0+$0x110] =	vst v19;
	v9 =	vld.idx.msk [tilespmem:v9+s20+$0x0], $0xffff  }
0x747: {  	v10 =	vadd.s32 v55, v2;
	[tilespmem:s0+$0xFFFFFF10] =	vst v8;
	v8 =	vld [tilespmem:$0x1FDE0]  }
0x748: {  	v12 =	vadd.s32 v60, v2;
	[tilespmem:s0+$0xFFFFFE10] =	vst v13;
	v17 =	vld.idx.msk [tilespmem:v17+s20+$0x0], $0xffff  }
0x749: {  	v7 =	vadd.s32 v7, v2;
	[tilespmem:s0+$0xFFFFFFA0] =	vst v6;
	v6 =	vld.idx.msk [tilespmem:v20+s20+$0x0], $0xffff  }
0x74a: {  	v16 =	vadd.s32 v16, v2;
	[tilespmem:s0+$0xA0] =	vst v14;
	v14 =	vld.idx.msk [tilespmem:v15+s20+$0x0], $0xffff  }
0x74b: {  	[tilespmem:s0+$0x20] =	vst v9;
	v9 =	vld.idx.msk [tilespmem:v18+s20+$0x0], $0xffff  }
0x74c: {  	v11 =	vadd.s32 v11, v2;
	[tilespmem:s0+$0x1A0] =	vst v5;
	v10 =	vld.idx.msk [tilespmem:v10+s20+$0x0], $0xffff  }
0x74d: {  	v12 =	vld.idx.msk [tilespmem:v12+s20+$0x0], $0xffff;
	v8 =	vadd.s32 v8, v2  }
0x74e: {  	v21 =	vadd.s32 v43, v2;
	v7 =	vld.idx.msk [tilespmem:v7+s20+$0x0], $0xffff  }
0x74f: {  	v5 =	vadd.s32 v53, v2;
	[tilespmem:s0+$0xFFFFFF20] =	vst v17;
	v16 =	vld.idx.msk [tilespmem:v16+s20+$0x0], $0xffff  }
0x750: {  	v3 =	vadd.s32 v46, v2;
	[tilespmem:s3+$0xFFFFFF70] =	vst v6;
	v6 =	vld [tilespmem:$0x1FD40]  }
0x751: {  	v13 =	vadd.s32 v30, v2;
	v11 =	vld.idx.msk [tilespmem:v11+s20+$0x0], $0xffff;
	[tilespmem:s0+$0xFFFFFE20] =	vst v14  }
0x752: {  	[tilespmem:s0+$0x120] =	vst v9;
	v8 =	vld.idx.msk [tilespmem:v8+s20+$0x0], $0xffff  }
0x753: {  	v14 =	vadd.s32 v51, v1;
	[tilespmem:s0+$0xB0] =	vst v10;
	v10 =	vld.idx.msk [tilespmem:v21+s20+$0x0], $0xffff  }
0x754: {  	v5 =	vld.idx.msk [tilespmem:v5+s20+$0x0], $0xffff;
	[tilespmem:s0+$0xFFFFFFB0] =	vst v7;
	v7 =	vadd.s32 v32, v2  }
0x755: {  	v9 =	vadd.s32 v31, v2;
	[tilespmem:s0+$0xFFFFFEA0] =	vst v16;
	v3 =	vld.idx.msk [tilespmem:v3+s20+$0x0], $0xffff  }
0x756: {  	[tilespmem:s0+$0x1B0] =	vst v12;
	v13 =	vld.idx.msk [tilespmem:v13+s20+$0x0], $0xffff  }
0x757: {  	v15 =	vadd.s32 v47, v2;
	[tilespmem:s0+$0xFFFFFF30] =	vst v8;
	v8 =	vld [tilespmem:$0x1FE30]  }
0x758: {  	v6 =	vadd.s32 v6, v2;
	[tilespmem:s0+$0x130] =	vst v10;
	v10 =	vld.idx.msk [tilespmem:v14+s20+$0x0], $0xffff  }
0x759: {  	[tilespmem:s0+$0x30] =	vst v11;
	v7 =	vld.idx.msk [tilespmem:v7+s20+$0x0], $0xffff  }
0x75a: {  	v11 =	vadd.s32 v24, v2;
	[tilespmem:s0+$0xFFFFFFC0] =	vst v3;
	v3 =	vld.idx.msk [tilespmem:v9+s20+$0x0], $0xffff  }
0x75b: {  	v9 =	vld [tilespmem:$0x1FD60]  }
0x75c: {  	[tilespmem:s0+$0xC0] =	vst v5;
	v5 =	vld.idx.msk [tilespmem:v15+s20+$0x0], $0xffff  }
0x75d: {  	v14 =	vadd.s32 v41, v2;
	v6 =	vld.idx.msk [tilespmem:v6+s20+$0x0], $0xffff  }
0x75e: {  	v12 =	vadd.s32 v39, v2;
	v21 =	vld [tilespmem:$0x1FEE0]  }
0x75f: {  	[tilespmem:s0+$0xFFFFFEB0] =	vst v13;
	v11 =	vld.idx.msk [tilespmem:v11+s20+$0x0], $0xffff;
	v8 =	vadd.s32 v8, v2  }
0x760: {  	[tilespmem:s0+$0x1C0] =	vst v7;
	v7 =	vld [tilespmem:$0x1FE40];
	v9 =	vadd.s32 v9, v1  }
0x761: {  	v13 =	vadd.s32 v25, v1;
	[tilespmem:s0+$0x140] =	vst v5;
	v5 =	vld [tilespmem:$0x1FD90];
	v1 =	vmov v2  }
0x762: {  	[tilespmem:s0+$0xFFFFFE30] =	vst v6;
	v14 =	vld.idx.msk [tilespmem:v14+s20+$0x0], $0xffff;
	v6 =	vadd.s32 v48, v1  }
0x763: {  	[tilespmem:s0+$0x40] =	vst v3;
	v15 =	vld.idx.msk [tilespmem:v12+s20+$0x0], $0xffff;
	v3 =	vadd.s32 v58, v1  }
0x764: {  	v0 =	vadd.s32 v0, v2;
	v4 =	vadd.s32 v4, v2;
	v16 =	vadd.s32 v28, v1;
	v2 =	vld.idx.msk [tilespmem:v8+s20+$0x0], $0xffff  }
0x765: {  	[tilespmem:s3+$0x1E0] =	vst v10;
	v17 =	vld.idx.msk [tilespmem:v9+s20+$0x0], $0xffff;
	v9 =	vadd.s32 v7, v1  }
0x766: {  	p0 =	slt.u32 s8, $0x38;
	v18 =	vadd.s32 v23, v1;
	v8 =	vld.idx.msk [tilespmem:v13+s20+$0x0], $0xffff  }
.Ltmp10:
0x767: {  	[tilespmem:s0+$0xD0] =	vst v11;
	v7 =	vld.idx.msk [tilespmem:v6+s20+$0x0], $0xffff;
	(pc) =	sbr.rel @p0 .LBB2_22-.Ltmp10, $4  }
0x768: {  	[tilespmem:s0+$0xFFFFFE40] =	vst v15;
	v6 =	vld.idx.msk [tilespmem:v3+s20+$0x0], $0xffff  }
0x769: {  	[tilespmem:s0+$0xFFFFFFD0] =	vst v2;
	v2 =	vld.idx.msk [tilespmem:v16+s20+$0x0], $0xffff  }
0x76a: {  	v10 =	vadd.s32 v49, v1;
	v11 =	vadd.s32 v62, v1;
	v3 =	vld.idx.msk [tilespmem:v9+s20+$0x0], $0xffff;
	[tilespmem:s3+$0xFFFFFE70] =	vst v17  }
0x76b: {  	s8 =	sadd.s32 $0x8, s8;
	v12 =	vadd.s32 v5, v1;
	[tilespmem:s0+$0x1D0] =	vst v14;
	v9 =	vadd.s32 v36, v1;
	v5 =	vld.idx.msk [tilespmem:v18+s20+$0x0], $0xffff  }
0x76c: {  	_ =	sdelay $0x3  }
0x76d: {  	v12 =	vld.idx.msk [tilespmem:v12+s20+$0x0], $0xffff  }
0x76e: {  	v4 =	vld.idx.msk [tilespmem:v4+s20+$0x0], $0xffff  }
0x76f: {  	v13 =	vld [tilespmem:$0x1FDA0]  }
0x770: {  	v14 =	vld [tilespmem:$0x1FE00];
	[tilespmem:s3+$0x1F0] =	vst v8  }
0x771: {  	[tilespmem:s0+$0x150] =	vst v7  }
0x772: {  	[tilespmem:s0+$0xE0] =	vst v2  }
0x773: {  	v8 =	vld.idx.msk [tilespmem:v10+s20+$0x0], $0xffff;
	[tilespmem:s0+$0xFFFFFEC0] =	vst v12  }
0x774: {  	v9 =	vld.idx.msk [tilespmem:v9+s20+$0x0], $0xffff;
	v13 =	vadd.s32 v13, v1;
	[tilespmem:s0+$0xFFFFFF40] =	vst v4  }
0x775: {  	v14 =	vadd.s32 v14, v1;
	v4 =	vld [tilespmem:$0x1FDB0];
	[tilespmem:s0+$0x50] =	vst v6  }
0x776: {  	v6 =	vld [tilespmem:$0x1FE10]  }
0x777: {  	v10 =	vld [tilespmem:$0x1FD50]  }
0x778: {  	[tilespmem:s0+$0xFFFFFFE0] =	vst v3;
	v3 =	vld.idx.msk [tilespmem:v11+s20+$0x0], $0xffff  }
0x779: {  	v7 =	vld.idx.msk [tilespmem:v13+s20+$0x0], $0xffff  }
0x77a: {  	[tilespmem:s0+$0xFFFFFE50] =	vst v5;
	v2 =	vld.idx.msk [tilespmem:v14+s20+$0x0], $0xffff  }
0x77b: {  	[tilespmem:s0+$0x160] =	vst v8  }
0x77c: {  	v5 =	vadd.s32 v51, v1;
	[tilespmem:s0+$0xF0] =	vst v9  }
0x77d: {  	v0 =	vld.idx.msk [tilespmem:v0+s20+$0x0], $0xffff;
	v4 =	vadd.s32 v4, v1;
	[tilespmem:s0+$0x60] =	vst v3  }
0x77e: {  	v6 =	vadd.s32 v6, v1;
	[tilespmem:s0+$0xFFFFFED0] =	vst v7  }
0x77f: {  	v10 =	vadd.s32 v10, v1;
	[tilespmem:s0+$0xFFFFFF50] =	vst v2  }
0x780: {  	v11 =	vadd.s32 v50, v1;
	v3 =	vld [tilespmem:$0x1FD60]  }
0x781: {  	v5 =	vld.idx.msk [tilespmem:v5+s20+$0x0], $0xffff;
	v7 =	vadd.s32 v61, v1  }
0x782: {  	v4 =	vld.idx.msk [tilespmem:v4+s20+$0x0], $0xffff;
	[tilespmem:s0+$0xFFFFFFF0] =	vst v0;
	v0 =	vadd.s32 v25, v1  }
0x783: {  	v2 =	vld.idx.msk [tilespmem:v6+s20+$0x0], $0xffff;
	v6 =	vadd.s32 v33, v1  }
0x784: {  	v9 =	vadd.s32 v40, v1;
	v8 =	vld.idx.msk [tilespmem:v10+s20+$0x0], $0xffff  }
0x785: {  	v10 =	vld.idx.msk [tilespmem:v11+s20+$0x0], $0xffff;
	v3 =	vadd.s32 v3, v1  }
0x786: {  	[tilespmem:s0+$0x1E0] =	vst v5;
	v1 =	vld.idx.msk [tilespmem:v7+s20+$0x0], $0xffff  }
0x787: {  	[tilespmem:s0+$0xFFFFFEE0] =	vst v4;
	v0 =	vld.idx.msk [tilespmem:v0+s20+$0x0], $0xffff  }
0x788: {  	v4 =	vld.idx.msk [tilespmem:v6+s20+$0x0], $0xffff;
	[tilespmem:s0+$0xFFFFFF60] =	vst v2  }
0x789: {  	[tilespmem:s0+$0xFFFFFE60] =	vst v8;
	v2 =	vld.idx.msk [tilespmem:v9+s20+$0x0], $0xffff  }
0x78a: {  	[tilespmem:s0+$0x170] =	vst v10;
	v3 =	vld.idx.msk [tilespmem:v3+s20+$0x0], $0xffff  }
0x78b: {  	[tilespmem:s0+$0x70] =	vst v1  }
0x78c: {  	[tilespmem:s0+$0x1F0] =	vst v0  }
0x78d: {  	[tilespmem:s0+$0xFFFFFEF0] =	vst v4  }
0x78e: {  	[tilespmem:s0+$0xFFFFFF70] =	vst v2  }
0x78f: {  	[tilespmem:s0+$0xFFFFFE70] =	vst v3  }
0x790: {  	s0 =	rddreg [dreg:$0x5]  }
0x791: {  	[hbm4b:s0+s13] =	stream.strided.scatter [tilespmem:s22], [sflag:$0x5], $0x2000, s21, s13, $0x38;
	[tilespmem:$0x14980] =	vst v63  }
0x792: {  	_ =	swait.ge [sflag:s24], $0x2000  }
0x793: {  	[sflag:s24] =	ssyncset.done $0x0  }
0x794: {  	[sflag:s24] =	ssyncadd.s32 $0xFFFFE000  }
0x795: {  	v1 =	vld [tilespmem:$0x2540]  }
0x796: {  	v2 =	vld [tilespmem:$0x2550]  }
0x797: {  	v3 =	vld [tilespmem:$0x2560]  }
0x798: {  	s15 =	simm.s32 $0x4680;
	v0 =	vld [tilespmem:$0x2570]  }
0x799: {  	v4 =	vld [tilespmem:s15+$0xC0]  }
0x79a: {  	v5 =	vld [tilespmem:s15+$0xFFFFFF40]  }
0x79b: {  	v6 =	vld [tilespmem:s15+$0xFFFFFF80]  }
0x79c: {  	v7 =	vld [tilespmem:s15+$0xFFFFFFC0]  }
0x79d: {  	v8 =	vld [tilespmem:s15+$0x0]  }
0x79e: {  	v9 =	vld [tilespmem:s15+$0x40];
	v4 =	vadd.f32 v4, v1  }
0x79f: {  	s0 =	simm.s32 $0xA6A0;
	v10 =	vld [tilespmem:s15+$0x80];
	v5 =	vadd.f32 v5, v1  }
0x7a0: {  	v11 =	vld [tilespmem:s15+$0xFFFFFF00];
	v6 =	vadd.f32 v6, v1;
	[tilespmem:s0+$0xD8] =	vst v4  }
0x7a1: {  	[tilespmem:s0+$0xFFFFFF28] =	vst v5;
	v4 =	vadd.f32 v7, v1;
	v5 =	vld [tilespmem:s15+$0xD0]  }
0x7a2: {  	[tilespmem:s0+$0xFFFFFF70] =	vst v6;
	v6 =	vadd.f32 v8, v1;
	v7 =	vld [tilespmem:s15+$0xFFFFFF50]  }
0x7a3: {  	v8 =	vld [tilespmem:s15+$0xFFFFFF90];
	[tilespmem:s0+$0xFFFFFFB8] =	vst v4;
	v4 =	vadd.f32 v9, v1  }
0x7a4: {  	[tilespmem:s0+$0x0] =	vst v6;
	v6 =	vadd.f32 v10, v1;
	v9 =	vld [tilespmem:s15+$0xFFFFFFD0]  }
0x7a5: {  	v10 =	vadd.f32 v11, v1;
	v11 =	vld [tilespmem:s15+$0x10];
	[tilespmem:s0+$0x48] =	vst v4  }
0x7a6: {  	[tilespmem:s0+$0x90] =	vst v6;
	v4 =	vld [tilespmem:s15+$0x50];
	v5 =	vadd.f32 v5, v2  }
0x7a7: {  	[tilespmem:s0+$0xFFFFFEE0] =	vst v10;
	v6 =	vadd.f32 v7, v2;
	v7 =	vld [tilespmem:s15+$0x90]  }
0x7a8: {  	v10 =	vld [tilespmem:s15+$0xFFFFFF10];
	v8 =	vadd.f32 v8, v2;
	[tilespmem:s0+$0xE8] =	vst v5  }
0x7a9: {  	[tilespmem:s0+$0xFFFFFF38] =	vst v6;
	v5 =	vadd.f32 v9, v2;
	v6 =	vld [tilespmem:s15+$0xE0]  }
0x7aa: {  	[tilespmem:s0+$0xFFFFFF80] =	vst v8;
	v8 =	vadd.f32 v11, v2;
	v9 =	vld [tilespmem:s15+$0xFFFFFF60]  }
0x7ab: {  	v11 =	vld [tilespmem:s15+$0xFFFFFFA0];
	[tilespmem:s0+$0xFFFFFFC8] =	vst v5;
	v4 =	vadd.f32 v4, v2  }
0x7ac: {  	[tilespmem:s0+$0x10] =	vst v8;
	v5 =	vld [tilespmem:s15+$0xFFFFFFE0];
	v7 =	vadd.f32 v7, v2  }
0x7ad: {  	v8 =	vadd.f32 v10, v2;
	v10 =	vld [tilespmem:s15+$0x20];
	[tilespmem:s0+$0x58] =	vst v4  }
0x7ae: {  	v4 =	vld [tilespmem:s15+$0x60];
	[tilespmem:s0+$0xA0] =	vst v7;
	v6 =	vadd.f32 v6, v3  }
0x7af: {  	[tilespmem:s0+$0xFFFFFEF0] =	vst v8;
	v7 =	vadd.f32 v9, v3;
	v8 =	vld [tilespmem:s15+$0xA0]  }
0x7b0: {  	v9 =	vld [tilespmem:s15+$0xFFFFFF20];
	v11 =	vadd.f32 v11, v3;
	[tilespmem:s0+$0xF8] =	vst v6  }
0x7b1: {  	[tilespmem:s0+$0xFFFFFF48] =	vst v7;
	v5 =	vadd.f32 v5, v3;
	v7 =	vld [tilespmem:s15+$0xF0]  }
0x7b2: {  	[tilespmem:s0+$0xFFFFFF90] =	vst v11;
	v6 =	vadd.f32 v10, v3;
	v59 =	vld [tilespmem:s15+$0xFFFFFF70]  }
0x7b3: {  	v11 =	vld [tilespmem:s15+$0xFFFFFFB0];
	[tilespmem:s0+$0xFFFFFFD8] =	vst v5;
	v5 =	vadd.f32 v4, v3  }
0x7b4: {  	[tilespmem:s0+$0x20] =	vst v6;
	v4 =	vld [tilespmem:s15+$0xFFFFFFF0];
	v8 =	vadd.f32 v8, v3  }
0x7b5: {  	v9 =	vadd.f32 v9, v3;
	v6 =	vld [tilespmem:s15+$0x30];
	[tilespmem:s0+$0x68] =	vst v5  }
0x7b6: {  	v5 =	vld [tilespmem:s15+$0x70];
	[tilespmem:s0+$0xB0] =	vst v8;
	v60 =	vadd.f32 v7, v0  }
0x7b7: {  	[tilespmem:s0+$0xFFFFFF00] =	vst v9;
	v7 =	vld [tilespmem:s15+$0xB0];
	v10 =	vadd.f32 v59, v0  }
0x7b8: {  	s8 =	simm.s32 $0x0;
	s9 =	simm.s32 $0x4880;
	v49 =	vmov v50;
	v8 =	vld [tilespmem:s15+$0xFFFFFF30];
	v9 =	vadd.f32 v11, v0;
	[tilespmem:s0+$0x108] =	vst v60  }
.LBB2_24:
0x7b9: {  	v11 =	vld [tilespmem:s9+$0xC0];
	s8 =	sadd.s32 $0x8, s8;
	[tilespmem:s0+$0xFFFFFF58] =	vst v10;
	v4 =	vadd.f32 v4, v0  }
0x7ba: {  	v10 =	vld [tilespmem:s9+$0xFFFFFF40];
	p0 =	slt.u32 s8, $0x78;
	[tilespmem:s0+$0xFFFFFFA0] =	vst v9;
	v6 =	vadd.f32 v6, v0  }
0x7bb: {  	v9 =	vld [tilespmem:s9+$0xFFFFFF80];
	[tilespmem:s0+$0xFFFFFFE8] =	vst v4;
	v4 =	vadd.f32 v5, v0  }
0x7bc: {  	v5 =	vld [tilespmem:s9+$0xFFFFFFC0];
	[tilespmem:s0+$0x30] =	vst v6;
	v6 =	vadd.f32 v7, v0  }
0x7bd: {  	v7 =	vld [tilespmem:s9+$0x0];
	v8 =	vadd.f32 v8, v0;
	[tilespmem:s0+$0x78] =	vst v4  }
0x7be: {  	v4 =	vld [tilespmem:s9+$0x40];
	v11 =	vadd.f32 v11, v1;
	[tilespmem:s0+$0xC0] =	vst v6  }
0x7bf: {  	v6 =	vadd.f32 v10, v1;
	v10 =	vld [tilespmem:s9+$0x80];
	[tilespmem:s0+$0xFFFFFF10] =	vst v8;
	s0 =	sadd.s32 $0x240, s0  }
0x7c0: {  	v8 =	vld [tilespmem:s9+$0xFFFFFF00];
	v9 =	vadd.f32 v9, v1;
	[tilespmem:s0+$0xD8] =	vst v11  }
0x7c1: {  	[tilespmem:s0+$0xFFFFFF28] =	vst v6;
	v5 =	vadd.f32 v5, v1;
	v6 =	vld [tilespmem:s9+$0xD0]  }
0x7c2: {  	v11 =	vld [tilespmem:s9+$0xFFFFFF50];
	[tilespmem:s0+$0xFFFFFF70] =	vst v9;
	v7 =	vadd.f32 v7, v1  }
0x7c3: {  	v9 =	vld [tilespmem:s9+$0xFFFFFF90];
	[tilespmem:s0+$0xFFFFFFB8] =	vst v5;
	v4 =	vadd.f32 v4, v1  }
0x7c4: {  	v5 =	vld [tilespmem:s9+$0xFFFFFFD0];
	[tilespmem:s0+$0x0] =	vst v7;
	v7 =	vadd.f32 v10, v1  }
0x7c5: {  	v8 =	vadd.f32 v8, v1;
	v10 =	vld [tilespmem:s9+$0x10];
	[tilespmem:s0+$0x48] =	vst v4  }
0x7c6: {  	v4 =	vld [tilespmem:s9+$0x50];
	[tilespmem:s0+$0x90] =	vst v7;
	v6 =	vadd.f32 v6, v2  }
0x7c7: {  	[tilespmem:s0+$0xFFFFFEE0] =	vst v8;
	v7 =	vadd.f32 v11, v2;
	v8 =	vld [tilespmem:s9+$0x90]  }
0x7c8: {  	v11 =	vld [tilespmem:s9+$0xFFFFFF10];
	v9 =	vadd.f32 v9, v2;
	[tilespmem:s0+$0xE8] =	vst v6  }
0x7c9: {  	[tilespmem:s0+$0xFFFFFF38] =	vst v7;
	v5 =	vadd.f32 v5, v2;
	v6 =	vld [tilespmem:s9+$0xE0]  }
0x7ca: {  	v7 =	vld [tilespmem:s9+$0xFFFFFF60];
	[tilespmem:s0+$0xFFFFFF80] =	vst v9;
	v9 =	vadd.f32 v10, v2  }
0x7cb: {  	v10 =	vld [tilespmem:s9+$0xFFFFFFA0];
	[tilespmem:s0+$0xFFFFFFC8] =	vst v5;
	v4 =	vadd.f32 v4, v2  }
0x7cc: {  	v5 =	vld [tilespmem:s9+$0xFFFFFFE0];
	[tilespmem:s0+$0x10] =	vst v9;
	v8 =	vadd.f32 v8, v2  }
0x7cd: {  	v9 =	vadd.f32 v11, v2;
	v11 =	vld [tilespmem:s9+$0x20];
	[tilespmem:s0+$0x58] =	vst v4  }
0x7ce: {  	v4 =	vld [tilespmem:s9+$0x60];
	[tilespmem:s0+$0xA0] =	vst v8;
	v6 =	vadd.f32 v6, v3  }
0x7cf: {  	[tilespmem:s0+$0xFFFFFEF0] =	vst v9;
	v7 =	vadd.f32 v7, v3;
	v8 =	vld [tilespmem:s9+$0xA0]  }
0x7d0: {  	v9 =	vld [tilespmem:s9+$0xFFFFFF20];
	v10 =	vadd.f32 v10, v3;
	[tilespmem:s0+$0xF8] =	vst v6  }
0x7d1: {  	[tilespmem:s0+$0xFFFFFF48] =	vst v7;
	v5 =	vadd.f32 v5, v3;
	v7 =	vld [tilespmem:s9+$0xF0]  }
0x7d2: {  	v12 =	vld [tilespmem:s9+$0xFFFFFF70];
	[tilespmem:s0+$0xFFFFFF90] =	vst v10;
	v6 =	vadd.f32 v11, v3  }
0x7d3: {  	v11 =	vld [tilespmem:s9+$0xFFFFFFB0];
	[tilespmem:s0+$0xFFFFFFD8] =	vst v5;
	v5 =	vadd.f32 v4, v3  }
.Ltmp11:
0x7d4: {  	v4 =	vld [tilespmem:s9+$0xFFFFFFF0];
	[tilespmem:s0+$0x20] =	vst v6;
	v8 =	vadd.f32 v8, v3;
	(pc) =	sbr.rel @p0 .LBB2_24-.Ltmp11, $4  }
0x7d5: {  	v9 =	vadd.f32 v9, v3;
	v6 =	vld [tilespmem:s9+$0x30];
	[tilespmem:s0+$0x68] =	vst v5  }
0x7d6: {  	v5 =	vld [tilespmem:s9+$0x70];
	[tilespmem:s0+$0xB0] =	vst v8;
	v13 =	vadd.f32 v7, v0  }
0x7d7: {  	[tilespmem:s0+$0xFFFFFF00] =	vst v9;
	v10 =	vadd.f32 v12, v0;
	v7 =	vld [tilespmem:s9+$0xB0]  }
0x7d8: {  	s10 =	simm.s32 $0x0;
	s3 =	simm.s32 $0xEB80;
	v8 =	vld [tilespmem:s9+$0xFFFFFF30];
	v9 =	vadd.f32 v11, v0;
	[tilespmem:s0+$0x108] =	vst v13;
	s9 =	sadd.s32 $0x200, s9  }
0x7d9: {  	v1 =	vmov s10  }
0x7da: {  	v1 =	vshrl.u32 v1, $0x3  }
0x7db: {  	[tilespmem:s0+$0xFFFFFF58] =	vst v10;
	v2 =	vadd.f32 v4, v0;
	v1 =	vshll.u32 v1, $0x3  }
0x7dc: {  	[tilespmem:s0+$0xFFFFFFA0] =	vst v9;
	v12 =	vbroadcast v1, $0x0;
	v1 =	vadd.f32 v6, v0  }
0x7dd: {  	[tilespmem:s0+$0xFFFFFFE8] =	vst v2;
	v2 =	vadd.f32 v5, v0  }
0x7de: {  	[tilespmem:s0+$0x30] =	vst v1;
	v1 =	vadd.f32 v7, v0  }
0x7df: {  	[tilespmem:s0+$0x78] =	vst v2;
	v0 =	vadd.f32 v8, v0  }
0x7e0: {  	v3 =	vadd.s32 v22, v12;
	[tilespmem:s0+$0xC0] =	vst v1  }
0x7e1: {  	v2 =	vadd.s32 v34, v12;
	[tilespmem:s0+$0xFFFFFF10] =	vst v0  }
0x7e2: {  	v4 =	vadd.s32 v29, v12;
	v60 =	vld [tilespmem:$0x1FF20]  }
0x7e3: {  	v5 =	vadd.s32 v63, v12;
	v50 =	vld [tilespmem:$0x1FFA0]  }
0x7e4: {  	v1 =	vadd.s32 v37, v12;
	v36 =	vld [tilespmem:$0x1FDC0]  }
0x7e5: {  	v0 =	vadd.s32 v52, v12;
	v3 =	vld.idx.msk [tilespmem:v3+s20+$0x0], $0xffff  }
0x7e6: {  	v2 =	vld.idx.msk [tilespmem:v2+s20+$0x0], $0xffff  }
0x7e7: {  	v4 =	vld.idx.msk [tilespmem:v4+s20+$0x0], $0xffff  }
0x7e8: {  	v5 =	vld.idx.msk [tilespmem:v5+s20+$0x0], $0xffff  }
0x7e9: {  	v1 =	vld.idx.msk [tilespmem:v1+s20+$0x0], $0xffff;
	v6 =	vadd.s32 v60, v12  }
0x7ea: {  	v0 =	vld.idx.msk [tilespmem:v0+s20+$0x0], $0xffff;
	v7 =	vadd.s32 v50, v12;
	[tilespmem:s3+$0xFFFFFE00] =	vst v3  }
0x7eb: {  	v8 =	vadd.s32 v36, v12;
	v51 =	vld [tilespmem:$0x1FFE0];
	[tilespmem:s3+$0xFFFFFF00] =	vst v2  }
0x7ec: {  	v14 =	vld [tilespmem:$0x1FD70]  }
0x7ed: {  	v56 =	vld [tilespmem:$0x1FFB0]  }
0x7ee: {  	v9 =	vadd.s32 v44, v12;
	v6 =	vld.idx.msk [tilespmem:v6+s20+$0x0], $0xffff  }
0x7ef: {  	v7 =	vld.idx.msk [tilespmem:v7+s20+$0x0], $0xffff  }
0x7f0: {  	v10 =	vadd.s32 v54, v12;
	[tilespmem:s3+$0xFFFFFF80] =	vst v1;
	v8 =	vld.idx.msk [tilespmem:v8+s20+$0x0], $0xffff  }
0x7f1: {  	v17 =	vld [tilespmem:$0x1FD20];
	[tilespmem:s3+$0x0] =	vst v0  }
0x7f2: {  	v35 =	vld [tilespmem:$0x1FF30];
	[tilespmem:s3+$0x80] =	vst v5  }
0x7f3: {  	v9 =	vld.idx.msk [tilespmem:v9+s20+$0x0], $0xffff;
	[tilespmem:s3+$0xFFFFFE80] =	vst v4;
	v3 =	vadd.s32 v51, v12  }
0x7f4: {  	[tilespmem:s3+$0x180] =	vst v7  }
0x7f5: {  	v10 =	vld.idx.msk [tilespmem:v10+s20+$0x0], $0xffff;
	v4 =	vadd.s32 v45, v12;
	[tilespmem:s3+$0x100] =	vst v6  }
0x7f6: {  	v2 =	vadd.s32 v14, v12;
	v16 =	vld [tilespmem:$0x1FD80];
	[tilespmem:s3+$0xFFFFFF10] =	vst v8  }
0x7f7: {  	v11 =	vadd.s32 v56, v12;
	v59 =	vld [tilespmem:$0x1FFC0]  }
0x7f8: {  	[tilespmem:s3+$0xFFFFFF90] =	vst v9;
	v3 =	vld.idx.msk [tilespmem:v3+s20+$0x0], $0xffff  }
0x7f9: {  	v5 =	vadd.s32 v57, v12;
	v15 =	vld [tilespmem:$0x1FDD0]  }
0x7fa: {  	v1 =	vadd.s32 v17, v12;
	v4 =	vld.idx.msk [tilespmem:v4+s20+$0x0], $0xffff  }
0x7fb: {  	v0 =	vadd.s32 v35, v12;
	v2 =	vld.idx.msk [tilespmem:v2+s20+$0x0], $0xffff  }
0x7fc: {  	[tilespmem:s3+$0x10] =	vst v10;
	v6 =	vld.idx.msk [tilespmem:v11+s20+$0x0], $0xffff  }
0x7fd: {  	v7 =	vadd.s32 v21, v12;
	v18 =	vld [tilespmem:$0x1FE20]  }
0x7fe: {  	v5 =	vld.idx.msk [tilespmem:v5+s20+$0x0], $0xffff  }
0x7ff: {  	v1 =	vld.idx.msk [tilespmem:v1+s20+$0x0], $0xffff;
	v11 =	vadd.s32 v16, v12  }
0x800: {  	v0 =	vld.idx.msk [tilespmem:v0+s20+$0x0], $0xffff;
	[tilespmem:s3+$0x90] =	vst v3  }
0x801: {  	v8 =	vadd.s32 v59, v12;
	v38 =	vld [tilespmem:$0x1FF40]  }
0x802: {  	[tilespmem:s3+$0xFFFFFE90] =	vst v2;
	v2 =	vld.idx.msk [tilespmem:v7+s20+$0x0], $0xffff  }
0x803: {  	v9 =	vadd.s32 v15, v12;
	v13 =	vld [tilespmem:$0x1FEC0]  }
0x804: {  	[tilespmem:s3+$0x190] =	vst v6;
	v11 =	vld.idx.msk [tilespmem:v11+s20+$0x0], $0xffff  }
0x805: {  	v25 =	vld [tilespmem:$0x1FD30]  }
0x806: {  	[tilespmem:s3+$0xFFFFFE10] =	vst v1;
	v1 =	vld.idx.msk [tilespmem:v8+s20+$0x0], $0xffff  }
0x807: {  	v10 =	vadd.s32 v18, v12;
	v26 =	vld [tilespmem:$0x1FFD0]  }
0x808: {  	[tilespmem:s3+$0xFFFFFFA0] =	vst v4;
	v9 =	vld.idx.msk [tilespmem:v9+s20+$0x0], $0xffff  }
0x809: {  	v4 =	vld [tilespmem:$0x1FE60];
	[tilespmem:s3+$0x110] =	vst v0;
	v3 =	vadd.s32 v38, v12  }
0x80a: {  	v27 =	vld [tilespmem:$0x1FDE0];
	[tilespmem:s3+$0xA0] =	vst v2  }
0x80b: {  	v7 =	vadd.s32 v13, v12;
	v42 =	vld [tilespmem:$0x1FF50];
	[tilespmem:s3+$0x20] =	vst v5  }
0x80c: {  	v0 =	vld.idx.msk [tilespmem:v10+s20+$0x0], $0xffff;
	v6 =	vadd.s32 v25, v12;
	[tilespmem:s3+$0x1A0] =	vst v1  }
0x80d: {  	v8 =	vadd.s32 v26, v12;
	v55 =	vld [tilespmem:$0x1FED0];
	[tilespmem:s3+$0xFFFFFEA0] =	vst v11  }
0x80e: {  	v4 =	vadd.s32 v4, v12;
	[tilespmem:s3+$0xFFFFFF20] =	vst v9;
	v2 =	vld.idx.msk [tilespmem:v3+s20+$0x0], $0xffff  }
0x80f: {  	v11 =	vadd.s32 v30, v12;
	v19 =	vld [tilespmem:$0x1FD40]  }
0x810: {  	v10 =	vadd.s32 v27, v12;
	v5 =	vld.idx.msk [tilespmem:v7+s20+$0x0], $0xffff  }
0x811: {  	v6 =	vld.idx.msk [tilespmem:v6+s20+$0x0], $0xffff  }
0x812: {  	v3 =	vadd.s32 v42, v12;
	v8 =	vld.idx.msk [tilespmem:v8+s20+$0x0], $0xffff  }
0x813: {  	v4 =	vld.idx.msk [tilespmem:v4+s20+$0x0], $0xffff  }
0x814: {  	v1 =	vadd.s32 v55, v12;
	v11 =	vld.idx.msk [tilespmem:v11+s20+$0x0], $0xffff  }
0x815: {  	v10 =	vld.idx.msk [tilespmem:v10+s20+$0x0], $0xffff;
	[tilespmem:s3+$0x120] =	vst v2  }
0x816: {  	v32 =	vld [tilespmem:$0x1FCE0];
	[tilespmem:s3+$0xB0] =	vst v5  }
0x817: {  	v7 =	vadd.s32 v46, v12;
	v3 =	vld.idx.msk [tilespmem:v3+s20+$0x0], $0xffff;
	[tilespmem:s3+$0xFFFFFFB0] =	vst v0  }
0x818: {  	v43 =	vld [tilespmem:$0x1FF60]  }
0x819: {  	v9 =	vadd.s32 v19, v12;
	[tilespmem:s3+$0xFFFFFE20] =	vst v6;
	v0 =	vld.idx.msk [tilespmem:v1+s20+$0x0], $0xffff  }
0x81a: {  	v53 =	vld [tilespmem:$0x1FEF0]  }
0x81b: {  	v31 =	vld [tilespmem:$0x1FFF0];
	[tilespmem:s3+$0x1B0] =	vst v8;
	v2 =	vadd.s32 v32, v12  }
0x81c: {  	v5 =	vld.idx.msk [tilespmem:v7+s20+$0x0], $0xffff;
	[tilespmem:s3+$0x30] =	vst v4  }
0x81d: {  	v4 =	vld [tilespmem:$0x1FE30];
	[tilespmem:s3+$0x130] =	vst v3;
	v1 =	vadd.s32 v43, v12  }
0x81e: {  	v8 =	vld.idx.msk [tilespmem:v9+s20+$0x0], $0xffff;
	[tilespmem:s3+$0xC0] =	vst v0  }
0x81f: {  	v6 =	vadd.s32 v53, v12;
	v41 =	vld [tilespmem:$0x1FCF0]  }
0x820: {  	v7 =	vadd.s32 v31, v12;
	[tilespmem:s3+$0xFFFFFF30] =	vst v10;
	v2 =	vld.idx.msk [tilespmem:v2+s20+$0x0], $0xffff  }
0x821: {  	v9 =	vadd.s32 v39, v12;
	v47 =	vld [tilespmem:$0x1FF70]  }
0x822: {  	v4 =	vadd.s32 v4, v12;
	[tilespmem:s3+$0xFFFFFFC0] =	vst v5;
	v0 =	vld.idx.msk [tilespmem:v1+s20+$0x0], $0xffff  }
0x823: {  	v24 =	vld [tilespmem:$0x1FF00]  }
0x824: {  	v3 =	vld.idx.msk [tilespmem:v6+s20+$0x0], $0xffff  }
0x825: {  	[tilespmem:s3+$0xFFFFFE30] =	vst v8;
	v5 =	vld.idx.msk [tilespmem:v7+s20+$0x0], $0xffff;
	v1 =	vadd.s32 v41, v12  }
0x826: {  	v9 =	vld.idx.msk [tilespmem:v9+s20+$0x0], $0xffff;
	v6 =	vadd.s32 v47, v12  }
0x827: {  	v4 =	vld.idx.msk [tilespmem:v4+s20+$0x0], $0xffff;
	[tilespmem:s3+$0x1C0] =	vst v2  }
0x828: {  	v7 =	vadd.s32 v24, v12;
	v2 =	vld [tilespmem:$0x1FE40];
	[tilespmem:s3+$0x140] =	vst v0  }
0x829: {  	v8 =	vadd.s32 v58, v12;
	v0 =	vld [tilespmem:$0x1FD90]  }
0x82a: {  	v1 =	vld.idx.msk [tilespmem:v1+s20+$0x0], $0xffff  }
0x82b: {  	[tilespmem:s3+$0xD0] =	vst v3;
	v3 =	vld.idx.msk [tilespmem:v6+s20+$0x0], $0xffff  }
0x82c: {  	v10 =	vadd.s32 v23, v12;
	v6 =	vld [tilespmem:$0x1FDF0]  }
0x82d: {  	[tilespmem:s3+$0x40] =	vst v5;
	v5 =	vld.idx.msk [tilespmem:v7+s20+$0x0], $0xffff  }
0x82e: {  	[tilespmem:s3+$0xFFFFFFD0] =	vst v4;
	v2 =	vadd.s32 v2, v12;
	v4 =	vld.idx.msk [tilespmem:v8+s20+$0x0], $0xffff  }
0x82f: {  	v48 =	vld [tilespmem:$0x1FF80];
	[tilespmem:s3+$0xFFFFFE40] =	vst v9  }
0x830: {  	v28 =	vld [tilespmem:$0x1FF10]  }
0x831: {  	v0 =	vadd.s32 v0, v12;
	[tilespmem:s3+$0xFFFFFEB0] =	vst v11;
	v9 =	vld.idx.msk [tilespmem:v10+s20+$0x0], $0xffff  }
0x832: {  	s15 =	simm.s32 $0x8;
	v20 =	vld [tilespmem:$0x1FE50];
	[tilespmem:s3+$0x1D0] =	vst v1  }
0x833: {  	v1 =	vmov s15;
	v6 =	vadd.s32 v6, v12;
	[tilespmem:s3+$0x150] =	vst v3;
	v2 =	vld.idx.msk [tilespmem:v2+s20+$0x0], $0xffff  }
0x834: {  	v1 =	vshrl.u32 v1, $0x3;
	v7 =	vadd.s32 v48, v12;
	v3 =	vld [tilespmem:$0x1FD50];
	[tilespmem:s3+$0xE0] =	vst v5  }
0x835: {  	v10 =	vadd.s32 v62, v12;
	v1 =	vshll.u32 v1, $0x3;
	v5 =	vld [tilespmem:$0x1FDA0]  }
0x836: {  	v8 =	vadd.s32 v28, v12;
	v0 =	vld.idx.msk [tilespmem:v0+s20+$0x0], $0xffff;
	v1 =	vbroadcast v1, $0x0;
	[tilespmem:s3+$0x50] =	vst v4  }
0x837: {  	v11 =	vadd.s32 v20, v12;
	v4 =	vld [tilespmem:$0x1FE00]  }
0x838: {  	[tilespmem:s3+$0xFFFFFE50] =	vst v9;
	v9 =	vadd.s32 v22, v1;
	v6 =	vld.idx.msk [tilespmem:v6+s20+$0x0], $0xffff  }
0x839: {  	v3 =	vadd.s32 v3, v12;
	v7 =	vld.idx.msk [tilespmem:v7+s20+$0x0], $0xffff  }
0x83a: {  	[tilespmem:s3+$0xFFFFFFE0] =	vst v2;
	v2 =	vld.idx.msk [tilespmem:v10+s20+$0x0], $0xffff;
	v5 =	vadd.s32 v5, v12  }
0x83b: {  	v10 =	vadd.s32 v49, v12;
	v8 =	vld.idx.msk [tilespmem:v8+s20+$0x0], $0xffff  }
0x83c: {  	v4 =	vadd.s32 v4, v12;
	v11 =	vld.idx.msk [tilespmem:v11+s20+$0x0], $0xffff  }
0x83d: {  	v9 =	vld.idx.msk [tilespmem:v9+s20+$0x0], $0xffff  }
0x83e: {  	[tilespmem:s3+$0xFFFFFEC0] =	vst v0;
	v3 =	vld.idx.msk [tilespmem:v3+s20+$0x0], $0xffff  }
0x83f: {  	v0 =	vadd.s32 v29, v1;
	[tilespmem:s3+$0x160] =	vst v7;
	v5 =	vld.idx.msk [tilespmem:v5+s20+$0x0], $0xffff  }
0x840: {  	[tilespmem:s3+$0xFFFFFF40] =	vst v6;
	v10 =	vld.idx.msk [tilespmem:v10+s20+$0x0], $0xffff  }
0x841: {  	v6 =	vadd.s32 v61, v12;
	[tilespmem:s3+$0xF0] =	vst v8;
	v4 =	vld.idx.msk [tilespmem:v4+s20+$0x0], $0xffff  }
0x842: {  	v7 =	vadd.s32 v34, v1;
	v8 =	vld [tilespmem:$0x1FDB0];
	[tilespmem:s3+$0x60] =	vst v2  }
0x843: {  	v2 =	vld [tilespmem:$0x1FE10];
	[tilespmem:s3+$0xFFFFFFF0] =	vst v11;
	v11 =	vadd.s32 v37, v1  }
0x844: {  	v0 =	vld.idx.msk [tilespmem:v0+s20+$0x0], $0xffff;
	[tilespmem:s3+$0xFFFFFE60] =	vst v3;
	v3 =	vadd.s32 v52, v1  }
0x845: {  	[tilespmem:s3+$0xFFFFFED0] =	vst v5;
	v5 =	vadd.s32 v63, v1  }
0x846: {  	s0 =	simm.s32 $0xEF80;
	v6 =	vld.idx.msk [tilespmem:v6+s20+$0x0], $0xffff;
	[tilespmem:s3+$0x170] =	vst v10;
	v10 =	vadd.s32 v50, v1  }
0x847: {  	[tilespmem:s0+$0xFFFFFE00] =	vst v9;
	v7 =	vld.idx.msk [tilespmem:v7+s20+$0x0], $0xffff;
	v8 =	vadd.s32 v8, v12  }
0x848: {  	[tilespmem:s3+$0xFFFFFF50] =	vst v4;
	v4 =	vadd.s32 v60, v1;
	v9 =	vld.idx.msk [tilespmem:v11+s20+$0x0], $0xffff  }
0x849: {  	[tilespmem:s0+$0xFFFFFE80] =	vst v0;
	v0 =	vadd.s32 v36, v1;
	v3 =	vld.idx.msk [tilespmem:v3+s20+$0x0], $0xffff  }
0x84a: {  	v2 =	vadd.s32 v2, v12;
	v5 =	vld.idx.msk [tilespmem:v5+s20+$0x0], $0xffff  }
0x84b: {  	[tilespmem:s3+$0x70] =	vst v6;
	v6 =	vadd.s32 v44, v1;
	v10 =	vld.idx.msk [tilespmem:v10+s20+$0x0], $0xffff  }
0x84c: {  	[tilespmem:s0+$0xFFFFFF00] =	vst v7;
	v7 =	vadd.s32 v54, v1;
	v8 =	vld.idx.msk [tilespmem:v8+s20+$0x0], $0xffff  }
0x84d: {  	v11 =	vadd.s32 v33, v12;
	v4 =	vld.idx.msk [tilespmem:v4+s20+$0x0], $0xffff;
	[tilespmem:s0+$0xFFFFFF80] =	vst v9  }
0x84e: {  	v0 =	vld.idx.msk [tilespmem:v0+s20+$0x0], $0xffff;
	v9 =	vadd.s32 v56, v1;
	[tilespmem:s0+$0x0] =	vst v3  }
0x84f: {  	v2 =	vld.idx.msk [tilespmem:v2+s20+$0x0], $0xffff;
	v3 =	vadd.s32 v17, v1;
	[tilespmem:s0+$0x80] =	vst v5  }
0x850: {  	v6 =	vld.idx.msk [tilespmem:v6+s20+$0x0], $0xffff;
	v5 =	vadd.s32 v35, v1;
	[tilespmem:s0+$0x180] =	vst v10  }
0x851: {  	v7 =	vld.idx.msk [tilespmem:v7+s20+$0x0], $0xffff;
	[tilespmem:s3+$0xFFFFFEE0] =	vst v8;
	v8 =	vadd.s32 v51, v1  }
0x852: {  	[tilespmem:s0+$0x100] =	vst v4;
	v4 =	vadd.s32 v45, v1;
	v11 =	vld.idx.msk [tilespmem:v11+s20+$0x0], $0xffff  }
0x853: {  	v10 =	vadd.s32 v57, v1;
	[tilespmem:s0+$0xFFFFFF10] =	vst v0;
	v9 =	vld.idx.msk [tilespmem:v9+s20+$0x0], $0xffff  }
0x854: {  	[tilespmem:s3+$0xFFFFFF60] =	vst v2;
	v2 =	vadd.s32 v14, v1;
	v3 =	vld.idx.msk [tilespmem:v3+s20+$0x0], $0xffff  }
0x855: {  	[tilespmem:s0+$0xFFFFFF90] =	vst v6;
	v5 =	vld.idx.msk [tilespmem:v5+s20+$0x0], $0xffff  }
0x856: {  	[tilespmem:s0+$0x10] =	vst v7;
	v8 =	vld.idx.msk [tilespmem:v8+s20+$0x0], $0xffff  }
0x857: {  	v4 =	vld.idx.msk [tilespmem:v4+s20+$0x0], $0xffff;
	[tilespmem:s3+$0xFFFFFEF0] =	vst v11  }
0x858: {  	v6 =	vadd.s32 v59, v1;
	v10 =	vld.idx.msk [tilespmem:v10+s20+$0x0], $0xffff;
	[tilespmem:s0+$0x190] =	vst v9  }
0x859: {  	v2 =	vld.idx.msk [tilespmem:v2+s20+$0x0], $0xffff;
	v11 =	vadd.s32 v21, v1;
	[tilespmem:s0+$0xFFFFFE10] =	vst v3  }
0x85a: {  	[tilespmem:s0+$0x110] =	vst v5  }
0x85b: {  	v0 =	vadd.s32 v16, v1;
	[tilespmem:s0+$0x90] =	vst v8  }
0x85c: {  	v7 =	vadd.s32 v15, v1;
	[tilespmem:s0+$0xFFFFFFA0] =	vst v4  }
0x85d: {  	v9 =	vadd.s32 v38, v1;
	v6 =	vld.idx.msk [tilespmem:v6+s20+$0x0], $0xffff;
	[tilespmem:s0+$0x20] =	vst v10  }
0x85e: {  	v8 =	vadd.s32 v40, v12;
	[tilespmem:s0+$0xFFFFFE90] =	vst v2;
	v11 =	vld.idx.msk [tilespmem:v11+s20+$0x0], $0xffff  }
0x85f: {  	v2 =	vadd.s32 v18, v1;
	v10 =	vld [tilespmem:$0x1FE60]  }
0x860: {  	v5 =	vadd.s32 v25, v1;
	v0 =	vld.idx.msk [tilespmem:v0+s20+$0x0], $0xffff  }
0x861: {  	v3 =	vadd.s32 v13, v1;
	v7 =	vld.idx.msk [tilespmem:v7+s20+$0x0], $0xffff  }
0x862: {  	v4 =	vadd.s32 v26, v1;
	v9 =	vld.idx.msk [tilespmem:v9+s20+$0x0], $0xffff  }
0x863: {  	v8 =	vld.idx.msk [tilespmem:v8+s20+$0x0], $0xffff;
	[tilespmem:s0+$0xA0] =	vst v11;
	v11 =	vadd.s32 v27, v1  }
0x864: {  	[tilespmem:s0+$0x1A0] =	vst v6;
	v2 =	vld.idx.msk [tilespmem:v2+s20+$0x0], $0xffff;
	v10 =	vadd.s32 v10, v1  }
0x865: {  	v5 =	vld.idx.msk [tilespmem:v5+s20+$0x0], $0xffff;
	[tilespmem:s0+$0xFFFFFEA0] =	vst v0;
	v0 =	vadd.s32 v46, v1  }
0x866: {  	v6 =	vadd.s32 v42, v1;
	[tilespmem:s0+$0xFFFFFF20] =	vst v7;
	v3 =	vld.idx.msk [tilespmem:v3+s20+$0x0], $0xffff  }
0x867: {  	v4 =	vld.idx.msk [tilespmem:v4+s20+$0x0], $0xffff;
	[tilespmem:s0+$0x120] =	vst v9  }
0x868: {  	v7 =	vadd.s32 v55, v1;
	[tilespmem:s3+$0xFFFFFF70] =	vst v8;
	v11 =	vld.idx.msk [tilespmem:v11+s20+$0x0], $0xffff  }
0x869: {  	v8 =	vadd.s32 v30, v1;
	[tilespmem:s0+$0xFFFFFFB0] =	vst v2;
	v10 =	vld.idx.msk [tilespmem:v10+s20+$0x0], $0xffff  }
0x86a: {  	[tilespmem:s0+$0xFFFFFE20] =	vst v5;
	v0 =	vld.idx.msk [tilespmem:v0+s20+$0x0], $0xffff  }
0x86b: {  	v6 =	vld.idx.msk [tilespmem:v6+s20+$0x0], $0xffff;
	[tilespmem:s0+$0xB0] =	vst v3  }
0x86c: {  	v36 =	vld [tilespmem:$0x1FD00];
	[tilespmem:s0+$0x1B0] =	vst v4  }
0x86d: {  	v9 =	vadd.s32 v32, v1;
	v5 =	vld.idx.msk [tilespmem:v7+s20+$0x0], $0xffff;
	[tilespmem:s0+$0xFFFFFF30] =	vst v11  }
0x86e: {  	v2 =	vadd.s32 v19, v1;
	v8 =	vld.idx.msk [tilespmem:v8+s20+$0x0], $0xffff;
	[tilespmem:s0+$0x30] =	vst v10  }
0x86f: {  	v11 =	vld [tilespmem:$0x1FE30];
	[tilespmem:s0+$0xFFFFFFC0] =	vst v0  }
0x870: {  	v3 =	vadd.s32 v31, v1;
	[tilespmem:s0+$0x130] =	vst v6  }
0x871: {  	v4 =	vadd.s32 v43, v1;
	v6 =	vld [tilespmem:$0x1FD60]  }
0x872: {  	v9 =	vld.idx.msk [tilespmem:v9+s20+$0x0], $0xffff;
	v7 =	vadd.s32 v36, v12;
	[tilespmem:s0+$0xC0] =	vst v5  }
0x873: {  	v2 =	vld.idx.msk [tilespmem:v2+s20+$0x0], $0xffff;
	v10 =	vadd.s32 v53, v1;
	[tilespmem:s0+$0xFFFFFEB0] =	vst v8  }
0x874: {  	v0 =	vadd.s32 v39, v1;
	v25 =	vld [tilespmem:$0x1FD10]  }
0x875: {  	v3 =	vld.idx.msk [tilespmem:v3+s20+$0x0], $0xffff;
	v11 =	vadd.s32 v11, v1  }
0x876: {  	v4 =	vld.idx.msk [tilespmem:v4+s20+$0x0], $0xffff;
	v6 =	vadd.s32 v6, v12  }
0x877: {  	v7 =	vld.idx.msk [tilespmem:v7+s20+$0x0], $0xffff  }
0x878: {  	[tilespmem:s0+$0xFFFFFE30] =	vst v2;
	v10 =	vld.idx.msk [tilespmem:v10+s20+$0x0], $0xffff  }
0x879: {  	v8 =	vadd.s32 v25, v12;
	v12 =	vld.idx.msk [tilespmem:v0+s20+$0x0], $0xffff  }
0x87a: {  	v5 =	vadd.s32 v41, v1;
	[tilespmem:s0+$0x1C0] =	vst v9;
	v2 =	vld.idx.msk [tilespmem:v11+s20+$0x0], $0xffff  }
0x87b: {  	[tilespmem:s0+$0x40] =	vst v3;
	v9 =	vld.idx.msk [tilespmem:v6+s20+$0x0], $0xffff  }
0x87c: {  	v3 =	vadd.s32 v58, v1;
	v6 =	vld [tilespmem:$0x1FE40];
	[tilespmem:s3+$0x1E0] =	vst v7  }
0x87d: {  	[tilespmem:s0+$0x140] =	vst v4  }
0x87e: {  	[tilespmem:s0+$0xD0] =	vst v10  }
0x87f: {  	v14 =	vld.idx.msk [tilespmem:v5+s20+$0x0], $0xffff;
	v11 =	vadd.s32 v47, v1;
	[tilespmem:s0+$0xFFFFFFD0] =	vst v2  }
0x880: {  	v27 =	vmov v55;
	v55 =	vmov v31;
	v0 =	vadd.s32 v24, v1;
	v4 =	vld [tilespmem:$0x1FDF0]  }
0x881: {  	v31 =	vmov v13;
	v5 =	vadd.s32 v23, v1;
	v13 =	vadd.s32 v6, v1;
	[tilespmem:s0+$0xFFFFFE40] =	vst v12;
	v6 =	vld.idx.msk [tilespmem:v3+s20+$0x0], $0xffff  }
0x882: {  	v3 =	vld [tilespmem:$0x1FD90]  }
0x883: {  	v8 =	vld.idx.msk [tilespmem:v8+s20+$0x0], $0xffff  }
0x884: {  	v7 =	vld.idx.msk [tilespmem:v11+s20+$0x0], $0xffff  }
0x885: {  	v10 =	vadd.s32 v48, v1;
	v2 =	vld.idx.msk [tilespmem:v0+s20+$0x0], $0xffff;
	v0 =	vadd.s32 v20, v1  }
0x886: {  	v11 =	vadd.s32 v62, v1;
	[tilespmem:s3+$0xFFFFFE70] =	vst v9;
	v9 =	vadd.s32 v28, v1;
	v5 =	vld.idx.msk [tilespmem:v5+s20+$0x0], $0xffff  }
0x887: {  	s8 =	simm.s32 $0x10;
	[tilespmem:s0+$0x1D0] =	vst v14;
	v4 =	vadd.s32 v4, v1;
	v12 =	vadd.s32 v3, v1;
	v3 =	vld.idx.msk [tilespmem:v13+s20+$0x0], $0xffff  }
.LBB2_26:
0x888: {  	_ =	sdelay $0x3  }
0x889: {  	v12 =	vld.idx.msk [tilespmem:v12+s20+$0x0], $0xffff  }
0x88a: {  	v4 =	vld.idx.msk [tilespmem:v4+s20+$0x0], $0xffff  }
0x88b: {  	v17 =	vld [tilespmem:$0x1FDB0]  }
0x88c: {  	v18 =	vld [tilespmem:$0x1FE10];
	[tilespmem:s3+$0x1F0] =	vst v8  }
0x88d: {  	v13 =	vmov s8;
	v20 =	vld [tilespmem:$0x1FD70];
	[tilespmem:s0+$0x150] =	vst v7  }
0x88e: {  	v8 =	vshrl.u32 v13, $0x3;
	v13 =	vld [tilespmem:$0x1FD50];
	[tilespmem:s0+$0xE0] =	vst v2  }
0x88f: {  	[tilespmem:s0+$0x50] =	vst v6;
	v10 =	vld.idx.msk [tilespmem:v10+s20+$0x0], $0xffff  }
0x890: {  	[tilespmem:s0+$0xFFFFFFE0] =	vst v3;
	v7 =	vshll.u32 v8, $0x3;
	v6 =	vld.idx.msk [tilespmem:v9+s20+$0x0], $0xffff  }
0x891: {  	[tilespmem:s0+$0xFFFFFE50] =	vst v5;
	v9 =	vld.idx.msk [tilespmem:v11+s20+$0x0], $0xffff;
	v11 =	vadd.s32 v49, v1;
	v2 =	vbroadcast v7, $0x0  }
0x892: {  	v8 =	vld [tilespmem:$0x1FDA0];
	[tilespmem:s0+$0xFFFFFF40] =	vst v4;
	v4 =	vadd.s32 v61, v1  }
0x893: {  	v5 =	vld.idx.msk [tilespmem:v0+s20+$0x0], $0xffff;
	[tilespmem:s0+$0xFFFFFEC0] =	vst v12;
	v14 =	vadd.s32 v22, v2  }
0x894: {  	v7 =	vld [tilespmem:$0x1FE00];
	v15 =	vadd.s32 v29, v2;
	[tilespmem:s0+$0x160] =	vst v10  }
0x895: {  	v0 =	vld [tilespmem:$0x1FE50];
	v12 =	vadd.s32 v34, v2;
	[tilespmem:s0+$0xF0] =	vst v6  }
0x896: {  	v13 =	vadd.s32 v13, v1;
	[tilespmem:s0+$0x60] =	vst v9;
	v6 =	vld.idx.msk [tilespmem:v11+s20+$0x0], $0xffff  }
0x897: {  	v8 =	vadd.s32 v8, v1;
	v4 =	vld.idx.msk [tilespmem:v4+s20+$0x0], $0xffff  }
0x898: {  	[tilespmem:s0+$0xFFFFFFF0] =	vst v5;
	v5 =	vadd.s32 v50, v2;
	v11 =	vld.idx.msk [tilespmem:v14+s20+$0x0], $0xffff  }
0x899: {  	v7 =	vadd.s32 v7, v1;
	v9 =	vld.idx.msk [tilespmem:v15+s20+$0x0], $0xffff  }
0x89a: {  	v16 =	vadd.s32 v37, v2;
	v12 =	vld.idx.msk [tilespmem:v12+s20+$0x0], $0xffff  }
0x89b: {  	v14 =	vadd.s32 v63, v2;
	v13 =	vld.idx.msk [tilespmem:v13+s20+$0x0], $0xffff  }
0x89c: {  	v8 =	vld.idx.msk [tilespmem:v8+s20+$0x0], $0xffff  }
0x89d: {  	v5 =	vld.idx.msk [tilespmem:v5+s20+$0x0], $0xffff  }
0x89e: {  	s3 =	smov.u32 s0;
	v17 =	vadd.s32 v17, v1;
	v7 =	vld.idx.msk [tilespmem:v7+s20+$0x0], $0xffff  }
0x89f: {  	v18 =	vadd.s32 v18, v1;
	[tilespmem:s3+$0x170] =	vst v6;
	v6 =	vld.idx.msk [tilespmem:v16+s20+$0x0], $0xffff  }
0x8a0: {  	v10 =	vadd.s32 v52, v2;
	v14 =	vld.idx.msk [tilespmem:v14+s20+$0x0], $0xffff  }
0x8a1: {  	v15 =	vadd.s32 v60, v2;
	[tilespmem:s0+$0xFFFFFE60] =	vst v13;
	v13 =	vld [tilespmem:$0x1FD20]  }
0x8a2: {  	[tilespmem:s0+$0xFFFFFED0] =	vst v8;
	v8 =	vld [tilespmem:$0x1FDC0]  }
0x8a3: {  	v17 =	vld.idx.msk [tilespmem:v17+s20+$0x0], $0xffff;
	[tilespmem:s0+$0xFFFFFF50] =	vst v7;
	s0 =	sadd.s32 $0x400, s0  }
0x8a4: {  	v7 =	vadd.s32 v44, v2;
	v18 =	vld.idx.msk [tilespmem:v18+s20+$0x0], $0xffff;
	[tilespmem:s0+$0xFFFFFE80] =	vst v9  }
0x8a5: {  	v16 =	vadd.s32 v33, v1;
	v9 =	vld.idx.msk [tilespmem:v10+s20+$0x0], $0xffff;
	[tilespmem:s3+$0x70] =	vst v4  }
0x8a6: {  	v10 =	vadd.s32 v51, v2;
	[tilespmem:s0+$0xFFFFFF00] =	vst v12;
	v4 =	vld.idx.msk [tilespmem:v15+s20+$0x0], $0xffff  }
0x8a7: {  	v20 =	vadd.s32 v20, v2;
	v15 =	vld [tilespmem:$0x1FD30];
	[tilespmem:s0+$0xFFFFFF80] =	vst v6  }
0x8a8: {  	v12 =	vadd.s32 v56, v2;
	[tilespmem:s3+$0xFFFFFEE0] =	vst v17;
	v17 =	vld [tilespmem:$0x1FDD0]  }
0x8a9: {  	[tilespmem:s0+$0xFFFFFE00] =	vst v11;
	v11 =	vadd.s32 v54, v2;
	v7 =	vld.idx.msk [tilespmem:v7+s20+$0x0], $0xffff  }
0x8aa: {  	v19 =	vadd.s32 v35, v2;
	[tilespmem:s0+$0x80] =	vst v14;
	v16 =	vld.idx.msk [tilespmem:v16+s20+$0x0], $0xffff  }
0x8ab: {  	[tilespmem:s0+$0x180] =	vst v5;
	v13 =	vadd.s32 v13, v2;
	v10 =	vld.idx.msk [tilespmem:v10+s20+$0x0], $0xffff  }
0x8ac: {  	v8 =	vadd.s32 v8, v2;
	[tilespmem:s0+$0x100] =	vst v4;
	v4 =	vld.idx.msk [tilespmem:v20+s20+$0x0], $0xffff  }
0x8ad: {  	[tilespmem:s0+$0x0] =	vst v9;
	v12 =	vld.idx.msk [tilespmem:v12+s20+$0x0], $0xffff  }
0x8ae: {  	v11 =	vld.idx.msk [tilespmem:v11+s20+$0x0], $0xffff  }
0x8af: {  	v6 =	vadd.s32 v45, v2;
	v19 =	vld.idx.msk [tilespmem:v19+s20+$0x0], $0xffff  }
0x8b0: {  	[tilespmem:s3+$0xFFFFFF60] =	vst v18;
	v13 =	vld.idx.msk [tilespmem:v13+s20+$0x0], $0xffff  }
0x8b1: {  	v8 =	vld.idx.msk [tilespmem:v8+s20+$0x0], $0xffff  }
0x8b2: {  	v14 =	vadd.s32 v21, v2;
	[tilespmem:s0+$0xFFFFFF90] =	vst v7;
	v7 =	vld [tilespmem:$0x1FE20]  }
0x8b3: {  	v5 =	vadd.s32 v59, v2;
	[tilespmem:s3+$0xFFFFFEF0] =	vst v16;
	v16 =	vld [tilespmem:$0x1FD80]  }
0x8b4: {  	v9 =	vadd.s32 v57, v2;
	v6 =	vld.idx.msk [tilespmem:v6+s20+$0x0], $0xffff;
	[tilespmem:s0+$0x90] =	vst v10  }
0x8b5: {  	[tilespmem:s0+$0xFFFFFE90] =	vst v4;
	v4 =	vld [tilespmem:$0x1FDF0]  }
0x8b6: {  	v17 =	vadd.s32 v17, v2;
	[tilespmem:s0+$0x10] =	vst v11;
	v11 =	vld [tilespmem:$0x1FE60]  }
0x8b7: {  	v20 =	vadd.s32 v40, v1;
	[tilespmem:s0+$0x190] =	vst v12;
	v14 =	vld.idx.msk [tilespmem:v14+s20+$0x0], $0xffff  }
0x8b8: {  	v15 =	vadd.s32 v15, v2;
	v5 =	vld.idx.msk [tilespmem:v5+s20+$0x0], $0xffff  }
0x8b9: {  	v18 =	vadd.s32 v38, v2;
	[tilespmem:s0+$0x110] =	vst v19;
	v9 =	vld.idx.msk [tilespmem:v9+s20+$0x0], $0xffff  }
0x8ba: {  	v10 =	vadd.s32 v31, v2;
	[tilespmem:s0+$0xFFFFFF10] =	vst v8;
	v8 =	vld [tilespmem:$0x1FDE0]  }
0x8bb: {  	v12 =	vadd.s32 v26, v2;
	[tilespmem:s0+$0xFFFFFE10] =	vst v13;
	v17 =	vld.idx.msk [tilespmem:v17+s20+$0x0], $0xffff  }
0x8bc: {  	v7 =	vadd.s32 v7, v2;
	[tilespmem:s0+$0xFFFFFFA0] =	vst v6;
	v6 =	vld.idx.msk [tilespmem:v20+s20+$0x0], $0xffff  }
0x8bd: {  	v16 =	vadd.s32 v16, v2;
	[tilespmem:s0+$0xA0] =	vst v14;
	v14 =	vld.idx.msk [tilespmem:v15+s20+$0x0], $0xffff  }
0x8be: {  	[tilespmem:s0+$0x20] =	vst v9;
	v9 =	vld.idx.msk [tilespmem:v18+s20+$0x0], $0xffff  }
0x8bf: {  	v11 =	vadd.s32 v11, v2;
	[tilespmem:s0+$0x1A0] =	vst v5;
	v10 =	vld.idx.msk [tilespmem:v10+s20+$0x0], $0xffff  }
0x8c0: {  	v12 =	vld.idx.msk [tilespmem:v12+s20+$0x0], $0xffff;
	v8 =	vadd.s32 v8, v2  }
0x8c1: {  	v21 =	vadd.s32 v42, v2;
	v7 =	vld.idx.msk [tilespmem:v7+s20+$0x0], $0xffff  }
0x8c2: {  	v5 =	vadd.s32 v27, v2;
	[tilespmem:s0+$0xFFFFFF20] =	vst v17;
	v16 =	vld.idx.msk [tilespmem:v16+s20+$0x0], $0xffff  }
0x8c3: {  	v3 =	vadd.s32 v46, v2;
	[tilespmem:s3+$0xFFFFFF70] =	vst v6;
	v6 =	vld [tilespmem:$0x1FD40]  }
0x8c4: {  	v13 =	vadd.s32 v30, v2;
	v11 =	vld.idx.msk [tilespmem:v11+s20+$0x0], $0xffff;
	[tilespmem:s0+$0xFFFFFE20] =	vst v14  }
0x8c5: {  	[tilespmem:s0+$0x120] =	vst v9;
	v8 =	vld.idx.msk [tilespmem:v8+s20+$0x0], $0xffff  }
0x8c6: {  	v14 =	vadd.s32 v36, v1;
	[tilespmem:s0+$0xB0] =	vst v10;
	v10 =	vld.idx.msk [tilespmem:v21+s20+$0x0], $0xffff  }
0x8c7: {  	v5 =	vld.idx.msk [tilespmem:v5+s20+$0x0], $0xffff;
	[tilespmem:s0+$0xFFFFFFB0] =	vst v7;
	v7 =	vadd.s32 v32, v2  }
0x8c8: {  	v9 =	vadd.s32 v55, v2;
	[tilespmem:s0+$0xFFFFFEA0] =	vst v16;
	v3 =	vld.idx.msk [tilespmem:v3+s20+$0x0], $0xffff  }
0x8c9: {  	[tilespmem:s0+$0x1B0] =	vst v12;
	v13 =	vld.idx.msk [tilespmem:v13+s20+$0x0], $0xffff  }
0x8ca: {  	v15 =	vadd.s32 v43, v2;
	[tilespmem:s0+$0xFFFFFF30] =	vst v8;
	v8 =	vld [tilespmem:$0x1FE30]  }
0x8cb: {  	v6 =	vadd.s32 v6, v2;
	[tilespmem:s0+$0x130] =	vst v10;
	v10 =	vld.idx.msk [tilespmem:v14+s20+$0x0], $0xffff  }
0x8cc: {  	[tilespmem:s0+$0x30] =	vst v11;
	v7 =	vld.idx.msk [tilespmem:v7+s20+$0x0], $0xffff  }
0x8cd: {  	v11 =	vadd.s32 v53, v2;
	[tilespmem:s0+$0xFFFFFFC0] =	vst v3;
	v3 =	vld.idx.msk [tilespmem:v9+s20+$0x0], $0xffff  }
0x8ce: {  	v9 =	vld [tilespmem:$0x1FD60]  }
0x8cf: {  	[tilespmem:s0+$0xC0] =	vst v5;
	v5 =	vld.idx.msk [tilespmem:v15+s20+$0x0], $0xffff  }
0x8d0: {  	v14 =	vadd.s32 v41, v2;
	v6 =	vld.idx.msk [tilespmem:v6+s20+$0x0], $0xffff  }
0x8d1: {  	v12 =	vadd.s32 v39, v2;
	v21 =	vld [tilespmem:$0x1FEE0]  }
0x8d2: {  	[tilespmem:s0+$0xFFFFFEB0] =	vst v13;
	v11 =	vld.idx.msk [tilespmem:v11+s20+$0x0], $0xffff;
	v8 =	vadd.s32 v8, v2  }
0x8d3: {  	[tilespmem:s0+$0x1C0] =	vst v7;
	v7 =	vld [tilespmem:$0x1FE40];
	v9 =	vadd.s32 v9, v1  }
0x8d4: {  	v13 =	vadd.s32 v25, v1;
	[tilespmem:s0+$0x140] =	vst v5;
	v5 =	vld [tilespmem:$0x1FD90];
	v1 =	vmov v2  }
0x8d5: {  	[tilespmem:s0+$0xFFFFFE30] =	vst v6;
	v14 =	vld.idx.msk [tilespmem:v14+s20+$0x0], $0xffff;
	v6 =	vadd.s32 v47, v1  }
0x8d6: {  	[tilespmem:s0+$0x40] =	vst v3;
	v15 =	vld.idx.msk [tilespmem:v12+s20+$0x0], $0xffff;
	v3 =	vadd.s32 v58, v1  }
0x8d7: {  	v0 =	vadd.s32 v0, v2;
	v4 =	vadd.s32 v4, v2;
	v16 =	vadd.s32 v24, v1;
	v2 =	vld.idx.msk [tilespmem:v8+s20+$0x0], $0xffff  }
0x8d8: {  	[tilespmem:s3+$0x1E0] =	vst v10;
	v17 =	vld.idx.msk [tilespmem:v9+s20+$0x0], $0xffff;
	v9 =	vadd.s32 v7, v1  }
0x8d9: {  	p0 =	slt.u32 s8, $0x38;
	v18 =	vadd.s32 v23, v1;
	v8 =	vld.idx.msk [tilespmem:v13+s20+$0x0], $0xffff  }
.Ltmp12:
0x8da: {  	[tilespmem:s0+$0xD0] =	vst v11;
	v7 =	vld.idx.msk [tilespmem:v6+s20+$0x0], $0xffff;
	(pc) =	sbr.rel @p0 .LBB2_26-.Ltmp12, $4  }
0x8db: {  	[tilespmem:s0+$0xFFFFFE40] =	vst v15;
	v6 =	vld.idx.msk [tilespmem:v3+s20+$0x0], $0xffff  }
0x8dc: {  	[tilespmem:s0+$0xFFFFFFD0] =	vst v2;
	v2 =	vld.idx.msk [tilespmem:v16+s20+$0x0], $0xffff  }
0x8dd: {  	v10 =	vadd.s32 v48, v1;
	v11 =	vadd.s32 v62, v1;
	v3 =	vld.idx.msk [tilespmem:v9+s20+$0x0], $0xffff;
	[tilespmem:s3+$0xFFFFFE70] =	vst v17  }
0x8de: {  	s8 =	sadd.s32 $0x8, s8;
	v12 =	vadd.s32 v5, v1;
	[tilespmem:s0+$0x1D0] =	vst v14;
	v9 =	vadd.s32 v28, v1;
	v5 =	vld.idx.msk [tilespmem:v18+s20+$0x0], $0xffff  }
0x8df: {  	_ =	sdelay $0x3  }
0x8e0: {  	v12 =	vld.idx.msk [tilespmem:v12+s20+$0x0], $0xffff  }
0x8e1: {  	v4 =	vld.idx.msk [tilespmem:v4+s20+$0x0], $0xffff  }
0x8e2: {  	v13 =	vld [tilespmem:$0x1FDA0]  }
0x8e3: {  	v14 =	vld [tilespmem:$0x1FE00];
	[tilespmem:s3+$0x1F0] =	vst v8  }
0x8e4: {  	[tilespmem:s0+$0x150] =	vst v7  }
0x8e5: {  	[tilespmem:s0+$0xE0] =	vst v2  }
0x8e6: {  	[tilespmem:s0+$0xFFFFFEC0] =	vst v12  }
0x8e7: {  	v9 =	vld.idx.msk [tilespmem:v9+s20+$0x0], $0xffff;
	v13 =	vadd.s32 v13, v1;
	[tilespmem:s0+$0xFFFFFF40] =	vst v4  }
0x8e8: {  	v14 =	vadd.s32 v14, v1;
	v4 =	vld [tilespmem:$0x1FDB0];
	[tilespmem:s0+$0x50] =	vst v6  }
0x8e9: {  	v6 =	vld [tilespmem:$0x1FE10]  }
0x8ea: {  	v32 =	vld [tilespmem:$0x1FD50]  }
0x8eb: {  	[tilespmem:s0+$0xFFFFFFE0] =	vst v3;
	v3 =	vld.idx.msk [tilespmem:v11+s20+$0x0], $0xffff  }
0x8ec: {  	v12 =	vld.idx.msk [tilespmem:v13+s20+$0x0], $0xffff  }
0x8ed: {  	v13 =	vld.idx.msk [tilespmem:v14+s20+$0x0], $0xffff  }
0x8ee: {  	v41 =	vadd.s32 v36, v1;
	[tilespmem:s0+$0xFFFFFE50] =	vst v5;
	v14 =	vld.idx.msk [tilespmem:v10+s20+$0x0], $0xffff  }
0x8ef: {  	[tilespmem:s0+$0xF0] =	vst v9  }
0x8f0: {  	[tilespmem:s0+$0x60] =	vst v3  }
0x8f1: {  	v4 =	vadd.s32 v4, v1;
	[tilespmem:s0+$0xFFFFFED0] =	vst v12  }
0x8f2: {  	v6 =	vadd.s32 v6, v1;
	[tilespmem:s0+$0xFFFFFF50] =	vst v13  }
0x8f3: {  	v5 =	vld.idx.msk [tilespmem:v41+s20+$0x0], $0xffff;
	v10 =	vadd.s32 v32, v1;
	[tilespmem:s0+$0x160] =	vst v14  }
0x8f4: {  	v16 =	vmov v60;
	v60 =	vadd.s32 v49, v1;
	v3 =	vld [tilespmem:$0x1FD60]  }
0x8f5: {  	v41 =	vadd.s32 v25, v1;
	v0 =	vld.idx.msk [tilespmem:v0+s20+$0x0], $0xffff  }
0x8f6: {  	v12 =	vadd.s32 v61, v1;
	v4 =	vld.idx.msk [tilespmem:v4+s20+$0x0], $0xffff  }
0x8f7: {  	v13 =	vadd.s32 v33, v1;
	v2 =	vld.idx.msk [tilespmem:v6+s20+$0x0], $0xffff  }
0x8f8: {  	v32 =	vadd.s32 v40, v1;
	v14 =	vld.idx.msk [tilespmem:v10+s20+$0x0], $0xffff  }
0x8f9: {  	v36 =	vld.idx.msk [tilespmem:v60+s20+$0x0], $0xffff;
	[tilespmem:s0+$0x1E0] =	vst v5;
	v3 =	vadd.s32 v3, v1  }
0x8fa: {  	[tilespmem:s0+$0xFFFFFFF0] =	vst v0;
	v0 =	vld.idx.msk [tilespmem:v41+s20+$0x0], $0xffff  }
0x8fb: {  	v60 =	vld.idx.msk [tilespmem:v12+s20+$0x0], $0xffff;
	[tilespmem:s0+$0xFFFFFEE0] =	vst v4  }
0x8fc: {  	v4 =	vld.idx.msk [tilespmem:v13+s20+$0x0], $0xffff;
	[tilespmem:s0+$0xFFFFFF60] =	vst v2  }
0x8fd: {  	[tilespmem:s0+$0xFFFFFE60] =	vst v14;
	v2 =	vld.idx.msk [tilespmem:v32+s20+$0x0], $0xffff  }
0x8fe: {  	[tilespmem:s0+$0x170] =	vst v36;
	v3 =	vld.idx.msk [tilespmem:v3+s20+$0x0], $0xffff  }
0x8ff: {  	[tilespmem:s0+$0x1F0] =	vst v0  }
0x900: {  	[tilespmem:s0+$0x70] =	vst v60  }
0x901: {  	[tilespmem:s0+$0xFFFFFEF0] =	vst v4  }
0x902: {  	[tilespmem:s0+$0xFFFFFF70] =	vst v2  }
0x903: {  	[tilespmem:s0+$0xFFFFFE70] =	vst v3  }
0x904: {  	s0 =	rddreg [dreg:$0x6]  }
0x905: {  	[hbm4b:s0+s13] =	stream.strided.scatter [tilespmem:s25], [sflag:$0x6], $0x2000, s21, s13, $0x38;
	[tilespmem:$0x14980] =	vst v63  }
0x906: {  	_ =	swait.ge [sflag:s26], $0x2000  }
0x907: {  	[sflag:s26] =	ssyncset.done $0x0  }
0x908: {  	[sflag:s26] =	ssyncadd.s32 $0xFFFFE000  }
0x909: {  	_ =	swait.ge [sflag:s30], $0x2000  }
0x90a: {  	[sflag:s30] =	ssyncset.done $0x0  }
0x90b: {  	s11 =	simm.s32 $0x7;
	[sflag:s30] =	ssyncadd.s32 $0xFFFFE000  }
0x90c: {  	_ =	swait.ge [sflag:s11], $0x2000  }
0x90d: {  	[sflag:s11] =	ssyncset.done $0x0  }
0x90e: {  	s14 =	simm.s32 $0x8;
	[sflag:s11] =	ssyncadd.s32 $0xFFFFE000  }
0x90f: {  	_ =	swait.ge [sflag:s14], $0x2000  }
0x910: {  	s7 =	sadd.s32 $0x1, s7;
	s15 =	rddreg [dreg:$0x7]  }
0x911: {  	p0 =	sne.s32 s7, s15  }
.Ltmp13:
0x912: {  	_ = 	snop;
	(pc) =	sbr.rel @p0 .LBB2_1-.Ltmp13, $3  }
0x913: {  	_ =	sdelay $0x1  }
0x914: {  	[sflag:s14] =	ssyncset.done $0x0  }
0x915: {  	v36 =	vmov v31;
	[sflag:s14] =	ssyncadd.s32 $0xFFFFE000  }
0x916: {  	_ =	sfence.sel $0x180000  }
0x917: {  	[bflag:$0x0] =	sbarrier.arrive $0xFFFF  }
0x918: {  	_ =	strace $0x90000047  }
0x919: {  	s0 =	stileid.u32;
	[bflag:$0x2] =	sbarrier.arrive $0xFFFF  }
0x91a: {  	p0 =	sne.s32 s0, $0x0;
	s0 =	rddreg [dreg:$0x2]  }
0x91b: {  	s0 =	sadd.s32 @!p0 $0x100000, s0  }
0x91c: {  	[sflag:s0] =	ssyncadd.tile.s32 @!p0 $0x1;
	_ =	shalt  }
.Lfunc_end2:
_tile_overlayer_lowered:
.L_overlay_start_2:
0x91d: {  	(tag) =	ssettag $0x2  }
0x91e: {  	s0 =	rddreg [dreg:$0x0];
	s2 =	stileid.u32  }
0x91f: {  	s1 =	rddreg [dreg:$0x1];
	p0 =	sne.s32 s2, $0x0  }
0x920: {  	s3 =	rddreg [dreg:$0x2];
	[bflag:$0x3] =	sbarrier.arrive $0xFFFF;
	s2 =	simm.s32 @!p0 $0x1C09  }
0x921: {  	[timem:s3], [sflag:s2] =	dma.local @!p0 [hbm:s0], s1  }
0x922: {  	s0 =	simm.s32 @!p0 $0x9  }
0x923: {  	_ =	swait.ge @!p0 [sflag:s0], s1  }
0x924: {  	s1 =	ssub.s32 @!p0 $0x0, s1;
	[sflag:s0] =	ssyncset.done @!p0 $0x0  }
0x925: {  	[sflag:s0] =	ssyncadd.s32 @!p0 s1  }
0x926: {  	[bflag:$0x3] =	sbarrier.arrive $0xFFFF  }
0x927: {  	_ =	shalt  }

</sc_bundles>
